<compile_context>
chip_gen: v7x
topology: tpu7x:2x2x1
jax: 0.10.2.dev20260603
libtpu: 0.0.44.dev20260713+nightly
codegen_flags: <defaults>
</compile_context>

<pallas_src>
import jax
import jax.numpy as jnp
from jax import lax
from jax.experimental import pallas as pl
from jax.experimental.pallas import tpu as pltpu
from jax.experimental.pallas import tpu_sc as plsc

HIDDEN = 64
SCALE = 8.0
NC = 2
NS = 16
NW = NC * NS
B = 4096 * 200
CH = 128
PADW = 128
BPW = B // NW
NCHUNK = BPW // CH
NBUF = 4


def _sc_embed(x_hbm, table_hbm, out_hbm, idx_v, rows_v, gsem, osem):
    wid = lax.axis_index("s") * NC + lax.axis_index("c")
    pltpu.sync_copy(x_hbm.at[pl.ds(wid * NCHUNK, NCHUNK)], idx_v)
    out_base = wid * BPW

    def start_gather(g, slot):
        pltpu.async_copy(table_hbm.at[idx_v.at[g]], rows_v.at[slot],
                         gsem.at[slot])

    def wait_gather(slot):
        pltpu.make_async_copy(table_hbm.at[idx_v.at[0]], rows_v.at[slot],
                              gsem.at[slot]).wait()

    def start_out(g, slot):
        pltpu.async_copy(rows_v.at[slot],
                         out_hbm.at[pl.ds(out_base + g * CH, CH),
                                    pl.ds(0, HIDDEN)],
                         osem.at[slot])

    def wait_out(slot):
        pltpu.make_async_copy(rows_v.at[slot],
                              out_hbm.at[pl.ds(out_base, CH),
                                         pl.ds(0, HIDDEN)],
                              osem.at[slot]).wait()

    def scale(slot):
        def rows4(i, c2):
            for rr in range(4):
                for c in range(HIDDEN // 16):
                    sl = pl.ds(c * 16, 16)
                    rows_v[slot, 4 * i + rr, sl] = (
                        rows_v[slot, 4 * i + rr, sl] * SCALE)
            return c2
        lax.fori_loop(0, CH // 4, rows4, 0)

    start_gather(0, 0)
    for b in range(NBUF):
        wait_gather(b)
        if b < NBUF - 1:
            start_gather(b + 1, b + 1)
        else:
            wait_out(0)
            start_gather(NBUF, 0)
        scale(b)
        start_out(b, b)

    def group(go, c2):
        for b in range(NBUF):
            g = go + b
            slot = b
            nslot = (b + 1) % NBUF
            wait_gather(slot)
            if b < NBUF - 1:
                wait_out(nslot)
                start_gather(g + 1, nslot)
            else:
                @pl.when(go + NBUF < NCHUNK)
                def _():
                    wait_out(nslot)
                    start_gather(g + 1, nslot)
            scale(slot)
            start_out(g, slot)
        return c2

    lax.fori_loop(1, NCHUNK // NBUF, lambda i, c: group(i * NBUF, c), 0)

    for b in range(NBUF):
        wait_out(b)


@jax.jit
def kernel(x, table):
    x_flat = x.reshape(B // CH, CH)
    mesh = plsc.VectorSubcoreMesh(core_axis_name="c", subcore_axis_name="s")
    out = pl.kernel(
        _sc_embed,
        out_type=jax.ShapeDtypeStruct((B, PADW), jnp.float32),
        mesh=mesh,
        compiler_params=pltpu.CompilerParams(use_tc_tiling_on_sc=False),
        scratch_types=[
            pltpu.VMEM((NCHUNK, CH), jnp.int32),
            pltpu.VMEM((NBUF, CH, HIDDEN), jnp.float32),
            pltpu.SemaphoreType.DMA((NBUF,)),
            pltpu.SemaphoreType.DMA((NBUF,)),
        ],
    )(x_flat, table)
    return out[:, :HIDDEN].reshape(x.shape[0], x.shape[1], HIDDEN)

# --- scband reference (transcript-rebuilt; emitter-appended) ---
"""Pipeline reference for scband-embeddings-14139032339195 (READ-ONLY COPY).

The authoritative reference and input builder live on the scoring server;
editing this copy changes nothing except your own understanding.
"""

import jax, jax.numpy as jnp
import numpy as np

HIDDEN_DIM = 64
VOCAB = 1000000
PAD_IDX = 3


def setup_inputs(seed: int = 0) -> dict:
    key = jax.random.key(seed)
    k1, k2 = jax.random.split(key)
    x = jax.random.randint(k1, (4096, 200), 0, VOCAB, dtype=jnp.int32)
    table = jax.random.normal(k2, (VOCAB, HIDDEN_DIM), dtype=jnp.float32)
    table = table.at[PAD_IDX].set(0.0)
    return {"x": x, "table": table}


def reference(x, table):
    # nn.Embedding with padding_idx=3: row 3 is always zero
    tbl = table.at[PAD_IDX].set(0.0)
    out = jnp.take(tbl, x, axis=0) * jnp.sqrt(jnp.float32(HIDDEN_DIM))
    return out

if __name__ == "__main__":
    import jax
    _d = setup_inputs()
    print(jax.jit(kernel)(*tuple(_d.values())))

</pallas_src>

<mosaic_0001>
#map = affine_map<(d0, d1) -> (0, 0)>
module attributes {stable_mosaic.version = 14 : i64} {
  func.func @_sc_embed(%arg0: i32, %arg1: i32, %arg2: memref<6400x128xi32, #tpu.memory_space<hbm>>, %arg3: memref<1000000x64xf32, #tpu.memory_space<hbm>>, %arg4: memref<819200x128xf32, #tpu.memory_space<hbm>>, %arg5: memref<200x128xi32, #tpu.memory_space<vmem>>, %arg6: memref<4x128x64xf32, #tpu.memory_space<vmem>>, %arg7: memref<4x!tpu.dma_semaphore, #tpu.memory_space<semaphore_mem>>, %arg8: memref<4x!tpu.dma_semaphore, #tpu.memory_space<semaphore_mem>>) attributes {dimension_semantics = [#tpu.dimension_semantics<core_parallel>, #tpu.dimension_semantics<subcore_parallel>], iteration_bounds = array<i64: 2, 16>, scalar_prefetch = 0 : i64, scratch_operands = 4 : i64, tpu.core_type = #tpu.core_type<sc_vector_subcore>, window_params = [{transform_indices = #map}, {transform_indices = #map}, {transform_indices = #map}]} {
    %mul3A = arith.constant 2 : i32
    %mul3A_0 = arith.muli %arg1, %mul3A : i32
    %add3A = arith.addi %mul3A_0, %arg0 : i32
    %mul3A_1 = arith.constant 200 : i32
    %mul3A_2 = arith.muli %add3A, %mul3A_1 : i32
    "tpu.region"() ({
      %run_scoped3A = tpu.sem_alloc : memref<!tpu.dma_semaphore, #tpu.memory_space<semaphore_mem>>
      %dma_start3A_319 = arith.constant 0 : i32
      %dma_start3A_320 = tpu.memref_slice %arg2[%mul3A_2, %dma_start3A_319] : memref<6400x128xi32, #tpu.memory_space<hbm>> -> memref<200x128xi32, #tpu.memory_space<hbm>>
      %dma_start3A_321 = arith.constant 0 : i32
      %dma_start3A_322 = tpu.memref_slice %arg2[%mul3A_2, %dma_start3A_321] : memref<6400x128xi32, #tpu.memory_space<hbm>> -> memref<200x128xi32, #tpu.memory_space<hbm>>
      tpu.enqueue_dma source(%dma_start3A_322 : memref<200x128xi32, #tpu.memory_space<hbm>>) target(%arg5 : memref<200x128xi32, #tpu.memory_space<vmem>>) target_semaphore(%run_scoped3A : memref<!tpu.dma_semaphore, #tpu.memory_space<semaphore_mem>>)
      %dma_wait3A_323 = arith.constant 0 : i32
      %dma_wait3A_324 = tpu.memref_slice %arg2[%mul3A_2, %dma_wait3A_323] : memref<6400x128xi32, #tpu.memory_space<hbm>> -> memref<200x128xi32, #tpu.memory_space<hbm>>
      %dma_wait3A_325 = arith.constant 0 : i32
      %dma_wait3A_326 = tpu.memref_slice %arg2[%mul3A_2, %dma_wait3A_325] : memref<6400x128xi32, #tpu.memory_space<hbm>> -> memref<200x128xi32, #tpu.memory_space<hbm>>
      tpu.wait_dma2 semaphore(%run_scoped3A : memref<!tpu.dma_semaphore, #tpu.memory_space<semaphore_mem>>) src(%dma_wait3A_326 : memref<200x128xi32, #tpu.memory_space<hbm>>) dst(%arg5 : memref<200x128xi32, #tpu.memory_space<vmem>>)
      tpu.yield
    }) : () -> ()
    %mul3A_3 = arith.constant 25600 : i32
    %mul3A_4 = arith.muli %add3A, %mul3A_3 : i32
    %dma_start3A = arith.constant 0 : i32
    %dma_start3A_5 = arith.constant 0 : i32
    %dma_start3A_6 = arith.constant 0 : i32
    %dma_start3A_7 = arith.constant 0 : i32
    %dma_start3A_8 = arith.constant 0 : i32
    %dma_start3A_9 = tpu.memref_slice %arg6[%dma_start3A_5, %dma_start3A_7, %dma_start3A_8] : memref<4x128x64xf32, #tpu.memory_space<vmem>> -> memref<1x128x64xf32, #tpu.memory_space<vmem>>
    %dma_start3A_10 = tpu.memref_squeeze %dma_start3A_9 : memref<1x128x64xf32, #tpu.memory_space<vmem>> -> memref<128x64xf32, #tpu.memory_space<vmem>>
    %dma_start3A_11 = arith.constant 0 : i32
    %dma_start3A_12 = tpu.memref_slice %arg5[%dma_start3A, %dma_start3A_11] : memref<200x128xi32, #tpu.memory_space<vmem>> -> memref<1x128xi32, #tpu.memory_space<vmem>>
    %dma_start3A_13 = tpu.memref_squeeze %dma_start3A_12 : memref<1x128xi32, #tpu.memory_space<vmem>> -> memref<128xi32, #tpu.memory_space<vmem>>
    %dma_start3A_14 = arith.constant 0 : i32
    %dma_start3A_15 = arith.constant 0 : i32
    %dma_start3A_16 = tpu.memref_slice %arg3[%dma_start3A_14, %dma_start3A_15] : memref<1000000x64xf32, #tpu.memory_space<hbm>> -> memref<1000000x64xf32, #tpu.memory_space<hbm>>
    %dma_start3A_17 = tpu.memref_slice %arg7[%dma_start3A_6] : memref<4x!tpu.dma_semaphore, #tpu.memory_space<semaphore_mem>> -> memref<1x!tpu.dma_semaphore, #tpu.memory_space<semaphore_mem>>
    %dma_start3A_18 = tpu.memref_squeeze %dma_start3A_17 : memref<1x!tpu.dma_semaphore, #tpu.memory_space<semaphore_mem>> -> memref<!tpu.dma_semaphore, #tpu.memory_space<semaphore_mem>>
    tpu.enqueue_indirect_dma source(%dma_start3A_16 : memref<1000000x64xf32, #tpu.memory_space<hbm>>) target(%dma_start3A_10 : memref<128x64xf32, #tpu.memory_space<vmem>>) offsets(%dma_start3A_13 : memref<128xi32, #tpu.memory_space<vmem>>) semaphore(%dma_start3A_18 : memref<!tpu.dma_semaphore, #tpu.memory_space<semaphore_mem>>)
    %dma_wait3A = arith.constant 0 : i32
    %dma_wait3A_19 = arith.constant 0 : i32
    %dma_wait3A_20 = arith.constant 0 : i32
    %dma_wait3A_21 = arith.constant 0 : i32
    %dma_wait3A_22 = arith.constant 0 : i32
    %dma_wait3A_23 = tpu.memref_slice %arg6[%dma_wait3A_19, %dma_wait3A_21, %dma_wait3A_22] : memref<4x128x64xf32, #tpu.memory_space<vmem>> -> memref<1x128x64xf32, #tpu.memory_space<vmem>>
    %dma_wait3A_24 = tpu.memref_squeeze %dma_wait3A_23 : memref<1x128x64xf32, #tpu.memory_space<vmem>> -> memref<128x64xf32, #tpu.memory_space<vmem>>
    %dma_wait3A_25 = arith.constant 0 : i32
    %dma_wait3A_26 = tpu.memref_slice %arg5[%dma_wait3A, %dma_wait3A_25] : memref<200x128xi32, #tpu.memory_space<vmem>> -> memref<1x128xi32, #tpu.memory_space<vmem>>
    %dma_wait3A_27 = tpu.memref_squeeze %dma_wait3A_26 : memref<1x128xi32, #tpu.memory_space<vmem>> -> memref<128xi32, #tpu.memory_space<vmem>>
    %dma_wait3A_28 = arith.constant 0 : i32
    %dma_wait3A_29 = arith.constant 0 : i32
    %dma_wait3A_30 = tpu.memref_slice %arg3[%dma_wait3A_28, %dma_wait3A_29] : memref<1000000x64xf32, #tpu.memory_space<hbm>> -> memref<1000000x64xf32, #tpu.memory_space<hbm>>
    %dma_wait3A_31 = tpu.memref_slice %arg7[%dma_wait3A_20] : memref<4x!tpu.dma_semaphore, #tpu.memory_space<semaphore_mem>> -> memref<1x!tpu.dma_semaphore, #tpu.memory_space<semaphore_mem>>
    %dma_wait3A_32 = tpu.memref_squeeze %dma_wait3A_31 : memref<1x!tpu.dma_semaphore, #tpu.memory_space<semaphore_mem>> -> memref<!tpu.dma_semaphore, #tpu.memory_space<semaphore_mem>>
    tpu.wait_indirect_dma semaphore(%dma_wait3A_32 : memref<!tpu.dma_semaphore, #tpu.memory_space<semaphore_mem>>) src(%dma_wait3A_30 : memref<1000000x64xf32, #tpu.memory_space<hbm>>) dst(%dma_wait3A_24 : memref<128x64xf32, #tpu.memory_space<vmem>>)
    %dma_start3A_33 = arith.constant 1 : i32
    %dma_start3A_34 = arith.constant 1 : i32
    %dma_start3A_35 = arith.constant 1 : i32
    %dma_start3A_36 = arith.constant 0 : i32
    %dma_start3A_37 = arith.constant 0 : i32
    %dma_start3A_38 = tpu.memref_slice %arg6[%dma_start3A_34, %dma_start3A_36, %dma_start3A_37] : memref<4x128x64xf32, #tpu.memory_space<vmem>> -> memref<1x128x64xf32, #tpu.memory_space<vmem>>
    %dma_start3A_39 = tpu.memref_squeeze %dma_start3A_38 : memref<1x128x64xf32, #tpu.memory_space<vmem>> -> memref<128x64xf32, #tpu.memory_space<vmem>>
    %dma_start3A_40 = arith.constant 0 : i32
    %dma_start3A_41 = tpu.memref_slice %arg5[%dma_start3A_33, %dma_start3A_40] : memref<200x128xi32, #tpu.memory_space<vmem>> -> memref<1x128xi32, #tpu.memory_space<vmem>>
    %dma_start3A_42 = tpu.memref_squeeze %dma_start3A_41 : memref<1x128xi32, #tpu.memory_space<vmem>> -> memref<128xi32, #tpu.memory_space<vmem>>
    %dma_start3A_43 = arith.constant 0 : i32
    %dma_start3A_44 = arith.constant 0 : i32
    %dma_start3A_45 = tpu.memref_slice %arg3[%dma_start3A_43, %dma_start3A_44] : memref<1000000x64xf32, #tpu.memory_space<hbm>> -> memref<1000000x64xf32, #tpu.memory_space<hbm>>
    %dma_start3A_46 = tpu.memref_slice %arg7[%dma_start3A_35] : memref<4x!tpu.dma_semaphore, #tpu.memory_space<semaphore_mem>> -> memref<1x!tpu.dma_semaphore, #tpu.memory_space<semaphore_mem>>
    %dma_start3A_47 = tpu.memref_squeeze %dma_start3A_46 : memref<1x!tpu.dma_semaphore, #tpu.memory_space<semaphore_mem>> -> memref<!tpu.dma_semaphore, #tpu.memory_space<semaphore_mem>>
    tpu.enqueue_indirect_dma source(%dma_start3A_45 : memref<1000000x64xf32, #tpu.memory_space<hbm>>) target(%dma_start3A_39 : memref<128x64xf32, #tpu.memory_space<vmem>>) offsets(%dma_start3A_42 : memref<128xi32, #tpu.memory_space<vmem>>) semaphore(%dma_start3A_47 : memref<!tpu.dma_semaphore, #tpu.memory_space<semaphore_mem>>)
    %scan3A = arith.constant 0 : i32
    %scan3A_48 = arith.constant 0 : i32
    %scan3A_49 = arith.constant 32 : i32
    %scan3A_50 = arith.addi %scan3A_48, %scan3A_49 : i32
    %scan3A_51 = arith.constant 1 : i32
    scf.for %scan3A_319 = %scan3A_48 to %scan3A_50 step %scan3A_51  : i32 {
      %mul3A_320 = arith.constant 4 : i32
      %mul3A_321 = arith.muli %mul3A_320, %scan3A_319 : i32
      %add3A_322 = arith.constant 0 : i32
      %add3A_323 = arith.addi %mul3A_321, %add3A_322 : i32
      %get3A = arith.constant 0 : i32
      %get3A_324 = arith.index_cast %get3A : i32 to index
      %get3A_325 = arith.index_cast %add3A_323 : i32 to index
      %get3A_326 = arith.constant 0 : index
      %get3A_327 = tpu.vector_load %arg6[%get3A_324, %get3A_325, %get3A_326] {strides = array<i32>} : memref<4x128x64xf32, #tpu.memory_space<vmem>>, vector<1x1x16xf32>,
      %get3A_328 = vector.shape_cast %get3A_327 : vector<1x1x16xf32> to vector<16xf32>
      %mul3A_329 = arith.constant 8.000000e+00 : f32
      %mul3A_330 = vector.broadcast %mul3A_329 : f32 to vector<16xf32>
      %mul3A_331 = arith.mulf %get3A_328, %mul3A_330 : vector<16xf32>
      %mul3A_332 = arith.constant 4 : i32
      %mul3A_333 = arith.muli %mul3A_332, %scan3A_319 : i32
      %add3A_334 = arith.constant 0 : i32
      %add3A_335 = arith.addi %mul3A_333, %add3A_334 : i32
      %swap3A = arith.constant 0 : i32
      %swap3A_336 = arith.index_cast %swap3A : i32 to index
      %swap3A_337 = arith.index_cast %add3A_335 : i32 to index
      %swap3A_338 = arith.constant 0 : index
      %swap3A_339 = tpu.vector_load %arg6[%swap3A_336, %swap3A_337, %swap3A_338] {strides = array<i32>} : memref<4x128x64xf32, #tpu.memory_space<vmem>>, vector<1x1x16xf32>,
      %swap3A_340 = vector.shape_cast %swap3A_339 : vector<1x1x16xf32> to vector<16xf32>
      %swap3A_341 = vector.shape_cast %mul3A_331 : vector<16xf32> to vector<1x1x16xf32>
      tpu.vector_store %arg6[%swap3A_336, %swap3A_337, %swap3A_338], %swap3A_341 {strides = array<i32>} : memref<4x128x64xf32, #tpu.memory_space<vmem>>, vector<1x1x16xf32>,
      %mul3A_342 = arith.constant 4 : i32
      %mul3A_343 = arith.muli %mul3A_342, %scan3A_319 : i32
      %add3A_344 = arith.constant 0 : i32
      %add3A_345 = arith.addi %mul3A_343, %add3A_344 : i32
      %get3A_346 = arith.constant 0 : i32
      %get3A_347 = arith.index_cast %get3A_346 : i32 to index
      %get3A_348 = arith.index_cast %add3A_345 : i32 to index
      %get3A_349 = arith.constant 16 : index
      %get3A_350 = tpu.vector_load %arg6[%get3A_347, %get3A_348, %get3A_349] {strides = array<i32>} : memref<4x128x64xf32, #tpu.memory_space<vmem>>, vector<1x1x16xf32>,
      %get3A_351 = vector.shape_cast %get3A_350 : vector<1x1x16xf32> to vector<16xf32>
      %mul3A_352 = arith.constant 8.000000e+00 : f32
      %mul3A_353 = vector.broadcast %mul3A_352 : f32 to vector<16xf32>
      %mul3A_354 = arith.mulf %get3A_351, %mul3A_353 : vector<16xf32>
      %mul3A_355 = arith.constant 4 : i32
      %mul3A_356 = arith.muli %mul3A_355, %scan3A_319 : i32
      %add3A_357 = arith.constant 0 : i32
      %add3A_358 = arith.addi %mul3A_356, %add3A_357 : i32
      %swap3A_359 = arith.constant 0 : i32
      %swap3A_360 = arith.index_cast %swap3A_359 : i32 to index
      %swap3A_361 = arith.index_cast %add3A_358 : i32 to index
      %swap3A_362 = arith.constant 16 : index
      %swap3A_363 = tpu.vector_load %arg6[%swap3A_360, %swap3A_361, %swap3A_362] {strides = array<i32>} : memref<4x128x64xf32, #tpu.memory_space<vmem>>, vector<1x1x16xf32>,
      %swap3A_364 = vector.shape_cast %swap3A_363 : vector<1x1x16xf32> to vector<16xf32>
      %swap3A_365 = vector.shape_cast %mul3A_354 : vector<16xf32> to vector<1x1x16xf32>
      tpu.vector_store %arg6[%swap3A_360, %swap3A_361, %swap3A_362], %swap3A_365 {strides = array<i32>} : memref<4x128x64xf32, #tpu.memory_space<vmem>>, vector<1x1x16xf32>,
      %mul3A_366 = arith.constant 4 : i32
      %mul3A_367 = arith.muli %mul3A_366, %scan3A_319 : i32
      %add3A_368 = arith.constant 0 : i32
      %add3A_369 = arith.addi %mul3A_367, %add3A_368 : i32
      %get3A_370 = arith.constant 0 : i32
      %get3A_371 = arith.index_cast %get3A_370 : i32 to index
      %get3A_372 = arith.index_cast %add3A_369 : i32 to index
      %get3A_373 = arith.constant 32 : index
      %get3A_374 = tpu.vector_load %arg6[%get3A_371, %get3A_372, %get3A_373] {strides = array<i32>} : memref<4x128x64xf32, #tpu.memory_space<vmem>>, vector<1x1x16xf32>,
      %get3A_375 = vector.shape_cast %get3A_374 : vector<1x1x16xf32> to vector<16xf32>
      %mul3A_376 = arith.constant 8.000000e+00 : f32
      %mul3A_377 = vector.broadcast %mul3A_376 : f32 to vector<16xf32>
      %mul3A_378 = arith.mulf %get3A_375, %mul3A_377 : vector<16xf32>
      %mul3A_379 = arith.constant 4 : i32
      %mul3A_380 = arith.muli %mul3A_379, %scan3A_319 : i32
      %add3A_381 = arith.constant 0 : i32
      %add3A_382 = arith.addi %mul3A_380, %add3A_381 : i32
      %swap3A_383 = arith.constant 0 : i32
      %swap3A_384 = arith.index_cast %swap3A_383 : i32 to index
      %swap3A_385 = arith.index_cast %add3A_382 : i32 to index
      %swap3A_386 = arith.constant 32 : index
      %swap3A_387 = tpu.vector_load %arg6[%swap3A_384, %swap3A_385, %swap3A_386] {strides = array<i32>} : memref<4x128x64xf32, #tpu.memory_space<vmem>>, vector<1x1x16xf32>,
      %swap3A_388 = vector.shape_cast %swap3A_387 : vector<1x1x16xf32> to vector<16xf32>
      %swap3A_389 = vector.shape_cast %mul3A_378 : vector<16xf32> to vector<1x1x16xf32>
      tpu.vector_store %arg6[%swap3A_384, %swap3A_385, %swap3A_386], %swap3A_389 {strides = array<i32>} : memref<4x128x64xf32, #tpu.memory_space<vmem>>, vector<1x1x16xf32>,
      %mul3A_390 = arith.constant 4 : i32
      %mul3A_391 = arith.muli %mul3A_390, %scan3A_319 : i32
      %add3A_392 = arith.constant 0 : i32
      %add3A_393 = arith.addi %mul3A_391, %add3A_392 : i32
      %get3A_394 = arith.constant 0 : i32
      %get3A_395 = arith.index_cast %get3A_394 : i32 to index
      %get3A_396 = arith.index_cast %add3A_393 : i32 to index
      %get3A_397 = arith.constant 48 : index
      %get3A_398 = tpu.vector_load %arg6[%get3A_395, %get3A_396, %get3A_397] {strides = array<i32>} : memref<4x128x64xf32, #tpu.memory_space<vmem>>, vector<1x1x16xf32>,
      %get3A_399 = vector.shape_cast %get3A_398 : vector<1x1x16xf32> to vector<16xf32>
      %mul3A_400 = arith.constant 8.000000e+00 : f32
      %mul3A_401 = vector.broadcast %mul3A_400 : f32 to vector<16xf32>
      %mul3A_402 = arith.mulf %get3A_399, %mul3A_401 : vector<16xf32>
      %mul3A_403 = arith.constant 4 : i32
      %mul3A_404 = arith.muli %mul3A_403, %scan3A_319 : i32
      %add3A_405 = arith.constant 0 : i32
      %add3A_406 = arith.addi %mul3A_404, %add3A_405 : i32
      %swap3A_407 = arith.constant 0 : i32
      %swap3A_408 = arith.index_cast %swap3A_407 : i32 to index
      %swap3A_409 = arith.index_cast %add3A_406 : i32 to index
      %swap3A_410 = arith.constant 48 : index
      %swap3A_411 = tpu.vector_load %arg6[%swap3A_408, %swap3A_409, %swap3A_410] {strides = array<i32>} : memref<4x128x64xf32, #tpu.memory_space<vmem>>, vector<1x1x16xf32>,
      %swap3A_412 = vector.shape_cast %swap3A_411 : vector<1x1x16xf32> to vector<16xf32>
      %swap3A_413 = vector.shape_cast %mul3A_402 : vector<16xf32> to vector<1x1x16xf32>
      tpu.vector_store %arg6[%swap3A_408, %swap3A_409, %swap3A_410], %swap3A_413 {strides = array<i32>} : memref<4x128x64xf32, #tpu.memory_space<vmem>>, vector<1x1x16xf32>,
      %mul3A_414 = arith.constant 4 : i32
      %mul3A_415 = arith.muli %mul3A_414, %scan3A_319 : i32
      %add3A_416 = arith.constant 1 : i32
      %add3A_417 = arith.addi %mul3A_415, %add3A_416 : i32
      %get3A_418 = arith.constant 0 : i32
      %get3A_419 = arith.index_cast %get3A_418 : i32 to index
      %get3A_420 = arith.index_cast %add3A_417 : i32 to index
      %get3A_421 = arith.constant 0 : index
      %get3A_422 = tpu.vector_load %arg6[%get3A_419, %get3A_420, %get3A_421] {strides = array<i32>} : memref<4x128x64xf32, #tpu.memory_space<vmem>>, vector<1x1x16xf32>,
      %get3A_423 = vector.shape_cast %get3A_422 : vector<1x1x16xf32> to vector<16xf32>
      %mul3A_424 = arith.constant 8.000000e+00 : f32
      %mul3A_425 = vector.broadcast %mul3A_424 : f32 to vector<16xf32>
      %mul3A_426 = arith.mulf %get3A_423, %mul3A_425 : vector<16xf32>
      %mul3A_427 = arith.constant 4 : i32
      %mul3A_428 = arith.muli %mul3A_427, %scan3A_319 : i32
      %add3A_429 = arith.constant 1 : i32
      %add3A_430 = arith.addi %mul3A_428, %add3A_429 : i32
      %swap3A_431 = arith.constant 0 : i32
      %swap3A_432 = arith.index_cast %swap3A_431 : i32 to index
      %swap3A_433 = arith.index_cast %add3A_430 : i32 to index
      %swap3A_434 = arith.constant 0 : index
      %swap3A_435 = tpu.vector_load %arg6[%swap3A_432, %swap3A_433, %swap3A_434] {strides = array<i32>} : memref<4x128x64xf32, #tpu.memory_space<vmem>>, vector<1x1x16xf32>,
      %swap3A_436 = vector.shape_cast %swap3A_435 : vector<1x1x16xf32> to vector<16xf32>
      %swap3A_437 = vector.shape_cast %mul3A_426 : vector<16xf32> to vector<1x1x16xf32>
      tpu.vector_store %arg6[%swap3A_432, %swap3A_433, %swap3A_434], %swap3A_437 {strides = array<i32>} : memref<4x128x64xf32, #tpu.memory_space<vmem>>, vector<1x1x16xf32>,
      %mul3A_438 = arith.constant 4 : i32
      %mul3A_439 = arith.muli %mul3A_438, %scan3A_319 : i32
      %add3A_440 = arith.constant 1 : i32
      %add3A_441 = arith.addi %mul3A_439, %add3A_440 : i32
      %get3A_442 = arith.constant 0 : i32
      %get3A_443 = arith.index_cast %get3A_442 : i32 to index
      %get3A_444 = arith.index_cast %add3A_441 : i32 to index
      %get3A_445 = arith.constant 16 : index
      %get3A_446 = tpu.vector_load %arg6[%get3A_443, %get3A_444, %get3A_445] {strides = array<i32>} : memref<4x128x64xf32, #tpu.memory_space<vmem>>, vector<1x1x16xf32>,
      %get3A_447 = vector.shape_cast %get3A_446 : vector<1x1x16xf32> to vector<16xf32>
      %mul3A_448 = arith.constant 8.000000e+00 : f32
      %mul3A_449 = vector.broadcast %mul3A_448 : f32 to vector<16xf32>
      %mul3A_450 = arith.mulf %get3A_447, %mul3A_449 : vector<16xf32>
      %mul3A_451 = arith.constant 4 : i32
      %mul3A_452 = arith.muli %mul3A_451, %scan3A_319 : i32
      %add3A_453 = arith.constant 1 : i32
      %add3A_454 = arith.addi %mul3A_452, %add3A_453 : i32
      %swap3A_455 = arith.constant 0 : i32
      %swap3A_456 = arith.index_cast %swap3A_455 : i32 to index
      %swap3A_457 = arith.index_cast %add3A_454 : i32 to index
      %swap3A_458 = arith.constant 16 : index
      %swap3A_459 = tpu.vector_load %arg6[%swap3A_456, %swap3A_457, %swap3A_458] {strides = array<i32>} : memref<4x128x64xf32, #tpu.memory_space<vmem>>, vector<1x1x16xf32>,
      %swap3A_460 = vector.shape_cast %swap3A_459 : vector<1x1x16xf32> to vector<16xf32>
      %swap3A_461 = vector.shape_cast %mul3A_450 : vector<16xf32> to vector<1x1x16xf32>
      tpu.vector_store %arg6[%swap3A_456, %swap3A_457, %swap3A_458], %swap3A_461 {strides = array<i32>} : memref<4x128x64xf32, #tpu.memory_space<vmem>>, vector<1x1x16xf32>,
      %mul3A_462 = arith.constant 4 : i32
      %mul3A_463 = arith.muli %mul3A_462, %scan3A_319 : i32
      %add3A_464 = arith.constant 1 : i32
      %add3A_465 = arith.addi %mul3A_463, %add3A_464 : i32
      %get3A_466 = arith.constant 0 : i32
      %get3A_467 = arith.index_cast %get3A_466 : i32 to index
      %get3A_468 = arith.index_cast %add3A_465 : i32 to index
      %get3A_469 = arith.constant 32 : index
      %get3A_470 = tpu.vector_load %arg6[%get3A_467, %get3A_468, %get3A_469] {strides = array<i32>} : memref<4x128x64xf32, #tpu.memory_space<vmem>>, vector<1x1x16xf32>,
      %get3A_471 = vector.shape_cast %get3A_470 : vector<1x1x16xf32> to vector<16xf32>
      %mul3A_472 = arith.constant 8.000000e+00 : f32
      %mul3A_473 = vector.broadcast %mul3A_472 : f32 to vector<16xf32>
      %mul3A_474 = arith.mulf %get3A_471, %mul3A_473 : vector<16xf32>
      %mul3A_475 = arith.constant 4 : i32
      %mul3A_476 = arith.muli %mul3A_475, %scan3A_319 : i32
      %add3A_477 = arith.constant 1 : i32
      %add3A_478 = arith.addi %mul3A_476, %add3A_477 : i32
      %swap3A_479 = arith.constant 0 : i32
      %swap3A_480 = arith.index_cast %swap3A_479 : i32 to index
      %swap3A_481 = arith.index_cast %add3A_478 : i32 to index
      %swap3A_482 = arith.constant 32 : index
      %swap3A_483 = tpu.vector_load %arg6[%swap3A_480, %swap3A_481, %swap3A_482] {strides = array<i32>} : memref<4x128x64xf32, #tpu.memory_space<vmem>>, vector<1x1x16xf32>,
      %swap3A_484 = vector.shape_cast %swap3A_483 : vector<1x1x16xf32> to vector<16xf32>
      %swap3A_485 = vector.shape_cast %mul3A_474 : vector<16xf32> to vector<1x1x16xf32>
      tpu.vector_store %arg6[%swap3A_480, %swap3A_481, %swap3A_482], %swap3A_485 {strides = array<i32>} : memref<4x128x64xf32, #tpu.memory_space<vmem>>, vector<1x1x16xf32>,
      %mul3A_486 = arith.constant 4 : i32
      %mul3A_487 = arith.muli %mul3A_486, %scan3A_319 : i32
      %add3A_488 = arith.constant 1 : i32
      %add3A_489 = arith.addi %mul3A_487, %add3A_488 : i32
      %get3A_490 = arith.constant 0 : i32
      %get3A_491 = arith.index_cast %get3A_490 : i32 to index
      %get3A_492 = arith.index_cast %add3A_489 : i32 to index
      %get3A_493 = arith.constant 48 : index
      %get3A_494 = tpu.vector_load %arg6[%get3A_491, %get3A_492, %get3A_493] {strides = array<i32>} : memref<4x128x64xf32, #tpu.memory_space<vmem>>, vector<1x1x16xf32>,
      %get3A_495 = vector.shape_cast %get3A_494 : vector<1x1x16xf32> to vector<16xf32>
      %mul3A_496 = arith.constant 8.000000e+00 : f32
      %mul3A_497 = vector.broadcast %mul3A_496 : f32 to vector<16xf32>
      %mul3A_498 = arith.mulf %get3A_495, %mul3A_497 : vector<16xf32>
      %mul3A_499 = arith.constant 4 : i32
      %mul3A_500 = arith.muli %mul3A_499, %scan3A_319 : i32
      %add3A_501 = arith.constant 1 : i32
      %add3A_502 = arith.addi %mul3A_500, %add3A_501 : i32
      %swap3A_503 = arith.constant 0 : i32
      %swap3A_504 = arith.index_cast %swap3A_503 : i32 to index
      %swap3A_505 = arith.index_cast %add3A_502 : i32 to index
      %swap3A_506 = arith.constant 48 : index
      %swap3A_507 = tpu.vector_load %arg6[%swap3A_504, %swap3A_505, %swap3A_506] {strides = array<i32>} : memref<4x128x64xf32, #tpu.memory_space<vmem>>, vector<1x1x16xf32>,
      %swap3A_508 = vector.shape_cast %swap3A_507 : vector<1x1x16xf32> to vector<16xf32>
      %swap3A_509 = vector.shape_cast %mul3A_498 : vector<16xf32> to vector<1x1x16xf32>
      tpu.vector_store %arg6[%swap3A_504, %swap3A_505, %swap3A_506], %swap3A_509 {strides = array<i32>} : memref<4x128x64xf32, #tpu.memory_space<vmem>>, vector<1x1x16xf32>,
      %mul3A_510 = arith.constant 4 : i32
      %mul3A_511 = arith.muli %mul3A_510, %scan3A_319 : i32
      %add3A_512 = arith.constant 2 : i32
      %add3A_513 = arith.addi %mul3A_511, %add3A_512 : i32
      %get3A_514 = arith.constant 0 : i32
      %get3A_515 = arith.index_cast %get3A_514 : i32 to index
      %get3A_516 = arith.index_cast %add3A_513 : i32 to index
      %get3A_517 = arith.constant 0 : index
      %get3A_518 = tpu.vector_load %arg6[%get3A_515, %get3A_516, %get3A_517] {strides = array<i32>} : memref<4x128x64xf32, #tpu.memory_space<vmem>>, vector<1x1x16xf32>,
      %get3A_519 = vector.shape_cast %get3A_518 : vector<1x1x16xf32> to vector<16xf32>
      %mul3A_520 = arith.constant 8.000000e+00 : f32
      %mul3A_521 = vector.broadcast %mul3A_520 : f32 to vector<16xf32>
      %mul3A_522 = arith.mulf %get3A_519, %mul3A_521 : vector<16xf32>
      %mul3A_523 = arith.constant 4 : i32
      %mul3A_524 = arith.muli %mul3A_523, %scan3A_319 : i32
      %add3A_525 = arith.constant 2 : i32
      %add3A_526 = arith.addi %mul3A_524, %add3A_525 : i32
      %swap3A_527 = arith.constant 0 : i32
      %swap3A_528 = arith.index_cast %swap3A_527 : i32 to index
      %swap3A_529 = arith.index_cast %add3A_526 : i32 to index
      %swap3A_530 = arith.constant 0 : index
      %swap3A_531 = tpu.vector_load %arg6[%swap3A_528, %swap3A_529, %swap3A_530] {strides = array<i32>} : memref<4x128x64xf32, #tpu.memory_space<vmem>>, vector<1x1x16xf32>,
      %swap3A_532 = vector.shape_cast %swap3A_531 : vector<1x1x16xf32> to vector<16xf32>
      %swap3A_533 = vector.shape_cast %mul3A_522 : vector<16xf32> to vector<1x1x16xf32>
      tpu.vector_store %arg6[%swap3A_528, %swap3A_529, %swap3A_530], %swap3A_533 {strides = array<i32>} : memref<4x128x64xf32, #tpu.memory_space<vmem>>, vector<1x1x16xf32>,
      %mul3A_534 = arith.constant 4 : i32
      %mul3A_535 = arith.muli %mul3A_534, %scan3A_319 : i32
      %add3A_536 = arith.constant 2 : i32
      %add3A_537 = arith.addi %mul3A_535, %add3A_536 : i32
      %get3A_538 = arith.constant 0 : i32
      %get3A_539 = arith.index_cast %get3A_538 : i32 to index
      %get3A_540 = arith.index_cast %add3A_537 : i32 to index
      %get3A_541 = arith.constant 16 : index
      %get3A_542 = tpu.vector_load %arg6[%get3A_539, %get3A_540, %get3A_541] {strides = array<i32>} : memref<4x128x64xf32, #tpu.memory_space<vmem>>, vector<1x1x16xf32>,
      %get3A_543 = vector.shape_cast %get3A_542 : vector<1x1x16xf32> to vector<16xf32>
      %mul3A_544 = arith.constant 8.000000e+00 : f32
      %mul3A_545 = vector.broadcast %mul3A_544 : f32 to vector<16xf32>
      %mul3A_546 = arith.mulf %get3A_543, %mul3A_545 : vector<16xf32>
      %mul3A_547 = arith.constant 4 : i32
      %mul3A_548 = arith.muli %mul3A_547, %scan3A_319 : i32
      %add3A_549 = arith.constant 2 : i32
      %add3A_550 = arith.addi %mul3A_548, %add3A_549 : i32
      %swap3A_551 = arith.constant 0 : i32
      %swap3A_552 = arith.index_cast %swap3A_551 : i32 to index
      %swap3A_553 = arith.index_cast %add3A_550 : i32 to index
      %swap3A_554 = arith.constant 16 : index
      %swap3A_555 = tpu.vector_load %arg6[%swap3A_552, %swap3A_553, %swap3A_554] {strides = array<i32>} : memref<4x128x64xf32, #tpu.memory_space<vmem>>, vector<1x1x16xf32>,
      %swap3A_556 = vector.shape_cast %swap3A_555 : vector<1x1x16xf32> to vector<16xf32>
      %swap3A_557 = vector.shape_cast %mul3A_546 : vector<16xf32> to vector<1x1x16xf32>
      tpu.vector_store %arg6[%swap3A_552, %swap3A_553, %swap3A_554], %swap3A_557 {strides = array<i32>} : memref<4x128x64xf32, #tpu.memory_space<vmem>>, vector<1x1x16xf32>,
      %mul3A_558 = arith.constant 4 : i32
      %mul3A_559 = arith.muli %mul3A_558, %scan3A_319 : i32
      %add3A_560 = arith.constant 2 : i32
      %add3A_561 = arith.addi %mul3A_559, %add3A_560 : i32
      %get3A_562 = arith.constant 0 : i32
      %get3A_563 = arith.index_cast %get3A_562 : i32 to index
      %get3A_564 = arith.index_cast %add3A_561 : i32 to index
      %get3A_565 = arith.constant 32 : index
      %get3A_566 = tpu.vector_load %arg6[%get3A_563, %get3A_564, %get3A_565] {strides = array<i32>} : memref<4x128x64xf32, #tpu.memory_space<vmem>>, vector<1x1x16xf32>,
      %get3A_567 = vector.shape_cast %get3A_566 : vector<1x1x16xf32> to vector<16xf32>
      %mul3A_568 = arith.constant 8.000000e+00 : f32
      %mul3A_569 = vector.broadcast %mul3A_568 : f32 to vector<16xf32>
      %mul3A_570 = arith.mulf %get3A_567, %mul3A_569 : vector<16xf32>
      %mul3A_571 = arith.constant 4 : i32
      %mul3A_572 = arith.muli %mul3A_571, %scan3A_319 : i32
      %add3A_573 = arith.constant 2 : i32
      %add3A_574 = arith.addi %mul3A_572, %add3A_573 : i32
      %swap3A_575 = arith.constant 0 : i32
      %swap3A_576 = arith.index_cast %swap3A_575 : i32 to index
      %swap3A_577 = arith.index_cast %add3A_574 : i32 to index
      %swap3A_578 = arith.constant 32 : index
      %swap3A_579 = tpu.vector_load %arg6[%swap3A_576, %swap3A_577, %swap3A_578] {strides = array<i32>} : memref<4x128x64xf32, #tpu.memory_space<vmem>>, vector<1x1x16xf32>,
      %swap3A_580 = vector.shape_cast %swap3A_579 : vector<1x1x16xf32> to vector<16xf32>
      %swap3A_581 = vector.shape_cast %mul3A_570 : vector<16xf32> to vector<1x1x16xf32>
      tpu.vector_store %arg6[%swap3A_576, %swap3A_577, %swap3A_578], %swap3A_581 {strides = array<i32>} : memref<4x128x64xf32, #tpu.memory_space<vmem>>, vector<1x1x16xf32>,
      %mul3A_582 = arith.constant 4 : i32
      %mul3A_583 = arith.muli %mul3A_582, %scan3A_319 : i32
      %add3A_584 = arith.constant 2 : i32
      %add3A_585 = arith.addi %mul3A_583, %add3A_584 : i32
      %get3A_586 = arith.constant 0 : i32
      %get3A_587 = arith.index_cast %get3A_586 : i32 to index
      %get3A_588 = arith.index_cast %add3A_585 : i32 to index
      %get3A_589 = arith.constant 48 : index
      %get3A_590 = tpu.vector_load %arg6[%get3A_587, %get3A_588, %get3A_589] {strides = array<i32>} : memref<4x128x64xf32, #tpu.memory_space<vmem>>, vector<1x1x16xf32>,
      %get3A_591 = vector.shape_cast %get3A_590 : vector<1x1x16xf32> to vector<16xf32>
      %mul3A_592 = arith.constant 8.000000e+00 : f32
      %mul3A_593 = vector.broadcast %mul3A_592 : f32 to vector<16xf32>
      %mul3A_594 = arith.mulf %get3A_591, %mul3A_593 : vector<16xf32>
      %mul3A_595 = arith.constant 4 : i32
      %mul3A_596 = arith.muli %mul3A_595, %scan3A_319 : i32
      %add3A_597 = arith.constant 2 : i32
      %add3A_598 = arith.addi %mul3A_596, %add3A_597 : i32
      %swap3A_599 = arith.constant 0 : i32
      %swap3A_600 = arith.index_cast %swap3A_599 : i32 to index
      %swap3A_601 = arith.index_cast %add3A_598 : i32 to index
      %swap3A_602 = arith.constant 48 : index
      %swap3A_603 = tpu.vector_load %arg6[%swap3A_600, %swap3A_601, %swap3A_602] {strides = array<i32>} : memref<4x128x64xf32, #tpu.memory_space<vmem>>, vector<1x1x16xf32>,
      %swap3A_604 = vector.shape_cast %swap3A_603 : vector<1x1x16xf32> to vector<16xf32>
      %swap3A_605 = vector.shape_cast %mul3A_594 : vector<16xf32> to vector<1x1x16xf32>
      tpu.vector_store %arg6[%swap3A_600, %swap3A_601, %swap3A_602], %swap3A_605 {strides = array<i32>} : memref<4x128x64xf32, #tpu.memory_space<vmem>>, vector<1x1x16xf32>,
      %mul3A_606 = arith.constant 4 : i32
      %mul3A_607 = arith.muli %mul3A_606, %scan3A_319 : i32
      %add3A_608 = arith.constant 3 : i32
      %add3A_609 = arith.addi %mul3A_607, %add3A_608 : i32
      %get3A_610 = arith.constant 0 : i32
      %get3A_611 = arith.index_cast %get3A_610 : i32 to index
      %get3A_612 = arith.index_cast %add3A_609 : i32 to index
      %get3A_613 = arith.constant 0 : index
      %get3A_614 = tpu.vector_load %arg6[%get3A_611, %get3A_612, %get3A_613] {strides = array<i32>} : memref<4x128x64xf32, #tpu.memory_space<vmem>>, vector<1x1x16xf32>,
      %get3A_615 = vector.shape_cast %get3A_614 : vector<1x1x16xf32> to vector<16xf32>
      %mul3A_616 = arith.constant 8.000000e+00 : f32
      %mul3A_617 = vector.broadcast %mul3A_616 : f32 to vector<16xf32>
      %mul3A_618 = arith.mulf %get3A_615, %mul3A_617 : vector<16xf32>
      %mul3A_619 = arith.constant 4 : i32
      %mul3A_620 = arith.muli %mul3A_619, %scan3A_319 : i32
      %add3A_621 = arith.constant 3 : i32
      %add3A_622 = arith.addi %mul3A_620, %add3A_621 : i32
      %swap3A_623 = arith.constant 0 : i32
      %swap3A_624 = arith.index_cast %swap3A_623 : i32 to index
      %swap3A_625 = arith.index_cast %add3A_622 : i32 to index
      %swap3A_626 = arith.constant 0 : index
      %swap3A_627 = tpu.vector_load %arg6[%swap3A_624, %swap3A_625, %swap3A_626] {strides = array<i32>} : memref<4x128x64xf32, #tpu.memory_space<vmem>>, vector<1x1x16xf32>,
      %swap3A_628 = vector.shape_cast %swap3A_627 : vector<1x1x16xf32> to vector<16xf32>
      %swap3A_629 = vector.shape_cast %mul3A_618 : vector<16xf32> to vector<1x1x16xf32>
      tpu.vector_store %arg6[%swap3A_624, %swap3A_625, %swap3A_626], %swap3A_629 {strides = array<i32>} : memref<4x128x64xf32, #tpu.memory_space<vmem>>, vector<1x1x16xf32>,
      %mul3A_630 = arith.constant 4 : i32
      %mul3A_631 = arith.muli %mul3A_630, %scan3A_319 : i32
      %add3A_632 = arith.constant 3 : i32
      %add3A_633 = arith.addi %mul3A_631, %add3A_632 : i32
      %get3A_634 = arith.constant 0 : i32
      %get3A_635 = arith.index_cast %get3A_634 : i32 to index
      %get3A_636 = arith.index_cast %add3A_633 : i32 to index
      %get3A_637 = arith.constant 16 : index
      %get3A_638 = tpu.vector_load %arg6[%get3A_635, %get3A_636, %get3A_637] {strides = array<i32>} : memref<4x128x64xf32, #tpu.memory_space<vmem>>, vector<1x1x16xf32>,
      %get3A_639 = vector.shape_cast %get3A_638 : vector<1x1x16xf32> to vector<16xf32>
      %mul3A_640 = arith.constant 8.000000e+00 : f32
      %mul3A_641 = vector.broadcast %mul3A_640 : f32 to vector<16xf32>
      %mul3A_642 = arith.mulf %get3A_639, %mul3A_641 : vector<16xf32>
      %mul3A_643 = arith.constant 4 : i32
      %mul3A_644 = arith.muli %mul3A_643, %scan3A_319 : i32
      %add3A_645 = arith.constant 3 : i32
      %add3A_646 = arith.addi %mul3A_644, %add3A_645 : i32
      %swap3A_647 = arith.constant 0 : i32
      %swap3A_648 = arith.index_cast %swap3A_647 : i32 to index
      %swap3A_649 = arith.index_cast %add3A_646 : i32 to index
      %swap3A_650 = arith.constant 16 : index
      %swap3A_651 = tpu.vector_load %arg6[%swap3A_648, %swap3A_649, %swap3A_650] {strides = array<i32>} : memref<4x128x64xf32, #tpu.memory_space<vmem>>, vector<1x1x16xf32>,
      %swap3A_652 = vector.shape_cast %swap3A_651 : vector<1x1x16xf32> to vector<16xf32>
      %swap3A_653 = vector.shape_cast %mul3A_642 : vector<16xf32> to vector<1x1x16xf32>
      tpu.vector_store %arg6[%swap3A_648, %swap3A_649, %swap3A_650], %swap3A_653 {strides = array<i32>} : memref<4x128x64xf32, #tpu.memory_space<vmem>>, vector<1x1x16xf32>,
      %mul3A_654 = arith.constant 4 : i32
      %mul3A_655 = arith.muli %mul3A_654, %scan3A_319 : i32
      %add3A_656 = arith.constant 3 : i32
      %add3A_657 = arith.addi %mul3A_655, %add3A_656 : i32
      %get3A_658 = arith.constant 0 : i32
      %get3A_659 = arith.index_cast %get3A_658 : i32 to index
      %get3A_660 = arith.index_cast %add3A_657 : i32 to index
      %get3A_661 = arith.constant 32 : index
      %get3A_662 = tpu.vector_load %arg6[%get3A_659, %get3A_660, %get3A_661] {strides = array<i32>} : memref<4x128x64xf32, #tpu.memory_space<vmem>>, vector<1x1x16xf32>,
      %get3A_663 = vector.shape_cast %get3A_662 : vector<1x1x16xf32> to vector<16xf32>
      %mul3A_664 = arith.constant 8.000000e+00 : f32
      %mul3A_665 = vector.broadcast %mul3A_664 : f32 to vector<16xf32>
      %mul3A_666 = arith.mulf %get3A_663, %mul3A_665 : vector<16xf32>
      %mul3A_667 = arith.constant 4 : i32
      %mul3A_668 = arith.muli %mul3A_667, %scan3A_319 : i32
      %add3A_669 = arith.constant 3 : i32
      %add3A_670 = arith.addi %mul3A_668, %add3A_669 : i32
      %swap3A_671 = arith.constant 0 : i32
      %swap3A_672 = arith.index_cast %swap3A_671 : i32 to index
      %swap3A_673 = arith.index_cast %add3A_670 : i32 to index
      %swap3A_674 = arith.constant 32 : index
      %swap3A_675 = tpu.vector_load %arg6[%swap3A_672, %swap3A_673, %swap3A_674] {strides = array<i32>} : memref<4x128x64xf32, #tpu.memory_space<vmem>>, vector<1x1x16xf32>,
      %swap3A_676 = vector.shape_cast %swap3A_675 : vector<1x1x16xf32> to vector<16xf32>
      %swap3A_677 = vector.shape_cast %mul3A_666 : vector<16xf32> to vector<1x1x16xf32>
      tpu.vector_store %arg6[%swap3A_672, %swap3A_673, %swap3A_674], %swap3A_677 {strides = array<i32>} : memref<4x128x64xf32, #tpu.memory_space<vmem>>, vector<1x1x16xf32>,
      %mul3A_678 = arith.constant 4 : i32
      %mul3A_679 = arith.muli %mul3A_678, %scan3A_319 : i32
      %add3A_680 = arith.constant 3 : i32
      %add3A_681 = arith.addi %mul3A_679, %add3A_680 : i32
      %get3A_682 = arith.constant 0 : i32
      %get3A_683 = arith.index_cast %get3A_682 : i32 to index
      %get3A_684 = arith.index_cast %add3A_681 : i32 to index
      %get3A_685 = arith.constant 48 : index
      %get3A_686 = tpu.vector_load %arg6[%get3A_683, %get3A_684, %get3A_685] {strides = array<i32>} : memref<4x128x64xf32, #tpu.memory_space<vmem>>, vector<1x1x16xf32>,
      %get3A_687 = vector.shape_cast %get3A_686 : vector<1x1x16xf32> to vector<16xf32>
      %mul3A_688 = arith.constant 8.000000e+00 : f32
      %mul3A_689 = vector.broadcast %mul3A_688 : f32 to vector<16xf32>
      %mul3A_690 = arith.mulf %get3A_687, %mul3A_689 : vector<16xf32>
      %mul3A_691 = arith.constant 4 : i32
      %mul3A_692 = arith.muli %mul3A_691, %scan3A_319 : i32
      %add3A_693 = arith.constant 3 : i32
      %add3A_694 = arith.addi %mul3A_692, %add3A_693 : i32
      %swap3A_695 = arith.constant 0 : i32
      %swap3A_696 = arith.index_cast %swap3A_695 : i32 to index
      %swap3A_697 = arith.index_cast %add3A_694 : i32 to index
      %swap3A_698 = arith.constant 48 : index
      %swap3A_699 = tpu.vector_load %arg6[%swap3A_696, %swap3A_697, %swap3A_698] {strides = array<i32>} : memref<4x128x64xf32, #tpu.memory_space<vmem>>, vector<1x1x16xf32>,
      %swap3A_700 = vector.shape_cast %swap3A_699 : vector<1x1x16xf32> to vector<16xf32>
      %swap3A_701 = vector.shape_cast %mul3A_690 : vector<16xf32> to vector<1x1x16xf32>
      tpu.vector_store %arg6[%swap3A_696, %swap3A_697, %swap3A_698], %swap3A_701 {strides = array<i32>} : memref<4x128x64xf32, #tpu.memory_space<vmem>>, vector<1x1x16xf32>,
    }
    %scan3A_52 = arith.constant 32 : i32
    %add3A_53 = arith.constant 0 : i32
    %add3A_54 = arith.addi %mul3A_4, %add3A_53 : i32
    %dma_start3A_55 = arith.constant 0 : i32
    %dma_start3A_56 = arith.constant 0 : i32
    %dma_start3A_57 = arith.constant 0 : i32
    %dma_start3A_58 = arith.constant 0 : i32
    %dma_start3A_59 = tpu.memref_slice %arg6[%dma_start3A_55, %dma_start3A_57, %dma_start3A_58] : memref<4x128x64xf32, #tpu.memory_space<vmem>> -> memref<1x128x64xf32, #tpu.memory_space<vmem>>
    %dma_start3A_60 = tpu.memref_squeeze %dma_start3A_59 : memref<1x128x64xf32, #tpu.memory_space<vmem>> -> memref<128x64xf32, #tpu.memory_space<vmem>>
    %dma_start3A_61 = arith.constant 0 : i32
    %dma_start3A_62 = tpu.memref_slice %arg4[%add3A_54, %dma_start3A_61] : memref<819200x128xf32, #tpu.memory_space<hbm>> -> memref<128x64xf32, #tpu.memory_space<hbm>>
    %dma_start3A_63 = tpu.memref_slice %arg8[%dma_start3A_56] : memref<4x!tpu.dma_semaphore, #tpu.memory_space<semaphore_mem>> -> memref<1x!tpu.dma_semaphore, #tpu.memory_space<semaphore_mem>>
    %dma_start3A_64 = tpu.memref_squeeze %dma_start3A_63 : memref<1x!tpu.dma_semaphore, #tpu.memory_space<semaphore_mem>> -> memref<!tpu.dma_semaphore, #tpu.memory_space<semaphore_mem>>
    %dma_start3A_65 = arith.constant 0 : i32
    %dma_start3A_66 = tpu.memref_slice %arg4[%add3A_54, %dma_start3A_65] : memref<819200x128xf32, #tpu.memory_space<hbm>> -> memref<128x64xf32, #tpu.memory_space<hbm>>
    %dma_start3A_67 = arith.constant 0 : i32
    %dma_start3A_68 = arith.constant 0 : i32
    %dma_start3A_69 = tpu.memref_slice %arg6[%dma_start3A_55, %dma_start3A_67, %dma_start3A_68] : memref<4x128x64xf32, #tpu.memory_space<vmem>> -> memref<1x128x64xf32, #tpu.memory_space<vmem>>
    %dma_start3A_70 = tpu.memref_squeeze %dma_start3A_69 : memref<1x128x64xf32, #tpu.memory_space<vmem>> -> memref<128x64xf32, #tpu.memory_space<vmem>>
    tpu.enqueue_dma source(%dma_start3A_70 : memref<128x64xf32, #tpu.memory_space<vmem>>) target(%dma_start3A_66 : memref<128x64xf32, #tpu.memory_space<hbm>>) target_semaphore(%dma_start3A_64 : memref<!tpu.dma_semaphore, #tpu.memory_space<semaphore_mem>>)
    %dma_wait3A_71 = arith.constant 0 : i32
    %dma_wait3A_72 = arith.constant 1 : i32
    %dma_wait3A_73 = arith.constant 1 : i32
    %dma_wait3A_74 = arith.constant 0 : i32
    %dma_wait3A_75 = arith.constant 0 : i32
    %dma_wait3A_76 = tpu.memref_slice %arg6[%dma_wait3A_72, %dma_wait3A_74, %dma_wait3A_75] : memref<4x128x64xf32, #tpu.memory_space<vmem>> -> memref<1x128x64xf32, #tpu.memory_space<vmem>>
    %dma_wait3A_77 = tpu.memref_squeeze %dma_wait3A_76 : memref<1x128x64xf32, #tpu.memory_space<vmem>> -> memref<128x64xf32, #tpu.memory_space<vmem>>
    %dma_wait3A_78 = arith.constant 0 : i32
    %dma_wait3A_79 = tpu.memref_slice %arg5[%dma_wait3A_71, %dma_wait3A_78] : memref<200x128xi32, #tpu.memory_space<vmem>> -> memref<1x128xi32, #tpu.memory_space<vmem>>
    %dma_wait3A_80 = tpu.memref_squeeze %dma_wait3A_79 : memref<1x128xi32, #tpu.memory_space<vmem>> -> memref<128xi32, #tpu.memory_space<vmem>>
    %dma_wait3A_81 = arith.constant 0 : i32
    %dma_wait3A_82 = arith.constant 0 : i32
    %dma_wait3A_83 = tpu.memref_slice %arg3[%dma_wait3A_81, %dma_wait3A_82] : memref<1000000x64xf32, #tpu.memory_space<hbm>> -> memref<1000000x64xf32, #tpu.memory_space<hbm>>
    %dma_wait3A_84 = tpu.memref_slice %arg7[%dma_wait3A_73] : memref<4x!tpu.dma_semaphore, #tpu.memory_space<semaphore_mem>> -> memref<1x!tpu.dma_semaphore, #tpu.memory_space<semaphore_mem>>
    %dma_wait3A_85 = tpu.memref_squeeze %dma_wait3A_84 : memref<1x!tpu.dma_semaphore, #tpu.memory_space<semaphore_mem>> -> memref<!tpu.dma_semaphore, #tpu.memory_space<semaphore_mem>>
    tpu.wait_indirect_dma semaphore(%dma_wait3A_85 : memref<!tpu.dma_semaphore, #tpu.memory_space<semaphore_mem>>) src(%dma_wait3A_83 : memref<1000000x64xf32, #tpu.memory_space<hbm>>) dst(%dma_wait3A_77 : memref<128x64xf32, #tpu.memory_space<vmem>>)
    %dma_start3A_86 = arith.constant 2 : i32
    %dma_start3A_87 = arith.constant 2 : i32
    %dma_start3A_88 = arith.constant 2 : i32
    %dma_start3A_89 = arith.constant 0 : i32
    %dma_start3A_90 = arith.constant 0 : i32
    %dma_start3A_91 = tpu.memref_slice %arg6[%dma_start3A_87, %dma_start3A_89, %dma_start3A_90] : memref<4x128x64xf32, #tpu.memory_space<vmem>> -> memref<1x128x64xf32, #tpu.memory_space<vmem>>
    %dma_start3A_92 = tpu.memref_squeeze %dma_start3A_91 : memref<1x128x64xf32, #tpu.memory_space<vmem>> -> memref<128x64xf32, #tpu.memory_space<vmem>>
    %dma_start3A_93 = arith.constant 0 : i32
    %dma_start3A_94 = tpu.memref_slice %arg5[%dma_start3A_86, %dma_start3A_93] : memref<200x128xi32, #tpu.memory_space<vmem>> -> memref<1x128xi32, #tpu.memory_space<vmem>>
    %dma_start3A_95 = tpu.memref_squeeze %dma_start3A_94 : memref<1x128xi32, #tpu.memory_space<vmem>> -> memref<128xi32, #tpu.memory_space<vmem>>
    %dma_start3A_96 = arith.constant 0 : i32
    %dma_start3A_97 = arith.constant 0 : i32
    %dma_start3A_98 = tpu.memref_slice %arg3[%dma_start3A_96, %dma_start3A_97] : memref<1000000x64xf32, #tpu.memory_space<hbm>> -> memref<1000000x64xf32, #tpu.memory_space<hbm>>
    %dma_start3A_99 = tpu.memref_slice %arg7[%dma_start3A_88] : memref<4x!tpu.dma_semaphore, #tpu.memory_space<semaphore_mem>> -> memref<1x!tpu.dma_semaphore, #tpu.memory_space<semaphore_mem>>
    %dma_start3A_100 = tpu.memref_squeeze %dma_start3A_99 : memref<1x!tpu.dma_semaphore, #tpu.memory_space<semaphore_mem>> -> memref<!tpu.dma_semaphore, #tpu.memory_space<semaphore_mem>>
    tpu.enqueue_indirect_dma source(%dma_start3A_98 : memref<1000000x64xf32, #tpu.memory_space<hbm>>) target(%dma_start3A_92 : memref<128x64xf32, #tpu.memory_space<vmem>>) offsets(%dma_start3A_95 : memref<128xi32, #tpu.memory_space<vmem>>) semaphore(%dma_start3A_100 : memref<!tpu.dma_semaphore, #tpu.memory_space<semaphore_mem>>)
    %scan3A_101 = arith.constant 0 : i32
    %scan3A_102 = arith.constant 0 : i32
    %scan3A_103 = arith.constant 32 : i32
    %scan3A_104 = arith.addi %scan3A_102, %scan3A_103 : i32
    %scan3A_105 = arith.constant 1 : i32
    scf.for %scan3A_319 = %scan3A_102 to %scan3A_104 step %scan3A_105  : i32 {
      %mul3A_320 = arith.constant 4 : i32
      %mul3A_321 = arith.muli %mul3A_320, %scan3A_319 : i32
      %add3A_322 = arith.constant 0 : i32
      %add3A_323 = arith.addi %mul3A_321, %add3A_322 : i32
      %get3A = arith.constant 1 : i32
      %get3A_324 = arith.index_cast %get3A : i32 to index
      %get3A_325 = arith.index_cast %add3A_323 : i32 to index
      %get3A_326 = arith.constant 0 : index
      %get3A_327 = tpu.vector_load %arg6[%get3A_324, %get3A_325, %get3A_326] {strides = array<i32>} : memref<4x128x64xf32, #tpu.memory_space<vmem>>, vector<1x1x16xf32>,
      %get3A_328 = vector.shape_cast %get3A_327 : vector<1x1x16xf32> to vector<16xf32>
      %mul3A_329 = arith.constant 8.000000e+00 : f32
      %mul3A_330 = vector.broadcast %mul3A_329 : f32 to vector<16xf32>
      %mul3A_331 = arith.mulf %get3A_328, %mul3A_330 : vector<16xf32>
      %mul3A_332 = arith.constant 4 : i32
      %mul3A_333 = arith.muli %mul3A_332, %scan3A_319 : i32
      %add3A_334 = arith.constant 0 : i32
      %add3A_335 = arith.addi %mul3A_333, %add3A_334 : i32
      %swap3A = arith.constant 1 : i32
      %swap3A_336 = arith.index_cast %swap3A : i32 to index
      %swap3A_337 = arith.index_cast %add3A_335 : i32 to index
      %swap3A_338 = arith.constant 0 : index
      %swap3A_339 = tpu.vector_load %arg6[%swap3A_336, %swap3A_337, %swap3A_338] {strides = array<i32>} : memref<4x128x64xf32, #tpu.memory_space<vmem>>, vector<1x1x16xf32>,
      %swap3A_340 = vector.shape_cast %swap3A_339 : vector<1x1x16xf32> to vector<16xf32>
      %swap3A_341 = vector.shape_cast %mul3A_331 : vector<16xf32> to vector<1x1x16xf32>
      tpu.vector_store %arg6[%swap3A_336, %swap3A_337, %swap3A_338], %swap3A_341 {strides = array<i32>} : memref<4x128x64xf32, #tpu.memory_space<vmem>>, vector<1x1x16xf32>,
      %mul3A_342 = arith.constant 4 : i32
      %mul3A_343 = arith.muli %mul3A_342, %scan3A_319 : i32
      %add3A_344 = arith.constant 0 : i32
      %add3A_345 = arith.addi %mul3A_343, %add3A_344 : i32
      %get3A_346 = arith.constant 1 : i32
      %get3A_347 = arith.index_cast %get3A_346 : i32 to index
      %get3A_348 = arith.index_cast %add3A_345 : i32 to index
      %get3A_349 = arith.constant 16 : index
      %get3A_350 = tpu.vector_load %arg6[%get3A_347, %get3A_348, %get3A_349] {strides = array<i32>} : memref<4x128x64xf32, #tpu.memory_space<vmem>>, vector<1x1x16xf32>,
      %get3A_351 = vector.shape_cast %get3A_350 : vector<1x1x16xf32> to vector<16xf32>
      %mul3A_352 = arith.constant 8.000000e+00 : f32
      %mul3A_353 = vector.broadcast %mul3A_352 : f32 to vector<16xf32>
      %mul3A_354 = arith.mulf %get3A_351, %mul3A_353 : vector<16xf32>
      %mul3A_355 = arith.constant 4 : i32
      %mul3A_356 = arith.muli %mul3A_355, %scan3A_319 : i32
      %add3A_357 = arith.constant 0 : i32
      %add3A_358 = arith.addi %mul3A_356, %add3A_357 : i32
      %swap3A_359 = arith.constant 1 : i32
      %swap3A_360 = arith.index_cast %swap3A_359 : i32 to index
      %swap3A_361 = arith.index_cast %add3A_358 : i32 to index
      %swap3A_362 = arith.constant 16 : index
      %swap3A_363 = tpu.vector_load %arg6[%swap3A_360, %swap3A_361, %swap3A_362] {strides = array<i32>} : memref<4x128x64xf32, #tpu.memory_space<vmem>>, vector<1x1x16xf32>,
      %swap3A_364 = vector.shape_cast %swap3A_363 : vector<1x1x16xf32> to vector<16xf32>
      %swap3A_365 = vector.shape_cast %mul3A_354 : vector<16xf32> to vector<1x1x16xf32>
      tpu.vector_store %arg6[%swap3A_360, %swap3A_361, %swap3A_362], %swap3A_365 {strides = array<i32>} : memref<4x128x64xf32, #tpu.memory_space<vmem>>, vector<1x1x16xf32>,
      %mul3A_366 = arith.constant 4 : i32
      %mul3A_367 = arith.muli %mul3A_366, %scan3A_319 : i32
      %add3A_368 = arith.constant 0 : i32
      %add3A_369 = arith.addi %mul3A_367, %add3A_368 : i32
      %get3A_370 = arith.constant 1 : i32
      %get3A_371 = arith.index_cast %get3A_370 : i32 to index
      %get3A_372 = arith.index_cast %add3A_369 : i32 to index
      %get3A_373 = arith.constant 32 : index
      %get3A_374 = tpu.vector_load %arg6[%get3A_371, %get3A_372, %get3A_373] {strides = array<i32>} : memref<4x128x64xf32, #tpu.memory_space<vmem>>, vector<1x1x16xf32>,
      %get3A_375 = vector.shape_cast %get3A_374 : vector<1x1x16xf32> to vector<16xf32>
      %mul3A_376 = arith.constant 8.000000e+00 : f32
      %mul3A_377 = vector.broadcast %mul3A_376 : f32 to vector<16xf32>
      %mul3A_378 = arith.mulf %get3A_375, %mul3A_377 : vector<16xf32>
      %mul3A_379 = arith.constant 4 : i32
      %mul3A_380 = arith.muli %mul3A_379, %scan3A_319 : i32
      %add3A_381 = arith.constant 0 : i32
      %add3A_382 = arith.addi %mul3A_380, %add3A_381 : i32
      %swap3A_383 = arith.constant 1 : i32
      %swap3A_384 = arith.index_cast %swap3A_383 : i32 to index
      %swap3A_385 = arith.index_cast %add3A_382 : i32 to index
      %swap3A_386 = arith.constant 32 : index
      %swap3A_387 = tpu.vector_load %arg6[%swap3A_384, %swap3A_385, %swap3A_386] {strides = array<i32>} : memref<4x128x64xf32, #tpu.memory_space<vmem>>, vector<1x1x16xf32>,
      %swap3A_388 = vector.shape_cast %swap3A_387 : vector<1x1x16xf32> to vector<16xf32>
      %swap3A_389 = vector.shape_cast %mul3A_378 : vector<16xf32> to vector<1x1x16xf32>
      tpu.vector_store %arg6[%swap3A_384, %swap3A_385, %swap3A_386], %swap3A_389 {strides = array<i32>} : memref<4x128x64xf32, #tpu.memory_space<vmem>>, vector<1x1x16xf32>,
      %mul3A_390 = arith.constant 4 : i32
      %mul3A_391 = arith.muli %mul3A_390, %scan3A_319 : i32
      %add3A_392 = arith.constant 0 : i32
      %add3A_393 = arith.addi %mul3A_391, %add3A_392 : i32
      %get3A_394 = arith.constant 1 : i32
      %get3A_395 = arith.index_cast %get3A_394 : i32 to index
      %get3A_396 = arith.index_cast %add3A_393 : i32 to index
      %get3A_397 = arith.constant 48 : index
      %get3A_398 = tpu.vector_load %arg6[%get3A_395, %get3A_396, %get3A_397] {strides = array<i32>} : memref<4x128x64xf32, #tpu.memory_space<vmem>>, vector<1x1x16xf32>,
      %get3A_399 = vector.shape_cast %get3A_398 : vector<1x1x16xf32> to vector<16xf32>
      %mul3A_400 = arith.constant 8.000000e+00 : f32
      %mul3A_401 = vector.broadcast %mul3A_400 : f32 to vector<16xf32>
      %mul3A_402 = arith.mulf %get3A_399, %mul3A_401 : vector<16xf32>
      %mul3A_403 = arith.constant 4 : i32
      %mul3A_404 = arith.muli %mul3A_403, %scan3A_319 : i32
      %add3A_405 = arith.constant 0 : i32
      %add3A_406 = arith.addi %mul3A_404, %add3A_405 : i32
      %swap3A_407 = arith.constant 1 : i32
      %swap3A_408 = arith.index_cast %swap3A_407 : i32 to index
      %swap3A_409 = arith.index_cast %add3A_406 : i32 to index
      %swap3A_410 = arith.constant 48 : index
      %swap3A_411 = tpu.vector_load %arg6[%swap3A_408, %swap3A_409, %swap3A_410] {strides = array<i32>} : memref<4x128x64xf32, #tpu.memory_space<vmem>>, vector<1x1x16xf32>,
      %swap3A_412 = vector.shape_cast %swap3A_411 : vector<1x1x16xf32> to vector<16xf32>
      %swap3A_413 = vector.shape_cast %mul3A_402 : vector<16xf32> to vector<1x1x16xf32>
      tpu.vector_store %arg6[%swap3A_408, %swap3A_409, %swap3A_410], %swap3A_413 {strides = array<i32>} : memref<4x128x64xf32, #tpu.memory_space<vmem>>, vector<1x1x16xf32>,
      %mul3A_414 = arith.constant 4 : i32
      %mul3A_415 = arith.muli %mul3A_414, %scan3A_319 : i32
      %add3A_416 = arith.constant 1 : i32
      %add3A_417 = arith.addi %mul3A_415, %add3A_416 : i32
      %get3A_418 = arith.constant 1 : i32
      %get3A_419 = arith.index_cast %get3A_418 : i32 to index
      %get3A_420 = arith.index_cast %add3A_417 : i32 to index
      %get3A_421 = arith.constant 0 : index
      %get3A_422 = tpu.vector_load %arg6[%get3A_419, %get3A_420, %get3A_421] {strides = array<i32>} : memref<4x128x64xf32, #tpu.memory_space<vmem>>, vector<1x1x16xf32>,
      %get3A_423 = vector.shape_cast %get3A_422 : vector<1x1x16xf32> to vector<16xf32>
      %mul3A_424 = arith.constant 8.000000e+00 : f32
      %mul3A_425 = vector.broadcast %mul3A_424 : f32 to vector<16xf32>
      %mul3A_426 = arith.mulf %get3A_423, %mul3A_425 : vector<16xf32>
      %mul3A_427 = arith.constant 4 : i32
      %mul3A_428 = arith.muli %mul3A_427, %scan3A_319 : i32
      %add3A_429 = arith.constant 1 : i32
      %add3A_430 = arith.addi %mul3A_428, %add3A_429 : i32
      %swap3A_431 = arith.constant 1 : i32
      %swap3A_432 = arith.index_cast %swap3A_431 : i32 to index
      %swap3A_433 = arith.index_cast %add3A_430 : i32 to index
      %swap3A_434 = arith.constant 0 : index
      %swap3A_435 = tpu.vector_load %arg6[%swap3A_432, %swap3A_433, %swap3A_434] {strides = array<i32>} : memref<4x128x64xf32, #tpu.memory_space<vmem>>, vector<1x1x16xf32>,
      %swap3A_436 = vector.shape_cast %swap3A_435 : vector<1x1x16xf32> to vector<16xf32>
      %swap3A_437 = vector.shape_cast %mul3A_426 : vector<16xf32> to vector<1x1x16xf32>
      tpu.vector_store %arg6[%swap3A_432, %swap3A_433, %swap3A_434], %swap3A_437 {strides = array<i32>} : memref<4x128x64xf32, #tpu.memory_space<vmem>>, vector<1x1x16xf32>,
      %mul3A_438 = arith.constant 4 : i32
      %mul3A_439 = arith.muli %mul3A_438, %scan3A_319 : i32
      %add3A_440 = arith.constant 1 : i32
      %add3A_441 = arith.addi %mul3A_439, %add3A_440 : i32
      %get3A_442 = arith.constant 1 : i32
      %get3A_443 = arith.index_cast %get3A_442 : i32 to index
      %get3A_444 = arith.index_cast %add3A_441 : i32 to index
      %get3A_445 = arith.constant 16 : index
      %get3A_446 = tpu.vector_load %arg6[%get3A_443, %get3A_444, %get3A_445] {strides = array<i32>} : memref<4x128x64xf32, #tpu.memory_space<vmem>>, vector<1x1x16xf32>,
      %get3A_447 = vector.shape_cast %get3A_446 : vector<1x1x16xf32> to vector<16xf32>
      %mul3A_448 = arith.constant 8.000000e+00 : f32
      %mul3A_449 = vector.broadcast %mul3A_448 : f32 to vector<16xf32>
      %mul3A_450 = arith.mulf %get3A_447, %mul3A_449 : vector<16xf32>
      %mul3A_451 = arith.constant 4 : i32
      %mul3A_452 = arith.muli %mul3A_451, %scan3A_319 : i32
      %add3A_453 = arith.constant 1 : i32
      %add3A_454 = arith.addi %mul3A_452, %add3A_453 : i32
      %swap3A_455 = arith.constant 1 : i32
      %swap3A_456 = arith.index_cast %swap3A_455 : i32 to index
      %swap3A_457 = arith.index_cast %add3A_454 : i32 to index
      %swap3A_458 = arith.constant 16 : index
      %swap3A_459 = tpu.vector_load %arg6[%swap3A_456, %swap3A_457, %swap3A_458] {strides = array<i32>} : memref<4x128x64xf32, #tpu.memory_space<vmem>>, vector<1x1x16xf32>,
      %swap3A_460 = vector.shape_cast %swap3A_459 : vector<1x1x16xf32> to vector<16xf32>
      %swap3A_461 = vector.shape_cast %mul3A_450 : vector<16xf32> to vector<1x1x16xf32>
      tpu.vector_store %arg6[%swap3A_456, %swap3A_457, %swap3A_458], %swap3A_461 {strides = array<i32>} : memref<4x128x64xf32, #tpu.memory_space<vmem>>, vector<1x1x16xf32>,
      %mul3A_462 = arith.constant 4 : i32
      %mul3A_463 = arith.muli %mul3A_462, %scan3A_319 : i32
      %add3A_464 = arith.constant 1 : i32
      %add3A_465 = arith.addi %mul3A_463, %add3A_464 : i32
      %get3A_466 = arith.constant 1 : i32
      %get3A_467 = arith.index_cast %get3A_466 : i32 to index
      %get3A_468 = arith.index_cast %add3A_465 : i32 to index
      %get3A_469 = arith.constant 32 : index
      %get3A_470 = tpu.vector_load %arg6[%get3A_467, %get3A_468, %get3A_469] {strides = array<i32>} : memref<4x128x64xf32, #tpu.memory_space<vmem>>, vector<1x1x16xf32>,
      %get3A_471 = vector.shape_cast %get3A_470 : vector<1x1x16xf32> to vector<16xf32>
      %mul3A_472 = arith.constant 8.000000e+00 : f32
      %mul3A_473 = vector.broadcast %mul3A_472 : f32 to vector<16xf32>
      %mul3A_474 = arith.mulf %get3A_471, %mul3A_473 : vector<16xf32>
      %mul3A_475 = arith.constant 4 : i32
      %mul3A_476 = arith.muli %mul3A_475, %scan3A_319 : i32
      %add3A_477 = arith.constant 1 : i32
      %add3A_478 = arith.addi %mul3A_476, %add3A_477 : i32
      %swap3A_479 = arith.constant 1 : i32
      %swap3A_480 = arith.index_cast %swap3A_479 : i32 to index
      %swap3A_481 = arith.index_cast %add3A_478 : i32 to index
      %swap3A_482 = arith.constant 32 : index
      %swap3A_483 = tpu.vector_load %arg6[%swap3A_480, %swap3A_481, %swap3A_482] {strides = array<i32>} : memref<4x128x64xf32, #tpu.memory_space<vmem>>, vector<1x1x16xf32>,
      %swap3A_484 = vector.shape_cast %swap3A_483 : vector<1x1x16xf32> to vector<16xf32>
      %swap3A_485 = vector.shape_cast %mul3A_474 : vector<16xf32> to vector<1x1x16xf32>
      tpu.vector_store %arg6[%swap3A_480, %swap3A_481, %swap3A_482], %swap3A_485 {strides = array<i32>} : memref<4x128x64xf32, #tpu.memory_space<vmem>>, vector<1x1x16xf32>,
      %mul3A_486 = arith.constant 4 : i32
      %mul3A_487 = arith.muli %mul3A_486, %scan3A_319 : i32
      %add3A_488 = arith.constant 1 : i32
      %add3A_489 = arith.addi %mul3A_487, %add3A_488 : i32
      %get3A_490 = arith.constant 1 : i32
      %get3A_491 = arith.index_cast %get3A_490 : i32 to index
      %get3A_492 = arith.index_cast %add3A_489 : i32 to index
      %get3A_493 = arith.constant 48 : index
      %get3A_494 = tpu.vector_load %arg6[%get3A_491, %get3A_492, %get3A_493] {strides = array<i32>} : memref<4x128x64xf32, #tpu.memory_space<vmem>>, vector<1x1x16xf32>,
      %get3A_495 = vector.shape_cast %get3A_494 : vector<1x1x16xf32> to vector<16xf32>
      %mul3A_496 = arith.constant 8.000000e+00 : f32
      %mul3A_497 = vector.broadcast %mul3A_496 : f32 to vector<16xf32>
      %mul3A_498 = arith.mulf %get3A_495, %mul3A_497 : vector<16xf32>
      %mul3A_499 = arith.constant 4 : i32
      %mul3A_500 = arith.muli %mul3A_499, %scan3A_319 : i32
      %add3A_501 = arith.constant 1 : i32
      %add3A_502 = arith.addi %mul3A_500, %add3A_501 : i32
      %swap3A_503 = arith.constant 1 : i32
      %swap3A_504 = arith.index_cast %swap3A_503 : i32 to index
      %swap3A_505 = arith.index_cast %add3A_502 : i32 to index
      %swap3A_506 = arith.constant 48 : index
      %swap3A_507 = tpu.vector_load %arg6[%swap3A_504, %swap3A_505, %swap3A_506] {strides = array<i32>} : memref<4x128x64xf32, #tpu.memory_space<vmem>>, vector<1x1x16xf32>,
      %swap3A_508 = vector.shape_cast %swap3A_507 : vector<1x1x16xf32> to vector<16xf32>
      %swap3A_509 = vector.shape_cast %mul3A_498 : vector<16xf32> to vector<1x1x16xf32>
      tpu.vector_store %arg6[%swap3A_504, %swap3A_505, %swap3A_506], %swap3A_509 {strides = array<i32>} : memref<4x128x64xf32, #tpu.memory_space<vmem>>, vector<1x1x16xf32>,
      %mul3A_510 = arith.constant 4 : i32
      %mul3A_511 = arith.muli %mul3A_510, %scan3A_319 : i32
      %add3A_512 = arith.constant 2 : i32
      %add3A_513 = arith.addi %mul3A_511, %add3A_512 : i32
      %get3A_514 = arith.constant 1 : i32
      %get3A_515 = arith.index_cast %get3A_514 : i32 to index
      %get3A_516 = arith.index_cast %add3A_513 : i32 to index
      %get3A_517 = arith.constant 0 : index
      %get3A_518 = tpu.vector_load %arg6[%get3A_515, %get3A_516, %get3A_517] {strides = array<i32>} : memref<4x128x64xf32, #tpu.memory_space<vmem>>, vector<1x1x16xf32>,
      %get3A_519 = vector.shape_cast %get3A_518 : vector<1x1x16xf32> to vector<16xf32>
      %mul3A_520 = arith.constant 8.000000e+00 : f32
      %mul3A_521 = vector.broadcast %mul3A_520 : f32 to vector<16xf32>
      %mul3A_522 = arith.mulf %get3A_519, %mul3A_521 : vector<16xf32>
      %mul3A_523 = arith.constant 4 : i32
      %mul3A_524 = arith.muli %mul3A_523, %scan3A_319 : i32
      %add3A_525 = arith.constant 2 : i32
      %add3A_526 = arith.addi %mul3A_524, %add3A_525 : i32
      %swap3A_527 = arith.constant 1 : i32
      %swap3A_528 = arith.index_cast %swap3A_527 : i32 to index
      %swap3A_529 = arith.index_cast %add3A_526 : i32 to index
      %swap3A_530 = arith.constant 0 : index
      %swap3A_531 = tpu.vector_load %arg6[%swap3A_528, %swap3A_529, %swap3A_530] {strides = array<i32>} : memref<4x128x64xf32, #tpu.memory_space<vmem>>, vector<1x1x16xf32>,
      %swap3A_532 = vector.shape_cast %swap3A_531 : vector<1x1x16xf32> to vector<16xf32>
      %swap3A_533 = vector.shape_cast %mul3A_522 : vector<16xf32> to vector<1x1x16xf32>
      tpu.vector_store %arg6[%swap3A_528, %swap3A_529, %swap3A_530], %swap3A_533 {strides = array<i32>} : memref<4x128x64xf32, #tpu.memory_space<vmem>>, vector<1x1x16xf32>,
      %mul3A_534 = arith.constant 4 : i32
      %mul3A_535 = arith.muli %mul3A_534, %scan3A_319 : i32
      %add3A_536 = arith.constant 2 : i32
      %add3A_537 = arith.addi %mul3A_535, %add3A_536 : i32
      %get3A_538 = arith.constant 1 : i32
      %get3A_539 = arith.index_cast %get3A_538 : i32 to index
      %get3A_540 = arith.index_cast %add3A_537 : i32 to index
      %get3A_541 = arith.constant 16 : index
      %get3A_542 = tpu.vector_load %arg6[%get3A_539, %get3A_540, %get3A_541] {strides = array<i32>} : memref<4x128x64xf32, #tpu.memory_space<vmem>>, vector<1x1x16xf32>,
      %get3A_543 = vector.shape_cast %get3A_542 : vector<1x1x16xf32> to vector<16xf32>
      %mul3A_544 = arith.constant 8.000000e+00 : f32
      %mul3A_545 = vector.broadcast %mul3A_544 : f32 to vector<16xf32>
      %mul3A_546 = arith.mulf %get3A_543, %mul3A_545 : vector<16xf32>
      %mul3A_547 = arith.constant 4 : i32
      %mul3A_548 = arith.muli %mul3A_547, %scan3A_319 : i32
      %add3A_549 = arith.constant 2 : i32
      %add3A_550 = arith.addi %mul3A_548, %add3A_549 : i32
      %swap3A_551 = arith.constant 1 : i32
      %swap3A_552 = arith.index_cast %swap3A_551 : i32 to index
      %swap3A_553 = arith.index_cast %add3A_550 : i32 to index
      %swap3A_554 = arith.constant 16 : index
      %swap3A_555 = tpu.vector_load %arg6[%swap3A_552, %swap3A_553, %swap3A_554] {strides = array<i32>} : memref<4x128x64xf32, #tpu.memory_space<vmem>>, vector<1x1x16xf32>,
      %swap3A_556 = vector.shape_cast %swap3A_555 : vector<1x1x16xf32> to vector<16xf32>
      %swap3A_557 = vector.shape_cast %mul3A_546 : vector<16xf32> to vector<1x1x16xf32>
      tpu.vector_store %arg6[%swap3A_552, %swap3A_553, %swap3A_554], %swap3A_557 {strides = array<i32>} : memref<4x128x64xf32, #tpu.memory_space<vmem>>, vector<1x1x16xf32>,
      %mul3A_558 = arith.constant 4 : i32
      %mul3A_559 = arith.muli %mul3A_558, %scan3A_319 : i32
      %add3A_560 = arith.constant 2 : i32
      %add3A_561 = arith.addi %mul3A_559, %add3A_560 : i32
      %get3A_562 = arith.constant 1 : i32
      %get3A_563 = arith.index_cast %get3A_562 : i32 to index
      %get3A_564 = arith.index_cast %add3A_561 : i32 to index
      %get3A_565 = arith.constant 32 : index
      %get3A_566 = tpu.vector_load %arg6[%get3A_563, %get3A_564, %get3A_565] {strides = array<i32>} : memref<4x128x64xf32, #tpu.memory_space<vmem>>, vector<1x1x16xf32>,
      %get3A_567 = vector.shape_cast %get3A_566 : vector<1x1x16xf32> to vector<16xf32>
      %mul3A_568 = arith.constant 8.000000e+00 : f32
      %mul3A_569 = vector.broadcast %mul3A_568 : f32 to vector<16xf32>
      %mul3A_570 = arith.mulf %get3A_567, %mul3A_569 : vector<16xf32>
      %mul3A_571 = arith.constant 4 : i32
      %mul3A_572 = arith.muli %mul3A_571, %scan3A_319 : i32
      %add3A_573 = arith.constant 2 : i32
      %add3A_574 = arith.addi %mul3A_572, %add3A_573 : i32
      %swap3A_575 = arith.constant 1 : i32
      %swap3A_576 = arith.index_cast %swap3A_575 : i32 to index
      %swap3A_577 = arith.index_cast %add3A_574 : i32 to index
      %swap3A_578 = arith.constant 32 : index
      %swap3A_579 = tpu.vector_load %arg6[%swap3A_576, %swap3A_577, %swap3A_578] {strides = array<i32>} : memref<4x128x64xf32, #tpu.memory_space<vmem>>, vector<1x1x16xf32>,
      %swap3A_580 = vector.shape_cast %swap3A_579 : vector<1x1x16xf32> to vector<16xf32>
      %swap3A_581 = vector.shape_cast %mul3A_570 : vector<16xf32> to vector<1x1x16xf32>
      tpu.vector_store %arg6[%swap3A_576, %swap3A_577, %swap3A_578], %swap3A_581 {strides = array<i32>} : memref<4x128x64xf32, #tpu.memory_space<vmem>>, vector<1x1x16xf32>,
      %mul3A_582 = arith.constant 4 : i32
      %mul3A_583 = arith.muli %mul3A_582, %scan3A_319 : i32
      %add3A_584 = arith.constant 2 : i32
      %add3A_585 = arith.addi %mul3A_583, %add3A_584 : i32
      %get3A_586 = arith.constant 1 : i32
      %get3A_587 = arith.index_cast %get3A_586 : i32 to index
      %get3A_588 = arith.index_cast %add3A_585 : i32 to index
      %get3A_589 = arith.constant 48 : index
      %get3A_590 = tpu.vector_load %arg6[%get3A_587, %get3A_588, %get3A_589] {strides = array<i32>} : memref<4x128x64xf32, #tpu.memory_space<vmem>>, vector<1x1x16xf32>,
      %get3A_591 = vector.shape_cast %get3A_590 : vector<1x1x16xf32> to vector<16xf32>
      %mul3A_592 = arith.constant 8.000000e+00 : f32
      %mul3A_593 = vector.broadcast %mul3A_592 : f32 to vector<16xf32>
      %mul3A_594 = arith.mulf %get3A_591, %mul3A_593 : vector<16xf32>
      %mul3A_595 = arith.constant 4 : i32
      %mul3A_596 = arith.muli %mul3A_595, %scan3A_319 : i32
      %add3A_597 = arith.constant 2 : i32
      %add3A_598 = arith.addi %mul3A_596, %add3A_597 : i32
      %swap3A_599 = arith.constant 1 : i32
      %swap3A_600 = arith.index_cast %swap3A_599 : i32 to index
      %swap3A_601 = arith.index_cast %add3A_598 : i32 to index
      %swap3A_602 = arith.constant 48 : index
      %swap3A_603 = tpu.vector_load %arg6[%swap3A_600, %swap3A_601, %swap3A_602] {strides = array<i32>} : memref<4x128x64xf32, #tpu.memory_space<vmem>>, vector<1x1x16xf32>,
      %swap3A_604 = vector.shape_cast %swap3A_603 : vector<1x1x16xf32> to vector<16xf32>
      %swap3A_605 = vector.shape_cast %mul3A_594 : vector<16xf32> to vector<1x1x16xf32>
      tpu.vector_store %arg6[%swap3A_600, %swap3A_601, %swap3A_602], %swap3A_605 {strides = array<i32>} : memref<4x128x64xf32, #tpu.memory_space<vmem>>, vector<1x1x16xf32>,
      %mul3A_606 = arith.constant 4 : i32
      %mul3A_607 = arith.muli %mul3A_606, %scan3A_319 : i32
      %add3A_608 = arith.constant 3 : i32
      %add3A_609 = arith.addi %mul3A_607, %add3A_608 : i32
      %get3A_610 = arith.constant 1 : i32
      %get3A_611 = arith.index_cast %get3A_610 : i32 to index
      %get3A_612 = arith.index_cast %add3A_609 : i32 to index
      %get3A_613 = arith.constant 0 : index
      %get3A_614 = tpu.vector_load %arg6[%get3A_611, %get3A_612, %get3A_613] {strides = array<i32>} : memref<4x128x64xf32, #tpu.memory_space<vmem>>, vector<1x1x16xf32>,
      %get3A_615 = vector.shape_cast %get3A_614 : vector<1x1x16xf32> to vector<16xf32>
      %mul3A_616 = arith.constant 8.000000e+00 : f32
      %mul3A_617 = vector.broadcast %mul3A_616 : f32 to vector<16xf32>
      %mul3A_618 = arith.mulf %get3A_615, %mul3A_617 : vector<16xf32>
      %mul3A_619 = arith.constant 4 : i32
      %mul3A_620 = arith.muli %mul3A_619, %scan3A_319 : i32
      %add3A_621 = arith.constant 3 : i32
      %add3A_622 = arith.addi %mul3A_620, %add3A_621 : i32
      %swap3A_623 = arith.constant 1 : i32
      %swap3A_624 = arith.index_cast %swap3A_623 : i32 to index
      %swap3A_625 = arith.index_cast %add3A_622 : i32 to index
      %swap3A_626 = arith.constant 0 : index
      %swap3A_627 = tpu.vector_load %arg6[%swap3A_624, %swap3A_625, %swap3A_626] {strides = array<i32>} : memref<4x128x64xf32, #tpu.memory_space<vmem>>, vector<1x1x16xf32>,
      %swap3A_628 = vector.shape_cast %swap3A_627 : vector<1x1x16xf32> to vector<16xf32>
      %swap3A_629 = vector.shape_cast %mul3A_618 : vector<16xf32> to vector<1x1x16xf32>
      tpu.vector_store %arg6[%swap3A_624, %swap3A_625, %swap3A_626], %swap3A_629 {strides = array<i32>} : memref<4x128x64xf32, #tpu.memory_space<vmem>>, vector<1x1x16xf32>,
      %mul3A_630 = arith.constant 4 : i32
      %mul3A_631 = arith.muli %mul3A_630, %scan3A_319 : i32
      %add3A_632 = arith.constant 3 : i32
      %add3A_633 = arith.addi %mul3A_631, %add3A_632 : i32
      %get3A_634 = arith.constant 1 : i32
      %get3A_635 = arith.index_cast %get3A_634 : i32 to index
      %get3A_636 = arith.index_cast %add3A_633 : i32 to index
      %get3A_637 = arith.constant 16 : index
      %get3A_638 = tpu.vector_load %arg6[%get3A_635, %get3A_636, %get3A_637] {strides = array<i32>} : memref<4x128x64xf32, #tpu.memory_space<vmem>>, vector<1x1x16xf32>,
      %get3A_639 = vector.shape_cast %get3A_638 : vector<1x1x16xf32> to vector<16xf32>
      %mul3A_640 = arith.constant 8.000000e+00 : f32
      %mul3A_641 = vector.broadcast %mul3A_640 : f32 to vector<16xf32>
      %mul3A_642 = arith.mulf %get3A_639, %mul3A_641 : vector<16xf32>
      %mul3A_643 = arith.constant 4 : i32
      %mul3A_644 = arith.muli %mul3A_643, %scan3A_319 : i32
      %add3A_645 = arith.constant 3 : i32
      %add3A_646 = arith.addi %mul3A_644, %add3A_645 : i32
      %swap3A_647 = arith.constant 1 : i32
      %swap3A_648 = arith.index_cast %swap3A_647 : i32 to index
      %swap3A_649 = arith.index_cast %add3A_646 : i32 to index
      %swap3A_650 = arith.constant 16 : index
      %swap3A_651 = tpu.vector_load %arg6[%swap3A_648, %swap3A_649, %swap3A_650] {strides = array<i32>} : memref<4x128x64xf32, #tpu.memory_space<vmem>>, vector<1x1x16xf32>,
      %swap3A_652 = vector.shape_cast %swap3A_651 : vector<1x1x16xf32> to vector<16xf32>
      %swap3A_653 = vector.shape_cast %mul3A_642 : vector<16xf32> to vector<1x1x16xf32>
      tpu.vector_store %arg6[%swap3A_648, %swap3A_649, %swap3A_650], %swap3A_653 {strides = array<i32>} : memref<4x128x64xf32, #tpu.memory_space<vmem>>, vector<1x1x16xf32>,
      %mul3A_654 = arith.constant 4 : i32
      %mul3A_655 = arith.muli %mul3A_654, %scan3A_319 : i32
      %add3A_656 = arith.constant 3 : i32
      %add3A_657 = arith.addi %mul3A_655, %add3A_656 : i32
      %get3A_658 = arith.constant 1 : i32
      %get3A_659 = arith.index_cast %get3A_658 : i32 to index
      %get3A_660 = arith.index_cast %add3A_657 : i32 to index
      %get3A_661 = arith.constant 32 : index
      %get3A_662 = tpu.vector_load %arg6[%get3A_659, %get3A_660, %get3A_661] {strides = array<i32>} : memref<4x128x64xf32, #tpu.memory_space<vmem>>, vector<1x1x16xf32>,
      %get3A_663 = vector.shape_cast %get3A_662 : vector<1x1x16xf32> to vector<16xf32>
      %mul3A_664 = arith.constant 8.000000e+00 : f32
      %mul3A_665 = vector.broadcast %mul3A_664 : f32 to vector<16xf32>
      %mul3A_666 = arith.mulf %get3A_663, %mul3A_665 : vector<16xf32>
      %mul3A_667 = arith.constant 4 : i32
      %mul3A_668 = arith.muli %mul3A_667, %scan3A_319 : i32
      %add3A_669 = arith.constant 3 : i32
      %add3A_670 = arith.addi %mul3A_668, %add3A_669 : i32
      %swap3A_671 = arith.constant 1 : i32
      %swap3A_672 = arith.index_cast %swap3A_671 : i32 to index
      %swap3A_673 = arith.index_cast %add3A_670 : i32 to index
      %swap3A_674 = arith.constant 32 : index
      %swap3A_675 = tpu.vector_load %arg6[%swap3A_672, %swap3A_673, %swap3A_674] {strides = array<i32>} : memref<4x128x64xf32, #tpu.memory_space<vmem>>, vector<1x1x16xf32>,
      %swap3A_676 = vector.shape_cast %swap3A_675 : vector<1x1x16xf32> to vector<16xf32>
      %swap3A_677 = vector.shape_cast %mul3A_666 : vector<16xf32> to vector<1x1x16xf32>
      tpu.vector_store %arg6[%swap3A_672, %swap3A_673, %swap3A_674], %swap3A_677 {strides = array<i32>} : memref<4x128x64xf32, #tpu.memory_space<vmem>>, vector<1x1x16xf32>,
      %mul3A_678 = arith.constant 4 : i32
      %mul3A_679 = arith.muli %mul3A_678, %scan3A_319 : i32
      %add3A_680 = arith.constant 3 : i32
      %add3A_681 = arith.addi %mul3A_679, %add3A_680 : i32
      %get3A_682 = arith.constant 1 : i32
      %get3A_683 = arith.index_cast %get3A_682 : i32 to index
      %get3A_684 = arith.index_cast %add3A_681 : i32 to index
      %get3A_685 = arith.constant 48 : index
      %get3A_686 = tpu.vector_load %arg6[%get3A_683, %get3A_684, %get3A_685] {strides = array<i32>} : memref<4x128x64xf32, #tpu.memory_space<vmem>>, vector<1x1x16xf32>,
      %get3A_687 = vector.shape_cast %get3A_686 : vector<1x1x16xf32> to vector<16xf32>
      %mul3A_688 = arith.constant 8.000000e+00 : f32
      %mul3A_689 = vector.broadcast %mul3A_688 : f32 to vector<16xf32>
      %mul3A_690 = arith.mulf %get3A_687, %mul3A_689 : vector<16xf32>
      %mul3A_691 = arith.constant 4 : i32
      %mul3A_692 = arith.muli %mul3A_691, %scan3A_319 : i32
      %add3A_693 = arith.constant 3 : i32
      %add3A_694 = arith.addi %mul3A_692, %add3A_693 : i32
      %swap3A_695 = arith.constant 1 : i32
      %swap3A_696 = arith.index_cast %swap3A_695 : i32 to index
      %swap3A_697 = arith.index_cast %add3A_694 : i32 to index
      %swap3A_698 = arith.constant 48 : index
      %swap3A_699 = tpu.vector_load %arg6[%swap3A_696, %swap3A_697, %swap3A_698] {strides = array<i32>} : memref<4x128x64xf32, #tpu.memory_space<vmem>>, vector<1x1x16xf32>,
      %swap3A_700 = vector.shape_cast %swap3A_699 : vector<1x1x16xf32> to vector<16xf32>
      %swap3A_701 = vector.shape_cast %mul3A_690 : vector<16xf32> to vector<1x1x16xf32>
      tpu.vector_store %arg6[%swap3A_696, %swap3A_697, %swap3A_698], %swap3A_701 {strides = array<i32>} : memref<4x128x64xf32, #tpu.memory_space<vmem>>, vector<1x1x16xf32>,
    }
    %scan3A_106 = arith.constant 32 : i32
    %add3A_107 = arith.constant 128 : i32
    %add3A_108 = arith.addi %mul3A_4, %add3A_107 : i32
    %dma_start3A_109 = arith.constant 1 : i32
    %dma_start3A_110 = arith.constant 1 : i32
    %dma_start3A_111 = arith.constant 0 : i32
    %dma_start3A_112 = arith.constant 0 : i32
    %dma_start3A_113 = tpu.memref_slice %arg6[%dma_start3A_109, %dma_start3A_111, %dma_start3A_112] : memref<4x128x64xf32, #tpu.memory_space<vmem>> -> memref<1x128x64xf32, #tpu.memory_space<vmem>>
    %dma_start3A_114 = tpu.memref_squeeze %dma_start3A_113 : memref<1x128x64xf32, #tpu.memory_space<vmem>> -> memref<128x64xf32, #tpu.memory_space<vmem>>
    %dma_start3A_115 = arith.constant 0 : i32
    %dma_start3A_116 = tpu.memref_slice %arg4[%add3A_108, %dma_start3A_115] : memref<819200x128xf32, #tpu.memory_space<hbm>> -> memref<128x64xf32, #tpu.memory_space<hbm>>
    %dma_start3A_117 = tpu.memref_slice %arg8[%dma_start3A_110] : memref<4x!tpu.dma_semaphore, #tpu.memory_space<semaphore_mem>> -> memref<1x!tpu.dma_semaphore, #tpu.memory_space<semaphore_mem>>
    %dma_start3A_118 = tpu.memref_squeeze %dma_start3A_117 : memref<1x!tpu.dma_semaphore, #tpu.memory_space<semaphore_mem>> -> memref<!tpu.dma_semaphore, #tpu.memory_space<semaphore_mem>>
    %dma_start3A_119 = arith.constant 0 : i32
    %dma_start3A_120 = tpu.memref_slice %arg4[%add3A_108, %dma_start3A_119] : memref<819200x128xf32, #tpu.memory_space<hbm>> -> memref<128x64xf32, #tpu.memory_space<hbm>>
    %dma_start3A_121 = arith.constant 0 : i32
    %dma_start3A_122 = arith.constant 0 : i32
    %dma_start3A_123 = tpu.memref_slice %arg6[%dma_start3A_109, %dma_start3A_121, %dma_start3A_122] : memref<4x128x64xf32, #tpu.memory_space<vmem>> -> memref<1x128x64xf32, #tpu.memory_space<vmem>>
    %dma_start3A_124 = tpu.memref_squeeze %dma_start3A_123 : memref<1x128x64xf32, #tpu.memory_space<vmem>> -> memref<128x64xf32, #tpu.memory_space<vmem>>
    tpu.enqueue_dma source(%dma_start3A_124 : memref<128x64xf32, #tpu.memory_space<vmem>>) target(%dma_start3A_120 : memref<128x64xf32, #tpu.memory_space<hbm>>) target_semaphore(%dma_start3A_118 : memref<!tpu.dma_semaphore, #tpu.memory_space<semaphore_mem>>)
    %dma_wait3A_125 = arith.constant 0 : i32
    %dma_wait3A_126 = arith.constant 2 : i32
    %dma_wait3A_127 = arith.constant 2 : i32
    %dma_wait3A_128 = arith.constant 0 : i32
    %dma_wait3A_129 = arith.constant 0 : i32
    %dma_wait3A_130 = tpu.memref_slice %arg6[%dma_wait3A_126, %dma_wait3A_128, %dma_wait3A_129] : memref<4x128x64xf32, #tpu.memory_space<vmem>> -> memref<1x128x64xf32, #tpu.memory_space<vmem>>
    %dma_wait3A_131 = tpu.memref_squeeze %dma_wait3A_130 : memref<1x128x64xf32, #tpu.memory_space<vmem>> -> memref<128x64xf32, #tpu.memory_space<vmem>>
    %dma_wait3A_132 = arith.constant 0 : i32
    %dma_wait3A_133 = tpu.memref_slice %arg5[%dma_wait3A_125, %dma_wait3A_132] : memref<200x128xi32, #tpu.memory_space<vmem>> -> memref<1x128xi32, #tpu.memory_space<vmem>>
    %dma_wait3A_134 = tpu.memref_squeeze %dma_wait3A_133 : memref<1x128xi32, #tpu.memory_space<vmem>> -> memref<128xi32, #tpu.memory_space<vmem>>
    %dma_wait3A_135 = arith.constant 0 : i32
    %dma_wait3A_136 = arith.constant 0 : i32
    %dma_wait3A_137 = tpu.memref_slice %arg3[%dma_wait3A_135, %dma_wait3A_136] : memref<1000000x64xf32, #tpu.memory_space<hbm>> -> memref<1000000x64xf32, #tpu.memory_space<hbm>>
    %dma_wait3A_138 = tpu.memref_slice %arg7[%dma_wait3A_127] : memref<4x!tpu.dma_semaphore, #tpu.memory_space<semaphore_mem>> -> memref<1x!tpu.dma_semaphore, #tpu.memory_space<semaphore_mem>>
    %dma_wait3A_139 = tpu.memref_squeeze %dma_wait3A_138 : memref<1x!tpu.dma_semaphore, #tpu.memory_space<semaphore_mem>> -> memref<!tpu.dma_semaphore, #tpu.memory_space<semaphore_mem>>
    tpu.wait_indirect_dma semaphore(%dma_wait3A_139 : memref<!tpu.dma_semaphore, #tpu.memory_space<semaphore_mem>>) src(%dma_wait3A_137 : memref<1000000x64xf32, #tpu.memory_space<hbm>>) dst(%dma_wait3A_131 : memref<128x64xf32, #tpu.memory_space<vmem>>)
    %dma_start3A_140 = arith.constant 3 : i32
    %dma_start3A_141 = arith.constant 3 : i32
    %dma_start3A_142 = arith.constant 3 : i32
    %dma_start3A_143 = arith.constant 0 : i32
    %dma_start3A_144 = arith.constant 0 : i32
    %dma_start3A_145 = tpu.memref_slice %arg6[%dma_start3A_141, %dma_start3A_143, %dma_start3A_144] : memref<4x128x64xf32, #tpu.memory_space<vmem>> -> memref<1x128x64xf32, #tpu.memory_space<vmem>>
    %dma_start3A_146 = tpu.memref_squeeze %dma_start3A_145 : memref<1x128x64xf32, #tpu.memory_space<vmem>> -> memref<128x64xf32, #tpu.memory_space<vmem>>
    %dma_start3A_147 = arith.constant 0 : i32
    %dma_start3A_148 = tpu.memref_slice %arg5[%dma_start3A_140, %dma_start3A_147] : memref<200x128xi32, #tpu.memory_space<vmem>> -> memref<1x128xi32, #tpu.memory_space<vmem>>
    %dma_start3A_149 = tpu.memref_squeeze %dma_start3A_148 : memref<1x128xi32, #tpu.memory_space<vmem>> -> memref<128xi32, #tpu.memory_space<vmem>>
    %dma_start3A_150 = arith.constant 0 : i32
    %dma_start3A_151 = arith.constant 0 : i32
    %dma_start3A_152 = tpu.memref_slice %arg3[%dma_start3A_150, %dma_start3A_151] : memref<1000000x64xf32, #tpu.memory_space<hbm>> -> memref<1000000x64xf32, #tpu.memory_space<hbm>>
    %dma_start3A_153 = tpu.memref_slice %arg7[%dma_start3A_142] : memref<4x!tpu.dma_semaphore, #tpu.memory_space<semaphore_mem>> -> memref<1x!tpu.dma_semaphore, #tpu.memory_space<semaphore_mem>>
    %dma_start3A_154 = tpu.memref_squeeze %dma_start3A_153 : memref<1x!tpu.dma_semaphore, #tpu.memory_space<semaphore_mem>> -> memref<!tpu.dma_semaphore, #tpu.memory_space<semaphore_mem>>
    tpu.enqueue_indirect_dma source(%dma_start3A_152 : memref<1000000x64xf32, #tpu.memory_space<hbm>>) target(%dma_start3A_146 : memref<128x64xf32, #tpu.memory_space<vmem>>) offsets(%dma_start3A_149 : memref<128xi32, #tpu.memory_space<vmem>>) semaphore(%dma_start3A_154 : memref<!tpu.dma_semaphore, #tpu.memory_space<semaphore_mem>>)
    %scan3A_155 = arith.constant 0 : i32
    %scan3A_156 = arith.constant 0 : i32
    %scan3A_157 = arith.constant 32 : i32
    %scan3A_158 = arith.addi %scan3A_156, %scan3A_157 : i32
    %scan3A_159 = arith.constant 1 : i32
    scf.for %scan3A_319 = %scan3A_156 to %scan3A_158 step %scan3A_159  : i32 {
      %mul3A_320 = arith.constant 4 : i32
      %mul3A_321 = arith.muli %mul3A_320, %scan3A_319 : i32
      %add3A_322 = arith.constant 0 : i32
      %add3A_323 = arith.addi %mul3A_321, %add3A_322 : i32
      %get3A = arith.constant 2 : i32
      %get3A_324 = arith.index_cast %get3A : i32 to index
      %get3A_325 = arith.index_cast %add3A_323 : i32 to index
      %get3A_326 = arith.constant 0 : index
      %get3A_327 = tpu.vector_load %arg6[%get3A_324, %get3A_325, %get3A_326] {strides = array<i32>} : memref<4x128x64xf32, #tpu.memory_space<vmem>>, vector<1x1x16xf32>,
      %get3A_328 = vector.shape_cast %get3A_327 : vector<1x1x16xf32> to vector<16xf32>
      %mul3A_329 = arith.constant 8.000000e+00 : f32
      %mul3A_330 = vector.broadcast %mul3A_329 : f32 to vector<16xf32>
      %mul3A_331 = arith.mulf %get3A_328, %mul3A_330 : vector<16xf32>
      %mul3A_332 = arith.constant 4 : i32
      %mul3A_333 = arith.muli %mul3A_332, %scan3A_319 : i32
      %add3A_334 = arith.constant 0 : i32
      %add3A_335 = arith.addi %mul3A_333, %add3A_334 : i32
      %swap3A = arith.constant 2 : i32
      %swap3A_336 = arith.index_cast %swap3A : i32 to index
      %swap3A_337 = arith.index_cast %add3A_335 : i32 to index
      %swap3A_338 = arith.constant 0 : index
      %swap3A_339 = tpu.vector_load %arg6[%swap3A_336, %swap3A_337, %swap3A_338] {strides = array<i32>} : memref<4x128x64xf32, #tpu.memory_space<vmem>>, vector<1x1x16xf32>,
      %swap3A_340 = vector.shape_cast %swap3A_339 : vector<1x1x16xf32> to vector<16xf32>
      %swap3A_341 = vector.shape_cast %mul3A_331 : vector<16xf32> to vector<1x1x16xf32>
      tpu.vector_store %arg6[%swap3A_336, %swap3A_337, %swap3A_338], %swap3A_341 {strides = array<i32>} : memref<4x128x64xf32, #tpu.memory_space<vmem>>, vector<1x1x16xf32>,
      %mul3A_342 = arith.constant 4 : i32
      %mul3A_343 = arith.muli %mul3A_342, %scan3A_319 : i32
      %add3A_344 = arith.constant 0 : i32
      %add3A_345 = arith.addi %mul3A_343, %add3A_344 : i32
      %get3A_346 = arith.constant 2 : i32
      %get3A_347 = arith.index_cast %get3A_346 : i32 to index
      %get3A_348 = arith.index_cast %add3A_345 : i32 to index
      %get3A_349 = arith.constant 16 : index
      %get3A_350 = tpu.vector_load %arg6[%get3A_347, %get3A_348, %get3A_349] {strides = array<i32>} : memref<4x128x64xf32, #tpu.memory_space<vmem>>, vector<1x1x16xf32>,
      %get3A_351 = vector.shape_cast %get3A_350 : vector<1x1x16xf32> to vector<16xf32>
      %mul3A_352 = arith.constant 8.000000e+00 : f32
      %mul3A_353 = vector.broadcast %mul3A_352 : f32 to vector<16xf32>
      %mul3A_354 = arith.mulf %get3A_351, %mul3A_353 : vector<16xf32>
      %mul3A_355 = arith.constant 4 : i32
      %mul3A_356 = arith.muli %mul3A_355, %scan3A_319 : i32
      %add3A_357 = arith.constant 0 : i32
      %add3A_358 = arith.addi %mul3A_356, %add3A_357 : i32
      %swap3A_359 = arith.constant 2 : i32
      %swap3A_360 = arith.index_cast %swap3A_359 : i32 to index
      %swap3A_361 = arith.index_cast %add3A_358 : i32 to index
      %swap3A_362 = arith.constant 16 : index
      %swap3A_363 = tpu.vector_load %arg6[%swap3A_360, %swap3A_361, %swap3A_362] {strides = array<i32>} : memref<4x128x64xf32, #tpu.memory_space<vmem>>, vector<1x1x16xf32>,
      %swap3A_364 = vector.shape_cast %swap3A_363 : vector<1x1x16xf32> to vector<16xf32>
      %swap3A_365 = vector.shape_cast %mul3A_354 : vector<16xf32> to vector<1x1x16xf32>
      tpu.vector_store %arg6[%swap3A_360, %swap3A_361, %swap3A_362], %swap3A_365 {strides = array<i32>} : memref<4x128x64xf32, #tpu.memory_space<vmem>>, vector<1x1x16xf32>,
      %mul3A_366 = arith.constant 4 : i32
      %mul3A_367 = arith.muli %mul3A_366, %scan3A_319 : i32
      %add3A_368 = arith.constant 0 : i32
      %add3A_369 = arith.addi %mul3A_367, %add3A_368 : i32
      %get3A_370 = arith.constant 2 : i32
      %get3A_371 = arith.index_cast %get3A_370 : i32 to index
      %get3A_372 = arith.index_cast %add3A_369 : i32 to index
      %get3A_373 = arith.constant 32 : index
      %get3A_374 = tpu.vector_load %arg6[%get3A_371, %get3A_372, %get3A_373] {strides = array<i32>} : memref<4x128x64xf32, #tpu.memory_space<vmem>>, vector<1x1x16xf32>,
      %get3A_375 = vector.shape_cast %get3A_374 : vector<1x1x16xf32> to vector<16xf32>
      %mul3A_376 = arith.constant 8.000000e+00 : f32
      %mul3A_377 = vector.broadcast %mul3A_376 : f32 to vector<16xf32>
      %mul3A_378 = arith.mulf %get3A_375, %mul3A_377 : vector<16xf32>
      %mul3A_379 = arith.constant 4 : i32
      %mul3A_380 = arith.muli %mul3A_379, %scan3A_319 : i32
      %add3A_381 = arith.constant 0 : i32
      %add3A_382 = arith.addi %mul3A_380, %add3A_381 : i32
      %swap3A_383 = arith.constant 2 : i32
      %swap3A_384 = arith.index_cast %swap3A_383 : i32 to index
      %swap3A_385 = arith.index_cast %add3A_382 : i32 to index
      %swap3A_386 = arith.constant 32 : index
      %swap3A_387 = tpu.vector_load %arg6[%swap3A_384, %swap3A_385, %swap3A_386] {strides = array<i32>} : memref<4x128x64xf32, #tpu.memory_space<vmem>>, vector<1x1x16xf32>,
      %swap3A_388 = vector.shape_cast %swap3A_387 : vector<1x1x16xf32> to vector<16xf32>
      %swap3A_389 = vector.shape_cast %mul3A_378 : vector<16xf32> to vector<1x1x16xf32>
      tpu.vector_store %arg6[%swap3A_384, %swap3A_385, %swap3A_386], %swap3A_389 {strides = array<i32>} : memref<4x128x64xf32, #tpu.memory_space<vmem>>, vector<1x1x16xf32>,
      %mul3A_390 = arith.constant 4 : i32
      %mul3A_391 = arith.muli %mul3A_390, %scan3A_319 : i32
      %add3A_392 = arith.constant 0 : i32
      %add3A_393 = arith.addi %mul3A_391, %add3A_392 : i32
      %get3A_394 = arith.constant 2 : i32
      %get3A_395 = arith.index_cast %get3A_394 : i32 to index
      %get3A_396 = arith.index_cast %add3A_393 : i32 to index
      %get3A_397 = arith.constant 48 : index
      %get3A_398 = tpu.vector_load %arg6[%get3A_395, %get3A_396, %get3A_397] {strides = array<i32>} : memref<4x128x64xf32, #tpu.memory_space<vmem>>, vector<1x1x16xf32>,
      %get3A_399 = vector.shape_cast %get3A_398 : vector<1x1x16xf32> to vector<16xf32>
      %mul3A_400 = arith.constant 8.000000e+00 : f32
      %mul3A_401 = vector.broadcast %mul3A_400 : f32 to vector<16xf32>
      %mul3A_402 = arith.mulf %get3A_399, %mul3A_401 : vector<16xf32>
      %mul3A_403 = arith.constant 4 : i32
      %mul3A_404 = arith.muli %mul3A_403, %scan3A_319 : i32
      %add3A_405 = arith.constant 0 : i32
      %add3A_406 = arith.addi %mul3A_404, %add3A_405 : i32
      %swap3A_407 = arith.constant 2 : i32
      %swap3A_408 = arith.index_cast %swap3A_407 : i32 to index
      %swap3A_409 = arith.index_cast %add3A_406 : i32 to index
      %swap3A_410 = arith.constant 48 : index
      %swap3A_411 = tpu.vector_load %arg6[%swap3A_408, %swap3A_409, %swap3A_410] {strides = array<i32>} : memref<4x128x64xf32, #tpu.memory_space<vmem>>, vector<1x1x16xf32>,
      %swap3A_412 = vector.shape_cast %swap3A_411 : vector<1x1x16xf32> to vector<16xf32>
      %swap3A_413 = vector.shape_cast %mul3A_402 : vector<16xf32> to vector<1x1x16xf32>
      tpu.vector_store %arg6[%swap3A_408, %swap3A_409, %swap3A_410], %swap3A_413 {strides = array<i32>} : memref<4x128x64xf32, #tpu.memory_space<vmem>>, vector<1x1x16xf32>,
      %mul3A_414 = arith.constant 4 : i32
      %mul3A_415 = arith.muli %mul3A_414, %scan3A_319 : i32
      %add3A_416 = arith.constant 1 : i32
      %add3A_417 = arith.addi %mul3A_415, %add3A_416 : i32
      %get3A_418 = arith.constant 2 : i32
      %get3A_419 = arith.index_cast %get3A_418 : i32 to index
      %get3A_420 = arith.index_cast %add3A_417 : i32 to index
      %get3A_421 = arith.constant 0 : index
      %get3A_422 = tpu.vector_load %arg6[%get3A_419, %get3A_420, %get3A_421] {strides = array<i32>} : memref<4x128x64xf32, #tpu.memory_space<vmem>>, vector<1x1x16xf32>,
      %get3A_423 = vector.shape_cast %get3A_422 : vector<1x1x16xf32> to vector<16xf32>
      %mul3A_424 = arith.constant 8.000000e+00 : f32
      %mul3A_425 = vector.broadcast %mul3A_424 : f32 to vector<16xf32>
      %mul3A_426 = arith.mulf %get3A_423, %mul3A_425 : vector<16xf32>
      %mul3A_427 = arith.constant 4 : i32
      %mul3A_428 = arith.muli %mul3A_427, %scan3A_319 : i32
      %add3A_429 = arith.constant 1 : i32
      %add3A_430 = arith.addi %mul3A_428, %add3A_429 : i32
      %swap3A_431 = arith.constant 2 : i32
      %swap3A_432 = arith.index_cast %swap3A_431 : i32 to index
      %swap3A_433 = arith.index_cast %add3A_430 : i32 to index
      %swap3A_434 = arith.constant 0 : index
      %swap3A_435 = tpu.vector_load %arg6[%swap3A_432, %swap3A_433, %swap3A_434] {strides = array<i32>} : memref<4x128x64xf32, #tpu.memory_space<vmem>>, vector<1x1x16xf32>,
      %swap3A_436 = vector.shape_cast %swap3A_435 : vector<1x1x16xf32> to vector<16xf32>
      %swap3A_437 = vector.shape_cast %mul3A_426 : vector<16xf32> to vector<1x1x16xf32>
      tpu.vector_store %arg6[%swap3A_432, %swap3A_433, %swap3A_434], %swap3A_437 {strides = array<i32>} : memref<4x128x64xf32, #tpu.memory_space<vmem>>, vector<1x1x16xf32>,
      %mul3A_438 = arith.constant 4 : i32
      %mul3A_439 = arith.muli %mul3A_438, %scan3A_319 : i32
      %add3A_440 = arith.constant 1 : i32
      %add3A_441 = arith.addi %mul3A_439, %add3A_440 : i32
      %get3A_442 = arith.constant 2 : i32
      %get3A_443 = arith.index_cast %get3A_442 : i32 to index
      %get3A_444 = arith.index_cast %add3A_441 : i32 to index
      %get3A_445 = arith.constant 16 : index
      %get3A_446 = tpu.vector_load %arg6[%get3A_443, %get3A_444, %get3A_445] {strides = array<i32>} : memref<4x128x64xf32, #tpu.memory_space<vmem>>, vector<1x1x16xf32>,
      %get3A_447 = vector.shape_cast %get3A_446 : vector<1x1x16xf32> to vector<16xf32>
      %mul3A_448 = arith.constant 8.000000e+00 : f32
      %mul3A_449 = vector.broadcast %mul3A_448 : f32 to vector<16xf32>
      %mul3A_450 = arith.mulf %get3A_447, %mul3A_449 : vector<16xf32>
      %mul3A_451 = arith.constant 4 : i32
      %mul3A_452 = arith.muli %mul3A_451, %scan3A_319 : i32
      %add3A_453 = arith.constant 1 : i32
      %add3A_454 = arith.addi %mul3A_452, %add3A_453 : i32
      %swap3A_455 = arith.constant 2 : i32
      %swap3A_456 = arith.index_cast %swap3A_455 : i32 to index
      %swap3A_457 = arith.index_cast %add3A_454 : i32 to index
      %swap3A_458 = arith.constant 16 : index
      %swap3A_459 = tpu.vector_load %arg6[%swap3A_456, %swap3A_457, %swap3A_458] {strides = array<i32>} : memref<4x128x64xf32, #tpu.memory_space<vmem>>, vector<1x1x16xf32>,
      %swap3A_460 = vector.shape_cast %swap3A_459 : vector<1x1x16xf32> to vector<16xf32>
      %swap3A_461 = vector.shape_cast %mul3A_450 : vector<16xf32> to vector<1x1x16xf32>
      tpu.vector_store %arg6[%swap3A_456, %swap3A_457, %swap3A_458], %swap3A_461 {strides = array<i32>} : memref<4x128x64xf32, #tpu.memory_space<vmem>>, vector<1x1x16xf32>,
      %mul3A_462 = arith.constant 4 : i32
      %mul3A_463 = arith.muli %mul3A_462, %scan3A_319 : i32
      %add3A_464 = arith.constant 1 : i32
      %add3A_465 = arith.addi %mul3A_463, %add3A_464 : i32
      %get3A_466 = arith.constant 2 : i32
      %get3A_467 = arith.index_cast %get3A_466 : i32 to index
      %get3A_468 = arith.index_cast %add3A_465 : i32 to index
      %get3A_469 = arith.constant 32 : index
      %get3A_470 = tpu.vector_load %arg6[%get3A_467, %get3A_468, %get3A_469] {strides = array<i32>} : memref<4x128x64xf32, #tpu.memory_space<vmem>>, vector<1x1x16xf32>,
      %get3A_471 = vector.shape_cast %get3A_470 : vector<1x1x16xf32> to vector<16xf32>
      %mul3A_472 = arith.constant 8.000000e+00 : f32
      %mul3A_473 = vector.broadcast %mul3A_472 : f32 to vector<16xf32>
      %mul3A_474 = arith.mulf %get3A_471, %mul3A_473 : vector<16xf32>
      %mul3A_475 = arith.constant 4 : i32
      %mul3A_476 = arith.muli %mul3A_475, %scan3A_319 : i32
      %add3A_477 = arith.constant 1 : i32
      %add3A_478 = arith.addi %mul3A_476, %add3A_477 : i32
      %swap3A_479 = arith.constant 2 : i32
      %swap3A_480 = arith.index_cast %swap3A_479 : i32 to index
      %swap3A_481 = arith.index_cast %add3A_478 : i32 to index
      %swap3A_482 = arith.constant 32 : index
      %swap3A_483 = tpu.vector_load %arg6[%swap3A_480, %swap3A_481, %swap3A_482] {strides = array<i32>} : memref<4x128x64xf32, #tpu.memory_space<vmem>>, vector<1x1x16xf32>,
      %swap3A_484 = vector.shape_cast %swap3A_483 : vector<1x1x16xf32> to vector<16xf32>
      %swap3A_485 = vector.shape_cast %mul3A_474 : vector<16xf32> to vector<1x1x16xf32>
      tpu.vector_store %arg6[%swap3A_480, %swap3A_481, %swap3A_482], %swap3A_485 {strides = array<i32>} : memref<4x128x64xf32, #tpu.memory_space<vmem>>, vector<1x1x16xf32>,
      %mul3A_486 = arith.constant 4 : i32
      %mul3A_487 = arith.muli %mul3A_486, %scan3A_319 : i32
      %add3A_488 = arith.constant 1 : i32
      %add3A_489 = arith.addi %mul3A_487, %add3A_488 : i32
      %get3A_490 = arith.constant 2 : i32
      %get3A_491 = arith.index_cast %get3A_490 : i32 to index
      %get3A_492 = arith.index_cast %add3A_489 : i32 to index
      %get3A_493 = arith.constant 48 : index
      %get3A_494 = tpu.vector_load %arg6[%get3A_491, %get3A_492, %get3A_493] {strides = array<i32>} : memref<4x128x64xf32, #tpu.memory_space<vmem>>, vector<1x1x16xf32>,
      %get3A_495 = vector.shape_cast %get3A_494 : vector<1x1x16xf32> to vector<16xf32>
      %mul3A_496 = arith.constant 8.000000e+00 : f32
      %mul3A_497 = vector.broadcast %mul3A_496 : f32 to vector<16xf32>
      %mul3A_498 = arith.mulf %get3A_495, %mul3A_497 : vector<16xf32>
      %mul3A_499 = arith.constant 4 : i32
      %mul3A_500 = arith.muli %mul3A_499, %scan3A_319 : i32
      %add3A_501 = arith.constant 1 : i32
      %add3A_502 = arith.addi %mul3A_500, %add3A_501 : i32
      %swap3A_503 = arith.constant 2 : i32
      %swap3A_504 = arith.index_cast %swap3A_503 : i32 to index
      %swap3A_505 = arith.index_cast %add3A_502 : i32 to index
      %swap3A_506 = arith.constant 48 : index
      %swap3A_507 = tpu.vector_load %arg6[%swap3A_504, %swap3A_505, %swap3A_506] {strides = array<i32>} : memref<4x128x64xf32, #tpu.memory_space<vmem>>, vector<1x1x16xf32>,
      %swap3A_508 = vector.shape_cast %swap3A_507 : vector<1x1x16xf32> to vector<16xf32>
      %swap3A_509 = vector.shape_cast %mul3A_498 : vector<16xf32> to vector<1x1x16xf32>
      tpu.vector_store %arg6[%swap3A_504, %swap3A_505, %swap3A_506], %swap3A_509 {strides = array<i32>} : memref<4x128x64xf32, #tpu.memory_space<vmem>>, vector<1x1x16xf32>,
      %mul3A_510 = arith.constant 4 : i32
      %mul3A_511 = arith.muli %mul3A_510, %scan3A_319 : i32
      %add3A_512 = arith.constant 2 : i32
      %add3A_513 = arith.addi %mul3A_511, %add3A_512 : i32
      %get3A_514 = arith.constant 2 : i32
      %get3A_515 = arith.index_cast %get3A_514 : i32 to index
      %get3A_516 = arith.index_cast %add3A_513 : i32 to index
      %get3A_517 = arith.constant 0 : index
      %get3A_518 = tpu.vector_load %arg6[%get3A_515, %get3A_516, %get3A_517] {strides = array<i32>} : memref<4x128x64xf32, #tpu.memory_space<vmem>>, vector<1x1x16xf32>,
      %get3A_519 = vector.shape_cast %get3A_518 : vector<1x1x16xf32> to vector<16xf32>
      %mul3A_520 = arith.constant 8.000000e+00 : f32
      %mul3A_521 = vector.broadcast %mul3A_520 : f32 to vector<16xf32>
      %mul3A_522 = arith.mulf %get3A_519, %mul3A_521 : vector<16xf32>
      %mul3A_523 = arith.constant 4 : i32
      %mul3A_524 = arith.muli %mul3A_523, %scan3A_319 : i32
      %add3A_525 = arith.constant 2 : i32
      %add3A_526 = arith.addi %mul3A_524, %add3A_525 : i32
      %swap3A_527 = arith.constant 2 : i32
      %swap3A_528 = arith.index_cast %swap3A_527 : i32 to index
      %swap3A_529 = arith.index_cast %add3A_526 : i32 to index
      %swap3A_530 = arith.constant 0 : index
      %swap3A_531 = tpu.vector_load %arg6[%swap3A_528, %swap3A_529, %swap3A_530] {strides = array<i32>} : memref<4x128x64xf32, #tpu.memory_space<vmem>>, vector<1x1x16xf32>,
      %swap3A_532 = vector.shape_cast %swap3A_531 : vector<1x1x16xf32> to vector<16xf32>
      %swap3A_533 = vector.shape_cast %mul3A_522 : vector<16xf32> to vector<1x1x16xf32>
      tpu.vector_store %arg6[%swap3A_528, %swap3A_529, %swap3A_530], %swap3A_533 {strides = array<i32>} : memref<4x128x64xf32, #tpu.memory_space<vmem>>, vector<1x1x16xf32>,
      %mul3A_534 = arith.constant 4 : i32
      %mul3A_535 = arith.muli %mul3A_534, %scan3A_319 : i32
      %add3A_536 = arith.constant 2 : i32
      %add3A_537 = arith.addi %mul3A_535, %add3A_536 : i32
      %get3A_538 = arith.constant 2 : i32
      %get3A_539 = arith.index_cast %get3A_538 : i32 to index
      %get3A_540 = arith.index_cast %add3A_537 : i32 to index
      %get3A_541 = arith.constant 16 : index
      %get3A_542 = tpu.vector_load %arg6[%get3A_539, %get3A_540, %get3A_541] {strides = array<i32>} : memref<4x128x64xf32, #tpu.memory_space<vmem>>, vector<1x1x16xf32>,
      %get3A_543 = vector.shape_cast %get3A_542 : vector<1x1x16xf32> to vector<16xf32>
      %mul3A_544 = arith.constant 8.000000e+00 : f32
      %mul3A_545 = vector.broadcast %mul3A_544 : f32 to vector<16xf32>
      %mul3A_546 = arith.mulf %get3A_543, %mul3A_545 : vector<16xf32>
      %mul3A_547 = arith.constant 4 : i32
      %mul3A_548 = arith.muli %mul3A_547, %scan3A_319 : i32
      %add3A_549 = arith.constant 2 : i32
      %add3A_550 = arith.addi %mul3A_548, %add3A_549 : i32
      %swap3A_551 = arith.constant 2 : i32
      %swap3A_552 = arith.index_cast %swap3A_551 : i32 to index
      %swap3A_553 = arith.index_cast %add3A_550 : i32 to index
      %swap3A_554 = arith.constant 16 : index
      %swap3A_555 = tpu.vector_load %arg6[%swap3A_552, %swap3A_553, %swap3A_554] {strides = array<i32>} : memref<4x128x64xf32, #tpu.memory_space<vmem>>, vector<1x1x16xf32>,
      %swap3A_556 = vector.shape_cast %swap3A_555 : vector<1x1x16xf32> to vector<16xf32>
      %swap3A_557 = vector.shape_cast %mul3A_546 : vector<16xf32> to vector<1x1x16xf32>
      tpu.vector_store %arg6[%swap3A_552, %swap3A_553, %swap3A_554], %swap3A_557 {strides = array<i32>} : memref<4x128x64xf32, #tpu.memory_space<vmem>>, vector<1x1x16xf32>,
      %mul3A_558 = arith.constant 4 : i32
      %mul3A_559 = arith.muli %mul3A_558, %scan3A_319 : i32
      %add3A_560 = arith.constant 2 : i32
      %add3A_561 = arith.addi %mul3A_559, %add3A_560 : i32
      %get3A_562 = arith.constant 2 : i32
      %get3A_563 = arith.index_cast %get3A_562 : i32 to index
      %get3A_564 = arith.index_cast %add3A_561 : i32 to index
      %get3A_565 = arith.constant 32 : index
      %get3A_566 = tpu.vector_load %arg6[%get3A_563, %get3A_564, %get3A_565] {strides = array<i32>} : memref<4x128x64xf32, #tpu.memory_space<vmem>>, vector<1x1x16xf32>,
      %get3A_567 = vector.shape_cast %get3A_566 : vector<1x1x16xf32> to vector<16xf32>
      %mul3A_568 = arith.constant 8.000000e+00 : f32
      %mul3A_569 = vector.broadcast %mul3A_568 : f32 to vector<16xf32>
      %mul3A_570 = arith.mulf %get3A_567, %mul3A_569 : vector<16xf32>
      %mul3A_571 = arith.constant 4 : i32
      %mul3A_572 = arith.muli %mul3A_571, %scan3A_319 : i32
      %add3A_573 = arith.constant 2 : i32
      %add3A_574 = arith.addi %mul3A_572, %add3A_573 : i32
      %swap3A_575 = arith.constant 2 : i32
      %swap3A_576 = arith.index_cast %swap3A_575 : i32 to index
      %swap3A_577 = arith.index_cast %add3A_574 : i32 to index
      %swap3A_578 = arith.constant 32 : index
      %swap3A_579 = tpu.vector_load %arg6[%swap3A_576, %swap3A_577, %swap3A_578] {strides = array<i32>} : memref<4x128x64xf32, #tpu.memory_space<vmem>>, vector<1x1x16xf32>,
      %swap3A_580 = vector.shape_cast %swap3A_579 : vector<1x1x16xf32> to vector<16xf32>
      %swap3A_581 = vector.shape_cast %mul3A_570 : vector<16xf32> to vector<1x1x16xf32>
      tpu.vector_store %arg6[%swap3A_576, %swap3A_577, %swap3A_578], %swap3A_581 {strides = array<i32>} : memref<4x128x64xf32, #tpu.memory_space<vmem>>, vector<1x1x16xf32>,
      %mul3A_582 = arith.constant 4 : i32
      %mul3A_583 = arith.muli %mul3A_582, %scan3A_319 : i32
      %add3A_584 = arith.constant 2 : i32
      %add3A_585 = arith.addi %mul3A_583, %add3A_584 : i32
      %get3A_586 = arith.constant 2 : i32
      %get3A_587 = arith.index_cast %get3A_586 : i32 to index
      %get3A_588 = arith.index_cast %add3A_585 : i32 to index
      %get3A_589 = arith.constant 48 : index
      %get3A_590 = tpu.vector_load %arg6[%get3A_587, %get3A_588, %get3A_589] {strides = array<i32>} : memref<4x128x64xf32, #tpu.memory_space<vmem>>, vector<1x1x16xf32>,
      %get3A_591 = vector.shape_cast %get3A_590 : vector<1x1x16xf32> to vector<16xf32>
      %mul3A_592 = arith.constant 8.000000e+00 : f32
      %mul3A_593 = vector.broadcast %mul3A_592 : f32 to vector<16xf32>
      %mul3A_594 = arith.mulf %get3A_591, %mul3A_593 : vector<16xf32>
      %mul3A_595 = arith.constant 4 : i32
      %mul3A_596 = arith.muli %mul3A_595, %scan3A_319 : i32
      %add3A_597 = arith.constant 2 : i32
      %add3A_598 = arith.addi %mul3A_596, %add3A_597 : i32
      %swap3A_599 = arith.constant 2 : i32
      %swap3A_600 = arith.index_cast %swap3A_599 : i32 to index
      %swap3A_601 = arith.index_cast %add3A_598 : i32 to index
      %swap3A_602 = arith.constant 48 : index
      %swap3A_603 = tpu.vector_load %arg6[%swap3A_600, %swap3A_601, %swap3A_602] {strides = array<i32>} : memref<4x128x64xf32, #tpu.memory_space<vmem>>, vector<1x1x16xf32>,
      %swap3A_604 = vector.shape_cast %swap3A_603 : vector<1x1x16xf32> to vector<16xf32>
      %swap3A_605 = vector.shape_cast %mul3A_594 : vector<16xf32> to vector<1x1x16xf32>
      tpu.vector_store %arg6[%swap3A_600, %swap3A_601, %swap3A_602], %swap3A_605 {strides = array<i32>} : memref<4x128x64xf32, #tpu.memory_space<vmem>>, vector<1x1x16xf32>,
      %mul3A_606 = arith.constant 4 : i32
      %mul3A_607 = arith.muli %mul3A_606, %scan3A_319 : i32
      %add3A_608 = arith.constant 3 : i32
      %add3A_609 = arith.addi %mul3A_607, %add3A_608 : i32
      %get3A_610 = arith.constant 2 : i32
      %get3A_611 = arith.index_cast %get3A_610 : i32 to index
      %get3A_612 = arith.index_cast %add3A_609 : i32 to index
      %get3A_613 = arith.constant 0 : index
      %get3A_614 = tpu.vector_load %arg6[%get3A_611, %get3A_612, %get3A_613] {strides = array<i32>} : memref<4x128x64xf32, #tpu.memory_space<vmem>>, vector<1x1x16xf32>,
      %get3A_615 = vector.shape_cast %get3A_614 : vector<1x1x16xf32> to vector<16xf32>
      %mul3A_616 = arith.constant 8.000000e+00 : f32
      %mul3A_617 = vector.broadcast %mul3A_616 : f32 to vector<16xf32>
      %mul3A_618 = arith.mulf %get3A_615, %mul3A_617 : vector<16xf32>
      %mul3A_619 = arith.constant 4 : i32
      %mul3A_620 = arith.muli %mul3A_619, %scan3A_319 : i32
      %add3A_621 = arith.constant 3 : i32
      %add3A_622 = arith.addi %mul3A_620, %add3A_621 : i32
      %swap3A_623 = arith.constant 2 : i32
      %swap3A_624 = arith.index_cast %swap3A_623 : i32 to index
      %swap3A_625 = arith.index_cast %add3A_622 : i32 to index
      %swap3A_626 = arith.constant 0 : index
      %swap3A_627 = tpu.vector_load %arg6[%swap3A_624, %swap3A_625, %swap3A_626] {strides = array<i32>} : memref<4x128x64xf32, #tpu.memory_space<vmem>>, vector<1x1x16xf32>,
      %swap3A_628 = vector.shape_cast %swap3A_627 : vector<1x1x16xf32> to vector<16xf32>
      %swap3A_629 = vector.shape_cast %mul3A_618 : vector<16xf32> to vector<1x1x16xf32>
      tpu.vector_store %arg6[%swap3A_624, %swap3A_625, %swap3A_626], %swap3A_629 {strides = array<i32>} : memref<4x128x64xf32, #tpu.memory_space<vmem>>, vector<1x1x16xf32>,
      %mul3A_630 = arith.constant 4 : i32
      %mul3A_631 = arith.muli %mul3A_630, %scan3A_319 : i32
      %add3A_632 = arith.constant 3 : i32
      %add3A_633 = arith.addi %mul3A_631, %add3A_632 : i32
      %get3A_634 = arith.constant 2 : i32
      %get3A_635 = arith.index_cast %get3A_634 : i32 to index
      %get3A_636 = arith.index_cast %add3A_633 : i32 to index
      %get3A_637 = arith.constant 16 : index
      %get3A_638 = tpu.vector_load %arg6[%get3A_635, %get3A_636, %get3A_637] {strides = array<i32>} : memref<4x128x64xf32, #tpu.memory_space<vmem>>, vector<1x1x16xf32>,
      %get3A_639 = vector.shape_cast %get3A_638 : vector<1x1x16xf32> to vector<16xf32>
      %mul3A_640 = arith.constant 8.000000e+00 : f32
      %mul3A_641 = vector.broadcast %mul3A_640 : f32 to vector<16xf32>
      %mul3A_642 = arith.mulf %get3A_639, %mul3A_641 : vector<16xf32>
      %mul3A_643 = arith.constant 4 : i32
      %mul3A_644 = arith.muli %mul3A_643, %scan3A_319 : i32
      %add3A_645 = arith.constant 3 : i32
      %add3A_646 = arith.addi %mul3A_644, %add3A_645 : i32
      %swap3A_647 = arith.constant 2 : i32
      %swap3A_648 = arith.index_cast %swap3A_647 : i32 to index
      %swap3A_649 = arith.index_cast %add3A_646 : i32 to index
      %swap3A_650 = arith.constant 16 : index
      %swap3A_651 = tpu.vector_load %arg6[%swap3A_648, %swap3A_649, %swap3A_650] {strides = array<i32>} : memref<4x128x64xf32, #tpu.memory_space<vmem>>, vector<1x1x16xf32>,
      %swap3A_652 = vector.shape_cast %swap3A_651 : vector<1x1x16xf32> to vector<16xf32>
      %swap3A_653 = vector.shape_cast %mul3A_642 : vector<16xf32> to vector<1x1x16xf32>
      tpu.vector_store %arg6[%swap3A_648, %swap3A_649, %swap3A_650], %swap3A_653 {strides = array<i32>} : memref<4x128x64xf32, #tpu.memory_space<vmem>>, vector<1x1x16xf32>,
      %mul3A_654 = arith.constant 4 : i32
      %mul3A_655 = arith.muli %mul3A_654, %scan3A_319 : i32
      %add3A_656 = arith.constant 3 : i32
      %add3A_657 = arith.addi %mul3A_655, %add3A_656 : i32
      %get3A_658 = arith.constant 2 : i32
      %get3A_659 = arith.index_cast %get3A_658 : i32 to index
      %get3A_660 = arith.index_cast %add3A_657 : i32 to index
      %get3A_661 = arith.constant 32 : index
      %get3A_662 = tpu.vector_load %arg6[%get3A_659, %get3A_660, %get3A_661] {strides = array<i32>} : memref<4x128x64xf32, #tpu.memory_space<vmem>>, vector<1x1x16xf32>,
      %get3A_663 = vector.shape_cast %get3A_662 : vector<1x1x16xf32> to vector<16xf32>
      %mul3A_664 = arith.constant 8.000000e+00 : f32
      %mul3A_665 = vector.broadcast %mul3A_664 : f32 to vector<16xf32>
      %mul3A_666 = arith.mulf %get3A_663, %mul3A_665 : vector<16xf32>
      %mul3A_667 = arith.constant 4 : i32
      %mul3A_668 = arith.muli %mul3A_667, %scan3A_319 : i32
      %add3A_669 = arith.constant 3 : i32
      %add3A_670 = arith.addi %mul3A_668, %add3A_669 : i32
      %swap3A_671 = arith.constant 2 : i32
      %swap3A_672 = arith.index_cast %swap3A_671 : i32 to index
      %swap3A_673 = arith.index_cast %add3A_670 : i32 to index
      %swap3A_674 = arith.constant 32 : index
      %swap3A_675 = tpu.vector_load %arg6[%swap3A_672, %swap3A_673, %swap3A_674] {strides = array<i32>} : memref<4x128x64xf32, #tpu.memory_space<vmem>>, vector<1x1x16xf32>,
      %swap3A_676 = vector.shape_cast %swap3A_675 : vector<1x1x16xf32> to vector<16xf32>
      %swap3A_677 = vector.shape_cast %mul3A_666 : vector<16xf32> to vector<1x1x16xf32>
      tpu.vector_store %arg6[%swap3A_672, %swap3A_673, %swap3A_674], %swap3A_677 {strides = array<i32>} : memref<4x128x64xf32, #tpu.memory_space<vmem>>, vector<1x1x16xf32>,
      %mul3A_678 = arith.constant 4 : i32
      %mul3A_679 = arith.muli %mul3A_678, %scan3A_319 : i32
      %add3A_680 = arith.constant 3 : i32
      %add3A_681 = arith.addi %mul3A_679, %add3A_680 : i32
      %get3A_682 = arith.constant 2 : i32
      %get3A_683 = arith.index_cast %get3A_682 : i32 to index
      %get3A_684 = arith.index_cast %add3A_681 : i32 to index
      %get3A_685 = arith.constant 48 : index
      %get3A_686 = tpu.vector_load %arg6[%get3A_683, %get3A_684, %get3A_685] {strides = array<i32>} : memref<4x128x64xf32, #tpu.memory_space<vmem>>, vector<1x1x16xf32>,
      %get3A_687 = vector.shape_cast %get3A_686 : vector<1x1x16xf32> to vector<16xf32>
      %mul3A_688 = arith.constant 8.000000e+00 : f32
      %mul3A_689 = vector.broadcast %mul3A_688 : f32 to vector<16xf32>
      %mul3A_690 = arith.mulf %get3A_687, %mul3A_689 : vector<16xf32>
      %mul3A_691 = arith.constant 4 : i32
      %mul3A_692 = arith.muli %mul3A_691, %scan3A_319 : i32
      %add3A_693 = arith.constant 3 : i32
      %add3A_694 = arith.addi %mul3A_692, %add3A_693 : i32
      %swap3A_695 = arith.constant 2 : i32
      %swap3A_696 = arith.index_cast %swap3A_695 : i32 to index
      %swap3A_697 = arith.index_cast %add3A_694 : i32 to index
      %swap3A_698 = arith.constant 48 : index
      %swap3A_699 = tpu.vector_load %arg6[%swap3A_696, %swap3A_697, %swap3A_698] {strides = array<i32>} : memref<4x128x64xf32, #tpu.memory_space<vmem>>, vector<1x1x16xf32>,
      %swap3A_700 = vector.shape_cast %swap3A_699 : vector<1x1x16xf32> to vector<16xf32>
      %swap3A_701 = vector.shape_cast %mul3A_690 : vector<16xf32> to vector<1x1x16xf32>
      tpu.vector_store %arg6[%swap3A_696, %swap3A_697, %swap3A_698], %swap3A_701 {strides = array<i32>} : memref<4x128x64xf32, #tpu.memory_space<vmem>>, vector<1x1x16xf32>,
    }
    %scan3A_160 = arith.constant 32 : i32
    %add3A_161 = arith.constant 256 : i32
    %add3A_162 = arith.addi %mul3A_4, %add3A_161 : i32
    %dma_start3A_163 = arith.constant 2 : i32
    %dma_start3A_164 = arith.constant 2 : i32
    %dma_start3A_165 = arith.constant 0 : i32
    %dma_start3A_166 = arith.constant 0 : i32
    %dma_start3A_167 = tpu.memref_slice %arg6[%dma_start3A_163, %dma_start3A_165, %dma_start3A_166] : memref<4x128x64xf32, #tpu.memory_space<vmem>> -> memref<1x128x64xf32, #tpu.memory_space<vmem>>
    %dma_start3A_168 = tpu.memref_squeeze %dma_start3A_167 : memref<1x128x64xf32, #tpu.memory_space<vmem>> -> memref<128x64xf32, #tpu.memory_space<vmem>>
    %dma_start3A_169 = arith.constant 0 : i32
    %dma_start3A_170 = tpu.memref_slice %arg4[%add3A_162, %dma_start3A_169] : memref<819200x128xf32, #tpu.memory_space<hbm>> -> memref<128x64xf32, #tpu.memory_space<hbm>>
    %dma_start3A_171 = tpu.memref_slice %arg8[%dma_start3A_164] : memref<4x!tpu.dma_semaphore, #tpu.memory_space<semaphore_mem>> -> memref<1x!tpu.dma_semaphore, #tpu.memory_space<semaphore_mem>>
    %dma_start3A_172 = tpu.memref_squeeze %dma_start3A_171 : memref<1x!tpu.dma_semaphore, #tpu.memory_space<semaphore_mem>> -> memref<!tpu.dma_semaphore, #tpu.memory_space<semaphore_mem>>
    %dma_start3A_173 = arith.constant 0 : i32
    %dma_start3A_174 = tpu.memref_slice %arg4[%add3A_162, %dma_start3A_173] : memref<819200x128xf32, #tpu.memory_space<hbm>> -> memref<128x64xf32, #tpu.memory_space<hbm>>
    %dma_start3A_175 = arith.constant 0 : i32
    %dma_start3A_176 = arith.constant 0 : i32
    %dma_start3A_177 = tpu.memref_slice %arg6[%dma_start3A_163, %dma_start3A_175, %dma_start3A_176] : memref<4x128x64xf32, #tpu.memory_space<vmem>> -> memref<1x128x64xf32, #tpu.memory_space<vmem>>
    %dma_start3A_178 = tpu.memref_squeeze %dma_start3A_177 : memref<1x128x64xf32, #tpu.memory_space<vmem>> -> memref<128x64xf32, #tpu.memory_space<vmem>>
    tpu.enqueue_dma source(%dma_start3A_178 : memref<128x64xf32, #tpu.memory_space<vmem>>) target(%dma_start3A_174 : memref<128x64xf32, #tpu.memory_space<hbm>>) target_semaphore(%dma_start3A_172 : memref<!tpu.dma_semaphore, #tpu.memory_space<semaphore_mem>>)
    %dma_wait3A_179 = arith.constant 0 : i32
    %dma_wait3A_180 = arith.constant 3 : i32
    %dma_wait3A_181 = arith.constant 3 : i32
    %dma_wait3A_182 = arith.constant 0 : i32
    %dma_wait3A_183 = arith.constant 0 : i32
    %dma_wait3A_184 = tpu.memref_slice %arg6[%dma_wait3A_180, %dma_wait3A_182, %dma_wait3A_183] : memref<4x128x64xf32, #tpu.memory_space<vmem>> -> memref<1x128x64xf32, #tpu.memory_space<vmem>>
    %dma_wait3A_185 = tpu.memref_squeeze %dma_wait3A_184 : memref<1x128x64xf32, #tpu.memory_space<vmem>> -> memref<128x64xf32, #tpu.memory_space<vmem>>
    %dma_wait3A_186 = arith.constant 0 : i32
    %dma_wait3A_187 = tpu.memref_slice %arg5[%dma_wait3A_179, %dma_wait3A_186] : memref<200x128xi32, #tpu.memory_space<vmem>> -> memref<1x128xi32, #tpu.memory_space<vmem>>
    %dma_wait3A_188 = tpu.memref_squeeze %dma_wait3A_187 : memref<1x128xi32, #tpu.memory_space<vmem>> -> memref<128xi32, #tpu.memory_space<vmem>>
    %dma_wait3A_189 = arith.constant 0 : i32
    %dma_wait3A_190 = arith.constant 0 : i32
    %dma_wait3A_191 = tpu.memref_slice %arg3[%dma_wait3A_189, %dma_wait3A_190] : memref<1000000x64xf32, #tpu.memory_space<hbm>> -> memref<1000000x64xf32, #tpu.memory_space<hbm>>
    %dma_wait3A_192 = tpu.memref_slice %arg7[%dma_wait3A_181] : memref<4x!tpu.dma_semaphore, #tpu.memory_space<semaphore_mem>> -> memref<1x!tpu.dma_semaphore, #tpu.memory_space<semaphore_mem>>
    %dma_wait3A_193 = tpu.memref_squeeze %dma_wait3A_192 : memref<1x!tpu.dma_semaphore, #tpu.memory_space<semaphore_mem>> -> memref<!tpu.dma_semaphore, #tpu.memory_space<semaphore_mem>>
    tpu.wait_indirect_dma semaphore(%dma_wait3A_193 : memref<!tpu.dma_semaphore, #tpu.memory_space<semaphore_mem>>) src(%dma_wait3A_191 : memref<1000000x64xf32, #tpu.memory_space<hbm>>) dst(%dma_wait3A_185 : memref<128x64xf32, #tpu.memory_space<vmem>>)
    %dma_wait3A_194 = arith.constant 0 : i32
    %dma_wait3A_195 = arith.constant 0 : i32
    %dma_wait3A_196 = arith.constant 0 : i32
    %dma_wait3A_197 = arith.constant 0 : i32
    %dma_wait3A_198 = tpu.memref_slice %arg6[%dma_wait3A_194, %dma_wait3A_196, %dma_wait3A_197] : memref<4x128x64xf32, #tpu.memory_space<vmem>> -> memref<1x128x64xf32, #tpu.memory_space<vmem>>
    %dma_wait3A_199 = tpu.memref_squeeze %dma_wait3A_198 : memref<1x128x64xf32, #tpu.memory_space<vmem>> -> memref<128x64xf32, #tpu.memory_space<vmem>>
    %dma_wait3A_200 = arith.constant 0 : i32
    %dma_wait3A_201 = tpu.memref_slice %arg4[%mul3A_4, %dma_wait3A_200] : memref<819200x128xf32, #tpu.memory_space<hbm>> -> memref<128x64xf32, #tpu.memory_space<hbm>>
    %dma_wait3A_202 = tpu.memref_slice %arg8[%dma_wait3A_195] : memref<4x!tpu.dma_semaphore, #tpu.memory_space<semaphore_mem>> -> memref<1x!tpu.dma_semaphore, #tpu.memory_space<semaphore_mem>>
    %dma_wait3A_203 = tpu.memref_squeeze %dma_wait3A_202 : memref<1x!tpu.dma_semaphore, #tpu.memory_space<semaphore_mem>> -> memref<!tpu.dma_semaphore, #tpu.memory_space<semaphore_mem>>
    %dma_wait3A_204 = arith.constant 0 : i32
    %dma_wait3A_205 = tpu.memref_slice %arg4[%mul3A_4, %dma_wait3A_204] : memref<819200x128xf32, #tpu.memory_space<hbm>> -> memref<128x64xf32, #tpu.memory_space<hbm>>
    %dma_wait3A_206 = arith.constant 0 : i32
    %dma_wait3A_207 = arith.constant 0 : i32
    %dma_wait3A_208 = tpu.memref_slice %arg6[%dma_wait3A_194, %dma_wait3A_206, %dma_wait3A_207] : memref<4x128x64xf32, #tpu.memory_space<vmem>> -> memref<1x128x64xf32, #tpu.memory_space<vmem>>
    %dma_wait3A_209 = tpu.memref_squeeze %dma_wait3A_208 : memref<1x128x64xf32, #tpu.memory_space<vmem>> -> memref<128x64xf32, #tpu.memory_space<vmem>>
    tpu.wait_dma2 semaphore(%dma_wait3A_203 : memref<!tpu.dma_semaphore, #tpu.memory_space<semaphore_mem>>) src(%dma_wait3A_209 : memref<128x64xf32, #tpu.memory_space<vmem>>) dst(%dma_wait3A_205 : memref<128x64xf32, #tpu.memory_space<hbm>>)
    %dma_start3A_210 = arith.constant 4 : i32
    %dma_start3A_211 = arith.constant 0 : i32
    %dma_start3A_212 = arith.constant 0 : i32
    %dma_start3A_213 = arith.constant 0 : i32
    %dma_start3A_214 = arith.constant 0 : i32
    %dma_start3A_215 = tpu.memref_slice %arg6[%dma_start3A_211, %dma_start3A_213, %dma_start3A_214] : memref<4x128x64xf32, #tpu.memory_space<vmem>> -> memref<1x128x64xf32, #tpu.memory_space<vmem>>
    %dma_start3A_216 = tpu.memref_squeeze %dma_start3A_215 : memref<1x128x64xf32, #tpu.memory_space<vmem>> -> memref<128x64xf32, #tpu.memory_space<vmem>>
    %dma_start3A_217 = arith.constant 0 : i32
    %dma_start3A_218 = tpu.memref_slice %arg5[%dma_start3A_210, %dma_start3A_217] : memref<200x128xi32, #tpu.memory_space<vmem>> -> memref<1x128xi32, #tpu.memory_space<vmem>>
    %dma_start3A_219 = tpu.memref_squeeze %dma_start3A_218 : memref<1x128xi32, #tpu.memory_space<vmem>> -> memref<128xi32, #tpu.memory_space<vmem>>
    %dma_start3A_220 = arith.constant 0 : i32
    %dma_start3A_221 = arith.constant 0 : i32
    %dma_start3A_222 = tpu.memref_slice %arg3[%dma_start3A_220, %dma_start3A_221] : memref<1000000x64xf32, #tpu.memory_space<hbm>> -> memref<1000000x64xf32, #tpu.memory_space<hbm>>
    %dma_start3A_223 = tpu.memref_slice %arg7[%dma_start3A_212] : memref<4x!tpu.dma_semaphore, #tpu.memory_space<semaphore_mem>> -> memref<1x!tpu.dma_semaphore, #tpu.memory_space<semaphore_mem>>
    %dma_start3A_224 = tpu.memref_squeeze %dma_start3A_223 : memref<1x!tpu.dma_semaphore, #tpu.memory_space<semaphore_mem>> -> memref<!tpu.dma_semaphore, #tpu.memory_space<semaphore_mem>>
    tpu.enqueue_indirect_dma source(%dma_start3A_222 : memref<1000000x64xf32, #tpu.memory_space<hbm>>) target(%dma_start3A_216 : memref<128x64xf32, #tpu.memory_space<vmem>>) offsets(%dma_start3A_219 : memref<128xi32, #tpu.memory_space<vmem>>) semaphore(%dma_start3A_224 : memref<!tpu.dma_semaphore, #tpu.memory_space<semaphore_mem>>)
    %scan3A_225 = arith.constant 0 : i32
    %scan3A_226 = arith.constant 0 : i32
    %scan3A_227 = arith.constant 32 : i32
    %scan3A_228 = arith.addi %scan3A_226, %scan3A_227 : i32
    %scan3A_229 = arith.constant 1 : i32
    scf.for %scan3A_319 = %scan3A_226 to %scan3A_228 step %scan3A_229  : i32 {
      %mul3A_320 = arith.constant 4 : i32
      %mul3A_321 = arith.muli %mul3A_320, %scan3A_319 : i32
      %add3A_322 = arith.constant 0 : i32
      %add3A_323 = arith.addi %mul3A_321, %add3A_322 : i32
      %get3A = arith.constant 3 : i32
      %get3A_324 = arith.index_cast %get3A : i32 to index
      %get3A_325 = arith.index_cast %add3A_323 : i32 to index
      %get3A_326 = arith.constant 0 : index
      %get3A_327 = tpu.vector_load %arg6[%get3A_324, %get3A_325, %get3A_326] {strides = array<i32>} : memref<4x128x64xf32, #tpu.memory_space<vmem>>, vector<1x1x16xf32>,
      %get3A_328 = vector.shape_cast %get3A_327 : vector<1x1x16xf32> to vector<16xf32>
      %mul3A_329 = arith.constant 8.000000e+00 : f32
      %mul3A_330 = vector.broadcast %mul3A_329 : f32 to vector<16xf32>
      %mul3A_331 = arith.mulf %get3A_328, %mul3A_330 : vector<16xf32>
      %mul3A_332 = arith.constant 4 : i32
      %mul3A_333 = arith.muli %mul3A_332, %scan3A_319 : i32
      %add3A_334 = arith.constant 0 : i32
      %add3A_335 = arith.addi %mul3A_333, %add3A_334 : i32
      %swap3A = arith.constant 3 : i32
      %swap3A_336 = arith.index_cast %swap3A : i32 to index
      %swap3A_337 = arith.index_cast %add3A_335 : i32 to index
      %swap3A_338 = arith.constant 0 : index
      %swap3A_339 = tpu.vector_load %arg6[%swap3A_336, %swap3A_337, %swap3A_338] {strides = array<i32>} : memref<4x128x64xf32, #tpu.memory_space<vmem>>, vector<1x1x16xf32>,
      %swap3A_340 = vector.shape_cast %swap3A_339 : vector<1x1x16xf32> to vector<16xf32>
      %swap3A_341 = vector.shape_cast %mul3A_331 : vector<16xf32> to vector<1x1x16xf32>
      tpu.vector_store %arg6[%swap3A_336, %swap3A_337, %swap3A_338], %swap3A_341 {strides = array<i32>} : memref<4x128x64xf32, #tpu.memory_space<vmem>>, vector<1x1x16xf32>,
      %mul3A_342 = arith.constant 4 : i32
      %mul3A_343 = arith.muli %mul3A_342, %scan3A_319 : i32
      %add3A_344 = arith.constant 0 : i32
      %add3A_345 = arith.addi %mul3A_343, %add3A_344 : i32
      %get3A_346 = arith.constant 3 : i32
      %get3A_347 = arith.index_cast %get3A_346 : i32 to index
      %get3A_348 = arith.index_cast %add3A_345 : i32 to index
      %get3A_349 = arith.constant 16 : index
      %get3A_350 = tpu.vector_load %arg6[%get3A_347, %get3A_348, %get3A_349] {strides = array<i32>} : memref<4x128x64xf32, #tpu.memory_space<vmem>>, vector<1x1x16xf32>,
      %get3A_351 = vector.shape_cast %get3A_350 : vector<1x1x16xf32> to vector<16xf32>
      %mul3A_352 = arith.constant 8.000000e+00 : f32
      %mul3A_353 = vector.broadcast %mul3A_352 : f32 to vector<16xf32>
      %mul3A_354 = arith.mulf %get3A_351, %mul3A_353 : vector<16xf32>
      %mul3A_355 = arith.constant 4 : i32
      %mul3A_356 = arith.muli %mul3A_355, %scan3A_319 : i32
      %add3A_357 = arith.constant 0 : i32
      %add3A_358 = arith.addi %mul3A_356, %add3A_357 : i32
      %swap3A_359 = arith.constant 3 : i32
      %swap3A_360 = arith.index_cast %swap3A_359 : i32 to index
      %swap3A_361 = arith.index_cast %add3A_358 : i32 to index
      %swap3A_362 = arith.constant 16 : index
      %swap3A_363 = tpu.vector_load %arg6[%swap3A_360, %swap3A_361, %swap3A_362] {strides = array<i32>} : memref<4x128x64xf32, #tpu.memory_space<vmem>>, vector<1x1x16xf32>,
      %swap3A_364 = vector.shape_cast %swap3A_363 : vector<1x1x16xf32> to vector<16xf32>
      %swap3A_365 = vector.shape_cast %mul3A_354 : vector<16xf32> to vector<1x1x16xf32>
      tpu.vector_store %arg6[%swap3A_360, %swap3A_361, %swap3A_362], %swap3A_365 {strides = array<i32>} : memref<4x128x64xf32, #tpu.memory_space<vmem>>, vector<1x1x16xf32>,
      %mul3A_366 = arith.constant 4 : i32
      %mul3A_367 = arith.muli %mul3A_366, %scan3A_319 : i32
      %add3A_368 = arith.constant 0 : i32
      %add3A_369 = arith.addi %mul3A_367, %add3A_368 : i32
      %get3A_370 = arith.constant 3 : i32
      %get3A_371 = arith.index_cast %get3A_370 : i32 to index
      %get3A_372 = arith.index_cast %add3A_369 : i32 to index
      %get3A_373 = arith.constant 32 : index
      %get3A_374 = tpu.vector_load %arg6[%get3A_371, %get3A_372, %get3A_373] {strides = array<i32>} : memref<4x128x64xf32, #tpu.memory_space<vmem>>, vector<1x1x16xf32>,
      %get3A_375 = vector.shape_cast %get3A_374 : vector<1x1x16xf32> to vector<16xf32>
      %mul3A_376 = arith.constant 8.000000e+00 : f32
      %mul3A_377 = vector.broadcast %mul3A_376 : f32 to vector<16xf32>
      %mul3A_378 = arith.mulf %get3A_375, %mul3A_377 : vector<16xf32>
      %mul3A_379 = arith.constant 4 : i32
      %mul3A_380 = arith.muli %mul3A_379, %scan3A_319 : i32
      %add3A_381 = arith.constant 0 : i32
      %add3A_382 = arith.addi %mul3A_380, %add3A_381 : i32
      %swap3A_383 = arith.constant 3 : i32
      %swap3A_384 = arith.index_cast %swap3A_383 : i32 to index
      %swap3A_385 = arith.index_cast %add3A_382 : i32 to index
      %swap3A_386 = arith.constant 32 : index
      %swap3A_387 = tpu.vector_load %arg6[%swap3A_384, %swap3A_385, %swap3A_386] {strides = array<i32>} : memref<4x128x64xf32, #tpu.memory_space<vmem>>, vector<1x1x16xf32>,
      %swap3A_388 = vector.shape_cast %swap3A_387 : vector<1x1x16xf32> to vector<16xf32>
      %swap3A_389 = vector.shape_cast %mul3A_378 : vector<16xf32> to vector<1x1x16xf32>
      tpu.vector_store %arg6[%swap3A_384, %swap3A_385, %swap3A_386], %swap3A_389 {strides = array<i32>} : memref<4x128x64xf32, #tpu.memory_space<vmem>>, vector<1x1x16xf32>,
      %mul3A_390 = arith.constant 4 : i32
      %mul3A_391 = arith.muli %mul3A_390, %scan3A_319 : i32
      %add3A_392 = arith.constant 0 : i32
      %add3A_393 = arith.addi %mul3A_391, %add3A_392 : i32
      %get3A_394 = arith.constant 3 : i32
      %get3A_395 = arith.index_cast %get3A_394 : i32 to index
      %get3A_396 = arith.index_cast %add3A_393 : i32 to index
      %get3A_397 = arith.constant 48 : index
      %get3A_398 = tpu.vector_load %arg6[%get3A_395, %get3A_396, %get3A_397] {strides = array<i32>} : memref<4x128x64xf32, #tpu.memory_space<vmem>>, vector<1x1x16xf32>,
      %get3A_399 = vector.shape_cast %get3A_398 : vector<1x1x16xf32> to vector<16xf32>
      %mul3A_400 = arith.constant 8.000000e+00 : f32
      %mul3A_401 = vector.broadcast %mul3A_400 : f32 to vector<16xf32>
      %mul3A_402 = arith.mulf %get3A_399, %mul3A_401 : vector<16xf32>
      %mul3A_403 = arith.constant 4 : i32
      %mul3A_404 = arith.muli %mul3A_403, %scan3A_319 : i32
      %add3A_405 = arith.constant 0 : i32
      %add3A_406 = arith.addi %mul3A_404, %add3A_405 : i32
      %swap3A_407 = arith.constant 3 : i32
      %swap3A_408 = arith.index_cast %swap3A_407 : i32 to index
      %swap3A_409 = arith.index_cast %add3A_406 : i32 to index
      %swap3A_410 = arith.constant 48 : index
      %swap3A_411 = tpu.vector_load %arg6[%swap3A_408, %swap3A_409, %swap3A_410] {strides = array<i32>} : memref<4x128x64xf32, #tpu.memory_space<vmem>>, vector<1x1x16xf32>,
      %swap3A_412 = vector.shape_cast %swap3A_411 : vector<1x1x16xf32> to vector<16xf32>
      %swap3A_413 = vector.shape_cast %mul3A_402 : vector<16xf32> to vector<1x1x16xf32>
      tpu.vector_store %arg6[%swap3A_408, %swap3A_409, %swap3A_410], %swap3A_413 {strides = array<i32>} : memref<4x128x64xf32, #tpu.memory_space<vmem>>, vector<1x1x16xf32>,
      %mul3A_414 = arith.constant 4 : i32
      %mul3A_415 = arith.muli %mul3A_414, %scan3A_319 : i32
      %add3A_416 = arith.constant 1 : i32
      %add3A_417 = arith.addi %mul3A_415, %add3A_416 : i32
      %get3A_418 = arith.constant 3 : i32
      %get3A_419 = arith.index_cast %get3A_418 : i32 to index
      %get3A_420 = arith.index_cast %add3A_417 : i32 to index
      %get3A_421 = arith.constant 0 : index
      %get3A_422 = tpu.vector_load %arg6[%get3A_419, %get3A_420, %get3A_421] {strides = array<i32>} : memref<4x128x64xf32, #tpu.memory_space<vmem>>, vector<1x1x16xf32>,
      %get3A_423 = vector.shape_cast %get3A_422 : vector<1x1x16xf32> to vector<16xf32>
      %mul3A_424 = arith.constant 8.000000e+00 : f32
      %mul3A_425 = vector.broadcast %mul3A_424 : f32 to vector<16xf32>
      %mul3A_426 = arith.mulf %get3A_423, %mul3A_425 : vector<16xf32>
      %mul3A_427 = arith.constant 4 : i32
      %mul3A_428 = arith.muli %mul3A_427, %scan3A_319 : i32
      %add3A_429 = arith.constant 1 : i32
      %add3A_430 = arith.addi %mul3A_428, %add3A_429 : i32
      %swap3A_431 = arith.constant 3 : i32
      %swap3A_432 = arith.index_cast %swap3A_431 : i32 to index
      %swap3A_433 = arith.index_cast %add3A_430 : i32 to index
      %swap3A_434 = arith.constant 0 : index
      %swap3A_435 = tpu.vector_load %arg6[%swap3A_432, %swap3A_433, %swap3A_434] {strides = array<i32>} : memref<4x128x64xf32, #tpu.memory_space<vmem>>, vector<1x1x16xf32>,
      %swap3A_436 = vector.shape_cast %swap3A_435 : vector<1x1x16xf32> to vector<16xf32>
      %swap3A_437 = vector.shape_cast %mul3A_426 : vector<16xf32> to vector<1x1x16xf32>
      tpu.vector_store %arg6[%swap3A_432, %swap3A_433, %swap3A_434], %swap3A_437 {strides = array<i32>} : memref<4x128x64xf32, #tpu.memory_space<vmem>>, vector<1x1x16xf32>,
      %mul3A_438 = arith.constant 4 : i32
      %mul3A_439 = arith.muli %mul3A_438, %scan3A_319 : i32
      %add3A_440 = arith.constant 1 : i32
      %add3A_441 = arith.addi %mul3A_439, %add3A_440 : i32
      %get3A_442 = arith.constant 3 : i32
      %get3A_443 = arith.index_cast %get3A_442 : i32 to index
      %get3A_444 = arith.index_cast %add3A_441 : i32 to index
      %get3A_445 = arith.constant 16 : index
      %get3A_446 = tpu.vector_load %arg6[%get3A_443, %get3A_444, %get3A_445] {strides = array<i32>} : memref<4x128x64xf32, #tpu.memory_space<vmem>>, vector<1x1x16xf32>,
      %get3A_447 = vector.shape_cast %get3A_446 : vector<1x1x16xf32> to vector<16xf32>
      %mul3A_448 = arith.constant 8.000000e+00 : f32
      %mul3A_449 = vector.broadcast %mul3A_448 : f32 to vector<16xf32>
      %mul3A_450 = arith.mulf %get3A_447, %mul3A_449 : vector<16xf32>
      %mul3A_451 = arith.constant 4 : i32
      %mul3A_452 = arith.muli %mul3A_451, %scan3A_319 : i32
      %add3A_453 = arith.constant 1 : i32
      %add3A_454 = arith.addi %mul3A_452, %add3A_453 : i32
      %swap3A_455 = arith.constant 3 : i32
      %swap3A_456 = arith.index_cast %swap3A_455 : i32 to index
      %swap3A_457 = arith.index_cast %add3A_454 : i32 to index
      %swap3A_458 = arith.constant 16 : index
      %swap3A_459 = tpu.vector_load %arg6[%swap3A_456, %swap3A_457, %swap3A_458] {strides = array<i32>} : memref<4x128x64xf32, #tpu.memory_space<vmem>>, vector<1x1x16xf32>,
      %swap3A_460 = vector.shape_cast %swap3A_459 : vector<1x1x16xf32> to vector<16xf32>
      %swap3A_461 = vector.shape_cast %mul3A_450 : vector<16xf32> to vector<1x1x16xf32>
      tpu.vector_store %arg6[%swap3A_456, %swap3A_457, %swap3A_458], %swap3A_461 {strides = array<i32>} : memref<4x128x64xf32, #tpu.memory_space<vmem>>, vector<1x1x16xf32>,
      %mul3A_462 = arith.constant 4 : i32
      %mul3A_463 = arith.muli %mul3A_462, %scan3A_319 : i32
      %add3A_464 = arith.constant 1 : i32
      %add3A_465 = arith.addi %mul3A_463, %add3A_464 : i32
      %get3A_466 = arith.constant 3 : i32
      %get3A_467 = arith.index_cast %get3A_466 : i32 to index
      %get3A_468 = arith.index_cast %add3A_465 : i32 to index
      %get3A_469 = arith.constant 32 : index
      %get3A_470 = tpu.vector_load %arg6[%get3A_467, %get3A_468, %get3A_469] {strides = array<i32>} : memref<4x128x64xf32, #tpu.memory_space<vmem>>, vector<1x1x16xf32>,
      %get3A_471 = vector.shape_cast %get3A_470 : vector<1x1x16xf32> to vector<16xf32>
      %mul3A_472 = arith.constant 8.000000e+00 : f32
      %mul3A_473 = vector.broadcast %mul3A_472 : f32 to vector<16xf32>
      %mul3A_474 = arith.mulf %get3A_471, %mul3A_473 : vector<16xf32>
      %mul3A_475 = arith.constant 4 : i32
      %mul3A_476 = arith.muli %mul3A_475, %scan3A_319 : i32
      %add3A_477 = arith.constant 1 : i32
      %add3A_478 = arith.addi %mul3A_476, %add3A_477 : i32
      %swap3A_479 = arith.constant 3 : i32
      %swap3A_480 = arith.index_cast %swap3A_479 : i32 to index
      %swap3A_481 = arith.index_cast %add3A_478 : i32 to index
      %swap3A_482 = arith.constant 32 : index
      %swap3A_483 = tpu.vector_load %arg6[%swap3A_480, %swap3A_481, %swap3A_482] {strides = array<i32>} : memref<4x128x64xf32, #tpu.memory_space<vmem>>, vector<1x1x16xf32>,
      %swap3A_484 = vector.shape_cast %swap3A_483 : vector<1x1x16xf32> to vector<16xf32>
      %swap3A_485 = vector.shape_cast %mul3A_474 : vector<16xf32> to vector<1x1x16xf32>
      tpu.vector_store %arg6[%swap3A_480, %swap3A_481, %swap3A_482], %swap3A_485 {strides = array<i32>} : memref<4x128x64xf32, #tpu.memory_space<vmem>>, vector<1x1x16xf32>,
      %mul3A_486 = arith.constant 4 : i32
      %mul3A_487 = arith.muli %mul3A_486, %scan3A_319 : i32
      %add3A_488 = arith.constant 1 : i32
      %add3A_489 = arith.addi %mul3A_487, %add3A_488 : i32
      %get3A_490 = arith.constant 3 : i32
      %get3A_491 = arith.index_cast %get3A_490 : i32 to index
      %get3A_492 = arith.index_cast %add3A_489 : i32 to index
      %get3A_493 = arith.constant 48 : index
      %get3A_494 = tpu.vector_load %arg6[%get3A_491, %get3A_492, %get3A_493] {strides = array<i32>} : memref<4x128x64xf32, #tpu.memory_space<vmem>>, vector<1x1x16xf32>,
      %get3A_495 = vector.shape_cast %get3A_494 : vector<1x1x16xf32> to vector<16xf32>
      %mul3A_496 = arith.constant 8.000000e+00 : f32
      %mul3A_497 = vector.broadcast %mul3A_496 : f32 to vector<16xf32>
      %mul3A_498 = arith.mulf %get3A_495, %mul3A_497 : vector<16xf32>
      %mul3A_499 = arith.constant 4 : i32
      %mul3A_500 = arith.muli %mul3A_499, %scan3A_319 : i32
      %add3A_501 = arith.constant 1 : i32
      %add3A_502 = arith.addi %mul3A_500, %add3A_501 : i32
      %swap3A_503 = arith.constant 3 : i32
      %swap3A_504 = arith.index_cast %swap3A_503 : i32 to index
      %swap3A_505 = arith.index_cast %add3A_502 : i32 to index
      %swap3A_506 = arith.constant 48 : index
      %swap3A_507 = tpu.vector_load %arg6[%swap3A_504, %swap3A_505, %swap3A_506] {strides = array<i32>} : memref<4x128x64xf32, #tpu.memory_space<vmem>>, vector<1x1x16xf32>,
      %swap3A_508 = vector.shape_cast %swap3A_507 : vector<1x1x16xf32> to vector<16xf32>
      %swap3A_509 = vector.shape_cast %mul3A_498 : vector<16xf32> to vector<1x1x16xf32>
      tpu.vector_store %arg6[%swap3A_504, %swap3A_505, %swap3A_506], %swap3A_509 {strides = array<i32>} : memref<4x128x64xf32, #tpu.memory_space<vmem>>, vector<1x1x16xf32>,
      %mul3A_510 = arith.constant 4 : i32
      %mul3A_511 = arith.muli %mul3A_510, %scan3A_319 : i32
      %add3A_512 = arith.constant 2 : i32
      %add3A_513 = arith.addi %mul3A_511, %add3A_512 : i32
      %get3A_514 = arith.constant 3 : i32
      %get3A_515 = arith.index_cast %get3A_514 : i32 to index
      %get3A_516 = arith.index_cast %add3A_513 : i32 to index
      %get3A_517 = arith.constant 0 : index
      %get3A_518 = tpu.vector_load %arg6[%get3A_515, %get3A_516, %get3A_517] {strides = array<i32>} : memref<4x128x64xf32, #tpu.memory_space<vmem>>, vector<1x1x16xf32>,
      %get3A_519 = vector.shape_cast %get3A_518 : vector<1x1x16xf32> to vector<16xf32>
      %mul3A_520 = arith.constant 8.000000e+00 : f32
      %mul3A_521 = vector.broadcast %mul3A_520 : f32 to vector<16xf32>
      %mul3A_522 = arith.mulf %get3A_519, %mul3A_521 : vector<16xf32>
      %mul3A_523 = arith.constant 4 : i32
      %mul3A_524 = arith.muli %mul3A_523, %scan3A_319 : i32
      %add3A_525 = arith.constant 2 : i32
      %add3A_526 = arith.addi %mul3A_524, %add3A_525 : i32
      %swap3A_527 = arith.constant 3 : i32
      %swap3A_528 = arith.index_cast %swap3A_527 : i32 to index
      %swap3A_529 = arith.index_cast %add3A_526 : i32 to index
      %swap3A_530 = arith.constant 0 : index
      %swap3A_531 = tpu.vector_load %arg6[%swap3A_528, %swap3A_529, %swap3A_530] {strides = array<i32>} : memref<4x128x64xf32, #tpu.memory_space<vmem>>, vector<1x1x16xf32>,
      %swap3A_532 = vector.shape_cast %swap3A_531 : vector<1x1x16xf32> to vector<16xf32>
      %swap3A_533 = vector.shape_cast %mul3A_522 : vector<16xf32> to vector<1x1x16xf32>
      tpu.vector_store %arg6[%swap3A_528, %swap3A_529, %swap3A_530], %swap3A_533 {strides = array<i32>} : memref<4x128x64xf32, #tpu.memory_space<vmem>>, vector<1x1x16xf32>,
      %mul3A_534 = arith.constant 4 : i32
      %mul3A_535 = arith.muli %mul3A_534, %scan3A_319 : i32
      %add3A_536 = arith.constant 2 : i32
      %add3A_537 = arith.addi %mul3A_535, %add3A_536 : i32
      %get3A_538 = arith.constant 3 : i32
      %get3A_539 = arith.index_cast %get3A_538 : i32 to index
      %get3A_540 = arith.index_cast %add3A_537 : i32 to index
      %get3A_541 = arith.constant 16 : index
      %get3A_542 = tpu.vector_load %arg6[%get3A_539, %get3A_540, %get3A_541] {strides = array<i32>} : memref<4x128x64xf32, #tpu.memory_space<vmem>>, vector<1x1x16xf32>,
      %get3A_543 = vector.shape_cast %get3A_542 : vector<1x1x16xf32> to vector<16xf32>
      %mul3A_544 = arith.constant 8.000000e+00 : f32
      %mul3A_545 = vector.broadcast %mul3A_544 : f32 to vector<16xf32>
      %mul3A_546 = arith.mulf %get3A_543, %mul3A_545 : vector<16xf32>
      %mul3A_547 = arith.constant 4 : i32
      %mul3A_548 = arith.muli %mul3A_547, %scan3A_319 : i32
      %add3A_549 = arith.constant 2 : i32
      %add3A_550 = arith.addi %mul3A_548, %add3A_549 : i32
      %swap3A_551 = arith.constant 3 : i32
      %swap3A_552 = arith.index_cast %swap3A_551 : i32 to index
      %swap3A_553 = arith.index_cast %add3A_550 : i32 to index
      %swap3A_554 = arith.constant 16 : index
      %swap3A_555 = tpu.vector_load %arg6[%swap3A_552, %swap3A_553, %swap3A_554] {strides = array<i32>} : memref<4x128x64xf32, #tpu.memory_space<vmem>>, vector<1x1x16xf32>,
      %swap3A_556 = vector.shape_cast %swap3A_555 : vector<1x1x16xf32> to vector<16xf32>
      %swap3A_557 = vector.shape_cast %mul3A_546 : vector<16xf32> to vector<1x1x16xf32>
      tpu.vector_store %arg6[%swap3A_552, %swap3A_553, %swap3A_554], %swap3A_557 {strides = array<i32>} : memref<4x128x64xf32, #tpu.memory_space<vmem>>, vector<1x1x16xf32>,
      %mul3A_558 = arith.constant 4 : i32
      %mul3A_559 = arith.muli %mul3A_558, %scan3A_319 : i32
      %add3A_560 = arith.constant 2 : i32
      %add3A_561 = arith.addi %mul3A_559, %add3A_560 : i32
      %get3A_562 = arith.constant 3 : i32
      %get3A_563 = arith.index_cast %get3A_562 : i32 to index
      %get3A_564 = arith.index_cast %add3A_561 : i32 to index
      %get3A_565 = arith.constant 32 : index
      %get3A_566 = tpu.vector_load %arg6[%get3A_563, %get3A_564, %get3A_565] {strides = array<i32>} : memref<4x128x64xf32, #tpu.memory_space<vmem>>, vector<1x1x16xf32>,
      %get3A_567 = vector.shape_cast %get3A_566 : vector<1x1x16xf32> to vector<16xf32>
      %mul3A_568 = arith.constant 8.000000e+00 : f32
      %mul3A_569 = vector.broadcast %mul3A_568 : f32 to vector<16xf32>
      %mul3A_570 = arith.mulf %get3A_567, %mul3A_569 : vector<16xf32>
      %mul3A_571 = arith.constant 4 : i32
      %mul3A_572 = arith.muli %mul3A_571, %scan3A_319 : i32
      %add3A_573 = arith.constant 2 : i32
      %add3A_574 = arith.addi %mul3A_572, %add3A_573 : i32
      %swap3A_575 = arith.constant 3 : i32
      %swap3A_576 = arith.index_cast %swap3A_575 : i32 to index
      %swap3A_577 = arith.index_cast %add3A_574 : i32 to index
      %swap3A_578 = arith.constant 32 : index
      %swap3A_579 = tpu.vector_load %arg6[%swap3A_576, %swap3A_577, %swap3A_578] {strides = array<i32>} : memref<4x128x64xf32, #tpu.memory_space<vmem>>, vector<1x1x16xf32>,
      %swap3A_580 = vector.shape_cast %swap3A_579 : vector<1x1x16xf32> to vector<16xf32>
      %swap3A_581 = vector.shape_cast %mul3A_570 : vector<16xf32> to vector<1x1x16xf32>
      tpu.vector_store %arg6[%swap3A_576, %swap3A_577, %swap3A_578], %swap3A_581 {strides = array<i32>} : memref<4x128x64xf32, #tpu.memory_space<vmem>>, vector<1x1x16xf32>,
      %mul3A_582 = arith.constant 4 : i32
      %mul3A_583 = arith.muli %mul3A_582, %scan3A_319 : i32
      %add3A_584 = arith.constant 2 : i32
      %add3A_585 = arith.addi %mul3A_583, %add3A_584 : i32
      %get3A_586 = arith.constant 3 : i32
      %get3A_587 = arith.index_cast %get3A_586 : i32 to index
      %get3A_588 = arith.index_cast %add3A_585 : i32 to index
      %get3A_589 = arith.constant 48 : index
      %get3A_590 = tpu.vector_load %arg6[%get3A_587, %get3A_588, %get3A_589] {strides = array<i32>} : memref<4x128x64xf32, #tpu.memory_space<vmem>>, vector<1x1x16xf32>,
      %get3A_591 = vector.shape_cast %get3A_590 : vector<1x1x16xf32> to vector<16xf32>
      %mul3A_592 = arith.constant 8.000000e+00 : f32
      %mul3A_593 = vector.broadcast %mul3A_592 : f32 to vector<16xf32>
      %mul3A_594 = arith.mulf %get3A_591, %mul3A_593 : vector<16xf32>
      %mul3A_595 = arith.constant 4 : i32
      %mul3A_596 = arith.muli %mul3A_595, %scan3A_319 : i32
      %add3A_597 = arith.constant 2 : i32
      %add3A_598 = arith.addi %mul3A_596, %add3A_597 : i32
      %swap3A_599 = arith.constant 3 : i32
      %swap3A_600 = arith.index_cast %swap3A_599 : i32 to index
      %swap3A_601 = arith.index_cast %add3A_598 : i32 to index
      %swap3A_602 = arith.constant 48 : index
      %swap3A_603 = tpu.vector_load %arg6[%swap3A_600, %swap3A_601, %swap3A_602] {strides = array<i32>} : memref<4x128x64xf32, #tpu.memory_space<vmem>>, vector<1x1x16xf32>,
      %swap3A_604 = vector.shape_cast %swap3A_603 : vector<1x1x16xf32> to vector<16xf32>
      %swap3A_605 = vector.shape_cast %mul3A_594 : vector<16xf32> to vector<1x1x16xf32>
      tpu.vector_store %arg6[%swap3A_600, %swap3A_601, %swap3A_602], %swap3A_605 {strides = array<i32>} : memref<4x128x64xf32, #tpu.memory_space<vmem>>, vector<1x1x16xf32>,
      %mul3A_606 = arith.constant 4 : i32
      %mul3A_607 = arith.muli %mul3A_606, %scan3A_319 : i32
      %add3A_608 = arith.constant 3 : i32
      %add3A_609 = arith.addi %mul3A_607, %add3A_608 : i32
      %get3A_610 = arith.constant 3 : i32
      %get3A_611 = arith.index_cast %get3A_610 : i32 to index
      %get3A_612 = arith.index_cast %add3A_609 : i32 to index
      %get3A_613 = arith.constant 0 : index
      %get3A_614 = tpu.vector_load %arg6[%get3A_611, %get3A_612, %get3A_613] {strides = array<i32>} : memref<4x128x64xf32, #tpu.memory_space<vmem>>, vector<1x1x16xf32>,
      %get3A_615 = vector.shape_cast %get3A_614 : vector<1x1x16xf32> to vector<16xf32>
      %mul3A_616 = arith.constant 8.000000e+00 : f32
      %mul3A_617 = vector.broadcast %mul3A_616 : f32 to vector<16xf32>
      %mul3A_618 = arith.mulf %get3A_615, %mul3A_617 : vector<16xf32>
      %mul3A_619 = arith.constant 4 : i32
      %mul3A_620 = arith.muli %mul3A_619, %scan3A_319 : i32
      %add3A_621 = arith.constant 3 : i32
      %add3A_622 = arith.addi %mul3A_620, %add3A_621 : i32
      %swap3A_623 = arith.constant 3 : i32
      %swap3A_624 = arith.index_cast %swap3A_623 : i32 to index
      %swap3A_625 = arith.index_cast %add3A_622 : i32 to index
      %swap3A_626 = arith.constant 0 : index
      %swap3A_627 = tpu.vector_load %arg6[%swap3A_624, %swap3A_625, %swap3A_626] {strides = array<i32>} : memref<4x128x64xf32, #tpu.memory_space<vmem>>, vector<1x1x16xf32>,
      %swap3A_628 = vector.shape_cast %swap3A_627 : vector<1x1x16xf32> to vector<16xf32>
      %swap3A_629 = vector.shape_cast %mul3A_618 : vector<16xf32> to vector<1x1x16xf32>
      tpu.vector_store %arg6[%swap3A_624, %swap3A_625, %swap3A_626], %swap3A_629 {strides = array<i32>} : memref<4x128x64xf32, #tpu.memory_space<vmem>>, vector<1x1x16xf32>,
      %mul3A_630 = arith.constant 4 : i32
      %mul3A_631 = arith.muli %mul3A_630, %scan3A_319 : i32
      %add3A_632 = arith.constant 3 : i32
      %add3A_633 = arith.addi %mul3A_631, %add3A_632 : i32
      %get3A_634 = arith.constant 3 : i32
      %get3A_635 = arith.index_cast %get3A_634 : i32 to index
      %get3A_636 = arith.index_cast %add3A_633 : i32 to index
      %get3A_637 = arith.constant 16 : index
      %get3A_638 = tpu.vector_load %arg6[%get3A_635, %get3A_636, %get3A_637] {strides = array<i32>} : memref<4x128x64xf32, #tpu.memory_space<vmem>>, vector<1x1x16xf32>,
      %get3A_639 = vector.shape_cast %get3A_638 : vector<1x1x16xf32> to vector<16xf32>
      %mul3A_640 = arith.constant 8.000000e+00 : f32
      %mul3A_641 = vector.broadcast %mul3A_640 : f32 to vector<16xf32>
      %mul3A_642 = arith.mulf %get3A_639, %mul3A_641 : vector<16xf32>
      %mul3A_643 = arith.constant 4 : i32
      %mul3A_644 = arith.muli %mul3A_643, %scan3A_319 : i32
      %add3A_645 = arith.constant 3 : i32
      %add3A_646 = arith.addi %mul3A_644, %add3A_645 : i32
      %swap3A_647 = arith.constant 3 : i32
      %swap3A_648 = arith.index_cast %swap3A_647 : i32 to index
      %swap3A_649 = arith.index_cast %add3A_646 : i32 to index
      %swap3A_650 = arith.constant 16 : index
      %swap3A_651 = tpu.vector_load %arg6[%swap3A_648, %swap3A_649, %swap3A_650] {strides = array<i32>} : memref<4x128x64xf32, #tpu.memory_space<vmem>>, vector<1x1x16xf32>,
      %swap3A_652 = vector.shape_cast %swap3A_651 : vector<1x1x16xf32> to vector<16xf32>
      %swap3A_653 = vector.shape_cast %mul3A_642 : vector<16xf32> to vector<1x1x16xf32>
      tpu.vector_store %arg6[%swap3A_648, %swap3A_649, %swap3A_650], %swap3A_653 {strides = array<i32>} : memref<4x128x64xf32, #tpu.memory_space<vmem>>, vector<1x1x16xf32>,
      %mul3A_654 = arith.constant 4 : i32
      %mul3A_655 = arith.muli %mul3A_654, %scan3A_319 : i32
      %add3A_656 = arith.constant 3 : i32
      %add3A_657 = arith.addi %mul3A_655, %add3A_656 : i32
      %get3A_658 = arith.constant 3 : i32
      %get3A_659 = arith.index_cast %get3A_658 : i32 to index
      %get3A_660 = arith.index_cast %add3A_657 : i32 to index
      %get3A_661 = arith.constant 32 : index
      %get3A_662 = tpu.vector_load %arg6[%get3A_659, %get3A_660, %get3A_661] {strides = array<i32>} : memref<4x128x64xf32, #tpu.memory_space<vmem>>, vector<1x1x16xf32>,
      %get3A_663 = vector.shape_cast %get3A_662 : vector<1x1x16xf32> to vector<16xf32>
      %mul3A_664 = arith.constant 8.000000e+00 : f32
      %mul3A_665 = vector.broadcast %mul3A_664 : f32 to vector<16xf32>
      %mul3A_666 = arith.mulf %get3A_663, %mul3A_665 : vector<16xf32>
      %mul3A_667 = arith.constant 4 : i32
      %mul3A_668 = arith.muli %mul3A_667, %scan3A_319 : i32
      %add3A_669 = arith.constant 3 : i32
      %add3A_670 = arith.addi %mul3A_668, %add3A_669 : i32
      %swap3A_671 = arith.constant 3 : i32
      %swap3A_672 = arith.index_cast %swap3A_671 : i32 to index
      %swap3A_673 = arith.index_cast %add3A_670 : i32 to index
      %swap3A_674 = arith.constant 32 : index
      %swap3A_675 = tpu.vector_load %arg6[%swap3A_672, %swap3A_673, %swap3A_674] {strides = array<i32>} : memref<4x128x64xf32, #tpu.memory_space<vmem>>, vector<1x1x16xf32>,
      %swap3A_676 = vector.shape_cast %swap3A_675 : vector<1x1x16xf32> to vector<16xf32>
      %swap3A_677 = vector.shape_cast %mul3A_666 : vector<16xf32> to vector<1x1x16xf32>
      tpu.vector_store %arg6[%swap3A_672, %swap3A_673, %swap3A_674], %swap3A_677 {strides = array<i32>} : memref<4x128x64xf32, #tpu.memory_space<vmem>>, vector<1x1x16xf32>,
      %mul3A_678 = arith.constant 4 : i32
      %mul3A_679 = arith.muli %mul3A_678, %scan3A_319 : i32
      %add3A_680 = arith.constant 3 : i32
      %add3A_681 = arith.addi %mul3A_679, %add3A_680 : i32
      %get3A_682 = arith.constant 3 : i32
      %get3A_683 = arith.index_cast %get3A_682 : i32 to index
      %get3A_684 = arith.index_cast %add3A_681 : i32 to index
      %get3A_685 = arith.constant 48 : index
      %get3A_686 = tpu.vector_load %arg6[%get3A_683, %get3A_684, %get3A_685] {strides = array<i32>} : memref<4x128x64xf32, #tpu.memory_space<vmem>>, vector<1x1x16xf32>,
      %get3A_687 = vector.shape_cast %get3A_686 : vector<1x1x16xf32> to vector<16xf32>
      %mul3A_688 = arith.constant 8.000000e+00 : f32
      %mul3A_689 = vector.broadcast %mul3A_688 : f32 to vector<16xf32>
      %mul3A_690 = arith.mulf %get3A_687, %mul3A_689 : vector<16xf32>
      %mul3A_691 = arith.constant 4 : i32
      %mul3A_692 = arith.muli %mul3A_691, %scan3A_319 : i32
      %add3A_693 = arith.constant 3 : i32
      %add3A_694 = arith.addi %mul3A_692, %add3A_693 : i32
      %swap3A_695 = arith.constant 3 : i32
      %swap3A_696 = arith.index_cast %swap3A_695 : i32 to index
      %swap3A_697 = arith.index_cast %add3A_694 : i32 to index
      %swap3A_698 = arith.constant 48 : index
      %swap3A_699 = tpu.vector_load %arg6[%swap3A_696, %swap3A_697, %swap3A_698] {strides = array<i32>} : memref<4x128x64xf32, #tpu.memory_space<vmem>>, vector<1x1x16xf32>,
      %swap3A_700 = vector.shape_cast %swap3A_699 : vector<1x1x16xf32> to vector<16xf32>
      %swap3A_701 = vector.shape_cast %mul3A_690 : vector<16xf32> to vector<1x1x16xf32>
      tpu.vector_store %arg6[%swap3A_696, %swap3A_697, %swap3A_698], %swap3A_701 {strides = array<i32>} : memref<4x128x64xf32, #tpu.memory_space<vmem>>, vector<1x1x16xf32>,
    }
    %scan3A_230 = arith.constant 32 : i32
    %add3A_231 = arith.constant 384 : i32
    %add3A_232 = arith.addi %mul3A_4, %add3A_231 : i32
    %dma_start3A_233 = arith.constant 3 : i32
    %dma_start3A_234 = arith.constant 3 : i32
    %dma_start3A_235 = arith.constant 0 : i32
    %dma_start3A_236 = arith.constant 0 : i32
    %dma_start3A_237 = tpu.memref_slice %arg6[%dma_start3A_233, %dma_start3A_235, %dma_start3A_236] : memref<4x128x64xf32, #tpu.memory_space<vmem>> -> memref<1x128x64xf32, #tpu.memory_space<vmem>>
    %dma_start3A_238 = tpu.memref_squeeze %dma_start3A_237 : memref<1x128x64xf32, #tpu.memory_space<vmem>> -> memref<128x64xf32, #tpu.memory_space<vmem>>
    %dma_start3A_239 = arith.constant 0 : i32
    %dma_start3A_240 = tpu.memref_slice %arg4[%add3A_232, %dma_start3A_239] : memref<819200x128xf32, #tpu.memory_space<hbm>> -> memref<128x64xf32, #tpu.memory_space<hbm>>
    %dma_start3A_241 = tpu.memref_slice %arg8[%dma_start3A_234] : memref<4x!tpu.dma_semaphore, #tpu.memory_space<semaphore_mem>> -> memref<1x!tpu.dma_semaphore, #tpu.memory_space<semaphore_mem>>
    %dma_start3A_242 = tpu.memref_squeeze %dma_start3A_241 : memref<1x!tpu.dma_semaphore, #tpu.memory_space<semaphore_mem>> -> memref<!tpu.dma_semaphore, #tpu.memory_space<semaphore_mem>>
    %dma_start3A_243 = arith.constant 0 : i32
    %dma_start3A_244 = tpu.memref_slice %arg4[%add3A_232, %dma_start3A_243] : memref<819200x128xf32, #tpu.memory_space<hbm>> -> memref<128x64xf32, #tpu.memory_space<hbm>>
    %dma_start3A_245 = arith.constant 0 : i32
    %dma_start3A_246 = arith.constant 0 : i32
    %dma_start3A_247 = tpu.memref_slice %arg6[%dma_start3A_233, %dma_start3A_245, %dma_start3A_246] : memref<4x128x64xf32, #tpu.memory_space<vmem>> -> memref<1x128x64xf32, #tpu.memory_space<vmem>>
    %dma_start3A_248 = tpu.memref_squeeze %dma_start3A_247 : memref<1x128x64xf32, #tpu.memory_space<vmem>> -> memref<128x64xf32, #tpu.memory_space<vmem>>
    tpu.enqueue_dma source(%dma_start3A_248 : memref<128x64xf32, #tpu.memory_space<vmem>>) target(%dma_start3A_244 : memref<128x64xf32, #tpu.memory_space<hbm>>) target_semaphore(%dma_start3A_242 : memref<!tpu.dma_semaphore, #tpu.memory_space<semaphore_mem>>)
    %scan3A_249 = arith.constant 0 : i32
    %scan3A_250 = arith.constant 1 : i32
    %scan3A_251 = arith.constant 49 : i32
    %scan3A_252 = arith.addi %scan3A_250, %scan3A_251 : i32
    %scan3A_253 = arith.constant 1 : i32
    scf.for %scan3A_319 = %scan3A_250 to %scan3A_252 step %scan3A_253  : i32 {
      %mul3A_320 = arith.constant 4 : i32
      %mul3A_321 = arith.muli %scan3A_319, %mul3A_320 : i32
      %add3A_322 = arith.constant 0 : i32
      %add3A_323 = arith.addi %mul3A_321, %add3A_322 : i32
      %dma_wait3A_324 = arith.constant 0 : i32
      %dma_wait3A_325 = arith.constant 0 : i32
      %dma_wait3A_326 = arith.constant 0 : i32
      %dma_wait3A_327 = arith.constant 0 : i32
      %dma_wait3A_328 = arith.constant 0 : i32
      %dma_wait3A_329 = tpu.memref_slice %arg6[%dma_wait3A_325, %dma_wait3A_327, %dma_wait3A_328] : memref<4x128x64xf32, #tpu.memory_space<vmem>> -> memref<1x128x64xf32, #tpu.memory_space<vmem>>
      %dma_wait3A_330 = tpu.memref_squeeze %dma_wait3A_329 : memref<1x128x64xf32, #tpu.memory_space<vmem>> -> memref<128x64xf32, #tpu.memory_space<vmem>>
      %dma_wait3A_331 = arith.constant 0 : i32
      %dma_wait3A_332 = tpu.memref_slice %arg5[%dma_wait3A_324, %dma_wait3A_331] : memref<200x128xi32, #tpu.memory_space<vmem>> -> memref<1x128xi32, #tpu.memory_space<vmem>>
      %dma_wait3A_333 = tpu.memref_squeeze %dma_wait3A_332 : memref<1x128xi32, #tpu.memory_space<vmem>> -> memref<128xi32, #tpu.memory_space<vmem>>
      %dma_wait3A_334 = arith.constant 0 : i32
      %dma_wait3A_335 = arith.constant 0 : i32
      %dma_wait3A_336 = tpu.memref_slice %arg3[%dma_wait3A_334, %dma_wait3A_335] : memref<1000000x64xf32, #tpu.memory_space<hbm>> -> memref<1000000x64xf32, #tpu.memory_space<hbm>>
      %dma_wait3A_337 = tpu.memref_slice %arg7[%dma_wait3A_326] : memref<4x!tpu.dma_semaphore, #tpu.memory_space<semaphore_mem>> -> memref<1x!tpu.dma_semaphore, #tpu.memory_space<semaphore_mem>>
      %dma_wait3A_338 = tpu.memref_squeeze %dma_wait3A_337 : memref<1x!tpu.dma_semaphore, #tpu.memory_space<semaphore_mem>> -> memref<!tpu.dma_semaphore, #tpu.memory_space<semaphore_mem>>
      tpu.wait_indirect_dma semaphore(%dma_wait3A_338 : memref<!tpu.dma_semaphore, #tpu.memory_space<semaphore_mem>>) src(%dma_wait3A_336 : memref<1000000x64xf32, #tpu.memory_space<hbm>>) dst(%dma_wait3A_330 : memref<128x64xf32, #tpu.memory_space<vmem>>)
      %dma_wait3A_339 = arith.constant 1 : i32
      %dma_wait3A_340 = arith.constant 1 : i32
      %dma_wait3A_341 = arith.constant 0 : i32
      %dma_wait3A_342 = arith.constant 0 : i32
      %dma_wait3A_343 = tpu.memref_slice %arg6[%dma_wait3A_339, %dma_wait3A_341, %dma_wait3A_342] : memref<4x128x64xf32, #tpu.memory_space<vmem>> -> memref<1x128x64xf32, #tpu.memory_space<vmem>>
      %dma_wait3A_344 = tpu.memref_squeeze %dma_wait3A_343 : memref<1x128x64xf32, #tpu.memory_space<vmem>> -> memref<128x64xf32, #tpu.memory_space<vmem>>
      %dma_wait3A_345 = arith.constant 0 : i32
      %dma_wait3A_346 = tpu.memref_slice %arg4[%mul3A_4, %dma_wait3A_345] : memref<819200x128xf32, #tpu.memory_space<hbm>> -> memref<128x64xf32, #tpu.memory_space<hbm>>
      %dma_wait3A_347 = tpu.memref_slice %arg8[%dma_wait3A_340] : memref<4x!tpu.dma_semaphore, #tpu.memory_space<semaphore_mem>> -> memref<1x!tpu.dma_semaphore, #tpu.memory_space<semaphore_mem>>
      %dma_wait3A_348 = tpu.memref_squeeze %dma_wait3A_347 : memref<1x!tpu.dma_semaphore, #tpu.memory_space<semaphore_mem>> -> memref<!tpu.dma_semaphore, #tpu.memory_space<semaphore_mem>>
      %dma_wait3A_349 = arith.constant 0 : i32
      %dma_wait3A_350 = tpu.memref_slice %arg4[%mul3A_4, %dma_wait3A_349] : memref<819200x128xf32, #tpu.memory_space<hbm>> -> memref<128x64xf32, #tpu.memory_space<hbm>>
      %dma_wait3A_351 = arith.constant 0 : i32
      %dma_wait3A_352 = arith.constant 0 : i32
      %dma_wait3A_353 = tpu.memref_slice %arg6[%dma_wait3A_339, %dma_wait3A_351, %dma_wait3A_352] : memref<4x128x64xf32, #tpu.memory_space<vmem>> -> memref<1x128x64xf32, #tpu.memory_space<vmem>>
      %dma_wait3A_354 = tpu.memref_squeeze %dma_wait3A_353 : memref<1x128x64xf32, #tpu.memory_space<vmem>> -> memref<128x64xf32, #tpu.memory_space<vmem>>
      tpu.wait_dma2 semaphore(%dma_wait3A_348 : memref<!tpu.dma_semaphore, #tpu.memory_space<semaphore_mem>>) src(%dma_wait3A_354 : memref<128x64xf32, #tpu.memory_space<vmem>>) dst(%dma_wait3A_350 : memref<128x64xf32, #tpu.memory_space<hbm>>)
      %add3A_355 = arith.constant 1 : i32
      %add3A_356 = arith.addi %add3A_323, %add3A_355 : i32
      %dma_start3A_357 = arith.constant 1 : i32
      %dma_start3A_358 = arith.constant 1 : i32
      %dma_start3A_359 = arith.constant 0 : i32
      %dma_start3A_360 = arith.constant 0 : i32
      %dma_start3A_361 = tpu.memref_slice %arg6[%dma_start3A_357, %dma_start3A_359, %dma_start3A_360] : memref<4x128x64xf32, #tpu.memory_space<vmem>> -> memref<1x128x64xf32, #tpu.memory_space<vmem>>
      %dma_start3A_362 = tpu.memref_squeeze %dma_start3A_361 : memref<1x128x64xf32, #tpu.memory_space<vmem>> -> memref<128x64xf32, #tpu.memory_space<vmem>>
      %dma_start3A_363 = arith.constant 0 : i32
      %dma_start3A_364 = tpu.memref_slice %arg5[%add3A_356, %dma_start3A_363] : memref<200x128xi32, #tpu.memory_space<vmem>> -> memref<1x128xi32, #tpu.memory_space<vmem>>
      %dma_start3A_365 = tpu.memref_squeeze %dma_start3A_364 : memref<1x128xi32, #tpu.memory_space<vmem>> -> memref<128xi32, #tpu.memory_space<vmem>>
      %dma_start3A_366 = arith.constant 0 : i32
      %dma_start3A_367 = arith.constant 0 : i32
      %dma_start3A_368 = tpu.memref_slice %arg3[%dma_start3A_366, %dma_start3A_367] : memref<1000000x64xf32, #tpu.memory_space<hbm>> -> memref<1000000x64xf32, #tpu.memory_space<hbm>>
      %dma_start3A_369 = tpu.memref_slice %arg7[%dma_start3A_358] : memref<4x!tpu.dma_semaphore, #tpu.memory_space<semaphore_mem>> -> memref<1x!tpu.dma_semaphore, #tpu.memory_space<semaphore_mem>>
      %dma_start3A_370 = tpu.memref_squeeze %dma_start3A_369 : memref<1x!tpu.dma_semaphore, #tpu.memory_space<semaphore_mem>> -> memref<!tpu.dma_semaphore, #tpu.memory_space<semaphore_mem>>
      tpu.enqueue_indirect_dma source(%dma_start3A_368 : memref<1000000x64xf32, #tpu.memory_space<hbm>>) target(%dma_start3A_362 : memref<128x64xf32, #tpu.memory_space<vmem>>) offsets(%dma_start3A_365 : memref<128xi32, #tpu.memory_space<vmem>>) semaphore(%dma_start3A_370 : memref<!tpu.dma_semaphore, #tpu.memory_space<semaphore_mem>>)
      %scan3A_371 = arith.constant 0 : i32
      %scan3A_372 = arith.constant 0 : i32
      %scan3A_373 = arith.constant 32 : i32
      %scan3A_374 = arith.addi %scan3A_372, %scan3A_373 : i32
      %scan3A_375 = arith.constant 1 : i32
      scf.for %scan3A_590 = %scan3A_372 to %scan3A_374 step %scan3A_375  : i32 {
        %mul3A_591 = arith.constant 4 : i32
        %mul3A_592 = arith.muli %mul3A_591, %scan3A_590 : i32
        %add3A_593 = arith.constant 0 : i32
        %add3A_594 = arith.addi %mul3A_592, %add3A_593 : i32
        %get3A = arith.constant 0 : i32
        %get3A_595 = arith.index_cast %get3A : i32 to index
        %get3A_596 = arith.index_cast %add3A_594 : i32 to index
        %get3A_597 = arith.constant 0 : index
        %get3A_598 = tpu.vector_load %arg6[%get3A_595, %get3A_596, %get3A_597] {strides = array<i32>} : memref<4x128x64xf32, #tpu.memory_space<vmem>>, vector<1x1x16xf32>,
        %get3A_599 = vector.shape_cast %get3A_598 : vector<1x1x16xf32> to vector<16xf32>
        %mul3A_600 = arith.constant 8.000000e+00 : f32
        %mul3A_601 = vector.broadcast %mul3A_600 : f32 to vector<16xf32>
        %mul3A_602 = arith.mulf %get3A_599, %mul3A_601 : vector<16xf32>
        %mul3A_603 = arith.constant 4 : i32
        %mul3A_604 = arith.muli %mul3A_603, %scan3A_590 : i32
        %add3A_605 = arith.constant 0 : i32
        %add3A_606 = arith.addi %mul3A_604, %add3A_605 : i32
        %swap3A = arith.constant 0 : i32
        %swap3A_607 = arith.index_cast %swap3A : i32 to index
        %swap3A_608 = arith.index_cast %add3A_606 : i32 to index
        %swap3A_609 = arith.constant 0 : index
        %swap3A_610 = tpu.vector_load %arg6[%swap3A_607, %swap3A_608, %swap3A_609] {strides = array<i32>} : memref<4x128x64xf32, #tpu.memory_space<vmem>>, vector<1x1x16xf32>,
        %swap3A_611 = vector.shape_cast %swap3A_610 : vector<1x1x16xf32> to vector<16xf32>
        %swap3A_612 = vector.shape_cast %mul3A_602 : vector<16xf32> to vector<1x1x16xf32>
        tpu.vector_store %arg6[%swap3A_607, %swap3A_608, %swap3A_609], %swap3A_612 {strides = array<i32>} : memref<4x128x64xf32, #tpu.memory_space<vmem>>, vector<1x1x16xf32>,
        %mul3A_613 = arith.constant 4 : i32
        %mul3A_614 = arith.muli %mul3A_613, %scan3A_590 : i32
        %add3A_615 = arith.constant 0 : i32
        %add3A_616 = arith.addi %mul3A_614, %add3A_615 : i32
        %get3A_617 = arith.constant 0 : i32
        %get3A_618 = arith.index_cast %get3A_617 : i32 to index
        %get3A_619 = arith.index_cast %add3A_616 : i32 to index
        %get3A_620 = arith.constant 16 : index
        %get3A_621 = tpu.vector_load %arg6[%get3A_618, %get3A_619, %get3A_620] {strides = array<i32>} : memref<4x128x64xf32, #tpu.memory_space<vmem>>, vector<1x1x16xf32>,
        %get3A_622 = vector.shape_cast %get3A_621 : vector<1x1x16xf32> to vector<16xf32>
        %mul3A_623 = arith.constant 8.000000e+00 : f32
        %mul3A_624 = vector.broadcast %mul3A_623 : f32 to vector<16xf32>
        %mul3A_625 = arith.mulf %get3A_622, %mul3A_624 : vector<16xf32>
        %mul3A_626 = arith.constant 4 : i32
        %mul3A_627 = arith.muli %mul3A_626, %scan3A_590 : i32
        %add3A_628 = arith.constant 0 : i32
        %add3A_629 = arith.addi %mul3A_627, %add3A_628 : i32
        %swap3A_630 = arith.constant 0 : i32
        %swap3A_631 = arith.index_cast %swap3A_630 : i32 to index
        %swap3A_632 = arith.index_cast %add3A_629 : i32 to index
        %swap3A_633 = arith.constant 16 : index
        %swap3A_634 = tpu.vector_load %arg6[%swap3A_631, %swap3A_632, %swap3A_633] {strides = array<i32>} : memref<4x128x64xf32, #tpu.memory_space<vmem>>, vector<1x1x16xf32>,
        %swap3A_635 = vector.shape_cast %swap3A_634 : vector<1x1x16xf32> to vector<16xf32>
        %swap3A_636 = vector.shape_cast %mul3A_625 : vector<16xf32> to vector<1x1x16xf32>
        tpu.vector_store %arg6[%swap3A_631, %swap3A_632, %swap3A_633], %swap3A_636 {strides = array<i32>} : memref<4x128x64xf32, #tpu.memory_space<vmem>>, vector<1x1x16xf32>,
        %mul3A_637 = arith.constant 4 : i32
        %mul3A_638 = arith.muli %mul3A_637, %scan3A_590 : i32
        %add3A_639 = arith.constant 0 : i32
        %add3A_640 = arith.addi %mul3A_638, %add3A_639 : i32
        %get3A_641 = arith.constant 0 : i32
        %get3A_642 = arith.index_cast %get3A_641 : i32 to index
        %get3A_643 = arith.index_cast %add3A_640 : i32 to index
        %get3A_644 = arith.constant 32 : index
        %get3A_645 = tpu.vector_load %arg6[%get3A_642, %get3A_643, %get3A_644] {strides = array<i32>} : memref<4x128x64xf32, #tpu.memory_space<vmem>>, vector<1x1x16xf32>,
        %get3A_646 = vector.shape_cast %get3A_645 : vector<1x1x16xf32> to vector<16xf32>
        %mul3A_647 = arith.constant 8.000000e+00 : f32
        %mul3A_648 = vector.broadcast %mul3A_647 : f32 to vector<16xf32>
        %mul3A_649 = arith.mulf %get3A_646, %mul3A_648 : vector<16xf32>
        %mul3A_650 = arith.constant 4 : i32
        %mul3A_651 = arith.muli %mul3A_650, %scan3A_590 : i32
        %add3A_652 = arith.constant 0 : i32
        %add3A_653 = arith.addi %mul3A_651, %add3A_652 : i32
        %swap3A_654 = arith.constant 0 : i32
        %swap3A_655 = arith.index_cast %swap3A_654 : i32 to index
        %swap3A_656 = arith.index_cast %add3A_653 : i32 to index
        %swap3A_657 = arith.constant 32 : index
        %swap3A_658 = tpu.vector_load %arg6[%swap3A_655, %swap3A_656, %swap3A_657] {strides = array<i32>} : memref<4x128x64xf32, #tpu.memory_space<vmem>>, vector<1x1x16xf32>,
        %swap3A_659 = vector.shape_cast %swap3A_658 : vector<1x1x16xf32> to vector<16xf32>
        %swap3A_660 = vector.shape_cast %mul3A_649 : vector<16xf32> to vector<1x1x16xf32>
        tpu.vector_store %arg6[%swap3A_655, %swap3A_656, %swap3A_657], %swap3A_660 {strides = array<i32>} : memref<4x128x64xf32, #tpu.memory_space<vmem>>, vector<1x1x16xf32>,
        %mul3A_661 = arith.constant 4 : i32
        %mul3A_662 = arith.muli %mul3A_661, %scan3A_590 : i32
        %add3A_663 = arith.constant 0 : i32
        %add3A_664 = arith.addi %mul3A_662, %add3A_663 : i32
        %get3A_665 = arith.constant 0 : i32
        %get3A_666 = arith.index_cast %get3A_665 : i32 to index
        %get3A_667 = arith.index_cast %add3A_664 : i32 to index
        %get3A_668 = arith.constant 48 : index
        %get3A_669 = tpu.vector_load %arg6[%get3A_666, %get3A_667, %get3A_668] {strides = array<i32>} : memref<4x128x64xf32, #tpu.memory_space<vmem>>, vector<1x1x16xf32>,
        %get3A_670 = vector.shape_cast %get3A_669 : vector<1x1x16xf32> to vector<16xf32>
        %mul3A_671 = arith.constant 8.000000e+00 : f32
        %mul3A_672 = vector.broadcast %mul3A_671 : f32 to vector<16xf32>
        %mul3A_673 = arith.mulf %get3A_670, %mul3A_672 : vector<16xf32>
        %mul3A_674 = arith.constant 4 : i32
        %mul3A_675 = arith.muli %mul3A_674, %scan3A_590 : i32
        %add3A_676 = arith.constant 0 : i32
        %add3A_677 = arith.addi %mul3A_675, %add3A_676 : i32
        %swap3A_678 = arith.constant 0 : i32
        %swap3A_679 = arith.index_cast %swap3A_678 : i32 to index
        %swap3A_680 = arith.index_cast %add3A_677 : i32 to index
        %swap3A_681 = arith.constant 48 : index
        %swap3A_682 = tpu.vector_load %arg6[%swap3A_679, %swap3A_680, %swap3A_681] {strides = array<i32>} : memref<4x128x64xf32, #tpu.memory_space<vmem>>, vector<1x1x16xf32>,
        %swap3A_683 = vector.shape_cast %swap3A_682 : vector<1x1x16xf32> to vector<16xf32>
        %swap3A_684 = vector.shape_cast %mul3A_673 : vector<16xf32> to vector<1x1x16xf32>
        tpu.vector_store %arg6[%swap3A_679, %swap3A_680, %swap3A_681], %swap3A_684 {strides = array<i32>} : memref<4x128x64xf32, #tpu.memory_space<vmem>>, vector<1x1x16xf32>,
        %mul3A_685 = arith.constant 4 : i32
        %mul3A_686 = arith.muli %mul3A_685, %scan3A_590 : i32
        %add3A_687 = arith.constant 1 : i32
        %add3A_688 = arith.addi %mul3A_686, %add3A_687 : i32
        %get3A_689 = arith.constant 0 : i32
        %get3A_690 = arith.index_cast %get3A_689 : i32 to index
        %get3A_691 = arith.index_cast %add3A_688 : i32 to index
        %get3A_692 = arith.constant 0 : index
        %get3A_693 = tpu.vector_load %arg6[%get3A_690, %get3A_691, %get3A_692] {strides = array<i32>} : memref<4x128x64xf32, #tpu.memory_space<vmem>>, vector<1x1x16xf32>,
        %get3A_694 = vector.shape_cast %get3A_693 : vector<1x1x16xf32> to vector<16xf32>
        %mul3A_695 = arith.constant 8.000000e+00 : f32
        %mul3A_696 = vector.broadcast %mul3A_695 : f32 to vector<16xf32>
        %mul3A_697 = arith.mulf %get3A_694, %mul3A_696 : vector<16xf32>
        %mul3A_698 = arith.constant 4 : i32
        %mul3A_699 = arith.muli %mul3A_698, %scan3A_590 : i32
        %add3A_700 = arith.constant 1 : i32
        %add3A_701 = arith.addi %mul3A_699, %add3A_700 : i32
        %swap3A_702 = arith.constant 0 : i32
        %swap3A_703 = arith.index_cast %swap3A_702 : i32 to index
        %swap3A_704 = arith.index_cast %add3A_701 : i32 to index
        %swap3A_705 = arith.constant 0 : index
        %swap3A_706 = tpu.vector_load %arg6[%swap3A_703, %swap3A_704, %swap3A_705] {strides = array<i32>} : memref<4x128x64xf32, #tpu.memory_space<vmem>>, vector<1x1x16xf32>,
        %swap3A_707 = vector.shape_cast %swap3A_706 : vector<1x1x16xf32> to vector<16xf32>
        %swap3A_708 = vector.shape_cast %mul3A_697 : vector<16xf32> to vector<1x1x16xf32>
        tpu.vector_store %arg6[%swap3A_703, %swap3A_704, %swap3A_705], %swap3A_708 {strides = array<i32>} : memref<4x128x64xf32, #tpu.memory_space<vmem>>, vector<1x1x16xf32>,
        %mul3A_709 = arith.constant 4 : i32
        %mul3A_710 = arith.muli %mul3A_709, %scan3A_590 : i32
        %add3A_711 = arith.constant 1 : i32
        %add3A_712 = arith.addi %mul3A_710, %add3A_711 : i32
        %get3A_713 = arith.constant 0 : i32
        %get3A_714 = arith.index_cast %get3A_713 : i32 to index
        %get3A_715 = arith.index_cast %add3A_712 : i32 to index
        %get3A_716 = arith.constant 16 : index
        %get3A_717 = tpu.vector_load %arg6[%get3A_714, %get3A_715, %get3A_716] {strides = array<i32>} : memref<4x128x64xf32, #tpu.memory_space<vmem>>, vector<1x1x16xf32>,
        %get3A_718 = vector.shape_cast %get3A_717 : vector<1x1x16xf32> to vector<16xf32>
        %mul3A_719 = arith.constant 8.000000e+00 : f32
        %mul3A_720 = vector.broadcast %mul3A_719 : f32 to vector<16xf32>
        %mul3A_721 = arith.mulf %get3A_718, %mul3A_720 : vector<16xf32>
        %mul3A_722 = arith.constant 4 : i32
        %mul3A_723 = arith.muli %mul3A_722, %scan3A_590 : i32
        %add3A_724 = arith.constant 1 : i32
        %add3A_725 = arith.addi %mul3A_723, %add3A_724 : i32
        %swap3A_726 = arith.constant 0 : i32
        %swap3A_727 = arith.index_cast %swap3A_726 : i32 to index
        %swap3A_728 = arith.index_cast %add3A_725 : i32 to index
        %swap3A_729 = arith.constant 16 : index
        %swap3A_730 = tpu.vector_load %arg6[%swap3A_727, %swap3A_728, %swap3A_729] {strides = array<i32>} : memref<4x128x64xf32, #tpu.memory_space<vmem>>, vector<1x1x16xf32>,
        %swap3A_731 = vector.shape_cast %swap3A_730 : vector<1x1x16xf32> to vector<16xf32>
        %swap3A_732 = vector.shape_cast %mul3A_721 : vector<16xf32> to vector<1x1x16xf32>
        tpu.vector_store %arg6[%swap3A_727, %swap3A_728, %swap3A_729], %swap3A_732 {strides = array<i32>} : memref<4x128x64xf32, #tpu.memory_space<vmem>>, vector<1x1x16xf32>,
        %mul3A_733 = arith.constant 4 : i32
        %mul3A_734 = arith.muli %mul3A_733, %scan3A_590 : i32
        %add3A_735 = arith.constant 1 : i32
        %add3A_736 = arith.addi %mul3A_734, %add3A_735 : i32
        %get3A_737 = arith.constant 0 : i32
        %get3A_738 = arith.index_cast %get3A_737 : i32 to index
        %get3A_739 = arith.index_cast %add3A_736 : i32 to index
        %get3A_740 = arith.constant 32 : index
        %get3A_741 = tpu.vector_load %arg6[%get3A_738, %get3A_739, %get3A_740] {strides = array<i32>} : memref<4x128x64xf32, #tpu.memory_space<vmem>>, vector<1x1x16xf32>,
        %get3A_742 = vector.shape_cast %get3A_741 : vector<1x1x16xf32> to vector<16xf32>
        %mul3A_743 = arith.constant 8.000000e+00 : f32
        %mul3A_744 = vector.broadcast %mul3A_743 : f32 to vector<16xf32>
        %mul3A_745 = arith.mulf %get3A_742, %mul3A_744 : vector<16xf32>
        %mul3A_746 = arith.constant 4 : i32
        %mul3A_747 = arith.muli %mul3A_746, %scan3A_590 : i32
        %add3A_748 = arith.constant 1 : i32
        %add3A_749 = arith.addi %mul3A_747, %add3A_748 : i32
        %swap3A_750 = arith.constant 0 : i32
        %swap3A_751 = arith.index_cast %swap3A_750 : i32 to index
        %swap3A_752 = arith.index_cast %add3A_749 : i32 to index
        %swap3A_753 = arith.constant 32 : index
        %swap3A_754 = tpu.vector_load %arg6[%swap3A_751, %swap3A_752, %swap3A_753] {strides = array<i32>} : memref<4x128x64xf32, #tpu.memory_space<vmem>>, vector<1x1x16xf32>,
        %swap3A_755 = vector.shape_cast %swap3A_754 : vector<1x1x16xf32> to vector<16xf32>
        %swap3A_756 = vector.shape_cast %mul3A_745 : vector<16xf32> to vector<1x1x16xf32>
        tpu.vector_store %arg6[%swap3A_751, %swap3A_752, %swap3A_753], %swap3A_756 {strides = array<i32>} : memref<4x128x64xf32, #tpu.memory_space<vmem>>, vector<1x1x16xf32>,
        %mul3A_757 = arith.constant 4 : i32
        %mul3A_758 = arith.muli %mul3A_757, %scan3A_590 : i32
        %add3A_759 = arith.constant 1 : i32
        %add3A_760 = arith.addi %mul3A_758, %add3A_759 : i32
        %get3A_761 = arith.constant 0 : i32
        %get3A_762 = arith.index_cast %get3A_761 : i32 to index
        %get3A_763 = arith.index_cast %add3A_760 : i32 to index
        %get3A_764 = arith.constant 48 : index
        %get3A_765 = tpu.vector_load %arg6[%get3A_762, %get3A_763, %get3A_764] {strides = array<i32>} : memref<4x128x64xf32, #tpu.memory_space<vmem>>, vector<1x1x16xf32>,
        %get3A_766 = vector.shape_cast %get3A_765 : vector<1x1x16xf32> to vector<16xf32>
        %mul3A_767 = arith.constant 8.000000e+00 : f32
        %mul3A_768 = vector.broadcast %mul3A_767 : f32 to vector<16xf32>
        %mul3A_769 = arith.mulf %get3A_766, %mul3A_768 : vector<16xf32>
        %mul3A_770 = arith.constant 4 : i32
        %mul3A_771 = arith.muli %mul3A_770, %scan3A_590 : i32
        %add3A_772 = arith.constant 1 : i32
        %add3A_773 = arith.addi %mul3A_771, %add3A_772 : i32
        %swap3A_774 = arith.constant 0 : i32
        %swap3A_775 = arith.index_cast %swap3A_774 : i32 to index
        %swap3A_776 = arith.index_cast %add3A_773 : i32 to index
        %swap3A_777 = arith.constant 48 : index
        %swap3A_778 = tpu.vector_load %arg6[%swap3A_775, %swap3A_776, %swap3A_777] {strides = array<i32>} : memref<4x128x64xf32, #tpu.memory_space<vmem>>, vector<1x1x16xf32>,
        %swap3A_779 = vector.shape_cast %swap3A_778 : vector<1x1x16xf32> to vector<16xf32>
        %swap3A_780 = vector.shape_cast %mul3A_769 : vector<16xf32> to vector<1x1x16xf32>
        tpu.vector_store %arg6[%swap3A_775, %swap3A_776, %swap3A_777], %swap3A_780 {strides = array<i32>} : memref<4x128x64xf32, #tpu.memory_space<vmem>>, vector<1x1x16xf32>,
        %mul3A_781 = arith.constant 4 : i32
        %mul3A_782 = arith.muli %mul3A_781, %scan3A_590 : i32
        %add3A_783 = arith.constant 2 : i32
        %add3A_784 = arith.addi %mul3A_782, %add3A_783 : i32
        %get3A_785 = arith.constant 0 : i32
        %get3A_786 = arith.index_cast %get3A_785 : i32 to index
        %get3A_787 = arith.index_cast %add3A_784 : i32 to index
        %get3A_788 = arith.constant 0 : index
        %get3A_789 = tpu.vector_load %arg6[%get3A_786, %get3A_787, %get3A_788] {strides = array<i32>} : memref<4x128x64xf32, #tpu.memory_space<vmem>>, vector<1x1x16xf32>,
        %get3A_790 = vector.shape_cast %get3A_789 : vector<1x1x16xf32> to vector<16xf32>
        %mul3A_791 = arith.constant 8.000000e+00 : f32
        %mul3A_792 = vector.broadcast %mul3A_791 : f32 to vector<16xf32>
        %mul3A_793 = arith.mulf %get3A_790, %mul3A_792 : vector<16xf32>
        %mul3A_794 = arith.constant 4 : i32
        %mul3A_795 = arith.muli %mul3A_794, %scan3A_590 : i32
        %add3A_796 = arith.constant 2 : i32
        %add3A_797 = arith.addi %mul3A_795, %add3A_796 : i32
        %swap3A_798 = arith.constant 0 : i32
        %swap3A_799 = arith.index_cast %swap3A_798 : i32 to index
        %swap3A_800 = arith.index_cast %add3A_797 : i32 to index
        %swap3A_801 = arith.constant 0 : index
        %swap3A_802 = tpu.vector_load %arg6[%swap3A_799, %swap3A_800, %swap3A_801] {strides = array<i32>} : memref<4x128x64xf32, #tpu.memory_space<vmem>>, vector<1x1x16xf32>,
        %swap3A_803 = vector.shape_cast %swap3A_802 : vector<1x1x16xf32> to vector<16xf32>
        %swap3A_804 = vector.shape_cast %mul3A_793 : vector<16xf32> to vector<1x1x16xf32>
        tpu.vector_store %arg6[%swap3A_799, %swap3A_800, %swap3A_801], %swap3A_804 {strides = array<i32>} : memref<4x128x64xf32, #tpu.memory_space<vmem>>, vector<1x1x16xf32>,
        %mul3A_805 = arith.constant 4 : i32
        %mul3A_806 = arith.muli %mul3A_805, %scan3A_590 : i32
        %add3A_807 = arith.constant 2 : i32
        %add3A_808 = arith.addi %mul3A_806, %add3A_807 : i32
        %get3A_809 = arith.constant 0 : i32
        %get3A_810 = arith.index_cast %get3A_809 : i32 to index
        %get3A_811 = arith.index_cast %add3A_808 : i32 to index
        %get3A_812 = arith.constant 16 : index
        %get3A_813 = tpu.vector_load %arg6[%get3A_810, %get3A_811, %get3A_812] {strides = array<i32>} : memref<4x128x64xf32, #tpu.memory_space<vmem>>, vector<1x1x16xf32>,
        %get3A_814 = vector.shape_cast %get3A_813 : vector<1x1x16xf32> to vector<16xf32>
        %mul3A_815 = arith.constant 8.000000e+00 : f32
        %mul3A_816 = vector.broadcast %mul3A_815 : f32 to vector<16xf32>
        %mul3A_817 = arith.mulf %get3A_814, %mul3A_816 : vector<16xf32>
        %mul3A_818 = arith.constant 4 : i32
        %mul3A_819 = arith.muli %mul3A_818, %scan3A_590 : i32
        %add3A_820 = arith.constant 2 : i32
        %add3A_821 = arith.addi %mul3A_819, %add3A_820 : i32
        %swap3A_822 = arith.constant 0 : i32
        %swap3A_823 = arith.index_cast %swap3A_822 : i32 to index
        %swap3A_824 = arith.index_cast %add3A_821 : i32 to index
        %swap3A_825 = arith.constant 16 : index
        %swap3A_826 = tpu.vector_load %arg6[%swap3A_823, %swap3A_824, %swap3A_825] {strides = array<i32>} : memref<4x128x64xf32, #tpu.memory_space<vmem>>, vector<1x1x16xf32>,
        %swap3A_827 = vector.shape_cast %swap3A_826 : vector<1x1x16xf32> to vector<16xf32>
        %swap3A_828 = vector.shape_cast %mul3A_817 : vector<16xf32> to vector<1x1x16xf32>
        tpu.vector_store %arg6[%swap3A_823, %swap3A_824, %swap3A_825], %swap3A_828 {strides = array<i32>} : memref<4x128x64xf32, #tpu.memory_space<vmem>>, vector<1x1x16xf32>,
        %mul3A_829 = arith.constant 4 : i32
        %mul3A_830 = arith.muli %mul3A_829, %scan3A_590 : i32
        %add3A_831 = arith.constant 2 : i32
        %add3A_832 = arith.addi %mul3A_830, %add3A_831 : i32
        %get3A_833 = arith.constant 0 : i32
        %get3A_834 = arith.index_cast %get3A_833 : i32 to index
        %get3A_835 = arith.index_cast %add3A_832 : i32 to index
        %get3A_836 = arith.constant 32 : index
        %get3A_837 = tpu.vector_load %arg6[%get3A_834, %get3A_835, %get3A_836] {strides = array<i32>} : memref<4x128x64xf32, #tpu.memory_space<vmem>>, vector<1x1x16xf32>,
        %get3A_838 = vector.shape_cast %get3A_837 : vector<1x1x16xf32> to vector<16xf32>
        %mul3A_839 = arith.constant 8.000000e+00 : f32
        %mul3A_840 = vector.broadcast %mul3A_839 : f32 to vector<16xf32>
        %mul3A_841 = arith.mulf %get3A_838, %mul3A_840 : vector<16xf32>
        %mul3A_842 = arith.constant 4 : i32
        %mul3A_843 = arith.muli %mul3A_842, %scan3A_590 : i32
        %add3A_844 = arith.constant 2 : i32
        %add3A_845 = arith.addi %mul3A_843, %add3A_844 : i32
        %swap3A_846 = arith.constant 0 : i32
        %swap3A_847 = arith.index_cast %swap3A_846 : i32 to index
        %swap3A_848 = arith.index_cast %add3A_845 : i32 to index
        %swap3A_849 = arith.constant 32 : index
        %swap3A_850 = tpu.vector_load %arg6[%swap3A_847, %swap3A_848, %swap3A_849] {strides = array<i32>} : memref<4x128x64xf32, #tpu.memory_space<vmem>>, vector<1x1x16xf32>,
        %swap3A_851 = vector.shape_cast %swap3A_850 : vector<1x1x16xf32> to vector<16xf32>
        %swap3A_852 = vector.shape_cast %mul3A_841 : vector<16xf32> to vector<1x1x16xf32>
        tpu.vector_store %arg6[%swap3A_847, %swap3A_848, %swap3A_849], %swap3A_852 {strides = array<i32>} : memref<4x128x64xf32, #tpu.memory_space<vmem>>, vector<1x1x16xf32>,
        %mul3A_853 = arith.constant 4 : i32
        %mul3A_854 = arith.muli %mul3A_853, %scan3A_590 : i32
        %add3A_855 = arith.constant 2 : i32
        %add3A_856 = arith.addi %mul3A_854, %add3A_855 : i32
        %get3A_857 = arith.constant 0 : i32
        %get3A_858 = arith.index_cast %get3A_857 : i32 to index
        %get3A_859 = arith.index_cast %add3A_856 : i32 to index
        %get3A_860 = arith.constant 48 : index
        %get3A_861 = tpu.vector_load %arg6[%get3A_858, %get3A_859, %get3A_860] {strides = array<i32>} : memref<4x128x64xf32, #tpu.memory_space<vmem>>, vector<1x1x16xf32>,
        %get3A_862 = vector.shape_cast %get3A_861 : vector<1x1x16xf32> to vector<16xf32>
        %mul3A_863 = arith.constant 8.000000e+00 : f32
        %mul3A_864 = vector.broadcast %mul3A_863 : f32 to vector<16xf32>
        %mul3A_865 = arith.mulf %get3A_862, %mul3A_864 : vector<16xf32>
        %mul3A_866 = arith.constant 4 : i32
        %mul3A_867 = arith.muli %mul3A_866, %scan3A_590 : i32
        %add3A_868 = arith.constant 2 : i32
        %add3A_869 = arith.addi %mul3A_867, %add3A_868 : i32
        %swap3A_870 = arith.constant 0 : i32
        %swap3A_871 = arith.index_cast %swap3A_870 : i32 to index
        %swap3A_872 = arith.index_cast %add3A_869 : i32 to index
        %swap3A_873 = arith.constant 48 : index
        %swap3A_874 = tpu.vector_load %arg6[%swap3A_871, %swap3A_872, %swap3A_873] {strides = array<i32>} : memref<4x128x64xf32, #tpu.memory_space<vmem>>, vector<1x1x16xf32>,
        %swap3A_875 = vector.shape_cast %swap3A_874 : vector<1x1x16xf32> to vector<16xf32>
        %swap3A_876 = vector.shape_cast %mul3A_865 : vector<16xf32> to vector<1x1x16xf32>
        tpu.vector_store %arg6[%swap3A_871, %swap3A_872, %swap3A_873], %swap3A_876 {strides = array<i32>} : memref<4x128x64xf32, #tpu.memory_space<vmem>>, vector<1x1x16xf32>,
        %mul3A_877 = arith.constant 4 : i32
        %mul3A_878 = arith.muli %mul3A_877, %scan3A_590 : i32
        %add3A_879 = arith.constant 3 : i32
        %add3A_880 = arith.addi %mul3A_878, %add3A_879 : i32
        %get3A_881 = arith.constant 0 : i32
        %get3A_882 = arith.index_cast %get3A_881 : i32 to index
        %get3A_883 = arith.index_cast %add3A_880 : i32 to index
        %get3A_884 = arith.constant 0 : index
        %get3A_885 = tpu.vector_load %arg6[%get3A_882, %get3A_883, %get3A_884] {strides = array<i32>} : memref<4x128x64xf32, #tpu.memory_space<vmem>>, vector<1x1x16xf32>,
        %get3A_886 = vector.shape_cast %get3A_885 : vector<1x1x16xf32> to vector<16xf32>
        %mul3A_887 = arith.constant 8.000000e+00 : f32
        %mul3A_888 = vector.broadcast %mul3A_887 : f32 to vector<16xf32>
        %mul3A_889 = arith.mulf %get3A_886, %mul3A_888 : vector<16xf32>
        %mul3A_890 = arith.constant 4 : i32
        %mul3A_891 = arith.muli %mul3A_890, %scan3A_590 : i32
        %add3A_892 = arith.constant 3 : i32
        %add3A_893 = arith.addi %mul3A_891, %add3A_892 : i32
        %swap3A_894 = arith.constant 0 : i32
        %swap3A_895 = arith.index_cast %swap3A_894 : i32 to index
        %swap3A_896 = arith.index_cast %add3A_893 : i32 to index
        %swap3A_897 = arith.constant 0 : index
        %swap3A_898 = tpu.vector_load %arg6[%swap3A_895, %swap3A_896, %swap3A_897] {strides = array<i32>} : memref<4x128x64xf32, #tpu.memory_space<vmem>>, vector<1x1x16xf32>,
        %swap3A_899 = vector.shape_cast %swap3A_898 : vector<1x1x16xf32> to vector<16xf32>
        %swap3A_900 = vector.shape_cast %mul3A_889 : vector<16xf32> to vector<1x1x16xf32>
        tpu.vector_store %arg6[%swap3A_895, %swap3A_896, %swap3A_897], %swap3A_900 {strides = array<i32>} : memref<4x128x64xf32, #tpu.memory_space<vmem>>, vector<1x1x16xf32>,
        %mul3A_901 = arith.constant 4 : i32
        %mul3A_902 = arith.muli %mul3A_901, %scan3A_590 : i32
        %add3A_903 = arith.constant 3 : i32
        %add3A_904 = arith.addi %mul3A_902, %add3A_903 : i32
        %get3A_905 = arith.constant 0 : i32
        %get3A_906 = arith.index_cast %get3A_905 : i32 to index
        %get3A_907 = arith.index_cast %add3A_904 : i32 to index
        %get3A_908 = arith.constant 16 : index
        %get3A_909 = tpu.vector_load %arg6[%get3A_906, %get3A_907, %get3A_908] {strides = array<i32>} : memref<4x128x64xf32, #tpu.memory_space<vmem>>, vector<1x1x16xf32>,
        %get3A_910 = vector.shape_cast %get3A_909 : vector<1x1x16xf32> to vector<16xf32>
        %mul3A_911 = arith.constant 8.000000e+00 : f32
        %mul3A_912 = vector.broadcast %mul3A_911 : f32 to vector<16xf32>
        %mul3A_913 = arith.mulf %get3A_910, %mul3A_912 : vector<16xf32>
        %mul3A_914 = arith.constant 4 : i32
        %mul3A_915 = arith.muli %mul3A_914, %scan3A_590 : i32
        %add3A_916 = arith.constant 3 : i32
        %add3A_917 = arith.addi %mul3A_915, %add3A_916 : i32
        %swap3A_918 = arith.constant 0 : i32
        %swap3A_919 = arith.index_cast %swap3A_918 : i32 to index
        %swap3A_920 = arith.index_cast %add3A_917 : i32 to index
        %swap3A_921 = arith.constant 16 : index
        %swap3A_922 = tpu.vector_load %arg6[%swap3A_919, %swap3A_920, %swap3A_921] {strides = array<i32>} : memref<4x128x64xf32, #tpu.memory_space<vmem>>, vector<1x1x16xf32>,
        %swap3A_923 = vector.shape_cast %swap3A_922 : vector<1x1x16xf32> to vector<16xf32>
        %swap3A_924 = vector.shape_cast %mul3A_913 : vector<16xf32> to vector<1x1x16xf32>
        tpu.vector_store %arg6[%swap3A_919, %swap3A_920, %swap3A_921], %swap3A_924 {strides = array<i32>} : memref<4x128x64xf32, #tpu.memory_space<vmem>>, vector<1x1x16xf32>,
        %mul3A_925 = arith.constant 4 : i32
        %mul3A_926 = arith.muli %mul3A_925, %scan3A_590 : i32
        %add3A_927 = arith.constant 3 : i32
        %add3A_928 = arith.addi %mul3A_926, %add3A_927 : i32
        %get3A_929 = arith.constant 0 : i32
        %get3A_930 = arith.index_cast %get3A_929 : i32 to index
        %get3A_931 = arith.index_cast %add3A_928 : i32 to index
        %get3A_932 = arith.constant 32 : index
        %get3A_933 = tpu.vector_load %arg6[%get3A_930, %get3A_931, %get3A_932] {strides = array<i32>} : memref<4x128x64xf32, #tpu.memory_space<vmem>>, vector<1x1x16xf32>,
        %get3A_934 = vector.shape_cast %get3A_933 : vector<1x1x16xf32> to vector<16xf32>
        %mul3A_935 = arith.constant 8.000000e+00 : f32
        %mul3A_936 = vector.broadcast %mul3A_935 : f32 to vector<16xf32>
        %mul3A_937 = arith.mulf %get3A_934, %mul3A_936 : vector<16xf32>
        %mul3A_938 = arith.constant 4 : i32
        %mul3A_939 = arith.muli %mul3A_938, %scan3A_590 : i32
        %add3A_940 = arith.constant 3 : i32
        %add3A_941 = arith.addi %mul3A_939, %add3A_940 : i32
        %swap3A_942 = arith.constant 0 : i32
        %swap3A_943 = arith.index_cast %swap3A_942 : i32 to index
        %swap3A_944 = arith.index_cast %add3A_941 : i32 to index
        %swap3A_945 = arith.constant 32 : index
        %swap3A_946 = tpu.vector_load %arg6[%swap3A_943, %swap3A_944, %swap3A_945] {strides = array<i32>} : memref<4x128x64xf32, #tpu.memory_space<vmem>>, vector<1x1x16xf32>,
        %swap3A_947 = vector.shape_cast %swap3A_946 : vector<1x1x16xf32> to vector<16xf32>
        %swap3A_948 = vector.shape_cast %mul3A_937 : vector<16xf32> to vector<1x1x16xf32>
        tpu.vector_store %arg6[%swap3A_943, %swap3A_944, %swap3A_945], %swap3A_948 {strides = array<i32>} : memref<4x128x64xf32, #tpu.memory_space<vmem>>, vector<1x1x16xf32>,
        %mul3A_949 = arith.constant 4 : i32
        %mul3A_950 = arith.muli %mul3A_949, %scan3A_590 : i32
        %add3A_951 = arith.constant 3 : i32
        %add3A_952 = arith.addi %mul3A_950, %add3A_951 : i32
        %get3A_953 = arith.constant 0 : i32
        %get3A_954 = arith.index_cast %get3A_953 : i32 to index
        %get3A_955 = arith.index_cast %add3A_952 : i32 to index
        %get3A_956 = arith.constant 48 : index
        %get3A_957 = tpu.vector_load %arg6[%get3A_954, %get3A_955, %get3A_956] {strides = array<i32>} : memref<4x128x64xf32, #tpu.memory_space<vmem>>, vector<1x1x16xf32>,
        %get3A_958 = vector.shape_cast %get3A_957 : vector<1x1x16xf32> to vector<16xf32>
        %mul3A_959 = arith.constant 8.000000e+00 : f32
        %mul3A_960 = vector.broadcast %mul3A_959 : f32 to vector<16xf32>
        %mul3A_961 = arith.mulf %get3A_958, %mul3A_960 : vector<16xf32>
        %mul3A_962 = arith.constant 4 : i32
        %mul3A_963 = arith.muli %mul3A_962, %scan3A_590 : i32
        %add3A_964 = arith.constant 3 : i32
        %add3A_965 = arith.addi %mul3A_963, %add3A_964 : i32
        %swap3A_966 = arith.constant 0 : i32
        %swap3A_967 = arith.index_cast %swap3A_966 : i32 to index
        %swap3A_968 = arith.index_cast %add3A_965 : i32 to index
        %swap3A_969 = arith.constant 48 : index
        %swap3A_970 = tpu.vector_load %arg6[%swap3A_967, %swap3A_968, %swap3A_969] {strides = array<i32>} : memref<4x128x64xf32, #tpu.memory_space<vmem>>, vector<1x1x16xf32>,
        %swap3A_971 = vector.shape_cast %swap3A_970 : vector<1x1x16xf32> to vector<16xf32>
        %swap3A_972 = vector.shape_cast %mul3A_961 : vector<16xf32> to vector<1x1x16xf32>
        tpu.vector_store %arg6[%swap3A_967, %swap3A_968, %swap3A_969], %swap3A_972 {strides = array<i32>} : memref<4x128x64xf32, #tpu.memory_space<vmem>>, vector<1x1x16xf32>,
      }
      %scan3A_376 = arith.constant 32 : i32
      %mul3A_377 = arith.constant 128 : i32
      %mul3A_378 = arith.muli %add3A_323, %mul3A_377 : i32
      %add3A_379 = arith.addi %mul3A_4, %mul3A_378 : i32
      %dma_start3A_380 = arith.constant 0 : i32
      %dma_start3A_381 = arith.constant 0 : i32
      %dma_start3A_382 = arith.constant 0 : i32
      %dma_start3A_383 = arith.constant 0 : i32
      %dma_start3A_384 = tpu.memref_slice %arg6[%dma_start3A_380, %dma_start3A_382, %dma_start3A_383] : memref<4x128x64xf32, #tpu.memory_space<vmem>> -> memref<1x128x64xf32, #tpu.memory_space<vmem>>
      %dma_start3A_385 = tpu.memref_squeeze %dma_start3A_384 : memref<1x128x64xf32, #tpu.memory_space<vmem>> -> memref<128x64xf32, #tpu.memory_space<vmem>>
      %dma_start3A_386 = arith.constant 0 : i32
      %dma_start3A_387 = tpu.memref_slice %arg4[%add3A_379, %dma_start3A_386] : memref<819200x128xf32, #tpu.memory_space<hbm>> -> memref<128x64xf32, #tpu.memory_space<hbm>>
      %dma_start3A_388 = tpu.memref_slice %arg8[%dma_start3A_381] : memref<4x!tpu.dma_semaphore, #tpu.memory_space<semaphore_mem>> -> memref<1x!tpu.dma_semaphore, #tpu.memory_space<semaphore_mem>>
      %dma_start3A_389 = tpu.memref_squeeze %dma_start3A_388 : memref<1x!tpu.dma_semaphore, #tpu.memory_space<semaphore_mem>> -> memref<!tpu.dma_semaphore, #tpu.memory_space<semaphore_mem>>
      %dma_start3A_390 = arith.constant 0 : i32
      %dma_start3A_391 = tpu.memref_slice %arg4[%add3A_379, %dma_start3A_390] : memref<819200x128xf32, #tpu.memory_space<hbm>> -> memref<128x64xf32, #tpu.memory_space<hbm>>
      %dma_start3A_392 = arith.constant 0 : i32
      %dma_start3A_393 = arith.constant 0 : i32
      %dma_start3A_394 = tpu.memref_slice %arg6[%dma_start3A_380, %dma_start3A_392, %dma_start3A_393] : memref<4x128x64xf32, #tpu.memory_space<vmem>> -> memref<1x128x64xf32, #tpu.memory_space<vmem>>
      %dma_start3A_395 = tpu.memref_squeeze %dma_start3A_394 : memref<1x128x64xf32, #tpu.memory_space<vmem>> -> memref<128x64xf32, #tpu.memory_space<vmem>>
      tpu.enqueue_dma source(%dma_start3A_395 : memref<128x64xf32, #tpu.memory_space<vmem>>) target(%dma_start3A_391 : memref<128x64xf32, #tpu.memory_space<hbm>>) target_semaphore(%dma_start3A_389 : memref<!tpu.dma_semaphore, #tpu.memory_space<semaphore_mem>>)
      %add3A_396 = arith.constant 1 : i32
      %add3A_397 = arith.addi %mul3A_321, %add3A_396 : i32
      %dma_wait3A_398 = arith.constant 0 : i32
      %dma_wait3A_399 = arith.constant 1 : i32
      %dma_wait3A_400 = arith.constant 1 : i32
      %dma_wait3A_401 = arith.constant 0 : i32
      %dma_wait3A_402 = arith.constant 0 : i32
      %dma_wait3A_403 = tpu.memref_slice %arg6[%dma_wait3A_399, %dma_wait3A_401, %dma_wait3A_402] : memref<4x128x64xf32, #tpu.memory_space<vmem>> -> memref<1x128x64xf32, #tpu.memory_space<vmem>>
      %dma_wait3A_404 = tpu.memref_squeeze %dma_wait3A_403 : memref<1x128x64xf32, #tpu.memory_space<vmem>> -> memref<128x64xf32, #tpu.memory_space<vmem>>
      %dma_wait3A_405 = arith.constant 0 : i32
      %dma_wait3A_406 = tpu.memref_slice %arg5[%dma_wait3A_398, %dma_wait3A_405] : memref<200x128xi32, #tpu.memory_space<vmem>> -> memref<1x128xi32, #tpu.memory_space<vmem>>
      %dma_wait3A_407 = tpu.memref_squeeze %dma_wait3A_406 : memref<1x128xi32, #tpu.memory_space<vmem>> -> memref<128xi32, #tpu.memory_space<vmem>>
      %dma_wait3A_408 = arith.constant 0 : i32
      %dma_wait3A_409 = arith.constant 0 : i32
      %dma_wait3A_410 = tpu.memref_slice %arg3[%dma_wait3A_408, %dma_wait3A_409] : memref<1000000x64xf32, #tpu.memory_space<hbm>> -> memref<1000000x64xf32, #tpu.memory_space<hbm>>
      %dma_wait3A_411 = tpu.memref_slice %arg7[%dma_wait3A_400] : memref<4x!tpu.dma_semaphore, #tpu.memory_space<semaphore_mem>> -> memref<1x!tpu.dma_semaphore, #tpu.memory_space<semaphore_mem>>
      %dma_wait3A_412 = tpu.memref_squeeze %dma_wait3A_411 : memref<1x!tpu.dma_semaphore, #tpu.memory_space<semaphore_mem>> -> memref<!tpu.dma_semaphore, #tpu.memory_space<semaphore_mem>>
      tpu.wait_indirect_dma semaphore(%dma_wait3A_412 : memref<!tpu.dma_semaphore, #tpu.memory_space<semaphore_mem>>) src(%dma_wait3A_410 : memref<1000000x64xf32, #tpu.memory_space<hbm>>) dst(%dma_wait3A_404 : memref<128x64xf32, #tpu.memory_space<vmem>>)
      %dma_wait3A_413 = arith.constant 2 : i32
      %dma_wait3A_414 = arith.constant 2 : i32
      %dma_wait3A_415 = arith.constant 0 : i32
      %dma_wait3A_416 = arith.constant 0 : i32
      %dma_wait3A_417 = tpu.memref_slice %arg6[%dma_wait3A_413, %dma_wait3A_415, %dma_wait3A_416] : memref<4x128x64xf32, #tpu.memory_space<vmem>> -> memref<1x128x64xf32, #tpu.memory_space<vmem>>
      %dma_wait3A_418 = tpu.memref_squeeze %dma_wait3A_417 : memref<1x128x64xf32, #tpu.memory_space<vmem>> -> memref<128x64xf32, #tpu.memory_space<vmem>>
      %dma_wait3A_419 = arith.constant 0 : i32
      %dma_wait3A_420 = tpu.memref_slice %arg4[%mul3A_4, %dma_wait3A_419] : memref<819200x128xf32, #tpu.memory_space<hbm>> -> memref<128x64xf32, #tpu.memory_space<hbm>>
      %dma_wait3A_421 = tpu.memref_slice %arg8[%dma_wait3A_414] : memref<4x!tpu.dma_semaphore, #tpu.memory_space<semaphore_mem>> -> memref<1x!tpu.dma_semaphore, #tpu.memory_space<semaphore_mem>>
      %dma_wait3A_422 = tpu.memref_squeeze %dma_wait3A_421 : memref<1x!tpu.dma_semaphore, #tpu.memory_space<semaphore_mem>> -> memref<!tpu.dma_semaphore, #tpu.memory_space<semaphore_mem>>
      %dma_wait3A_423 = arith.constant 0 : i32
      %dma_wait3A_424 = tpu.memref_slice %arg4[%mul3A_4, %dma_wait3A_423] : memref<819200x128xf32, #tpu.memory_space<hbm>> -> memref<128x64xf32, #tpu.memory_space<hbm>>
      %dma_wait3A_425 = arith.constant 0 : i32
      %dma_wait3A_426 = arith.constant 0 : i32
      %dma_wait3A_427 = tpu.memref_slice %arg6[%dma_wait3A_413, %dma_wait3A_425, %dma_wait3A_426] : memref<4x128x64xf32, #tpu.memory_space<vmem>> -> memref<1x128x64xf32, #tpu.memory_space<vmem>>
      %dma_wait3A_428 = tpu.memref_squeeze %dma_wait3A_427 : memref<1x128x64xf32, #tpu.memory_space<vmem>> -> memref<128x64xf32, #tpu.memory_space<vmem>>
      tpu.wait_dma2 semaphore(%dma_wait3A_422 : memref<!tpu.dma_semaphore, #tpu.memory_space<semaphore_mem>>) src(%dma_wait3A_428 : memref<128x64xf32, #tpu.memory_space<vmem>>) dst(%dma_wait3A_424 : memref<128x64xf32, #tpu.memory_space<hbm>>)
      %add3A_429 = arith.constant 1 : i32
      %add3A_430 = arith.addi %add3A_397, %add3A_429 : i32
      %dma_start3A_431 = arith.constant 2 : i32
      %dma_start3A_432 = arith.constant 2 : i32
      %dma_start3A_433 = arith.constant 0 : i32
      %dma_start3A_434 = arith.constant 0 : i32
      %dma_start3A_435 = tpu.memref_slice %arg6[%dma_start3A_431, %dma_start3A_433, %dma_start3A_434] : memref<4x128x64xf32, #tpu.memory_space<vmem>> -> memref<1x128x64xf32, #tpu.memory_space<vmem>>
      %dma_start3A_436 = tpu.memref_squeeze %dma_start3A_435 : memref<1x128x64xf32, #tpu.memory_space<vmem>> -> memref<128x64xf32, #tpu.memory_space<vmem>>
      %dma_start3A_437 = arith.constant 0 : i32
      %dma_start3A_438 = tpu.memref_slice %arg5[%add3A_430, %dma_start3A_437] : memref<200x128xi32, #tpu.memory_space<vmem>> -> memref<1x128xi32, #tpu.memory_space<vmem>>
      %dma_start3A_439 = tpu.memref_squeeze %dma_start3A_438 : memref<1x128xi32, #tpu.memory_space<vmem>> -> memref<128xi32, #tpu.memory_space<vmem>>
      %dma_start3A_440 = arith.constant 0 : i32
      %dma_start3A_441 = arith.constant 0 : i32
      %dma_start3A_442 = tpu.memref_slice %arg3[%dma_start3A_440, %dma_start3A_441] : memref<1000000x64xf32, #tpu.memory_space<hbm>> -> memref<1000000x64xf32, #tpu.memory_space<hbm>>
      %dma_start3A_443 = tpu.memref_slice %arg7[%dma_start3A_432] : memref<4x!tpu.dma_semaphore, #tpu.memory_space<semaphore_mem>> -> memref<1x!tpu.dma_semaphore, #tpu.memory_space<semaphore_mem>>
      %dma_start3A_444 = tpu.memref_squeeze %dma_start3A_443 : memref<1x!tpu.dma_semaphore, #tpu.memory_space<semaphore_mem>> -> memref<!tpu.dma_semaphore, #tpu.memory_space<semaphore_mem>>
      tpu.enqueue_indirect_dma source(%dma_start3A_442 : memref<1000000x64xf32, #tpu.memory_space<hbm>>) target(%dma_start3A_436 : memref<128x64xf32, #tpu.memory_space<vmem>>) offsets(%dma_start3A_439 : memref<128xi32, #tpu.memory_space<vmem>>) semaphore(%dma_start3A_444 : memref<!tpu.dma_semaphore, #tpu.memory_space<semaphore_mem>>)
      %scan3A_445 = arith.constant 0 : i32
      %scan3A_446 = arith.constant 0 : i32
      %scan3A_447 = arith.constant 32 : i32
      %scan3A_448 = arith.addi %scan3A_446, %scan3A_447 : i32
      %scan3A_449 = arith.constant 1 : i32
      scf.for %scan3A_590 = %scan3A_446 to %scan3A_448 step %scan3A_449  : i32 {
        %mul3A_591 = arith.constant 4 : i32
        %mul3A_592 = arith.muli %mul3A_591, %scan3A_590 : i32
        %add3A_593 = arith.constant 0 : i32
        %add3A_594 = arith.addi %mul3A_592, %add3A_593 : i32
        %get3A = arith.constant 1 : i32
        %get3A_595 = arith.index_cast %get3A : i32 to index
        %get3A_596 = arith.index_cast %add3A_594 : i32 to index
        %get3A_597 = arith.constant 0 : index
        %get3A_598 = tpu.vector_load %arg6[%get3A_595, %get3A_596, %get3A_597] {strides = array<i32>} : memref<4x128x64xf32, #tpu.memory_space<vmem>>, vector<1x1x16xf32>,
        %get3A_599 = vector.shape_cast %get3A_598 : vector<1x1x16xf32> to vector<16xf32>
        %mul3A_600 = arith.constant 8.000000e+00 : f32
        %mul3A_601 = vector.broadcast %mul3A_600 : f32 to vector<16xf32>
        %mul3A_602 = arith.mulf %get3A_599, %mul3A_601 : vector<16xf32>
        %mul3A_603 = arith.constant 4 : i32
        %mul3A_604 = arith.muli %mul3A_603, %scan3A_590 : i32
        %add3A_605 = arith.constant 0 : i32
        %add3A_606 = arith.addi %mul3A_604, %add3A_605 : i32
        %swap3A = arith.constant 1 : i32
        %swap3A_607 = arith.index_cast %swap3A : i32 to index
        %swap3A_608 = arith.index_cast %add3A_606 : i32 to index
        %swap3A_609 = arith.constant 0 : index
        %swap3A_610 = tpu.vector_load %arg6[%swap3A_607, %swap3A_608, %swap3A_609] {strides = array<i32>} : memref<4x128x64xf32, #tpu.memory_space<vmem>>, vector<1x1x16xf32>,
        %swap3A_611 = vector.shape_cast %swap3A_610 : vector<1x1x16xf32> to vector<16xf32>
        %swap3A_612 = vector.shape_cast %mul3A_602 : vector<16xf32> to vector<1x1x16xf32>
        tpu.vector_store %arg6[%swap3A_607, %swap3A_608, %swap3A_609], %swap3A_612 {strides = array<i32>} : memref<4x128x64xf32, #tpu.memory_space<vmem>>, vector<1x1x16xf32>,
        %mul3A_613 = arith.constant 4 : i32
        %mul3A_614 = arith.muli %mul3A_613, %scan3A_590 : i32
        %add3A_615 = arith.constant 0 : i32
        %add3A_616 = arith.addi %mul3A_614, %add3A_615 : i32
        %get3A_617 = arith.constant 1 : i32
        %get3A_618 = arith.index_cast %get3A_617 : i32 to index
        %get3A_619 = arith.index_cast %add3A_616 : i32 to index
        %get3A_620 = arith.constant 16 : index
        %get3A_621 = tpu.vector_load %arg6[%get3A_618, %get3A_619, %get3A_620] {strides = array<i32>} : memref<4x128x64xf32, #tpu.memory_space<vmem>>, vector<1x1x16xf32>,
        %get3A_622 = vector.shape_cast %get3A_621 : vector<1x1x16xf32> to vector<16xf32>
        %mul3A_623 = arith.constant 8.000000e+00 : f32
        %mul3A_624 = vector.broadcast %mul3A_623 : f32 to vector<16xf32>
        %mul3A_625 = arith.mulf %get3A_622, %mul3A_624 : vector<16xf32>
        %mul3A_626 = arith.constant 4 : i32
        %mul3A_627 = arith.muli %mul3A_626, %scan3A_590 : i32
        %add3A_628 = arith.constant 0 : i32
        %add3A_629 = arith.addi %mul3A_627, %add3A_628 : i32
        %swap3A_630 = arith.constant 1 : i32
        %swap3A_631 = arith.index_cast %swap3A_630 : i32 to index
        %swap3A_632 = arith.index_cast %add3A_629 : i32 to index
        %swap3A_633 = arith.constant 16 : index
        %swap3A_634 = tpu.vector_load %arg6[%swap3A_631, %swap3A_632, %swap3A_633] {strides = array<i32>} : memref<4x128x64xf32, #tpu.memory_space<vmem>>, vector<1x1x16xf32>,
        %swap3A_635 = vector.shape_cast %swap3A_634 : vector<1x1x16xf32> to vector<16xf32>
        %swap3A_636 = vector.shape_cast %mul3A_625 : vector<16xf32> to vector<1x1x16xf32>
        tpu.vector_store %arg6[%swap3A_631, %swap3A_632, %swap3A_633], %swap3A_636 {strides = array<i32>} : memref<4x128x64xf32, #tpu.memory_space<vmem>>, vector<1x1x16xf32>,
        %mul3A_637 = arith.constant 4 : i32
        %mul3A_638 = arith.muli %mul3A_637, %scan3A_590 : i32
        %add3A_639 = arith.constant 0 : i32
        %add3A_640 = arith.addi %mul3A_638, %add3A_639 : i32
        %get3A_641 = arith.constant 1 : i32
        %get3A_642 = arith.index_cast %get3A_641 : i32 to index
        %get3A_643 = arith.index_cast %add3A_640 : i32 to index
        %get3A_644 = arith.constant 32 : index
        %get3A_645 = tpu.vector_load %arg6[%get3A_642, %get3A_643, %get3A_644] {strides = array<i32>} : memref<4x128x64xf32, #tpu.memory_space<vmem>>, vector<1x1x16xf32>,
        %get3A_646 = vector.shape_cast %get3A_645 : vector<1x1x16xf32> to vector<16xf32>
        %mul3A_647 = arith.constant 8.000000e+00 : f32
        %mul3A_648 = vector.broadcast %mul3A_647 : f32 to vector<16xf32>
        %mul3A_649 = arith.mulf %get3A_646, %mul3A_648 : vector<16xf32>
        %mul3A_650 = arith.constant 4 : i32
        %mul3A_651 = arith.muli %mul3A_650, %scan3A_590 : i32
        %add3A_652 = arith.constant 0 : i32
        %add3A_653 = arith.addi %mul3A_651, %add3A_652 : i32
        %swap3A_654 = arith.constant 1 : i32
        %swap3A_655 = arith.index_cast %swap3A_654 : i32 to index
        %swap3A_656 = arith.index_cast %add3A_653 : i32 to index
        %swap3A_657 = arith.constant 32 : index
        %swap3A_658 = tpu.vector_load %arg6[%swap3A_655, %swap3A_656, %swap3A_657] {strides = array<i32>} : memref<4x128x64xf32, #tpu.memory_space<vmem>>, vector<1x1x16xf32>,
        %swap3A_659 = vector.shape_cast %swap3A_658 : vector<1x1x16xf32> to vector<16xf32>
        %swap3A_660 = vector.shape_cast %mul3A_649 : vector<16xf32> to vector<1x1x16xf32>
        tpu.vector_store %arg6[%swap3A_655, %swap3A_656, %swap3A_657], %swap3A_660 {strides = array<i32>} : memref<4x128x64xf32, #tpu.memory_space<vmem>>, vector<1x1x16xf32>,
        %mul3A_661 = arith.constant 4 : i32
        %mul3A_662 = arith.muli %mul3A_661, %scan3A_590 : i32
        %add3A_663 = arith.constant 0 : i32
        %add3A_664 = arith.addi %mul3A_662, %add3A_663 : i32
        %get3A_665 = arith.constant 1 : i32
        %get3A_666 = arith.index_cast %get3A_665 : i32 to index
        %get3A_667 = arith.index_cast %add3A_664 : i32 to index
        %get3A_668 = arith.constant 48 : index
        %get3A_669 = tpu.vector_load %arg6[%get3A_666, %get3A_667, %get3A_668] {strides = array<i32>} : memref<4x128x64xf32, #tpu.memory_space<vmem>>, vector<1x1x16xf32>,
        %get3A_670 = vector.shape_cast %get3A_669 : vector<1x1x16xf32> to vector<16xf32>
        %mul3A_671 = arith.constant 8.000000e+00 : f32
        %mul3A_672 = vector.broadcast %mul3A_671 : f32 to vector<16xf32>
        %mul3A_673 = arith.mulf %get3A_670, %mul3A_672 : vector<16xf32>
        %mul3A_674 = arith.constant 4 : i32
        %mul3A_675 = arith.muli %mul3A_674, %scan3A_590 : i32
        %add3A_676 = arith.constant 0 : i32
        %add3A_677 = arith.addi %mul3A_675, %add3A_676 : i32
        %swap3A_678 = arith.constant 1 : i32
        %swap3A_679 = arith.index_cast %swap3A_678 : i32 to index
        %swap3A_680 = arith.index_cast %add3A_677 : i32 to index
        %swap3A_681 = arith.constant 48 : index
        %swap3A_682 = tpu.vector_load %arg6[%swap3A_679, %swap3A_680, %swap3A_681] {strides = array<i32>} : memref<4x128x64xf32, #tpu.memory_space<vmem>>, vector<1x1x16xf32>,
        %swap3A_683 = vector.shape_cast %swap3A_682 : vector<1x1x16xf32> to vector<16xf32>
        %swap3A_684 = vector.shape_cast %mul3A_673 : vector<16xf32> to vector<1x1x16xf32>
        tpu.vector_store %arg6[%swap3A_679, %swap3A_680, %swap3A_681], %swap3A_684 {strides = array<i32>} : memref<4x128x64xf32, #tpu.memory_space<vmem>>, vector<1x1x16xf32>,
        %mul3A_685 = arith.constant 4 : i32
        %mul3A_686 = arith.muli %mul3A_685, %scan3A_590 : i32
        %add3A_687 = arith.constant 1 : i32
        %add3A_688 = arith.addi %mul3A_686, %add3A_687 : i32
        %get3A_689 = arith.constant 1 : i32
        %get3A_690 = arith.index_cast %get3A_689 : i32 to index
        %get3A_691 = arith.index_cast %add3A_688 : i32 to index
        %get3A_692 = arith.constant 0 : index
        %get3A_693 = tpu.vector_load %arg6[%get3A_690, %get3A_691, %get3A_692] {strides = array<i32>} : memref<4x128x64xf32, #tpu.memory_space<vmem>>, vector<1x1x16xf32>,
        %get3A_694 = vector.shape_cast %get3A_693 : vector<1x1x16xf32> to vector<16xf32>
        %mul3A_695 = arith.constant 8.000000e+00 : f32
        %mul3A_696 = vector.broadcast %mul3A_695 : f32 to vector<16xf32>
        %mul3A_697 = arith.mulf %get3A_694, %mul3A_696 : vector<16xf32>
        %mul3A_698 = arith.constant 4 : i32
        %mul3A_699 = arith.muli %mul3A_698, %scan3A_590 : i32
        %add3A_700 = arith.constant 1 : i32
        %add3A_701 = arith.addi %mul3A_699, %add3A_700 : i32
        %swap3A_702 = arith.constant 1 : i32
        %swap3A_703 = arith.index_cast %swap3A_702 : i32 to index
        %swap3A_704 = arith.index_cast %add3A_701 : i32 to index
        %swap3A_705 = arith.constant 0 : index
        %swap3A_706 = tpu.vector_load %arg6[%swap3A_703, %swap3A_704, %swap3A_705] {strides = array<i32>} : memref<4x128x64xf32, #tpu.memory_space<vmem>>, vector<1x1x16xf32>,
        %swap3A_707 = vector.shape_cast %swap3A_706 : vector<1x1x16xf32> to vector<16xf32>
        %swap3A_708 = vector.shape_cast %mul3A_697 : vector<16xf32> to vector<1x1x16xf32>
        tpu.vector_store %arg6[%swap3A_703, %swap3A_704, %swap3A_705], %swap3A_708 {strides = array<i32>} : memref<4x128x64xf32, #tpu.memory_space<vmem>>, vector<1x1x16xf32>,
        %mul3A_709 = arith.constant 4 : i32
        %mul3A_710 = arith.muli %mul3A_709, %scan3A_590 : i32
        %add3A_711 = arith.constant 1 : i32
        %add3A_712 = arith.addi %mul3A_710, %add3A_711 : i32
        %get3A_713 = arith.constant 1 : i32
        %get3A_714 = arith.index_cast %get3A_713 : i32 to index
        %get3A_715 = arith.index_cast %add3A_712 : i32 to index
        %get3A_716 = arith.constant 16 : index
        %get3A_717 = tpu.vector_load %arg6[%get3A_714, %get3A_715, %get3A_716] {strides = array<i32>} : memref<4x128x64xf32, #tpu.memory_space<vmem>>, vector<1x1x16xf32>,
        %get3A_718 = vector.shape_cast %get3A_717 : vector<1x1x16xf32> to vector<16xf32>
        %mul3A_719 = arith.constant 8.000000e+00 : f32
        %mul3A_720 = vector.broadcast %mul3A_719 : f32 to vector<16xf32>
        %mul3A_721 = arith.mulf %get3A_718, %mul3A_720 : vector<16xf32>
        %mul3A_722 = arith.constant 4 : i32
        %mul3A_723 = arith.muli %mul3A_722, %scan3A_590 : i32
        %add3A_724 = arith.constant 1 : i32
        %add3A_725 = arith.addi %mul3A_723, %add3A_724 : i32
        %swap3A_726 = arith.constant 1 : i32
        %swap3A_727 = arith.index_cast %swap3A_726 : i32 to index
        %swap3A_728 = arith.index_cast %add3A_725 : i32 to index
        %swap3A_729 = arith.constant 16 : index
        %swap3A_730 = tpu.vector_load %arg6[%swap3A_727, %swap3A_728, %swap3A_729] {strides = array<i32>} : memref<4x128x64xf32, #tpu.memory_space<vmem>>, vector<1x1x16xf32>,
        %swap3A_731 = vector.shape_cast %swap3A_730 : vector<1x1x16xf32> to vector<16xf32>
        %swap3A_732 = vector.shape_cast %mul3A_721 : vector<16xf32> to vector<1x1x16xf32>
        tpu.vector_store %arg6[%swap3A_727, %swap3A_728, %swap3A_729], %swap3A_732 {strides = array<i32>} : memref<4x128x64xf32, #tpu.memory_space<vmem>>, vector<1x1x16xf32>,
        %mul3A_733 = arith.constant 4 : i32
        %mul3A_734 = arith.muli %mul3A_733, %scan3A_590 : i32
        %add3A_735 = arith.constant 1 : i32
        %add3A_736 = arith.addi %mul3A_734, %add3A_735 : i32
        %get3A_737 = arith.constant 1 : i32
        %get3A_738 = arith.index_cast %get3A_737 : i32 to index
        %get3A_739 = arith.index_cast %add3A_736 : i32 to index
        %get3A_740 = arith.constant 32 : index
        %get3A_741 = tpu.vector_load %arg6[%get3A_738, %get3A_739, %get3A_740] {strides = array<i32>} : memref<4x128x64xf32, #tpu.memory_space<vmem>>, vector<1x1x16xf32>,
        %get3A_742 = vector.shape_cast %get3A_741 : vector<1x1x16xf32> to vector<16xf32>
        %mul3A_743 = arith.constant 8.000000e+00 : f32
        %mul3A_744 = vector.broadcast %mul3A_743 : f32 to vector<16xf32>
        %mul3A_745 = arith.mulf %get3A_742, %mul3A_744 : vector<16xf32>
        %mul3A_746 = arith.constant 4 : i32
        %mul3A_747 = arith.muli %mul3A_746, %scan3A_590 : i32
        %add3A_748 = arith.constant 1 : i32
        %add3A_749 = arith.addi %mul3A_747, %add3A_748 : i32
        %swap3A_750 = arith.constant 1 : i32
        %swap3A_751 = arith.index_cast %swap3A_750 : i32 to index
        %swap3A_752 = arith.index_cast %add3A_749 : i32 to index
        %swap3A_753 = arith.constant 32 : index
        %swap3A_754 = tpu.vector_load %arg6[%swap3A_751, %swap3A_752, %swap3A_753] {strides = array<i32>} : memref<4x128x64xf32, #tpu.memory_space<vmem>>, vector<1x1x16xf32>,
        %swap3A_755 = vector.shape_cast %swap3A_754 : vector<1x1x16xf32> to vector<16xf32>
        %swap3A_756 = vector.shape_cast %mul3A_745 : vector<16xf32> to vector<1x1x16xf32>
        tpu.vector_store %arg6[%swap3A_751, %swap3A_752, %swap3A_753], %swap3A_756 {strides = array<i32>} : memref<4x128x64xf32, #tpu.memory_space<vmem>>, vector<1x1x16xf32>,
        %mul3A_757 = arith.constant 4 : i32
        %mul3A_758 = arith.muli %mul3A_757, %scan3A_590 : i32
        %add3A_759 = arith.constant 1 : i32
        %add3A_760 = arith.addi %mul3A_758, %add3A_759 : i32
        %get3A_761 = arith.constant 1 : i32
        %get3A_762 = arith.index_cast %get3A_761 : i32 to index
        %get3A_763 = arith.index_cast %add3A_760 : i32 to index
        %get3A_764 = arith.constant 48 : index
        %get3A_765 = tpu.vector_load %arg6[%get3A_762, %get3A_763, %get3A_764] {strides = array<i32>} : memref<4x128x64xf32, #tpu.memory_space<vmem>>, vector<1x1x16xf32>,
        %get3A_766 = vector.shape_cast %get3A_765 : vector<1x1x16xf32> to vector<16xf32>
        %mul3A_767 = arith.constant 8.000000e+00 : f32
        %mul3A_768 = vector.broadcast %mul3A_767 : f32 to vector<16xf32>
        %mul3A_769 = arith.mulf %get3A_766, %mul3A_768 : vector<16xf32>
        %mul3A_770 = arith.constant 4 : i32
        %mul3A_771 = arith.muli %mul3A_770, %scan3A_590 : i32
        %add3A_772 = arith.constant 1 : i32
        %add3A_773 = arith.addi %mul3A_771, %add3A_772 : i32
        %swap3A_774 = arith.constant 1 : i32
        %swap3A_775 = arith.index_cast %swap3A_774 : i32 to index
        %swap3A_776 = arith.index_cast %add3A_773 : i32 to index
        %swap3A_777 = arith.constant 48 : index
        %swap3A_778 = tpu.vector_load %arg6[%swap3A_775, %swap3A_776, %swap3A_777] {strides = array<i32>} : memref<4x128x64xf32, #tpu.memory_space<vmem>>, vector<1x1x16xf32>,
        %swap3A_779 = vector.shape_cast %swap3A_778 : vector<1x1x16xf32> to vector<16xf32>
        %swap3A_780 = vector.shape_cast %mul3A_769 : vector<16xf32> to vector<1x1x16xf32>
        tpu.vector_store %arg6[%swap3A_775, %swap3A_776, %swap3A_777], %swap3A_780 {strides = array<i32>} : memref<4x128x64xf32, #tpu.memory_space<vmem>>, vector<1x1x16xf32>,
        %mul3A_781 = arith.constant 4 : i32
        %mul3A_782 = arith.muli %mul3A_781, %scan3A_590 : i32
        %add3A_783 = arith.constant 2 : i32
        %add3A_784 = arith.addi %mul3A_782, %add3A_783 : i32
        %get3A_785 = arith.constant 1 : i32
        %get3A_786 = arith.index_cast %get3A_785 : i32 to index
        %get3A_787 = arith.index_cast %add3A_784 : i32 to index
        %get3A_788 = arith.constant 0 : index
        %get3A_789 = tpu.vector_load %arg6[%get3A_786, %get3A_787, %get3A_788] {strides = array<i32>} : memref<4x128x64xf32, #tpu.memory_space<vmem>>, vector<1x1x16xf32>,
        %get3A_790 = vector.shape_cast %get3A_789 : vector<1x1x16xf32> to vector<16xf32>
        %mul3A_791 = arith.constant 8.000000e+00 : f32
        %mul3A_792 = vector.broadcast %mul3A_791 : f32 to vector<16xf32>
        %mul3A_793 = arith.mulf %get3A_790, %mul3A_792 : vector<16xf32>
        %mul3A_794 = arith.constant 4 : i32
        %mul3A_795 = arith.muli %mul3A_794, %scan3A_590 : i32
        %add3A_796 = arith.constant 2 : i32
        %add3A_797 = arith.addi %mul3A_795, %add3A_796 : i32
        %swap3A_798 = arith.constant 1 : i32
        %swap3A_799 = arith.index_cast %swap3A_798 : i32 to index
        %swap3A_800 = arith.index_cast %add3A_797 : i32 to index
        %swap3A_801 = arith.constant 0 : index
        %swap3A_802 = tpu.vector_load %arg6[%swap3A_799, %swap3A_800, %swap3A_801] {strides = array<i32>} : memref<4x128x64xf32, #tpu.memory_space<vmem>>, vector<1x1x16xf32>,
        %swap3A_803 = vector.shape_cast %swap3A_802 : vector<1x1x16xf32> to vector<16xf32>
        %swap3A_804 = vector.shape_cast %mul3A_793 : vector<16xf32> to vector<1x1x16xf32>
        tpu.vector_store %arg6[%swap3A_799, %swap3A_800, %swap3A_801], %swap3A_804 {strides = array<i32>} : memref<4x128x64xf32, #tpu.memory_space<vmem>>, vector<1x1x16xf32>,
        %mul3A_805 = arith.constant 4 : i32
        %mul3A_806 = arith.muli %mul3A_805, %scan3A_590 : i32
        %add3A_807 = arith.constant 2 : i32
        %add3A_808 = arith.addi %mul3A_806, %add3A_807 : i32
        %get3A_809 = arith.constant 1 : i32
        %get3A_810 = arith.index_cast %get3A_809 : i32 to index
        %get3A_811 = arith.index_cast %add3A_808 : i32 to index
        %get3A_812 = arith.constant 16 : index
        %get3A_813 = tpu.vector_load %arg6[%get3A_810, %get3A_811, %get3A_812] {strides = array<i32>} : memref<4x128x64xf32, #tpu.memory_space<vmem>>, vector<1x1x16xf32>,
        %get3A_814 = vector.shape_cast %get3A_813 : vector<1x1x16xf32> to vector<16xf32>
        %mul3A_815 = arith.constant 8.000000e+00 : f32
        %mul3A_816 = vector.broadcast %mul3A_815 : f32 to vector<16xf32>
        %mul3A_817 = arith.mulf %get3A_814, %mul3A_816 : vector<16xf32>
        %mul3A_818 = arith.constant 4 : i32
        %mul3A_819 = arith.muli %mul3A_818, %scan3A_590 : i32
        %add3A_820 = arith.constant 2 : i32
        %add3A_821 = arith.addi %mul3A_819, %add3A_820 : i32
        %swap3A_822 = arith.constant 1 : i32
        %swap3A_823 = arith.index_cast %swap3A_822 : i32 to index
        %swap3A_824 = arith.index_cast %add3A_821 : i32 to index
        %swap3A_825 = arith.constant 16 : index
        %swap3A_826 = tpu.vector_load %arg6[%swap3A_823, %swap3A_824, %swap3A_825] {strides = array<i32>} : memref<4x128x64xf32, #tpu.memory_space<vmem>>, vector<1x1x16xf32>,
        %swap3A_827 = vector.shape_cast %swap3A_826 : vector<1x1x16xf32> to vector<16xf32>
        %swap3A_828 = vector.shape_cast %mul3A_817 : vector<16xf32> to vector<1x1x16xf32>
        tpu.vector_store %arg6[%swap3A_823, %swap3A_824, %swap3A_825], %swap3A_828 {strides = array<i32>} : memref<4x128x64xf32, #tpu.memory_space<vmem>>, vector<1x1x16xf32>,
        %mul3A_829 = arith.constant 4 : i32
        %mul3A_830 = arith.muli %mul3A_829, %scan3A_590 : i32
        %add3A_831 = arith.constant 2 : i32
        %add3A_832 = arith.addi %mul3A_830, %add3A_831 : i32
        %get3A_833 = arith.constant 1 : i32
        %get3A_834 = arith.index_cast %get3A_833 : i32 to index
        %get3A_835 = arith.index_cast %add3A_832 : i32 to index
        %get3A_836 = arith.constant 32 : index
        %get3A_837 = tpu.vector_load %arg6[%get3A_834, %get3A_835, %get3A_836] {strides = array<i32>} : memref<4x128x64xf32, #tpu.memory_space<vmem>>, vector<1x1x16xf32>,
        %get3A_838 = vector.shape_cast %get3A_837 : vector<1x1x16xf32> to vector<16xf32>
        %mul3A_839 = arith.constant 8.000000e+00 : f32
        %mul3A_840 = vector.broadcast %mul3A_839 : f32 to vector<16xf32>
        %mul3A_841 = arith.mulf %get3A_838, %mul3A_840 : vector<16xf32>
        %mul3A_842 = arith.constant 4 : i32
        %mul3A_843 = arith.muli %mul3A_842, %scan3A_590 : i32
        %add3A_844 = arith.constant 2 : i32
        %add3A_845 = arith.addi %mul3A_843, %add3A_844 : i32
        %swap3A_846 = arith.constant 1 : i32
        %swap3A_847 = arith.index_cast %swap3A_846 : i32 to index
        %swap3A_848 = arith.index_cast %add3A_845 : i32 to index
        %swap3A_849 = arith.constant 32 : index
        %swap3A_850 = tpu.vector_load %arg6[%swap3A_847, %swap3A_848, %swap3A_849] {strides = array<i32>} : memref<4x128x64xf32, #tpu.memory_space<vmem>>, vector<1x1x16xf32>,
        %swap3A_851 = vector.shape_cast %swap3A_850 : vector<1x1x16xf32> to vector<16xf32>
        %swap3A_852 = vector.shape_cast %mul3A_841 : vector<16xf32> to vector<1x1x16xf32>
        tpu.vector_store %arg6[%swap3A_847, %swap3A_848, %swap3A_849], %swap3A_852 {strides = array<i32>} : memref<4x128x64xf32, #tpu.memory_space<vmem>>, vector<1x1x16xf32>,
        %mul3A_853 = arith.constant 4 : i32
        %mul3A_854 = arith.muli %mul3A_853, %scan3A_590 : i32
        %add3A_855 = arith.constant 2 : i32
        %add3A_856 = arith.addi %mul3A_854, %add3A_855 : i32
        %get3A_857 = arith.constant 1 : i32
        %get3A_858 = arith.index_cast %get3A_857 : i32 to index
        %get3A_859 = arith.index_cast %add3A_856 : i32 to index
        %get3A_860 = arith.constant 48 : index
        %get3A_861 = tpu.vector_load %arg6[%get3A_858, %get3A_859, %get3A_860] {strides = array<i32>} : memref<4x128x64xf32, #tpu.memory_space<vmem>>, vector<1x1x16xf32>,
        %get3A_862 = vector.shape_cast %get3A_861 : vector<1x1x16xf32> to vector<16xf32>
        %mul3A_863 = arith.constant 8.000000e+00 : f32
        %mul3A_864 = vector.broadcast %mul3A_863 : f32 to vector<16xf32>
        %mul3A_865 = arith.mulf %get3A_862, %mul3A_864 : vector<16xf32>
        %mul3A_866 = arith.constant 4 : i32
        %mul3A_867 = arith.muli %mul3A_866, %scan3A_590 : i32
        %add3A_868 = arith.constant 2 : i32
        %add3A_869 = arith.addi %mul3A_867, %add3A_868 : i32
        %swap3A_870 = arith.constant 1 : i32
        %swap3A_871 = arith.index_cast %swap3A_870 : i32 to index
        %swap3A_872 = arith.index_cast %add3A_869 : i32 to index
        %swap3A_873 = arith.constant 48 : index
        %swap3A_874 = tpu.vector_load %arg6[%swap3A_871, %swap3A_872, %swap3A_873] {strides = array<i32>} : memref<4x128x64xf32, #tpu.memory_space<vmem>>, vector<1x1x16xf32>,
        %swap3A_875 = vector.shape_cast %swap3A_874 : vector<1x1x16xf32> to vector<16xf32>
        %swap3A_876 = vector.shape_cast %mul3A_865 : vector<16xf32> to vector<1x1x16xf32>
        tpu.vector_store %arg6[%swap3A_871, %swap3A_872, %swap3A_873], %swap3A_876 {strides = array<i32>} : memref<4x128x64xf32, #tpu.memory_space<vmem>>, vector<1x1x16xf32>,
        %mul3A_877 = arith.constant 4 : i32
        %mul3A_878 = arith.muli %mul3A_877, %scan3A_590 : i32
        %add3A_879 = arith.constant 3 : i32
        %add3A_880 = arith.addi %mul3A_878, %add3A_879 : i32
        %get3A_881 = arith.constant 1 : i32
        %get3A_882 = arith.index_cast %get3A_881 : i32 to index
        %get3A_883 = arith.index_cast %add3A_880 : i32 to index
        %get3A_884 = arith.constant 0 : index
        %get3A_885 = tpu.vector_load %arg6[%get3A_882, %get3A_883, %get3A_884] {strides = array<i32>} : memref<4x128x64xf32, #tpu.memory_space<vmem>>, vector<1x1x16xf32>,
        %get3A_886 = vector.shape_cast %get3A_885 : vector<1x1x16xf32> to vector<16xf32>
        %mul3A_887 = arith.constant 8.000000e+00 : f32
        %mul3A_888 = vector.broadcast %mul3A_887 : f32 to vector<16xf32>
        %mul3A_889 = arith.mulf %get3A_886, %mul3A_888 : vector<16xf32>
        %mul3A_890 = arith.constant 4 : i32
        %mul3A_891 = arith.muli %mul3A_890, %scan3A_590 : i32
        %add3A_892 = arith.constant 3 : i32
        %add3A_893 = arith.addi %mul3A_891, %add3A_892 : i32
        %swap3A_894 = arith.constant 1 : i32
        %swap3A_895 = arith.index_cast %swap3A_894 : i32 to index
        %swap3A_896 = arith.index_cast %add3A_893 : i32 to index
        %swap3A_897 = arith.constant 0 : index
        %swap3A_898 = tpu.vector_load %arg6[%swap3A_895, %swap3A_896, %swap3A_897] {strides = array<i32>} : memref<4x128x64xf32, #tpu.memory_space<vmem>>, vector<1x1x16xf32>,
        %swap3A_899 = vector.shape_cast %swap3A_898 : vector<1x1x16xf32> to vector<16xf32>
        %swap3A_900 = vector.shape_cast %mul3A_889 : vector<16xf32> to vector<1x1x16xf32>
        tpu.vector_store %arg6[%swap3A_895, %swap3A_896, %swap3A_897], %swap3A_900 {strides = array<i32>} : memref<4x128x64xf32, #tpu.memory_space<vmem>>, vector<1x1x16xf32>,
        %mul3A_901 = arith.constant 4 : i32
        %mul3A_902 = arith.muli %mul3A_901, %scan3A_590 : i32
        %add3A_903 = arith.constant 3 : i32
        %add3A_904 = arith.addi %mul3A_902, %add3A_903 : i32
        %get3A_905 = arith.constant 1 : i32
        %get3A_906 = arith.index_cast %get3A_905 : i32 to index
        %get3A_907 = arith.index_cast %add3A_904 : i32 to index
        %get3A_908 = arith.constant 16 : index
        %get3A_909 = tpu.vector_load %arg6[%get3A_906, %get3A_907, %get3A_908] {strides = array<i32>} : memref<4x128x64xf32, #tpu.memory_space<vmem>>, vector<1x1x16xf32>,
        %get3A_910 = vector.shape_cast %get3A_909 : vector<1x1x16xf32> to vector<16xf32>
        %mul3A_911 = arith.constant 8.000000e+00 : f32
        %mul3A_912 = vector.broadcast %mul3A_911 : f32 to vector<16xf32>
        %mul3A_913 = arith.mulf %get3A_910, %mul3A_912 : vector<16xf32>
        %mul3A_914 = arith.constant 4 : i32
        %mul3A_915 = arith.muli %mul3A_914, %scan3A_590 : i32
        %add3A_916 = arith.constant 3 : i32
        %add3A_917 = arith.addi %mul3A_915, %add3A_916 : i32
        %swap3A_918 = arith.constant 1 : i32
        %swap3A_919 = arith.index_cast %swap3A_918 : i32 to index
        %swap3A_920 = arith.index_cast %add3A_917 : i32 to index
        %swap3A_921 = arith.constant 16 : index
        %swap3A_922 = tpu.vector_load %arg6[%swap3A_919, %swap3A_920, %swap3A_921] {strides = array<i32>} : memref<4x128x64xf32, #tpu.memory_space<vmem>>, vector<1x1x16xf32>,
        %swap3A_923 = vector.shape_cast %swap3A_922 : vector<1x1x16xf32> to vector<16xf32>
        %swap3A_924 = vector.shape_cast %mul3A_913 : vector<16xf32> to vector<1x1x16xf32>
        tpu.vector_store %arg6[%swap3A_919, %swap3A_920, %swap3A_921], %swap3A_924 {strides = array<i32>} : memref<4x128x64xf32, #tpu.memory_space<vmem>>, vector<1x1x16xf32>,
        %mul3A_925 = arith.constant 4 : i32
        %mul3A_926 = arith.muli %mul3A_925, %scan3A_590 : i32
        %add3A_927 = arith.constant 3 : i32
        %add3A_928 = arith.addi %mul3A_926, %add3A_927 : i32
        %get3A_929 = arith.constant 1 : i32
        %get3A_930 = arith.index_cast %get3A_929 : i32 to index
        %get3A_931 = arith.index_cast %add3A_928 : i32 to index
        %get3A_932 = arith.constant 32 : index
        %get3A_933 = tpu.vector_load %arg6[%get3A_930, %get3A_931, %get3A_932] {strides = array<i32>} : memref<4x128x64xf32, #tpu.memory_space<vmem>>, vector<1x1x16xf32>,
        %get3A_934 = vector.shape_cast %get3A_933 : vector<1x1x16xf32> to vector<16xf32>
        %mul3A_935 = arith.constant 8.000000e+00 : f32
        %mul3A_936 = vector.broadcast %mul3A_935 : f32 to vector<16xf32>
        %mul3A_937 = arith.mulf %get3A_934, %mul3A_936 : vector<16xf32>
        %mul3A_938 = arith.constant 4 : i32
        %mul3A_939 = arith.muli %mul3A_938, %scan3A_590 : i32
        %add3A_940 = arith.constant 3 : i32
        %add3A_941 = arith.addi %mul3A_939, %add3A_940 : i32
        %swap3A_942 = arith.constant 1 : i32
        %swap3A_943 = arith.index_cast %swap3A_942 : i32 to index
        %swap3A_944 = arith.index_cast %add3A_941 : i32 to index
        %swap3A_945 = arith.constant 32 : index
        %swap3A_946 = tpu.vector_load %arg6[%swap3A_943, %swap3A_944, %swap3A_945] {strides = array<i32>} : memref<4x128x64xf32, #tpu.memory_space<vmem>>, vector<1x1x16xf32>,
        %swap3A_947 = vector.shape_cast %swap3A_946 : vector<1x1x16xf32> to vector<16xf32>
        %swap3A_948 = vector.shape_cast %mul3A_937 : vector<16xf32> to vector<1x1x16xf32>
        tpu.vector_store %arg6[%swap3A_943, %swap3A_944, %swap3A_945], %swap3A_948 {strides = array<i32>} : memref<4x128x64xf32, #tpu.memory_space<vmem>>, vector<1x1x16xf32>,
        %mul3A_949 = arith.constant 4 : i32
        %mul3A_950 = arith.muli %mul3A_949, %scan3A_590 : i32
        %add3A_951 = arith.constant 3 : i32
        %add3A_952 = arith.addi %mul3A_950, %add3A_951 : i32
        %get3A_953 = arith.constant 1 : i32
        %get3A_954 = arith.index_cast %get3A_953 : i32 to index
        %get3A_955 = arith.index_cast %add3A_952 : i32 to index
        %get3A_956 = arith.constant 48 : index
        %get3A_957 = tpu.vector_load %arg6[%get3A_954, %get3A_955, %get3A_956] {strides = array<i32>} : memref<4x128x64xf32, #tpu.memory_space<vmem>>, vector<1x1x16xf32>,
        %get3A_958 = vector.shape_cast %get3A_957 : vector<1x1x16xf32> to vector<16xf32>
        %mul3A_959 = arith.constant 8.000000e+00 : f32
        %mul3A_960 = vector.broadcast %mul3A_959 : f32 to vector<16xf32>
        %mul3A_961 = arith.mulf %get3A_958, %mul3A_960 : vector<16xf32>
        %mul3A_962 = arith.constant 4 : i32
        %mul3A_963 = arith.muli %mul3A_962, %scan3A_590 : i32
        %add3A_964 = arith.constant 3 : i32
        %add3A_965 = arith.addi %mul3A_963, %add3A_964 : i32
        %swap3A_966 = arith.constant 1 : i32
        %swap3A_967 = arith.index_cast %swap3A_966 : i32 to index
        %swap3A_968 = arith.index_cast %add3A_965 : i32 to index
        %swap3A_969 = arith.constant 48 : index
        %swap3A_970 = tpu.vector_load %arg6[%swap3A_967, %swap3A_968, %swap3A_969] {strides = array<i32>} : memref<4x128x64xf32, #tpu.memory_space<vmem>>, vector<1x1x16xf32>,
        %swap3A_971 = vector.shape_cast %swap3A_970 : vector<1x1x16xf32> to vector<16xf32>
        %swap3A_972 = vector.shape_cast %mul3A_961 : vector<16xf32> to vector<1x1x16xf32>
        tpu.vector_store %arg6[%swap3A_967, %swap3A_968, %swap3A_969], %swap3A_972 {strides = array<i32>} : memref<4x128x64xf32, #tpu.memory_space<vmem>>, vector<1x1x16xf32>,
      }
      %scan3A_450 = arith.constant 32 : i32
      %mul3A_451 = arith.constant 128 : i32
      %mul3A_452 = arith.muli %add3A_397, %mul3A_451 : i32
      %add3A_453 = arith.addi %mul3A_4, %mul3A_452 : i32
      %dma_start3A_454 = arith.constant 1 : i32
      %dma_start3A_455 = arith.constant 1 : i32
      %dma_start3A_456 = arith.constant 0 : i32
      %dma_start3A_457 = arith.constant 0 : i32
      %dma_start3A_458 = tpu.memref_slice %arg6[%dma_start3A_454, %dma_start3A_456, %dma_start3A_457] : memref<4x128x64xf32, #tpu.memory_space<vmem>> -> memref<1x128x64xf32, #tpu.memory_space<vmem>>
      %dma_start3A_459 = tpu.memref_squeeze %dma_start3A_458 : memref<1x128x64xf32, #tpu.memory_space<vmem>> -> memref<128x64xf32, #tpu.memory_space<vmem>>
      %dma_start3A_460 = arith.constant 0 : i32
      %dma_start3A_461 = tpu.memref_slice %arg4[%add3A_453, %dma_start3A_460] : memref<819200x128xf32, #tpu.memory_space<hbm>> -> memref<128x64xf32, #tpu.memory_space<hbm>>
      %dma_start3A_462 = tpu.memref_slice %arg8[%dma_start3A_455] : memref<4x!tpu.dma_semaphore, #tpu.memory_space<semaphore_mem>> -> memref<1x!tpu.dma_semaphore, #tpu.memory_space<semaphore_mem>>
      %dma_start3A_463 = tpu.memref_squeeze %dma_start3A_462 : memref<1x!tpu.dma_semaphore, #tpu.memory_space<semaphore_mem>> -> memref<!tpu.dma_semaphore, #tpu.memory_space<semaphore_mem>>
      %dma_start3A_464 = arith.constant 0 : i32
      %dma_start3A_465 = tpu.memref_slice %arg4[%add3A_453, %dma_start3A_464] : memref<819200x128xf32, #tpu.memory_space<hbm>> -> memref<128x64xf32, #tpu.memory_space<hbm>>
      %dma_start3A_466 = arith.constant 0 : i32
      %dma_start3A_467 = arith.constant 0 : i32
      %dma_start3A_468 = tpu.memref_slice %arg6[%dma_start3A_454, %dma_start3A_466, %dma_start3A_467] : memref<4x128x64xf32, #tpu.memory_space<vmem>> -> memref<1x128x64xf32, #tpu.memory_space<vmem>>
      %dma_start3A_469 = tpu.memref_squeeze %dma_start3A_468 : memref<1x128x64xf32, #tpu.memory_space<vmem>> -> memref<128x64xf32, #tpu.memory_space<vmem>>
      tpu.enqueue_dma source(%dma_start3A_469 : memref<128x64xf32, #tpu.memory_space<vmem>>) target(%dma_start3A_465 : memref<128x64xf32, #tpu.memory_space<hbm>>) target_semaphore(%dma_start3A_463 : memref<!tpu.dma_semaphore, #tpu.memory_space<semaphore_mem>>)
      %add3A_470 = arith.constant 2 : i32
      %add3A_471 = arith.addi %mul3A_321, %add3A_470 : i32
      %dma_wait3A_472 = arith.constant 0 : i32
      %dma_wait3A_473 = arith.constant 2 : i32
      %dma_wait3A_474 = arith.constant 2 : i32
      %dma_wait3A_475 = arith.constant 0 : i32
      %dma_wait3A_476 = arith.constant 0 : i32
      %dma_wait3A_477 = tpu.memref_slice %arg6[%dma_wait3A_473, %dma_wait3A_475, %dma_wait3A_476] : memref<4x128x64xf32, #tpu.memory_space<vmem>> -> memref<1x128x64xf32, #tpu.memory_space<vmem>>
      %dma_wait3A_478 = tpu.memref_squeeze %dma_wait3A_477 : memref<1x128x64xf32, #tpu.memory_space<vmem>> -> memref<128x64xf32, #tpu.memory_space<vmem>>
      %dma_wait3A_479 = arith.constant 0 : i32
      %dma_wait3A_480 = tpu.memref_slice %arg5[%dma_wait3A_472, %dma_wait3A_479] : memref<200x128xi32, #tpu.memory_space<vmem>> -> memref<1x128xi32, #tpu.memory_space<vmem>>
      %dma_wait3A_481 = tpu.memref_squeeze %dma_wait3A_480 : memref<1x128xi32, #tpu.memory_space<vmem>> -> memref<128xi32, #tpu.memory_space<vmem>>
      %dma_wait3A_482 = arith.constant 0 : i32
      %dma_wait3A_483 = arith.constant 0 : i32
      %dma_wait3A_484 = tpu.memref_slice %arg3[%dma_wait3A_482, %dma_wait3A_483] : memref<1000000x64xf32, #tpu.memory_space<hbm>> -> memref<1000000x64xf32, #tpu.memory_space<hbm>>
      %dma_wait3A_485 = tpu.memref_slice %arg7[%dma_wait3A_474] : memref<4x!tpu.dma_semaphore, #tpu.memory_space<semaphore_mem>> -> memref<1x!tpu.dma_semaphore, #tpu.memory_space<semaphore_mem>>
      %dma_wait3A_486 = tpu.memref_squeeze %dma_wait3A_485 : memref<1x!tpu.dma_semaphore, #tpu.memory_space<semaphore_mem>> -> memref<!tpu.dma_semaphore, #tpu.memory_space<semaphore_mem>>
      tpu.wait_indirect_dma semaphore(%dma_wait3A_486 : memref<!tpu.dma_semaphore, #tpu.memory_space<semaphore_mem>>) src(%dma_wait3A_484 : memref<1000000x64xf32, #tpu.memory_space<hbm>>) dst(%dma_wait3A_478 : memref<128x64xf32, #tpu.memory_space<vmem>>)
      %dma_wait3A_487 = arith.constant 3 : i32
      %dma_wait3A_488 = arith.constant 3 : i32
      %dma_wait3A_489 = arith.constant 0 : i32
      %dma_wait3A_490 = arith.constant 0 : i32
      %dma_wait3A_491 = tpu.memref_slice %arg6[%dma_wait3A_487, %dma_wait3A_489, %dma_wait3A_490] : memref<4x128x64xf32, #tpu.memory_space<vmem>> -> memref<1x128x64xf32, #tpu.memory_space<vmem>>
      %dma_wait3A_492 = tpu.memref_squeeze %dma_wait3A_491 : memref<1x128x64xf32, #tpu.memory_space<vmem>> -> memref<128x64xf32, #tpu.memory_space<vmem>>
      %dma_wait3A_493 = arith.constant 0 : i32
      %dma_wait3A_494 = tpu.memref_slice %arg4[%mul3A_4, %dma_wait3A_493] : memref<819200x128xf32, #tpu.memory_space<hbm>> -> memref<128x64xf32, #tpu.memory_space<hbm>>
      %dma_wait3A_495 = tpu.memref_slice %arg8[%dma_wait3A_488] : memref<4x!tpu.dma_semaphore, #tpu.memory_space<semaphore_mem>> -> memref<1x!tpu.dma_semaphore, #tpu.memory_space<semaphore_mem>>
      %dma_wait3A_496 = tpu.memref_squeeze %dma_wait3A_495 : memref<1x!tpu.dma_semaphore, #tpu.memory_space<semaphore_mem>> -> memref<!tpu.dma_semaphore, #tpu.memory_space<semaphore_mem>>
      %dma_wait3A_497 = arith.constant 0 : i32
      %dma_wait3A_498 = tpu.memref_slice %arg4[%mul3A_4, %dma_wait3A_497] : memref<819200x128xf32, #tpu.memory_space<hbm>> -> memref<128x64xf32, #tpu.memory_space<hbm>>
      %dma_wait3A_499 = arith.constant 0 : i32
      %dma_wait3A_500 = arith.constant 0 : i32
      %dma_wait3A_501 = tpu.memref_slice %arg6[%dma_wait3A_487, %dma_wait3A_499, %dma_wait3A_500] : memref<4x128x64xf32, #tpu.memory_space<vmem>> -> memref<1x128x64xf32, #tpu.memory_space<vmem>>
      %dma_wait3A_502 = tpu.memref_squeeze %dma_wait3A_501 : memref<1x128x64xf32, #tpu.memory_space<vmem>> -> memref<128x64xf32, #tpu.memory_space<vmem>>
      tpu.wait_dma2 semaphore(%dma_wait3A_496 : memref<!tpu.dma_semaphore, #tpu.memory_space<semaphore_mem>>) src(%dma_wait3A_502 : memref<128x64xf32, #tpu.memory_space<vmem>>) dst(%dma_wait3A_498 : memref<128x64xf32, #tpu.memory_space<hbm>>)
      %add3A_503 = arith.constant 1 : i32
      %add3A_504 = arith.addi %add3A_471, %add3A_503 : i32
      %dma_start3A_505 = arith.constant 3 : i32
      %dma_start3A_506 = arith.constant 3 : i32
      %dma_start3A_507 = arith.constant 0 : i32
      %dma_start3A_508 = arith.constant 0 : i32
      %dma_start3A_509 = tpu.memref_slice %arg6[%dma_start3A_505, %dma_start3A_507, %dma_start3A_508] : memref<4x128x64xf32, #tpu.memory_space<vmem>> -> memref<1x128x64xf32, #tpu.memory_space<vmem>>
      %dma_start3A_510 = tpu.memref_squeeze %dma_start3A_509 : memref<1x128x64xf32, #tpu.memory_space<vmem>> -> memref<128x64xf32, #tpu.memory_space<vmem>>
      %dma_start3A_511 = arith.constant 0 : i32
      %dma_start3A_512 = tpu.memref_slice %arg5[%add3A_504, %dma_start3A_511] : memref<200x128xi32, #tpu.memory_space<vmem>> -> memref<1x128xi32, #tpu.memory_space<vmem>>
      %dma_start3A_513 = tpu.memref_squeeze %dma_start3A_512 : memref<1x128xi32, #tpu.memory_space<vmem>> -> memref<128xi32, #tpu.memory_space<vmem>>
      %dma_start3A_514 = arith.constant 0 : i32
      %dma_start3A_515 = arith.constant 0 : i32
      %dma_start3A_516 = tpu.memref_slice %arg3[%dma_start3A_514, %dma_start3A_515] : memref<1000000x64xf32, #tpu.memory_space<hbm>> -> memref<1000000x64xf32, #tpu.memory_space<hbm>>
      %dma_start3A_517 = tpu.memref_slice %arg7[%dma_start3A_506] : memref<4x!tpu.dma_semaphore, #tpu.memory_space<semaphore_mem>> -> memref<1x!tpu.dma_semaphore, #tpu.memory_space<semaphore_mem>>
      %dma_start3A_518 = tpu.memref_squeeze %dma_start3A_517 : memref<1x!tpu.dma_semaphore, #tpu.memory_space<semaphore_mem>> -> memref<!tpu.dma_semaphore, #tpu.memory_space<semaphore_mem>>
      tpu.enqueue_indirect_dma source(%dma_start3A_516 : memref<1000000x64xf32, #tpu.memory_space<hbm>>) target(%dma_start3A_510 : memref<128x64xf32, #tpu.memory_space<vmem>>) offsets(%dma_start3A_513 : memref<128xi32, #tpu.memory_space<vmem>>) semaphore(%dma_start3A_518 : memref<!tpu.dma_semaphore, #tpu.memory_space<semaphore_mem>>)
      %scan3A_519 = arith.constant 0 : i32
      %scan3A_520 = arith.constant 0 : i32
      %scan3A_521 = arith.constant 32 : i32
      %scan3A_522 = arith.addi %scan3A_520, %scan3A_521 : i32
      %scan3A_523 = arith.constant 1 : i32
      scf.for %scan3A_590 = %scan3A_520 to %scan3A_522 step %scan3A_523  : i32 {
        %mul3A_591 = arith.constant 4 : i32
        %mul3A_592 = arith.muli %mul3A_591, %scan3A_590 : i32
        %add3A_593 = arith.constant 0 : i32
        %add3A_594 = arith.addi %mul3A_592, %add3A_593 : i32
        %get3A = arith.constant 2 : i32
        %get3A_595 = arith.index_cast %get3A : i32 to index
        %get3A_596 = arith.index_cast %add3A_594 : i32 to index
        %get3A_597 = arith.constant 0 : index
        %get3A_598 = tpu.vector_load %arg6[%get3A_595, %get3A_596, %get3A_597] {strides = array<i32>} : memref<4x128x64xf32, #tpu.memory_space<vmem>>, vector<1x1x16xf32>,
        %get3A_599 = vector.shape_cast %get3A_598 : vector<1x1x16xf32> to vector<16xf32>
        %mul3A_600 = arith.constant 8.000000e+00 : f32
        %mul3A_601 = vector.broadcast %mul3A_600 : f32 to vector<16xf32>
        %mul3A_602 = arith.mulf %get3A_599, %mul3A_601 : vector<16xf32>
        %mul3A_603 = arith.constant 4 : i32
        %mul3A_604 = arith.muli %mul3A_603, %scan3A_590 : i32
        %add3A_605 = arith.constant 0 : i32
        %add3A_606 = arith.addi %mul3A_604, %add3A_605 : i32
        %swap3A = arith.constant 2 : i32
        %swap3A_607 = arith.index_cast %swap3A : i32 to index
        %swap3A_608 = arith.index_cast %add3A_606 : i32 to index
        %swap3A_609 = arith.constant 0 : index
        %swap3A_610 = tpu.vector_load %arg6[%swap3A_607, %swap3A_608, %swap3A_609] {strides = array<i32>} : memref<4x128x64xf32, #tpu.memory_space<vmem>>, vector<1x1x16xf32>,
        %swap3A_611 = vector.shape_cast %swap3A_610 : vector<1x1x16xf32> to vector<16xf32>
        %swap3A_612 = vector.shape_cast %mul3A_602 : vector<16xf32> to vector<1x1x16xf32>
        tpu.vector_store %arg6[%swap3A_607, %swap3A_608, %swap3A_609], %swap3A_612 {strides = array<i32>} : memref<4x128x64xf32, #tpu.memory_space<vmem>>, vector<1x1x16xf32>,
        %mul3A_613 = arith.constant 4 : i32
        %mul3A_614 = arith.muli %mul3A_613, %scan3A_590 : i32
        %add3A_615 = arith.constant 0 : i32
        %add3A_616 = arith.addi %mul3A_614, %add3A_615 : i32
        %get3A_617 = arith.constant 2 : i32
        %get3A_618 = arith.index_cast %get3A_617 : i32 to index
        %get3A_619 = arith.index_cast %add3A_616 : i32 to index
        %get3A_620 = arith.constant 16 : index
        %get3A_621 = tpu.vector_load %arg6[%get3A_618, %get3A_619, %get3A_620] {strides = array<i32>} : memref<4x128x64xf32, #tpu.memory_space<vmem>>, vector<1x1x16xf32>,
        %get3A_622 = vector.shape_cast %get3A_621 : vector<1x1x16xf32> to vector<16xf32>
        %mul3A_623 = arith.constant 8.000000e+00 : f32
        %mul3A_624 = vector.broadcast %mul3A_623 : f32 to vector<16xf32>
        %mul3A_625 = arith.mulf %get3A_622, %mul3A_624 : vector<16xf32>
        %mul3A_626 = arith.constant 4 : i32
        %mul3A_627 = arith.muli %mul3A_626, %scan3A_590 : i32
        %add3A_628 = arith.constant 0 : i32
        %add3A_629 = arith.addi %mul3A_627, %add3A_628 : i32
        %swap3A_630 = arith.constant 2 : i32
        %swap3A_631 = arith.index_cast %swap3A_630 : i32 to index
        %swap3A_632 = arith.index_cast %add3A_629 : i32 to index
        %swap3A_633 = arith.constant 16 : index
        %swap3A_634 = tpu.vector_load %arg6[%swap3A_631, %swap3A_632, %swap3A_633] {strides = array<i32>} : memref<4x128x64xf32, #tpu.memory_space<vmem>>, vector<1x1x16xf32>,
        %swap3A_635 = vector.shape_cast %swap3A_634 : vector<1x1x16xf32> to vector<16xf32>
        %swap3A_636 = vector.shape_cast %mul3A_625 : vector<16xf32> to vector<1x1x16xf32>
        tpu.vector_store %arg6[%swap3A_631, %swap3A_632, %swap3A_633], %swap3A_636 {strides = array<i32>} : memref<4x128x64xf32, #tpu.memory_space<vmem>>, vector<1x1x16xf32>,
        %mul3A_637 = arith.constant 4 : i32
        %mul3A_638 = arith.muli %mul3A_637, %scan3A_590 : i32
        %add3A_639 = arith.constant 0 : i32
        %add3A_640 = arith.addi %mul3A_638, %add3A_639 : i32
        %get3A_641 = arith.constant 2 : i32
        %get3A_642 = arith.index_cast %get3A_641 : i32 to index
        %get3A_643 = arith.index_cast %add3A_640 : i32 to index
        %get3A_644 = arith.constant 32 : index
        %get3A_645 = tpu.vector_load %arg6[%get3A_642, %get3A_643, %get3A_644] {strides = array<i32>} : memref<4x128x64xf32, #tpu.memory_space<vmem>>, vector<1x1x16xf32>,
        %get3A_646 = vector.shape_cast %get3A_645 : vector<1x1x16xf32> to vector<16xf32>
        %mul3A_647 = arith.constant 8.000000e+00 : f32
        %mul3A_648 = vector.broadcast %mul3A_647 : f32 to vector<16xf32>
        %mul3A_649 = arith.mulf %get3A_646, %mul3A_648 : vector<16xf32>
        %mul3A_650 = arith.constant 4 : i32
        %mul3A_651 = arith.muli %mul3A_650, %scan3A_590 : i32
        %add3A_652 = arith.constant 0 : i32
        %add3A_653 = arith.addi %mul3A_651, %add3A_652 : i32
        %swap3A_654 = arith.constant 2 : i32
        %swap3A_655 = arith.index_cast %swap3A_654 : i32 to index
        %swap3A_656 = arith.index_cast %add3A_653 : i32 to index
        %swap3A_657 = arith.constant 32 : index
        %swap3A_658 = tpu.vector_load %arg6[%swap3A_655, %swap3A_656, %swap3A_657] {strides = array<i32>} : memref<4x128x64xf32, #tpu.memory_space<vmem>>, vector<1x1x16xf32>,
        %swap3A_659 = vector.shape_cast %swap3A_658 : vector<1x1x16xf32> to vector<16xf32>
        %swap3A_660 = vector.shape_cast %mul3A_649 : vector<16xf32> to vector<1x1x16xf32>
        tpu.vector_store %arg6[%swap3A_655, %swap3A_656, %swap3A_657], %swap3A_660 {strides = array<i32>} : memref<4x128x64xf32, #tpu.memory_space<vmem>>, vector<1x1x16xf32>,
        %mul3A_661 = arith.constant 4 : i32
        %mul3A_662 = arith.muli %mul3A_661, %scan3A_590 : i32
        %add3A_663 = arith.constant 0 : i32
        %add3A_664 = arith.addi %mul3A_662, %add3A_663 : i32
        %get3A_665 = arith.constant 2 : i32
        %get3A_666 = arith.index_cast %get3A_665 : i32 to index
        %get3A_667 = arith.index_cast %add3A_664 : i32 to index
        %get3A_668 = arith.constant 48 : index
        %get3A_669 = tpu.vector_load %arg6[%get3A_666, %get3A_667, %get3A_668] {strides = array<i32>} : memref<4x128x64xf32, #tpu.memory_space<vmem>>, vector<1x1x16xf32>,
        %get3A_670 = vector.shape_cast %get3A_669 : vector<1x1x16xf32> to vector<16xf32>
        %mul3A_671 = arith.constant 8.000000e+00 : f32
        %mul3A_672 = vector.broadcast %mul3A_671 : f32 to vector<16xf32>
        %mul3A_673 = arith.mulf %get3A_670, %mul3A_672 : vector<16xf32>
        %mul3A_674 = arith.constant 4 : i32
        %mul3A_675 = arith.muli %mul3A_674, %scan3A_590 : i32
        %add3A_676 = arith.constant 0 : i32
        %add3A_677 = arith.addi %mul3A_675, %add3A_676 : i32
        %swap3A_678 = arith.constant 2 : i32
        %swap3A_679 = arith.index_cast %swap3A_678 : i32 to index
        %swap3A_680 = arith.index_cast %add3A_677 : i32 to index
        %swap3A_681 = arith.constant 48 : index
        %swap3A_682 = tpu.vector_load %arg6[%swap3A_679, %swap3A_680, %swap3A_681] {strides = array<i32>} : memref<4x128x64xf32, #tpu.memory_space<vmem>>, vector<1x1x16xf32>,
        %swap3A_683 = vector.shape_cast %swap3A_682 : vector<1x1x16xf32> to vector<16xf32>
        %swap3A_684 = vector.shape_cast %mul3A_673 : vector<16xf32> to vector<1x1x16xf32>
        tpu.vector_store %arg6[%swap3A_679, %swap3A_680, %swap3A_681], %swap3A_684 {strides = array<i32>} : memref<4x128x64xf32, #tpu.memory_space<vmem>>, vector<1x1x16xf32>,
        %mul3A_685 = arith.constant 4 : i32
        %mul3A_686 = arith.muli %mul3A_685, %scan3A_590 : i32
        %add3A_687 = arith.constant 1 : i32
        %add3A_688 = arith.addi %mul3A_686, %add3A_687 : i32
        %get3A_689 = arith.constant 2 : i32
        %get3A_690 = arith.index_cast %get3A_689 : i32 to index
        %get3A_691 = arith.index_cast %add3A_688 : i32 to index
        %get3A_692 = arith.constant 0 : index
        %get3A_693 = tpu.vector_load %arg6[%get3A_690, %get3A_691, %get3A_692] {strides = array<i32>} : memref<4x128x64xf32, #tpu.memory_space<vmem>>, vector<1x1x16xf32>,
        %get3A_694 = vector.shape_cast %get3A_693 : vector<1x1x16xf32> to vector<16xf32>
        %mul3A_695 = arith.constant 8.000000e+00 : f32
        %mul3A_696 = vector.broadcast %mul3A_695 : f32 to vector<16xf32>
        %mul3A_697 = arith.mulf %get3A_694, %mul3A_696 : vector<16xf32>
        %mul3A_698 = arith.constant 4 : i32
        %mul3A_699 = arith.muli %mul3A_698, %scan3A_590 : i32
        %add3A_700 = arith.constant 1 : i32
        %add3A_701 = arith.addi %mul3A_699, %add3A_700 : i32
        %swap3A_702 = arith.constant 2 : i32
        %swap3A_703 = arith.index_cast %swap3A_702 : i32 to index
        %swap3A_704 = arith.index_cast %add3A_701 : i32 to index
        %swap3A_705 = arith.constant 0 : index
        %swap3A_706 = tpu.vector_load %arg6[%swap3A_703, %swap3A_704, %swap3A_705] {strides = array<i32>} : memref<4x128x64xf32, #tpu.memory_space<vmem>>, vector<1x1x16xf32>,
        %swap3A_707 = vector.shape_cast %swap3A_706 : vector<1x1x16xf32> to vector<16xf32>
        %swap3A_708 = vector.shape_cast %mul3A_697 : vector<16xf32> to vector<1x1x16xf32>
        tpu.vector_store %arg6[%swap3A_703, %swap3A_704, %swap3A_705], %swap3A_708 {strides = array<i32>} : memref<4x128x64xf32, #tpu.memory_space<vmem>>, vector<1x1x16xf32>,
        %mul3A_709 = arith.constant 4 : i32
        %mul3A_710 = arith.muli %mul3A_709, %scan3A_590 : i32
        %add3A_711 = arith.constant 1 : i32
        %add3A_712 = arith.addi %mul3A_710, %add3A_711 : i32
        %get3A_713 = arith.constant 2 : i32
        %get3A_714 = arith.index_cast %get3A_713 : i32 to index
        %get3A_715 = arith.index_cast %add3A_712 : i32 to index
        %get3A_716 = arith.constant 16 : index
        %get3A_717 = tpu.vector_load %arg6[%get3A_714, %get3A_715, %get3A_716] {strides = array<i32>} : memref<4x128x64xf32, #tpu.memory_space<vmem>>, vector<1x1x16xf32>,
        %get3A_718 = vector.shape_cast %get3A_717 : vector<1x1x16xf32> to vector<16xf32>
        %mul3A_719 = arith.constant 8.000000e+00 : f32
        %mul3A_720 = vector.broadcast %mul3A_719 : f32 to vector<16xf32>
        %mul3A_721 = arith.mulf %get3A_718, %mul3A_720 : vector<16xf32>
        %mul3A_722 = arith.constant 4 : i32
        %mul3A_723 = arith.muli %mul3A_722, %scan3A_590 : i32
        %add3A_724 = arith.constant 1 : i32
        %add3A_725 = arith.addi %mul3A_723, %add3A_724 : i32
        %swap3A_726 = arith.constant 2 : i32
        %swap3A_727 = arith.index_cast %swap3A_726 : i32 to index
        %swap3A_728 = arith.index_cast %add3A_725 : i32 to index
        %swap3A_729 = arith.constant 16 : index
        %swap3A_730 = tpu.vector_load %arg6[%swap3A_727, %swap3A_728, %swap3A_729] {strides = array<i32>} : memref<4x128x64xf32, #tpu.memory_space<vmem>>, vector<1x1x16xf32>,
        %swap3A_731 = vector.shape_cast %swap3A_730 : vector<1x1x16xf32> to vector<16xf32>
        %swap3A_732 = vector.shape_cast %mul3A_721 : vector<16xf32> to vector<1x1x16xf32>
        tpu.vector_store %arg6[%swap3A_727, %swap3A_728, %swap3A_729], %swap3A_732 {strides = array<i32>} : memref<4x128x64xf32, #tpu.memory_space<vmem>>, vector<1x1x16xf32>,
        %mul3A_733 = arith.constant 4 : i32
        %mul3A_734 = arith.muli %mul3A_733, %scan3A_590 : i32
        %add3A_735 = arith.constant 1 : i32
        %add3A_736 = arith.addi %mul3A_734, %add3A_735 : i32
        %get3A_737 = arith.constant 2 : i32
        %get3A_738 = arith.index_cast %get3A_737 : i32 to index
        %get3A_739 = arith.index_cast %add3A_736 : i32 to index
        %get3A_740 = arith.constant 32 : index
        %get3A_741 = tpu.vector_load %arg6[%get3A_738, %get3A_739, %get3A_740] {strides = array<i32>} : memref<4x128x64xf32, #tpu.memory_space<vmem>>, vector<1x1x16xf32>,
        %get3A_742 = vector.shape_cast %get3A_741 : vector<1x1x16xf32> to vector<16xf32>
        %mul3A_743 = arith.constant 8.000000e+00 : f32
        %mul3A_744 = vector.broadcast %mul3A_743 : f32 to vector<16xf32>
        %mul3A_745 = arith.mulf %get3A_742, %mul3A_744 : vector<16xf32>
        %mul3A_746 = arith.constant 4 : i32
        %mul3A_747 = arith.muli %mul3A_746, %scan3A_590 : i32
        %add3A_748 = arith.constant 1 : i32
        %add3A_749 = arith.addi %mul3A_747, %add3A_748 : i32
        %swap3A_750 = arith.constant 2 : i32
        %swap3A_751 = arith.index_cast %swap3A_750 : i32 to index
        %swap3A_752 = arith.index_cast %add3A_749 : i32 to index
        %swap3A_753 = arith.constant 32 : index
        %swap3A_754 = tpu.vector_load %arg6[%swap3A_751, %swap3A_752, %swap3A_753] {strides = array<i32>} : memref<4x128x64xf32, #tpu.memory_space<vmem>>, vector<1x1x16xf32>,
        %swap3A_755 = vector.shape_cast %swap3A_754 : vector<1x1x16xf32> to vector<16xf32>
        %swap3A_756 = vector.shape_cast %mul3A_745 : vector<16xf32> to vector<1x1x16xf32>
        tpu.vector_store %arg6[%swap3A_751, %swap3A_752, %swap3A_753], %swap3A_756 {strides = array<i32>} : memref<4x128x64xf32, #tpu.memory_space<vmem>>, vector<1x1x16xf32>,
        %mul3A_757 = arith.constant 4 : i32
        %mul3A_758 = arith.muli %mul3A_757, %scan3A_590 : i32
        %add3A_759 = arith.constant 1 : i32
        %add3A_760 = arith.addi %mul3A_758, %add3A_759 : i32
        %get3A_761 = arith.constant 2 : i32
        %get3A_762 = arith.index_cast %get3A_761 : i32 to index
        %get3A_763 = arith.index_cast %add3A_760 : i32 to index
        %get3A_764 = arith.constant 48 : index
        %get3A_765 = tpu.vector_load %arg6[%get3A_762, %get3A_763, %get3A_764] {strides = array<i32>} : memref<4x128x64xf32, #tpu.memory_space<vmem>>, vector<1x1x16xf32>,
        %get3A_766 = vector.shape_cast %get3A_765 : vector<1x1x16xf32> to vector<16xf32>
        %mul3A_767 = arith.constant 8.000000e+00 : f32
        %mul3A_768 = vector.broadcast %mul3A_767 : f32 to vector<16xf32>
        %mul3A_769 = arith.mulf %get3A_766, %mul3A_768 : vector<16xf32>
        %mul3A_770 = arith.constant 4 : i32
        %mul3A_771 = arith.muli %mul3A_770, %scan3A_590 : i32
        %add3A_772 = arith.constant 1 : i32
        %add3A_773 = arith.addi %mul3A_771, %add3A_772 : i32
        %swap3A_774 = arith.constant 2 : i32
        %swap3A_775 = arith.index_cast %swap3A_774 : i32 to index
        %swap3A_776 = arith.index_cast %add3A_773 : i32 to index
        %swap3A_777 = arith.constant 48 : index
        %swap3A_778 = tpu.vector_load %arg6[%swap3A_775, %swap3A_776, %swap3A_777] {strides = array<i32>} : memref<4x128x64xf32, #tpu.memory_space<vmem>>, vector<1x1x16xf32>,
        %swap3A_779 = vector.shape_cast %swap3A_778 : vector<1x1x16xf32> to vector<16xf32>
        %swap3A_780 = vector.shape_cast %mul3A_769 : vector<16xf32> to vector<1x1x16xf32>
        tpu.vector_store %arg6[%swap3A_775, %swap3A_776, %swap3A_777], %swap3A_780 {strides = array<i32>} : memref<4x128x64xf32, #tpu.memory_space<vmem>>, vector<1x1x16xf32>,
        %mul3A_781 = arith.constant 4 : i32
        %mul3A_782 = arith.muli %mul3A_781, %scan3A_590 : i32
        %add3A_783 = arith.constant 2 : i32
        %add3A_784 = arith.addi %mul3A_782, %add3A_783 : i32
        %get3A_785 = arith.constant 2 : i32
        %get3A_786 = arith.index_cast %get3A_785 : i32 to index
        %get3A_787 = arith.index_cast %add3A_784 : i32 to index
        %get3A_788 = arith.constant 0 : index
        %get3A_789 = tpu.vector_load %arg6[%get3A_786, %get3A_787, %get3A_788] {strides = array<i32>} : memref<4x128x64xf32, #tpu.memory_space<vmem>>, vector<1x1x16xf32>,
        %get3A_790 = vector.shape_cast %get3A_789 : vector<1x1x16xf32> to vector<16xf32>
        %mul3A_791 = arith.constant 8.000000e+00 : f32
        %mul3A_792 = vector.broadcast %mul3A_791 : f32 to vector<16xf32>
        %mul3A_793 = arith.mulf %get3A_790, %mul3A_792 : vector<16xf32>
        %mul3A_794 = arith.constant 4 : i32
        %mul3A_795 = arith.muli %mul3A_794, %scan3A_590 : i32
        %add3A_796 = arith.constant 2 : i32
        %add3A_797 = arith.addi %mul3A_795, %add3A_796 : i32
        %swap3A_798 = arith.constant 2 : i32
        %swap3A_799 = arith.index_cast %swap3A_798 : i32 to index
        %swap3A_800 = arith.index_cast %add3A_797 : i32 to index
        %swap3A_801 = arith.constant 0 : index
        %swap3A_802 = tpu.vector_load %arg6[%swap3A_799, %swap3A_800, %swap3A_801] {strides = array<i32>} : memref<4x128x64xf32, #tpu.memory_space<vmem>>, vector<1x1x16xf32>,
        %swap3A_803 = vector.shape_cast %swap3A_802 : vector<1x1x16xf32> to vector<16xf32>
        %swap3A_804 = vector.shape_cast %mul3A_793 : vector<16xf32> to vector<1x1x16xf32>
        tpu.vector_store %arg6[%swap3A_799, %swap3A_800, %swap3A_801], %swap3A_804 {strides = array<i32>} : memref<4x128x64xf32, #tpu.memory_space<vmem>>, vector<1x1x16xf32>,
        %mul3A_805 = arith.constant 4 : i32
        %mul3A_806 = arith.muli %mul3A_805, %scan3A_590 : i32
        %add3A_807 = arith.constant 2 : i32
        %add3A_808 = arith.addi %mul3A_806, %add3A_807 : i32
        %get3A_809 = arith.constant 2 : i32
        %get3A_810 = arith.index_cast %get3A_809 : i32 to index
        %get3A_811 = arith.index_cast %add3A_808 : i32 to index
        %get3A_812 = arith.constant 16 : index
        %get3A_813 = tpu.vector_load %arg6[%get3A_810, %get3A_811, %get3A_812] {strides = array<i32>} : memref<4x128x64xf32, #tpu.memory_space<vmem>>, vector<1x1x16xf32>,
        %get3A_814 = vector.shape_cast %get3A_813 : vector<1x1x16xf32> to vector<16xf32>
        %mul3A_815 = arith.constant 8.000000e+00 : f32
        %mul3A_816 = vector.broadcast %mul3A_815 : f32 to vector<16xf32>
        %mul3A_817 = arith.mulf %get3A_814, %mul3A_816 : vector<16xf32>
        %mul3A_818 = arith.constant 4 : i32
        %mul3A_819 = arith.muli %mul3A_818, %scan3A_590 : i32
        %add3A_820 = arith.constant 2 : i32
        %add3A_821 = arith.addi %mul3A_819, %add3A_820 : i32
        %swap3A_822 = arith.constant 2 : i32
        %swap3A_823 = arith.index_cast %swap3A_822 : i32 to index
        %swap3A_824 = arith.index_cast %add3A_821 : i32 to index
        %swap3A_825 = arith.constant 16 : index
        %swap3A_826 = tpu.vector_load %arg6[%swap3A_823, %swap3A_824, %swap3A_825] {strides = array<i32>} : memref<4x128x64xf32, #tpu.memory_space<vmem>>, vector<1x1x16xf32>,
        %swap3A_827 = vector.shape_cast %swap3A_826 : vector<1x1x16xf32> to vector<16xf32>
        %swap3A_828 = vector.shape_cast %mul3A_817 : vector<16xf32> to vector<1x1x16xf32>
        tpu.vector_store %arg6[%swap3A_823, %swap3A_824, %swap3A_825], %swap3A_828 {strides = array<i32>} : memref<4x128x64xf32, #tpu.memory_space<vmem>>, vector<1x1x16xf32>,
        %mul3A_829 = arith.constant 4 : i32
        %mul3A_830 = arith.muli %mul3A_829, %scan3A_590 : i32
        %add3A_831 = arith.constant 2 : i32
        %add3A_832 = arith.addi %mul3A_830, %add3A_831 : i32
        %get3A_833 = arith.constant 2 : i32
        %get3A_834 = arith.index_cast %get3A_833 : i32 to index
        %get3A_835 = arith.index_cast %add3A_832 : i32 to index
        %get3A_836 = arith.constant 32 : index
        %get3A_837 = tpu.vector_load %arg6[%get3A_834, %get3A_835, %get3A_836] {strides = array<i32>} : memref<4x128x64xf32, #tpu.memory_space<vmem>>, vector<1x1x16xf32>,
        %get3A_838 = vector.shape_cast %get3A_837 : vector<1x1x16xf32> to vector<16xf32>
        %mul3A_839 = arith.constant 8.000000e+00 : f32
        %mul3A_840 = vector.broadcast %mul3A_839 : f32 to vector<16xf32>
        %mul3A_841 = arith.mulf %get3A_838, %mul3A_840 : vector<16xf32>
        %mul3A_842 = arith.constant 4 : i32
        %mul3A_843 = arith.muli %mul3A_842, %scan3A_590 : i32
        %add3A_844 = arith.constant 2 : i32
        %add3A_845 = arith.addi %mul3A_843, %add3A_844 : i32
        %swap3A_846 = arith.constant 2 : i32
        %swap3A_847 = arith.index_cast %swap3A_846 : i32 to index
        %swap3A_848 = arith.index_cast %add3A_845 : i32 to index
        %swap3A_849 = arith.constant 32 : index
        %swap3A_850 = tpu.vector_load %arg6[%swap3A_847, %swap3A_848, %swap3A_849] {strides = array<i32>} : memref<4x128x64xf32, #tpu.memory_space<vmem>>, vector<1x1x16xf32>,
        %swap3A_851 = vector.shape_cast %swap3A_850 : vector<1x1x16xf32> to vector<16xf32>
        %swap3A_852 = vector.shape_cast %mul3A_841 : vector<16xf32> to vector<1x1x16xf32>
        tpu.vector_store %arg6[%swap3A_847, %swap3A_848, %swap3A_849], %swap3A_852 {strides = array<i32>} : memref<4x128x64xf32, #tpu.memory_space<vmem>>, vector<1x1x16xf32>,
        %mul3A_853 = arith.constant 4 : i32
        %mul3A_854 = arith.muli %mul3A_853, %scan3A_590 : i32
        %add3A_855 = arith.constant 2 : i32
        %add3A_856 = arith.addi %mul3A_854, %add3A_855 : i32
        %get3A_857 = arith.constant 2 : i32
        %get3A_858 = arith.index_cast %get3A_857 : i32 to index
        %get3A_859 = arith.index_cast %add3A_856 : i32 to index
        %get3A_860 = arith.constant 48 : index
        %get3A_861 = tpu.vector_load %arg6[%get3A_858, %get3A_859, %get3A_860] {strides = array<i32>} : memref<4x128x64xf32, #tpu.memory_space<vmem>>, vector<1x1x16xf32>,
        %get3A_862 = vector.shape_cast %get3A_861 : vector<1x1x16xf32> to vector<16xf32>
        %mul3A_863 = arith.constant 8.000000e+00 : f32
        %mul3A_864 = vector.broadcast %mul3A_863 : f32 to vector<16xf32>
        %mul3A_865 = arith.mulf %get3A_862, %mul3A_864 : vector<16xf32>
        %mul3A_866 = arith.constant 4 : i32
        %mul3A_867 = arith.muli %mul3A_866, %scan3A_590 : i32
        %add3A_868 = arith.constant 2 : i32
        %add3A_869 = arith.addi %mul3A_867, %add3A_868 : i32
        %swap3A_870 = arith.constant 2 : i32
        %swap3A_871 = arith.index_cast %swap3A_870 : i32 to index
        %swap3A_872 = arith.index_cast %add3A_869 : i32 to index
        %swap3A_873 = arith.constant 48 : index
        %swap3A_874 = tpu.vector_load %arg6[%swap3A_871, %swap3A_872, %swap3A_873] {strides = array<i32>} : memref<4x128x64xf32, #tpu.memory_space<vmem>>, vector<1x1x16xf32>,
        %swap3A_875 = vector.shape_cast %swap3A_874 : vector<1x1x16xf32> to vector<16xf32>
        %swap3A_876 = vector.shape_cast %mul3A_865 : vector<16xf32> to vector<1x1x16xf32>
        tpu.vector_store %arg6[%swap3A_871, %swap3A_872, %swap3A_873], %swap3A_876 {strides = array<i32>} : memref<4x128x64xf32, #tpu.memory_space<vmem>>, vector<1x1x16xf32>,
        %mul3A_877 = arith.constant 4 : i32
        %mul3A_878 = arith.muli %mul3A_877, %scan3A_590 : i32
        %add3A_879 = arith.constant 3 : i32
        %add3A_880 = arith.addi %mul3A_878, %add3A_879 : i32
        %get3A_881 = arith.constant 2 : i32
        %get3A_882 = arith.index_cast %get3A_881 : i32 to index
        %get3A_883 = arith.index_cast %add3A_880 : i32 to index
        %get3A_884 = arith.constant 0 : index
        %get3A_885 = tpu.vector_load %arg6[%get3A_882, %get3A_883, %get3A_884] {strides = array<i32>} : memref<4x128x64xf32, #tpu.memory_space<vmem>>, vector<1x1x16xf32>,
        %get3A_886 = vector.shape_cast %get3A_885 : vector<1x1x16xf32> to vector<16xf32>
        %mul3A_887 = arith.constant 8.000000e+00 : f32
        %mul3A_888 = vector.broadcast %mul3A_887 : f32 to vector<16xf32>
        %mul3A_889 = arith.mulf %get3A_886, %mul3A_888 : vector<16xf32>
        %mul3A_890 = arith.constant 4 : i32
        %mul3A_891 = arith.muli %mul3A_890, %scan3A_590 : i32
        %add3A_892 = arith.constant 3 : i32
        %add3A_893 = arith.addi %mul3A_891, %add3A_892 : i32
        %swap3A_894 = arith.constant 2 : i32
        %swap3A_895 = arith.index_cast %swap3A_894 : i32 to index
        %swap3A_896 = arith.index_cast %add3A_893 : i32 to index
        %swap3A_897 = arith.constant 0 : index
        %swap3A_898 = tpu.vector_load %arg6[%swap3A_895, %swap3A_896, %swap3A_897] {strides = array<i32>} : memref<4x128x64xf32, #tpu.memory_space<vmem>>, vector<1x1x16xf32>,
        %swap3A_899 = vector.shape_cast %swap3A_898 : vector<1x1x16xf32> to vector<16xf32>
        %swap3A_900 = vector.shape_cast %mul3A_889 : vector<16xf32> to vector<1x1x16xf32>
        tpu.vector_store %arg6[%swap3A_895, %swap3A_896, %swap3A_897], %swap3A_900 {strides = array<i32>} : memref<4x128x64xf32, #tpu.memory_space<vmem>>, vector<1x1x16xf32>,
        %mul3A_901 = arith.constant 4 : i32
        %mul3A_902 = arith.muli %mul3A_901, %scan3A_590 : i32
        %add3A_903 = arith.constant 3 : i32
        %add3A_904 = arith.addi %mul3A_902, %add3A_903 : i32
        %get3A_905 = arith.constant 2 : i32
        %get3A_906 = arith.index_cast %get3A_905 : i32 to index
        %get3A_907 = arith.index_cast %add3A_904 : i32 to index
        %get3A_908 = arith.constant 16 : index
        %get3A_909 = tpu.vector_load %arg6[%get3A_906, %get3A_907, %get3A_908] {strides = array<i32>} : memref<4x128x64xf32, #tpu.memory_space<vmem>>, vector<1x1x16xf32>,
        %get3A_910 = vector.shape_cast %get3A_909 : vector<1x1x16xf32> to vector<16xf32>
        %mul3A_911 = arith.constant 8.000000e+00 : f32
        %mul3A_912 = vector.broadcast %mul3A_911 : f32 to vector<16xf32>
        %mul3A_913 = arith.mulf %get3A_910, %mul3A_912 : vector<16xf32>
        %mul3A_914 = arith.constant 4 : i32
        %mul3A_915 = arith.muli %mul3A_914, %scan3A_590 : i32
        %add3A_916 = arith.constant 3 : i32
        %add3A_917 = arith.addi %mul3A_915, %add3A_916 : i32
        %swap3A_918 = arith.constant 2 : i32
        %swap3A_919 = arith.index_cast %swap3A_918 : i32 to index
        %swap3A_920 = arith.index_cast %add3A_917 : i32 to index
        %swap3A_921 = arith.constant 16 : index
        %swap3A_922 = tpu.vector_load %arg6[%swap3A_919, %swap3A_920, %swap3A_921] {strides = array<i32>} : memref<4x128x64xf32, #tpu.memory_space<vmem>>, vector<1x1x16xf32>,
        %swap3A_923 = vector.shape_cast %swap3A_922 : vector<1x1x16xf32> to vector<16xf32>
        %swap3A_924 = vector.shape_cast %mul3A_913 : vector<16xf32> to vector<1x1x16xf32>
        tpu.vector_store %arg6[%swap3A_919, %swap3A_920, %swap3A_921], %swap3A_924 {strides = array<i32>} : memref<4x128x64xf32, #tpu.memory_space<vmem>>, vector<1x1x16xf32>,
        %mul3A_925 = arith.constant 4 : i32
        %mul3A_926 = arith.muli %mul3A_925, %scan3A_590 : i32
        %add3A_927 = arith.constant 3 : i32
        %add3A_928 = arith.addi %mul3A_926, %add3A_927 : i32
        %get3A_929 = arith.constant 2 : i32
        %get3A_930 = arith.index_cast %get3A_929 : i32 to index
        %get3A_931 = arith.index_cast %add3A_928 : i32 to index
        %get3A_932 = arith.constant 32 : index
        %get3A_933 = tpu.vector_load %arg6[%get3A_930, %get3A_931, %get3A_932] {strides = array<i32>} : memref<4x128x64xf32, #tpu.memory_space<vmem>>, vector<1x1x16xf32>,
        %get3A_934 = vector.shape_cast %get3A_933 : vector<1x1x16xf32> to vector<16xf32>
        %mul3A_935 = arith.constant 8.000000e+00 : f32
        %mul3A_936 = vector.broadcast %mul3A_935 : f32 to vector<16xf32>
        %mul3A_937 = arith.mulf %get3A_934, %mul3A_936 : vector<16xf32>
        %mul3A_938 = arith.constant 4 : i32
        %mul3A_939 = arith.muli %mul3A_938, %scan3A_590 : i32
        %add3A_940 = arith.constant 3 : i32
        %add3A_941 = arith.addi %mul3A_939, %add3A_940 : i32
        %swap3A_942 = arith.constant 2 : i32
        %swap3A_943 = arith.index_cast %swap3A_942 : i32 to index
        %swap3A_944 = arith.index_cast %add3A_941 : i32 to index
        %swap3A_945 = arith.constant 32 : index
        %swap3A_946 = tpu.vector_load %arg6[%swap3A_943, %swap3A_944, %swap3A_945] {strides = array<i32>} : memref<4x128x64xf32, #tpu.memory_space<vmem>>, vector<1x1x16xf32>,
        %swap3A_947 = vector.shape_cast %swap3A_946 : vector<1x1x16xf32> to vector<16xf32>
        %swap3A_948 = vector.shape_cast %mul3A_937 : vector<16xf32> to vector<1x1x16xf32>
        tpu.vector_store %arg6[%swap3A_943, %swap3A_944, %swap3A_945], %swap3A_948 {strides = array<i32>} : memref<4x128x64xf32, #tpu.memory_space<vmem>>, vector<1x1x16xf32>,
        %mul3A_949 = arith.constant 4 : i32
        %mul3A_950 = arith.muli %mul3A_949, %scan3A_590 : i32
        %add3A_951 = arith.constant 3 : i32
        %add3A_952 = arith.addi %mul3A_950, %add3A_951 : i32
        %get3A_953 = arith.constant 2 : i32
        %get3A_954 = arith.index_cast %get3A_953 : i32 to index
        %get3A_955 = arith.index_cast %add3A_952 : i32 to index
        %get3A_956 = arith.constant 48 : index
        %get3A_957 = tpu.vector_load %arg6[%get3A_954, %get3A_955, %get3A_956] {strides = array<i32>} : memref<4x128x64xf32, #tpu.memory_space<vmem>>, vector<1x1x16xf32>,
        %get3A_958 = vector.shape_cast %get3A_957 : vector<1x1x16xf32> to vector<16xf32>
        %mul3A_959 = arith.constant 8.000000e+00 : f32
        %mul3A_960 = vector.broadcast %mul3A_959 : f32 to vector<16xf32>
        %mul3A_961 = arith.mulf %get3A_958, %mul3A_960 : vector<16xf32>
        %mul3A_962 = arith.constant 4 : i32
        %mul3A_963 = arith.muli %mul3A_962, %scan3A_590 : i32
        %add3A_964 = arith.constant 3 : i32
        %add3A_965 = arith.addi %mul3A_963, %add3A_964 : i32
        %swap3A_966 = arith.constant 2 : i32
        %swap3A_967 = arith.index_cast %swap3A_966 : i32 to index
        %swap3A_968 = arith.index_cast %add3A_965 : i32 to index
        %swap3A_969 = arith.constant 48 : index
        %swap3A_970 = tpu.vector_load %arg6[%swap3A_967, %swap3A_968, %swap3A_969] {strides = array<i32>} : memref<4x128x64xf32, #tpu.memory_space<vmem>>, vector<1x1x16xf32>,
        %swap3A_971 = vector.shape_cast %swap3A_970 : vector<1x1x16xf32> to vector<16xf32>
        %swap3A_972 = vector.shape_cast %mul3A_961 : vector<16xf32> to vector<1x1x16xf32>
        tpu.vector_store %arg6[%swap3A_967, %swap3A_968, %swap3A_969], %swap3A_972 {strides = array<i32>} : memref<4x128x64xf32, #tpu.memory_space<vmem>>, vector<1x1x16xf32>,
      }
      %scan3A_524 = arith.constant 32 : i32
      %mul3A_525 = arith.constant 128 : i32
      %mul3A_526 = arith.muli %add3A_471, %mul3A_525 : i32
      %add3A_527 = arith.addi %mul3A_4, %mul3A_526 : i32
      %dma_start3A_528 = arith.constant 2 : i32
      %dma_start3A_529 = arith.constant 2 : i32
      %dma_start3A_530 = arith.constant 0 : i32
      %dma_start3A_531 = arith.constant 0 : i32
      %dma_start3A_532 = tpu.memref_slice %arg6[%dma_start3A_528, %dma_start3A_530, %dma_start3A_531] : memref<4x128x64xf32, #tpu.memory_space<vmem>> -> memref<1x128x64xf32, #tpu.memory_space<vmem>>
      %dma_start3A_533 = tpu.memref_squeeze %dma_start3A_532 : memref<1x128x64xf32, #tpu.memory_space<vmem>> -> memref<128x64xf32, #tpu.memory_space<vmem>>
      %dma_start3A_534 = arith.constant 0 : i32
      %dma_start3A_535 = tpu.memref_slice %arg4[%add3A_527, %dma_start3A_534] : memref<819200x128xf32, #tpu.memory_space<hbm>> -> memref<128x64xf32, #tpu.memory_space<hbm>>
      %dma_start3A_536 = tpu.memref_slice %arg8[%dma_start3A_529] : memref<4x!tpu.dma_semaphore, #tpu.memory_space<semaphore_mem>> -> memref<1x!tpu.dma_semaphore, #tpu.memory_space<semaphore_mem>>
      %dma_start3A_537 = tpu.memref_squeeze %dma_start3A_536 : memref<1x!tpu.dma_semaphore, #tpu.memory_space<semaphore_mem>> -> memref<!tpu.dma_semaphore, #tpu.memory_space<semaphore_mem>>
      %dma_start3A_538 = arith.constant 0 : i32
      %dma_start3A_539 = tpu.memref_slice %arg4[%add3A_527, %dma_start3A_538] : memref<819200x128xf32, #tpu.memory_space<hbm>> -> memref<128x64xf32, #tpu.memory_space<hbm>>
      %dma_start3A_540 = arith.constant 0 : i32
      %dma_start3A_541 = arith.constant 0 : i32
      %dma_start3A_542 = tpu.memref_slice %arg6[%dma_start3A_528, %dma_start3A_540, %dma_start3A_541] : memref<4x128x64xf32, #tpu.memory_space<vmem>> -> memref<1x128x64xf32, #tpu.memory_space<vmem>>
      %dma_start3A_543 = tpu.memref_squeeze %dma_start3A_542 : memref<1x128x64xf32, #tpu.memory_space<vmem>> -> memref<128x64xf32, #tpu.memory_space<vmem>>
      tpu.enqueue_dma source(%dma_start3A_543 : memref<128x64xf32, #tpu.memory_space<vmem>>) target(%dma_start3A_539 : memref<128x64xf32, #tpu.memory_space<hbm>>) target_semaphore(%dma_start3A_537 : memref<!tpu.dma_semaphore, #tpu.memory_space<semaphore_mem>>)
      %add3A_544 = arith.constant 3 : i32
      %add3A_545 = arith.addi %mul3A_321, %add3A_544 : i32
      %dma_wait3A_546 = arith.constant 0 : i32
      %dma_wait3A_547 = arith.constant 3 : i32
      %dma_wait3A_548 = arith.constant 3 : i32
      %dma_wait3A_549 = arith.constant 0 : i32
      %dma_wait3A_550 = arith.constant 0 : i32
      %dma_wait3A_551 = tpu.memref_slice %arg6[%dma_wait3A_547, %dma_wait3A_549, %dma_wait3A_550] : memref<4x128x64xf32, #tpu.memory_space<vmem>> -> memref<1x128x64xf32, #tpu.memory_space<vmem>>
      %dma_wait3A_552 = tpu.memref_squeeze %dma_wait3A_551 : memref<1x128x64xf32, #tpu.memory_space<vmem>> -> memref<128x64xf32, #tpu.memory_space<vmem>>
      %dma_wait3A_553 = arith.constant 0 : i32
      %dma_wait3A_554 = tpu.memref_slice %arg5[%dma_wait3A_546, %dma_wait3A_553] : memref<200x128xi32, #tpu.memory_space<vmem>> -> memref<1x128xi32, #tpu.memory_space<vmem>>
      %dma_wait3A_555 = tpu.memref_squeeze %dma_wait3A_554 : memref<1x128xi32, #tpu.memory_space<vmem>> -> memref<128xi32, #tpu.memory_space<vmem>>
      %dma_wait3A_556 = arith.constant 0 : i32
      %dma_wait3A_557 = arith.constant 0 : i32
      %dma_wait3A_558 = tpu.memref_slice %arg3[%dma_wait3A_556, %dma_wait3A_557] : memref<1000000x64xf32, #tpu.memory_space<hbm>> -> memref<1000000x64xf32, #tpu.memory_space<hbm>>
      %dma_wait3A_559 = tpu.memref_slice %arg7[%dma_wait3A_548] : memref<4x!tpu.dma_semaphore, #tpu.memory_space<semaphore_mem>> -> memref<1x!tpu.dma_semaphore, #tpu.memory_space<semaphore_mem>>
      %dma_wait3A_560 = tpu.memref_squeeze %dma_wait3A_559 : memref<1x!tpu.dma_semaphore, #tpu.memory_space<semaphore_mem>> -> memref<!tpu.dma_semaphore, #tpu.memory_space<semaphore_mem>>
      tpu.wait_indirect_dma semaphore(%dma_wait3A_560 : memref<!tpu.dma_semaphore, #tpu.memory_space<semaphore_mem>>) src(%dma_wait3A_558 : memref<1000000x64xf32, #tpu.memory_space<hbm>>) dst(%dma_wait3A_552 : memref<128x64xf32, #tpu.memory_space<vmem>>)
      %add3A_561 = arith.constant 4 : i32
      %add3A_562 = arith.addi %mul3A_321, %add3A_561 : i32
      %lt3A = arith.constant 200 : i32
      %lt3A_563 = arith.cmpi slt, %add3A_562, %lt3A : i32
      %convert_element_type3A = arith.extui %lt3A_563 : i1 to i32
      %cond3A = arith.constant 0 : i32
      %cond3A_564 = arith.cmpi ne, %convert_element_type3A, %cond3A : i32
      scf.if %cond3A_564 {
        %dma_wait3A_590 = arith.constant 0 : i32
        %dma_wait3A_591 = arith.constant 0 : i32
        %dma_wait3A_592 = arith.constant 0 : i32
        %dma_wait3A_593 = arith.constant 0 : i32
        %dma_wait3A_594 = tpu.memref_slice %arg6[%dma_wait3A_590, %dma_wait3A_592, %dma_wait3A_593] : memref<4x128x64xf32, #tpu.memory_space<vmem>> -> memref<1x128x64xf32, #tpu.memory_space<vmem>>
        %dma_wait3A_595 = tpu.memref_squeeze %dma_wait3A_594 : memref<1x128x64xf32, #tpu.memory_space<vmem>> -> memref<128x64xf32, #tpu.memory_space<vmem>>
        %dma_wait3A_596 = arith.constant 0 : i32
        %dma_wait3A_597 = tpu.memref_slice %arg4[%mul3A_4, %dma_wait3A_596] : memref<819200x128xf32, #tpu.memory_space<hbm>> -> memref<128x64xf32, #tpu.memory_space<hbm>>
        %dma_wait3A_598 = tpu.memref_slice %arg8[%dma_wait3A_591] : memref<4x!tpu.dma_semaphore, #tpu.memory_space<semaphore_mem>> -> memref<1x!tpu.dma_semaphore, #tpu.memory_space<semaphore_mem>>
        %dma_wait3A_599 = tpu.memref_squeeze %dma_wait3A_598 : memref<1x!tpu.dma_semaphore, #tpu.memory_space<semaphore_mem>> -> memref<!tpu.dma_semaphore, #tpu.memory_space<semaphore_mem>>
        %dma_wait3A_600 = arith.constant 0 : i32
        %dma_wait3A_601 = tpu.memref_slice %arg4[%mul3A_4, %dma_wait3A_600] : memref<819200x128xf32, #tpu.memory_space<hbm>> -> memref<128x64xf32, #tpu.memory_space<hbm>>
        %dma_wait3A_602 = arith.constant 0 : i32
        %dma_wait3A_603 = arith.constant 0 : i32
        %dma_wait3A_604 = tpu.memref_slice %arg6[%dma_wait3A_590, %dma_wait3A_602, %dma_wait3A_603] : memref<4x128x64xf32, #tpu.memory_space<vmem>> -> memref<1x128x64xf32, #tpu.memory_space<vmem>>
        %dma_wait3A_605 = tpu.memref_squeeze %dma_wait3A_604 : memref<1x128x64xf32, #tpu.memory_space<vmem>> -> memref<128x64xf32, #tpu.memory_space<vmem>>
        tpu.wait_dma2 semaphore(%dma_wait3A_599 : memref<!tpu.dma_semaphore, #tpu.memory_space<semaphore_mem>>) src(%dma_wait3A_605 : memref<128x64xf32, #tpu.memory_space<vmem>>) dst(%dma_wait3A_601 : memref<128x64xf32, #tpu.memory_space<hbm>>)
        %add3A_606 = arith.constant 1 : i32
        %add3A_607 = arith.addi %add3A_545, %add3A_606 : i32
        %dma_start3A_608 = arith.constant 0 : i32
        %dma_start3A_609 = arith.constant 0 : i32
        %dma_start3A_610 = arith.constant 0 : i32
        %dma_start3A_611 = arith.constant 0 : i32
        %dma_start3A_612 = tpu.memref_slice %arg6[%dma_start3A_608, %dma_start3A_610, %dma_start3A_611] : memref<4x128x64xf32, #tpu.memory_space<vmem>> -> memref<1x128x64xf32, #tpu.memory_space<vmem>>
        %dma_start3A_613 = tpu.memref_squeeze %dma_start3A_612 : memref<1x128x64xf32, #tpu.memory_space<vmem>> -> memref<128x64xf32, #tpu.memory_space<vmem>>
        %dma_start3A_614 = arith.constant 0 : i32
        %dma_start3A_615 = tpu.memref_slice %arg5[%add3A_607, %dma_start3A_614] : memref<200x128xi32, #tpu.memory_space<vmem>> -> memref<1x128xi32, #tpu.memory_space<vmem>>
        %dma_start3A_616 = tpu.memref_squeeze %dma_start3A_615 : memref<1x128xi32, #tpu.memory_space<vmem>> -> memref<128xi32, #tpu.memory_space<vmem>>
        %dma_start3A_617 = arith.constant 0 : i32
        %dma_start3A_618 = arith.constant 0 : i32
        %dma_start3A_619 = tpu.memref_slice %arg3[%dma_start3A_617, %dma_start3A_618] : memref<1000000x64xf32, #tpu.memory_space<hbm>> -> memref<1000000x64xf32, #tpu.memory_space<hbm>>
        %dma_start3A_620 = tpu.memref_slice %arg7[%dma_start3A_609] : memref<4x!tpu.dma_semaphore, #tpu.memory_space<semaphore_mem>> -> memref<1x!tpu.dma_semaphore, #tpu.memory_space<semaphore_mem>>
        %dma_start3A_621 = tpu.memref_squeeze %dma_start3A_620 : memref<1x!tpu.dma_semaphore, #tpu.memory_space<semaphore_mem>> -> memref<!tpu.dma_semaphore, #tpu.memory_space<semaphore_mem>>
        tpu.enqueue_indirect_dma source(%dma_start3A_619 : memref<1000000x64xf32, #tpu.memory_space<hbm>>) target(%dma_start3A_613 : memref<128x64xf32, #tpu.memory_space<vmem>>) offsets(%dma_start3A_616 : memref<128xi32, #tpu.memory_space<vmem>>) semaphore(%dma_start3A_621 : memref<!tpu.dma_semaphore, #tpu.memory_space<semaphore_mem>>)
      } else {
      }
      %scan3A_565 = arith.constant 0 : i32
      %scan3A_566 = arith.constant 0 : i32
      %scan3A_567 = arith.constant 32 : i32
      %scan3A_568 = arith.addi %scan3A_566, %scan3A_567 : i32
      %scan3A_569 = arith.constant 1 : i32
      scf.for %scan3A_590 = %scan3A_566 to %scan3A_568 step %scan3A_569  : i32 {
        %mul3A_591 = arith.constant 4 : i32
        %mul3A_592 = arith.muli %mul3A_591, %scan3A_590 : i32
        %add3A_593 = arith.constant 0 : i32
        %add3A_594 = arith.addi %mul3A_592, %add3A_593 : i32
        %get3A = arith.constant 3 : i32
        %get3A_595 = arith.index_cast %get3A : i32 to index
        %get3A_596 = arith.index_cast %add3A_594 : i32 to index
        %get3A_597 = arith.constant 0 : index
        %get3A_598 = tpu.vector_load %arg6[%get3A_595, %get3A_596, %get3A_597] {strides = array<i32>} : memref<4x128x64xf32, #tpu.memory_space<vmem>>, vector<1x1x16xf32>,
        %get3A_599 = vector.shape_cast %get3A_598 : vector<1x1x16xf32> to vector<16xf32>
        %mul3A_600 = arith.constant 8.000000e+00 : f32
        %mul3A_601 = vector.broadcast %mul3A_600 : f32 to vector<16xf32>
        %mul3A_602 = arith.mulf %get3A_599, %mul3A_601 : vector<16xf32>
        %mul3A_603 = arith.constant 4 : i32
        %mul3A_604 = arith.muli %mul3A_603, %scan3A_590 : i32
        %add3A_605 = arith.constant 0 : i32
        %add3A_606 = arith.addi %mul3A_604, %add3A_605 : i32
        %swap3A = arith.constant 3 : i32
        %swap3A_607 = arith.index_cast %swap3A : i32 to index
        %swap3A_608 = arith.index_cast %add3A_606 : i32 to index
        %swap3A_609 = arith.constant 0 : index
        %swap3A_610 = tpu.vector_load %arg6[%swap3A_607, %swap3A_608, %swap3A_609] {strides = array<i32>} : memref<4x128x64xf32, #tpu.memory_space<vmem>>, vector<1x1x16xf32>,
        %swap3A_611 = vector.shape_cast %swap3A_610 : vector<1x1x16xf32> to vector<16xf32>
        %swap3A_612 = vector.shape_cast %mul3A_602 : vector<16xf32> to vector<1x1x16xf32>
        tpu.vector_store %arg6[%swap3A_607, %swap3A_608, %swap3A_609], %swap3A_612 {strides = array<i32>} : memref<4x128x64xf32, #tpu.memory_space<vmem>>, vector<1x1x16xf32>,
        %mul3A_613 = arith.constant 4 : i32
        %mul3A_614 = arith.muli %mul3A_613, %scan3A_590 : i32
        %add3A_615 = arith.constant 0 : i32
        %add3A_616 = arith.addi %mul3A_614, %add3A_615 : i32
        %get3A_617 = arith.constant 3 : i32
        %get3A_618 = arith.index_cast %get3A_617 : i32 to index
        %get3A_619 = arith.index_cast %add3A_616 : i32 to index
        %get3A_620 = arith.constant 16 : index
        %get3A_621 = tpu.vector_load %arg6[%get3A_618, %get3A_619, %get3A_620] {strides = array<i32>} : memref<4x128x64xf32, #tpu.memory_space<vmem>>, vector<1x1x16xf32>,
        %get3A_622 = vector.shape_cast %get3A_621 : vector<1x1x16xf32> to vector<16xf32>
        %mul3A_623 = arith.constant 8.000000e+00 : f32
        %mul3A_624 = vector.broadcast %mul3A_623 : f32 to vector<16xf32>
        %mul3A_625 = arith.mulf %get3A_622, %mul3A_624 : vector<16xf32>
        %mul3A_626 = arith.constant 4 : i32
        %mul3A_627 = arith.muli %mul3A_626, %scan3A_590 : i32
        %add3A_628 = arith.constant 0 : i32
        %add3A_629 = arith.addi %mul3A_627, %add3A_628 : i32
        %swap3A_630 = arith.constant 3 : i32
        %swap3A_631 = arith.index_cast %swap3A_630 : i32 to index
        %swap3A_632 = arith.index_cast %add3A_629 : i32 to index
        %swap3A_633 = arith.constant 16 : index
        %swap3A_634 = tpu.vector_load %arg6[%swap3A_631, %swap3A_632, %swap3A_633] {strides = array<i32>} : memref<4x128x64xf32, #tpu.memory_space<vmem>>, vector<1x1x16xf32>,
        %swap3A_635 = vector.shape_cast %swap3A_634 : vector<1x1x16xf32> to vector<16xf32>
        %swap3A_636 = vector.shape_cast %mul3A_625 : vector<16xf32> to vector<1x1x16xf32>
        tpu.vector_store %arg6[%swap3A_631, %swap3A_632, %swap3A_633], %swap3A_636 {strides = array<i32>} : memref<4x128x64xf32, #tpu.memory_space<vmem>>, vector<1x1x16xf32>,
        %mul3A_637 = arith.constant 4 : i32
        %mul3A_638 = arith.muli %mul3A_637, %scan3A_590 : i32
        %add3A_639 = arith.constant 0 : i32
        %add3A_640 = arith.addi %mul3A_638, %add3A_639 : i32
        %get3A_641 = arith.constant 3 : i32
        %get3A_642 = arith.index_cast %get3A_641 : i32 to index
        %get3A_643 = arith.index_cast %add3A_640 : i32 to index
        %get3A_644 = arith.constant 32 : index
        %get3A_645 = tpu.vector_load %arg6[%get3A_642, %get3A_643, %get3A_644] {strides = array<i32>} : memref<4x128x64xf32, #tpu.memory_space<vmem>>, vector<1x1x16xf32>,
        %get3A_646 = vector.shape_cast %get3A_645 : vector<1x1x16xf32> to vector<16xf32>
        %mul3A_647 = arith.constant 8.000000e+00 : f32
        %mul3A_648 = vector.broadcast %mul3A_647 : f32 to vector<16xf32>
        %mul3A_649 = arith.mulf %get3A_646, %mul3A_648 : vector<16xf32>
        %mul3A_650 = arith.constant 4 : i32
        %mul3A_651 = arith.muli %mul3A_650, %scan3A_590 : i32
        %add3A_652 = arith.constant 0 : i32
        %add3A_653 = arith.addi %mul3A_651, %add3A_652 : i32
        %swap3A_654 = arith.constant 3 : i32
        %swap3A_655 = arith.index_cast %swap3A_654 : i32 to index
        %swap3A_656 = arith.index_cast %add3A_653 : i32 to index
        %swap3A_657 = arith.constant 32 : index
        %swap3A_658 = tpu.vector_load %arg6[%swap3A_655, %swap3A_656, %swap3A_657] {strides = array<i32>} : memref<4x128x64xf32, #tpu.memory_space<vmem>>, vector<1x1x16xf32>,
        %swap3A_659 = vector.shape_cast %swap3A_658 : vector<1x1x16xf32> to vector<16xf32>
        %swap3A_660 = vector.shape_cast %mul3A_649 : vector<16xf32> to vector<1x1x16xf32>
        tpu.vector_store %arg6[%swap3A_655, %swap3A_656, %swap3A_657], %swap3A_660 {strides = array<i32>} : memref<4x128x64xf32, #tpu.memory_space<vmem>>, vector<1x1x16xf32>,
        %mul3A_661 = arith.constant 4 : i32
        %mul3A_662 = arith.muli %mul3A_661, %scan3A_590 : i32
        %add3A_663 = arith.constant 0 : i32
        %add3A_664 = arith.addi %mul3A_662, %add3A_663 : i32
        %get3A_665 = arith.constant 3 : i32
        %get3A_666 = arith.index_cast %get3A_665 : i32 to index
        %get3A_667 = arith.index_cast %add3A_664 : i32 to index
        %get3A_668 = arith.constant 48 : index
        %get3A_669 = tpu.vector_load %arg6[%get3A_666, %get3A_667, %get3A_668] {strides = array<i32>} : memref<4x128x64xf32, #tpu.memory_space<vmem>>, vector<1x1x16xf32>,
        %get3A_670 = vector.shape_cast %get3A_669 : vector<1x1x16xf32> to vector<16xf32>
        %mul3A_671 = arith.constant 8.000000e+00 : f32
        %mul3A_672 = vector.broadcast %mul3A_671 : f32 to vector<16xf32>
        %mul3A_673 = arith.mulf %get3A_670, %mul3A_672 : vector<16xf32>
        %mul3A_674 = arith.constant 4 : i32
        %mul3A_675 = arith.muli %mul3A_674, %scan3A_590 : i32
        %add3A_676 = arith.constant 0 : i32
        %add3A_677 = arith.addi %mul3A_675, %add3A_676 : i32
        %swap3A_678 = arith.constant 3 : i32
        %swap3A_679 = arith.index_cast %swap3A_678 : i32 to index
        %swap3A_680 = arith.index_cast %add3A_677 : i32 to index
        %swap3A_681 = arith.constant 48 : index
        %swap3A_682 = tpu.vector_load %arg6[%swap3A_679, %swap3A_680, %swap3A_681] {strides = array<i32>} : memref<4x128x64xf32, #tpu.memory_space<vmem>>, vector<1x1x16xf32>,
        %swap3A_683 = vector.shape_cast %swap3A_682 : vector<1x1x16xf32> to vector<16xf32>
        %swap3A_684 = vector.shape_cast %mul3A_673 : vector<16xf32> to vector<1x1x16xf32>
        tpu.vector_store %arg6[%swap3A_679, %swap3A_680, %swap3A_681], %swap3A_684 {strides = array<i32>} : memref<4x128x64xf32, #tpu.memory_space<vmem>>, vector<1x1x16xf32>,
        %mul3A_685 = arith.constant 4 : i32
        %mul3A_686 = arith.muli %mul3A_685, %scan3A_590 : i32
        %add3A_687 = arith.constant 1 : i32
        %add3A_688 = arith.addi %mul3A_686, %add3A_687 : i32
        %get3A_689 = arith.constant 3 : i32
        %get3A_690 = arith.index_cast %get3A_689 : i32 to index
        %get3A_691 = arith.index_cast %add3A_688 : i32 to index
        %get3A_692 = arith.constant 0 : index
        %get3A_693 = tpu.vector_load %arg6[%get3A_690, %get3A_691, %get3A_692] {strides = array<i32>} : memref<4x128x64xf32, #tpu.memory_space<vmem>>, vector<1x1x16xf32>,
        %get3A_694 = vector.shape_cast %get3A_693 : vector<1x1x16xf32> to vector<16xf32>
        %mul3A_695 = arith.constant 8.000000e+00 : f32
        %mul3A_696 = vector.broadcast %mul3A_695 : f32 to vector<16xf32>
        %mul3A_697 = arith.mulf %get3A_694, %mul3A_696 : vector<16xf32>
        %mul3A_698 = arith.constant 4 : i32
        %mul3A_699 = arith.muli %mul3A_698, %scan3A_590 : i32
        %add3A_700 = arith.constant 1 : i32
        %add3A_701 = arith.addi %mul3A_699, %add3A_700 : i32
        %swap3A_702 = arith.constant 3 : i32
        %swap3A_703 = arith.index_cast %swap3A_702 : i32 to index
        %swap3A_704 = arith.index_cast %add3A_701 : i32 to index
        %swap3A_705 = arith.constant 0 : index
        %swap3A_706 = tpu.vector_load %arg6[%swap3A_703, %swap3A_704, %swap3A_705] {strides = array<i32>} : memref<4x128x64xf32, #tpu.memory_space<vmem>>, vector<1x1x16xf32>,
        %swap3A_707 = vector.shape_cast %swap3A_706 : vector<1x1x16xf32> to vector<16xf32>
        %swap3A_708 = vector.shape_cast %mul3A_697 : vector<16xf32> to vector<1x1x16xf32>
        tpu.vector_store %arg6[%swap3A_703, %swap3A_704, %swap3A_705], %swap3A_708 {strides = array<i32>} : memref<4x128x64xf32, #tpu.memory_space<vmem>>, vector<1x1x16xf32>,
        %mul3A_709 = arith.constant 4 : i32
        %mul3A_710 = arith.muli %mul3A_709, %scan3A_590 : i32
        %add3A_711 = arith.constant 1 : i32
        %add3A_712 = arith.addi %mul3A_710, %add3A_711 : i32
        %get3A_713 = arith.constant 3 : i32
        %get3A_714 = arith.index_cast %get3A_713 : i32 to index
        %get3A_715 = arith.index_cast %add3A_712 : i32 to index
        %get3A_716 = arith.constant 16 : index
        %get3A_717 = tpu.vector_load %arg6[%get3A_714, %get3A_715, %get3A_716] {strides = array<i32>} : memref<4x128x64xf32, #tpu.memory_space<vmem>>, vector<1x1x16xf32>,
        %get3A_718 = vector.shape_cast %get3A_717 : vector<1x1x16xf32> to vector<16xf32>
        %mul3A_719 = arith.constant 8.000000e+00 : f32
        %mul3A_720 = vector.broadcast %mul3A_719 : f32 to vector<16xf32>
        %mul3A_721 = arith.mulf %get3A_718, %mul3A_720 : vector<16xf32>
        %mul3A_722 = arith.constant 4 : i32
        %mul3A_723 = arith.muli %mul3A_722, %scan3A_590 : i32
        %add3A_724 = arith.constant 1 : i32
        %add3A_725 = arith.addi %mul3A_723, %add3A_724 : i32
        %swap3A_726 = arith.constant 3 : i32
        %swap3A_727 = arith.index_cast %swap3A_726 : i32 to index
        %swap3A_728 = arith.index_cast %add3A_725 : i32 to index
        %swap3A_729 = arith.constant 16 : index
        %swap3A_730 = tpu.vector_load %arg6[%swap3A_727, %swap3A_728, %swap3A_729] {strides = array<i32>} : memref<4x128x64xf32, #tpu.memory_space<vmem>>, vector<1x1x16xf32>,
        %swap3A_731 = vector.shape_cast %swap3A_730 : vector<1x1x16xf32> to vector<16xf32>
        %swap3A_732 = vector.shape_cast %mul3A_721 : vector<16xf32> to vector<1x1x16xf32>
        tpu.vector_store %arg6[%swap3A_727, %swap3A_728, %swap3A_729], %swap3A_732 {strides = array<i32>} : memref<4x128x64xf32, #tpu.memory_space<vmem>>, vector<1x1x16xf32>,
        %mul3A_733 = arith.constant 4 : i32
        %mul3A_734 = arith.muli %mul3A_733, %scan3A_590 : i32
        %add3A_735 = arith.constant 1 : i32
        %add3A_736 = arith.addi %mul3A_734, %add3A_735 : i32
        %get3A_737 = arith.constant 3 : i32
        %get3A_738 = arith.index_cast %get3A_737 : i32 to index
        %get3A_739 = arith.index_cast %add3A_736 : i32 to index
        %get3A_740 = arith.constant 32 : index
        %get3A_741 = tpu.vector_load %arg6[%get3A_738, %get3A_739, %get3A_740] {strides = array<i32>} : memref<4x128x64xf32, #tpu.memory_space<vmem>>, vector<1x1x16xf32>,
        %get3A_742 = vector.shape_cast %get3A_741 : vector<1x1x16xf32> to vector<16xf32>
        %mul3A_743 = arith.constant 8.000000e+00 : f32
        %mul3A_744 = vector.broadcast %mul3A_743 : f32 to vector<16xf32>
        %mul3A_745 = arith.mulf %get3A_742, %mul3A_744 : vector<16xf32>
        %mul3A_746 = arith.constant 4 : i32
        %mul3A_747 = arith.muli %mul3A_746, %scan3A_590 : i32
        %add3A_748 = arith.constant 1 : i32
        %add3A_749 = arith.addi %mul3A_747, %add3A_748 : i32
        %swap3A_750 = arith.constant 3 : i32
        %swap3A_751 = arith.index_cast %swap3A_750 : i32 to index
        %swap3A_752 = arith.index_cast %add3A_749 : i32 to index
        %swap3A_753 = arith.constant 32 : index
        %swap3A_754 = tpu.vector_load %arg6[%swap3A_751, %swap3A_752, %swap3A_753] {strides = array<i32>} : memref<4x128x64xf32, #tpu.memory_space<vmem>>, vector<1x1x16xf32>,
        %swap3A_755 = vector.shape_cast %swap3A_754 : vector<1x1x16xf32> to vector<16xf32>
        %swap3A_756 = vector.shape_cast %mul3A_745 : vector<16xf32> to vector<1x1x16xf32>
        tpu.vector_store %arg6[%swap3A_751, %swap3A_752, %swap3A_753], %swap3A_756 {strides = array<i32>} : memref<4x128x64xf32, #tpu.memory_space<vmem>>, vector<1x1x16xf32>,
        %mul3A_757 = arith.constant 4 : i32
        %mul3A_758 = arith.muli %mul3A_757, %scan3A_590 : i32
        %add3A_759 = arith.constant 1 : i32
        %add3A_760 = arith.addi %mul3A_758, %add3A_759 : i32
        %get3A_761 = arith.constant 3 : i32
        %get3A_762 = arith.index_cast %get3A_761 : i32 to index
        %get3A_763 = arith.index_cast %add3A_760 : i32 to index
        %get3A_764 = arith.constant 48 : index
        %get3A_765 = tpu.vector_load %arg6[%get3A_762, %get3A_763, %get3A_764] {strides = array<i32>} : memref<4x128x64xf32, #tpu.memory_space<vmem>>, vector<1x1x16xf32>,
        %get3A_766 = vector.shape_cast %get3A_765 : vector<1x1x16xf32> to vector<16xf32>
        %mul3A_767 = arith.constant 8.000000e+00 : f32
        %mul3A_768 = vector.broadcast %mul3A_767 : f32 to vector<16xf32>
        %mul3A_769 = arith.mulf %get3A_766, %mul3A_768 : vector<16xf32>
        %mul3A_770 = arith.constant 4 : i32
        %mul3A_771 = arith.muli %mul3A_770, %scan3A_590 : i32
        %add3A_772 = arith.constant 1 : i32
        %add3A_773 = arith.addi %mul3A_771, %add3A_772 : i32
        %swap3A_774 = arith.constant 3 : i32
        %swap3A_775 = arith.index_cast %swap3A_774 : i32 to index
        %swap3A_776 = arith.index_cast %add3A_773 : i32 to index
        %swap3A_777 = arith.constant 48 : index
        %swap3A_778 = tpu.vector_load %arg6[%swap3A_775, %swap3A_776, %swap3A_777] {strides = array<i32>} : memref<4x128x64xf32, #tpu.memory_space<vmem>>, vector<1x1x16xf32>,
        %swap3A_779 = vector.shape_cast %swap3A_778 : vector<1x1x16xf32> to vector<16xf32>
        %swap3A_780 = vector.shape_cast %mul3A_769 : vector<16xf32> to vector<1x1x16xf32>
        tpu.vector_store %arg6[%swap3A_775, %swap3A_776, %swap3A_777], %swap3A_780 {strides = array<i32>} : memref<4x128x64xf32, #tpu.memory_space<vmem>>, vector<1x1x16xf32>,
        %mul3A_781 = arith.constant 4 : i32
        %mul3A_782 = arith.muli %mul3A_781, %scan3A_590 : i32
        %add3A_783 = arith.constant 2 : i32
        %add3A_784 = arith.addi %mul3A_782, %add3A_783 : i32
        %get3A_785 = arith.constant 3 : i32
        %get3A_786 = arith.index_cast %get3A_785 : i32 to index
        %get3A_787 = arith.index_cast %add3A_784 : i32 to index
        %get3A_788 = arith.constant 0 : index
        %get3A_789 = tpu.vector_load %arg6[%get3A_786, %get3A_787, %get3A_788] {strides = array<i32>} : memref<4x128x64xf32, #tpu.memory_space<vmem>>, vector<1x1x16xf32>,
        %get3A_790 = vector.shape_cast %get3A_789 : vector<1x1x16xf32> to vector<16xf32>
        %mul3A_791 = arith.constant 8.000000e+00 : f32
        %mul3A_792 = vector.broadcast %mul3A_791 : f32 to vector<16xf32>
        %mul3A_793 = arith.mulf %get3A_790, %mul3A_792 : vector<16xf32>
        %mul3A_794 = arith.constant 4 : i32
        %mul3A_795 = arith.muli %mul3A_794, %scan3A_590 : i32
        %add3A_796 = arith.constant 2 : i32
        %add3A_797 = arith.addi %mul3A_795, %add3A_796 : i32
        %swap3A_798 = arith.constant 3 : i32
        %swap3A_799 = arith.index_cast %swap3A_798 : i32 to index
        %swap3A_800 = arith.index_cast %add3A_797 : i32 to index
        %swap3A_801 = arith.constant 0 : index
        %swap3A_802 = tpu.vector_load %arg6[%swap3A_799, %swap3A_800, %swap3A_801] {strides = array<i32>} : memref<4x128x64xf32, #tpu.memory_space<vmem>>, vector<1x1x16xf32>,
        %swap3A_803 = vector.shape_cast %swap3A_802 : vector<1x1x16xf32> to vector<16xf32>
        %swap3A_804 = vector.shape_cast %mul3A_793 : vector<16xf32> to vector<1x1x16xf32>
        tpu.vector_store %arg6[%swap3A_799, %swap3A_800, %swap3A_801], %swap3A_804 {strides = array<i32>} : memref<4x128x64xf32, #tpu.memory_space<vmem>>, vector<1x1x16xf32>,
        %mul3A_805 = arith.constant 4 : i32
        %mul3A_806 = arith.muli %mul3A_805, %scan3A_590 : i32
        %add3A_807 = arith.constant 2 : i32
        %add3A_808 = arith.addi %mul3A_806, %add3A_807 : i32
        %get3A_809 = arith.constant 3 : i32
        %get3A_810 = arith.index_cast %get3A_809 : i32 to index
        %get3A_811 = arith.index_cast %add3A_808 : i32 to index
        %get3A_812 = arith.constant 16 : index
        %get3A_813 = tpu.vector_load %arg6[%get3A_810, %get3A_811, %get3A_812] {strides = array<i32>} : memref<4x128x64xf32, #tpu.memory_space<vmem>>, vector<1x1x16xf32>,
        %get3A_814 = vector.shape_cast %get3A_813 : vector<1x1x16xf32> to vector<16xf32>
        %mul3A_815 = arith.constant 8.000000e+00 : f32
        %mul3A_816 = vector.broadcast %mul3A_815 : f32 to vector<16xf32>
        %mul3A_817 = arith.mulf %get3A_814, %mul3A_816 : vector<16xf32>
        %mul3A_818 = arith.constant 4 : i32
        %mul3A_819 = arith.muli %mul3A_818, %scan3A_590 : i32
        %add3A_820 = arith.constant 2 : i32
        %add3A_821 = arith.addi %mul3A_819, %add3A_820 : i32
        %swap3A_822 = arith.constant 3 : i32
        %swap3A_823 = arith.index_cast %swap3A_822 : i32 to index
        %swap3A_824 = arith.index_cast %add3A_821 : i32 to index
        %swap3A_825 = arith.constant 16 : index
        %swap3A_826 = tpu.vector_load %arg6[%swap3A_823, %swap3A_824, %swap3A_825] {strides = array<i32>} : memref<4x128x64xf32, #tpu.memory_space<vmem>>, vector<1x1x16xf32>,
        %swap3A_827 = vector.shape_cast %swap3A_826 : vector<1x1x16xf32> to vector<16xf32>
        %swap3A_828 = vector.shape_cast %mul3A_817 : vector<16xf32> to vector<1x1x16xf32>
        tpu.vector_store %arg6[%swap3A_823, %swap3A_824, %swap3A_825], %swap3A_828 {strides = array<i32>} : memref<4x128x64xf32, #tpu.memory_space<vmem>>, vector<1x1x16xf32>,
        %mul3A_829 = arith.constant 4 : i32
        %mul3A_830 = arith.muli %mul3A_829, %scan3A_590 : i32
        %add3A_831 = arith.constant 2 : i32
        %add3A_832 = arith.addi %mul3A_830, %add3A_831 : i32
        %get3A_833 = arith.constant 3 : i32
        %get3A_834 = arith.index_cast %get3A_833 : i32 to index
        %get3A_835 = arith.index_cast %add3A_832 : i32 to index
        %get3A_836 = arith.constant 32 : index
        %get3A_837 = tpu.vector_load %arg6[%get3A_834, %get3A_835, %get3A_836] {strides = array<i32>} : memref<4x128x64xf32, #tpu.memory_space<vmem>>, vector<1x1x16xf32>,
        %get3A_838 = vector.shape_cast %get3A_837 : vector<1x1x16xf32> to vector<16xf32>
        %mul3A_839 = arith.constant 8.000000e+00 : f32
        %mul3A_840 = vector.broadcast %mul3A_839 : f32 to vector<16xf32>
        %mul3A_841 = arith.mulf %get3A_838, %mul3A_840 : vector<16xf32>
        %mul3A_842 = arith.constant 4 : i32
        %mul3A_843 = arith.muli %mul3A_842, %scan3A_590 : i32
        %add3A_844 = arith.constant 2 : i32
        %add3A_845 = arith.addi %mul3A_843, %add3A_844 : i32
        %swap3A_846 = arith.constant 3 : i32
        %swap3A_847 = arith.index_cast %swap3A_846 : i32 to index
        %swap3A_848 = arith.index_cast %add3A_845 : i32 to index
        %swap3A_849 = arith.constant 32 : index
        %swap3A_850 = tpu.vector_load %arg6[%swap3A_847, %swap3A_848, %swap3A_849] {strides = array<i32>} : memref<4x128x64xf32, #tpu.memory_space<vmem>>, vector<1x1x16xf32>,
        %swap3A_851 = vector.shape_cast %swap3A_850 : vector<1x1x16xf32> to vector<16xf32>
        %swap3A_852 = vector.shape_cast %mul3A_841 : vector<16xf32> to vector<1x1x16xf32>
        tpu.vector_store %arg6[%swap3A_847, %swap3A_848, %swap3A_849], %swap3A_852 {strides = array<i32>} : memref<4x128x64xf32, #tpu.memory_space<vmem>>, vector<1x1x16xf32>,
        %mul3A_853 = arith.constant 4 : i32
        %mul3A_854 = arith.muli %mul3A_853, %scan3A_590 : i32
        %add3A_855 = arith.constant 2 : i32
        %add3A_856 = arith.addi %mul3A_854, %add3A_855 : i32
        %get3A_857 = arith.constant 3 : i32
        %get3A_858 = arith.index_cast %get3A_857 : i32 to index
        %get3A_859 = arith.index_cast %add3A_856 : i32 to index
        %get3A_860 = arith.constant 48 : index
        %get3A_861 = tpu.vector_load %arg6[%get3A_858, %get3A_859, %get3A_860] {strides = array<i32>} : memref<4x128x64xf32, #tpu.memory_space<vmem>>, vector<1x1x16xf32>,
        %get3A_862 = vector.shape_cast %get3A_861 : vector<1x1x16xf32> to vector<16xf32>
        %mul3A_863 = arith.constant 8.000000e+00 : f32
        %mul3A_864 = vector.broadcast %mul3A_863 : f32 to vector<16xf32>
        %mul3A_865 = arith.mulf %get3A_862, %mul3A_864 : vector<16xf32>
        %mul3A_866 = arith.constant 4 : i32
        %mul3A_867 = arith.muli %mul3A_866, %scan3A_590 : i32
        %add3A_868 = arith.constant 2 : i32
        %add3A_869 = arith.addi %mul3A_867, %add3A_868 : i32
        %swap3A_870 = arith.constant 3 : i32
        %swap3A_871 = arith.index_cast %swap3A_870 : i32 to index
        %swap3A_872 = arith.index_cast %add3A_869 : i32 to index
        %swap3A_873 = arith.constant 48 : index
        %swap3A_874 = tpu.vector_load %arg6[%swap3A_871, %swap3A_872, %swap3A_873] {strides = array<i32>} : memref<4x128x64xf32, #tpu.memory_space<vmem>>, vector<1x1x16xf32>,
        %swap3A_875 = vector.shape_cast %swap3A_874 : vector<1x1x16xf32> to vector<16xf32>
        %swap3A_876 = vector.shape_cast %mul3A_865 : vector<16xf32> to vector<1x1x16xf32>
        tpu.vector_store %arg6[%swap3A_871, %swap3A_872, %swap3A_873], %swap3A_876 {strides = array<i32>} : memref<4x128x64xf32, #tpu.memory_space<vmem>>, vector<1x1x16xf32>,
        %mul3A_877 = arith.constant 4 : i32
        %mul3A_878 = arith.muli %mul3A_877, %scan3A_590 : i32
        %add3A_879 = arith.constant 3 : i32
        %add3A_880 = arith.addi %mul3A_878, %add3A_879 : i32
        %get3A_881 = arith.constant 3 : i32
        %get3A_882 = arith.index_cast %get3A_881 : i32 to index
        %get3A_883 = arith.index_cast %add3A_880 : i32 to index
        %get3A_884 = arith.constant 0 : index
        %get3A_885 = tpu.vector_load %arg6[%get3A_882, %get3A_883, %get3A_884] {strides = array<i32>} : memref<4x128x64xf32, #tpu.memory_space<vmem>>, vector<1x1x16xf32>,
        %get3A_886 = vector.shape_cast %get3A_885 : vector<1x1x16xf32> to vector<16xf32>
        %mul3A_887 = arith.constant 8.000000e+00 : f32
        %mul3A_888 = vector.broadcast %mul3A_887 : f32 to vector<16xf32>
        %mul3A_889 = arith.mulf %get3A_886, %mul3A_888 : vector<16xf32>
        %mul3A_890 = arith.constant 4 : i32
        %mul3A_891 = arith.muli %mul3A_890, %scan3A_590 : i32
        %add3A_892 = arith.constant 3 : i32
        %add3A_893 = arith.addi %mul3A_891, %add3A_892 : i32
        %swap3A_894 = arith.constant 3 : i32
        %swap3A_895 = arith.index_cast %swap3A_894 : i32 to index
        %swap3A_896 = arith.index_cast %add3A_893 : i32 to index
        %swap3A_897 = arith.constant 0 : index
        %swap3A_898 = tpu.vector_load %arg6[%swap3A_895, %swap3A_896, %swap3A_897] {strides = array<i32>} : memref<4x128x64xf32, #tpu.memory_space<vmem>>, vector<1x1x16xf32>,
        %swap3A_899 = vector.shape_cast %swap3A_898 : vector<1x1x16xf32> to vector<16xf32>
        %swap3A_900 = vector.shape_cast %mul3A_889 : vector<16xf32> to vector<1x1x16xf32>
        tpu.vector_store %arg6[%swap3A_895, %swap3A_896, %swap3A_897], %swap3A_900 {strides = array<i32>} : memref<4x128x64xf32, #tpu.memory_space<vmem>>, vector<1x1x16xf32>,
        %mul3A_901 = arith.constant 4 : i32
        %mul3A_902 = arith.muli %mul3A_901, %scan3A_590 : i32
        %add3A_903 = arith.constant 3 : i32
        %add3A_904 = arith.addi %mul3A_902, %add3A_903 : i32
        %get3A_905 = arith.constant 3 : i32
        %get3A_906 = arith.index_cast %get3A_905 : i32 to index
        %get3A_907 = arith.index_cast %add3A_904 : i32 to index
        %get3A_908 = arith.constant 16 : index
        %get3A_909 = tpu.vector_load %arg6[%get3A_906, %get3A_907, %get3A_908] {strides = array<i32>} : memref<4x128x64xf32, #tpu.memory_space<vmem>>, vector<1x1x16xf32>,
        %get3A_910 = vector.shape_cast %get3A_909 : vector<1x1x16xf32> to vector<16xf32>
        %mul3A_911 = arith.constant 8.000000e+00 : f32
        %mul3A_912 = vector.broadcast %mul3A_911 : f32 to vector<16xf32>
        %mul3A_913 = arith.mulf %get3A_910, %mul3A_912 : vector<16xf32>
        %mul3A_914 = arith.constant 4 : i32
        %mul3A_915 = arith.muli %mul3A_914, %scan3A_590 : i32
        %add3A_916 = arith.constant 3 : i32
        %add3A_917 = arith.addi %mul3A_915, %add3A_916 : i32
        %swap3A_918 = arith.constant 3 : i32
        %swap3A_919 = arith.index_cast %swap3A_918 : i32 to index
        %swap3A_920 = arith.index_cast %add3A_917 : i32 to index
        %swap3A_921 = arith.constant 16 : index
        %swap3A_922 = tpu.vector_load %arg6[%swap3A_919, %swap3A_920, %swap3A_921] {strides = array<i32>} : memref<4x128x64xf32, #tpu.memory_space<vmem>>, vector<1x1x16xf32>,
        %swap3A_923 = vector.shape_cast %swap3A_922 : vector<1x1x16xf32> to vector<16xf32>
        %swap3A_924 = vector.shape_cast %mul3A_913 : vector<16xf32> to vector<1x1x16xf32>
        tpu.vector_store %arg6[%swap3A_919, %swap3A_920, %swap3A_921], %swap3A_924 {strides = array<i32>} : memref<4x128x64xf32, #tpu.memory_space<vmem>>, vector<1x1x16xf32>,
        %mul3A_925 = arith.constant 4 : i32
        %mul3A_926 = arith.muli %mul3A_925, %scan3A_590 : i32
        %add3A_927 = arith.constant 3 : i32
        %add3A_928 = arith.addi %mul3A_926, %add3A_927 : i32
        %get3A_929 = arith.constant 3 : i32
        %get3A_930 = arith.index_cast %get3A_929 : i32 to index
        %get3A_931 = arith.index_cast %add3A_928 : i32 to index
        %get3A_932 = arith.constant 32 : index
        %get3A_933 = tpu.vector_load %arg6[%get3A_930, %get3A_931, %get3A_932] {strides = array<i32>} : memref<4x128x64xf32, #tpu.memory_space<vmem>>, vector<1x1x16xf32>,
        %get3A_934 = vector.shape_cast %get3A_933 : vector<1x1x16xf32> to vector<16xf32>
        %mul3A_935 = arith.constant 8.000000e+00 : f32
        %mul3A_936 = vector.broadcast %mul3A_935 : f32 to vector<16xf32>
        %mul3A_937 = arith.mulf %get3A_934, %mul3A_936 : vector<16xf32>
        %mul3A_938 = arith.constant 4 : i32
        %mul3A_939 = arith.muli %mul3A_938, %scan3A_590 : i32
        %add3A_940 = arith.constant 3 : i32
        %add3A_941 = arith.addi %mul3A_939, %add3A_940 : i32
        %swap3A_942 = arith.constant 3 : i32
        %swap3A_943 = arith.index_cast %swap3A_942 : i32 to index
        %swap3A_944 = arith.index_cast %add3A_941 : i32 to index
        %swap3A_945 = arith.constant 32 : index
        %swap3A_946 = tpu.vector_load %arg6[%swap3A_943, %swap3A_944, %swap3A_945] {strides = array<i32>} : memref<4x128x64xf32, #tpu.memory_space<vmem>>, vector<1x1x16xf32>,
        %swap3A_947 = vector.shape_cast %swap3A_946 : vector<1x1x16xf32> to vector<16xf32>
        %swap3A_948 = vector.shape_cast %mul3A_937 : vector<16xf32> to vector<1x1x16xf32>
        tpu.vector_store %arg6[%swap3A_943, %swap3A_944, %swap3A_945], %swap3A_948 {strides = array<i32>} : memref<4x128x64xf32, #tpu.memory_space<vmem>>, vector<1x1x16xf32>,
        %mul3A_949 = arith.constant 4 : i32
        %mul3A_950 = arith.muli %mul3A_949, %scan3A_590 : i32
        %add3A_951 = arith.constant 3 : i32
        %add3A_952 = arith.addi %mul3A_950, %add3A_951 : i32
        %get3A_953 = arith.constant 3 : i32
        %get3A_954 = arith.index_cast %get3A_953 : i32 to index
        %get3A_955 = arith.index_cast %add3A_952 : i32 to index
        %get3A_956 = arith.constant 48 : index
        %get3A_957 = tpu.vector_load %arg6[%get3A_954, %get3A_955, %get3A_956] {strides = array<i32>} : memref<4x128x64xf32, #tpu.memory_space<vmem>>, vector<1x1x16xf32>,
        %get3A_958 = vector.shape_cast %get3A_957 : vector<1x1x16xf32> to vector<16xf32>
        %mul3A_959 = arith.constant 8.000000e+00 : f32
        %mul3A_960 = vector.broadcast %mul3A_959 : f32 to vector<16xf32>
        %mul3A_961 = arith.mulf %get3A_958, %mul3A_960 : vector<16xf32>
        %mul3A_962 = arith.constant 4 : i32
        %mul3A_963 = arith.muli %mul3A_962, %scan3A_590 : i32
        %add3A_964 = arith.constant 3 : i32
        %add3A_965 = arith.addi %mul3A_963, %add3A_964 : i32
        %swap3A_966 = arith.constant 3 : i32
        %swap3A_967 = arith.index_cast %swap3A_966 : i32 to index
        %swap3A_968 = arith.index_cast %add3A_965 : i32 to index
        %swap3A_969 = arith.constant 48 : index
        %swap3A_970 = tpu.vector_load %arg6[%swap3A_967, %swap3A_968, %swap3A_969] {strides = array<i32>} : memref<4x128x64xf32, #tpu.memory_space<vmem>>, vector<1x1x16xf32>,
        %swap3A_971 = vector.shape_cast %swap3A_970 : vector<1x1x16xf32> to vector<16xf32>
        %swap3A_972 = vector.shape_cast %mul3A_961 : vector<16xf32> to vector<1x1x16xf32>
        tpu.vector_store %arg6[%swap3A_967, %swap3A_968, %swap3A_969], %swap3A_972 {strides = array<i32>} : memref<4x128x64xf32, #tpu.memory_space<vmem>>, vector<1x1x16xf32>,
      }
      %scan3A_570 = arith.constant 32 : i32
      %mul3A_571 = arith.constant 128 : i32
      %mul3A_572 = arith.muli %add3A_545, %mul3A_571 : i32
      %add3A_573 = arith.addi %mul3A_4, %mul3A_572 : i32
      %dma_start3A_574 = arith.constant 3 : i32
      %dma_start3A_575 = arith.constant 3 : i32
      %dma_start3A_576 = arith.constant 0 : i32
      %dma_start3A_577 = arith.constant 0 : i32
      %dma_start3A_578 = tpu.memref_slice %arg6[%dma_start3A_574, %dma_start3A_576, %dma_start3A_577] : memref<4x128x64xf32, #tpu.memory_space<vmem>> -> memref<1x128x64xf32, #tpu.memory_space<vmem>>
      %dma_start3A_579 = tpu.memref_squeeze %dma_start3A_578 : memref<1x128x64xf32, #tpu.memory_space<vmem>> -> memref<128x64xf32, #tpu.memory_space<vmem>>
      %dma_start3A_580 = arith.constant 0 : i32
      %dma_start3A_581 = tpu.memref_slice %arg4[%add3A_573, %dma_start3A_580] : memref<819200x128xf32, #tpu.memory_space<hbm>> -> memref<128x64xf32, #tpu.memory_space<hbm>>
      %dma_start3A_582 = tpu.memref_slice %arg8[%dma_start3A_575] : memref<4x!tpu.dma_semaphore, #tpu.memory_space<semaphore_mem>> -> memref<1x!tpu.dma_semaphore, #tpu.memory_space<semaphore_mem>>
      %dma_start3A_583 = tpu.memref_squeeze %dma_start3A_582 : memref<1x!tpu.dma_semaphore, #tpu.memory_space<semaphore_mem>> -> memref<!tpu.dma_semaphore, #tpu.memory_space<semaphore_mem>>
      %dma_start3A_584 = arith.constant 0 : i32
      %dma_start3A_585 = tpu.memref_slice %arg4[%add3A_573, %dma_start3A_584] : memref<819200x128xf32, #tpu.memory_space<hbm>> -> memref<128x64xf32, #tpu.memory_space<hbm>>
      %dma_start3A_586 = arith.constant 0 : i32
      %dma_start3A_587 = arith.constant 0 : i32
      %dma_start3A_588 = tpu.memref_slice %arg6[%dma_start3A_574, %dma_start3A_586, %dma_start3A_587] : memref<4x128x64xf32, #tpu.memory_space<vmem>> -> memref<1x128x64xf32, #tpu.memory_space<vmem>>
      %dma_start3A_589 = tpu.memref_squeeze %dma_start3A_588 : memref<1x128x64xf32, #tpu.memory_space<vmem>> -> memref<128x64xf32, #tpu.memory_space<vmem>>
      tpu.enqueue_dma source(%dma_start3A_589 : memref<128x64xf32, #tpu.memory_space<vmem>>) target(%dma_start3A_585 : memref<128x64xf32, #tpu.memory_space<hbm>>) target_semaphore(%dma_start3A_583 : memref<!tpu.dma_semaphore, #tpu.memory_space<semaphore_mem>>)
    }
    %scan3A_254 = arith.constant 49 : i32
    %dma_wait3A_255 = arith.constant 0 : i32
    %dma_wait3A_256 = arith.constant 0 : i32
    %dma_wait3A_257 = arith.constant 0 : i32
    %dma_wait3A_258 = arith.constant 0 : i32
    %dma_wait3A_259 = tpu.memref_slice %arg6[%dma_wait3A_255, %dma_wait3A_257, %dma_wait3A_258] : memref<4x128x64xf32, #tpu.memory_space<vmem>> -> memref<1x128x64xf32, #tpu.memory_space<vmem>>
    %dma_wait3A_260 = tpu.memref_squeeze %dma_wait3A_259 : memref<1x128x64xf32, #tpu.memory_space<vmem>> -> memref<128x64xf32, #tpu.memory_space<vmem>>
    %dma_wait3A_261 = arith.constant 0 : i32
    %dma_wait3A_262 = tpu.memref_slice %arg4[%mul3A_4, %dma_wait3A_261] : memref<819200x128xf32, #tpu.memory_space<hbm>> -> memref<128x64xf32, #tpu.memory_space<hbm>>
    %dma_wait3A_263 = tpu.memref_slice %arg8[%dma_wait3A_256] : memref<4x!tpu.dma_semaphore, #tpu.memory_space<semaphore_mem>> -> memref<1x!tpu.dma_semaphore, #tpu.memory_space<semaphore_mem>>
    %dma_wait3A_264 = tpu.memref_squeeze %dma_wait3A_263 : memref<1x!tpu.dma_semaphore, #tpu.memory_space<semaphore_mem>> -> memref<!tpu.dma_semaphore, #tpu.memory_space<semaphore_mem>>
    %dma_wait3A_265 = arith.constant 0 : i32
    %dma_wait3A_266 = tpu.memref_slice %arg4[%mul3A_4, %dma_wait3A_265] : memref<819200x128xf32, #tpu.memory_space<hbm>> -> memref<128x64xf32, #tpu.memory_space<hbm>>
    %dma_wait3A_267 = arith.constant 0 : i32
    %dma_wait3A_268 = arith.constant 0 : i32
    %dma_wait3A_269 = tpu.memref_slice %arg6[%dma_wait3A_255, %dma_wait3A_267, %dma_wait3A_268] : memref<4x128x64xf32, #tpu.memory_space<vmem>> -> memref<1x128x64xf32, #tpu.memory_space<vmem>>
    %dma_wait3A_270 = tpu.memref_squeeze %dma_wait3A_269 : memref<1x128x64xf32, #tpu.memory_space<vmem>> -> memref<128x64xf32, #tpu.memory_space<vmem>>
    tpu.wait_dma2 semaphore(%dma_wait3A_264 : memref<!tpu.dma_semaphore, #tpu.memory_space<semaphore_mem>>) src(%dma_wait3A_270 : memref<128x64xf32, #tpu.memory_space<vmem>>) dst(%dma_wait3A_266 : memref<128x64xf32, #tpu.memory_space<hbm>>)
    %dma_wait3A_271 = arith.constant 1 : i32
    %dma_wait3A_272 = arith.constant 1 : i32
    %dma_wait3A_273 = arith.constant 0 : i32
    %dma_wait3A_274 = arith.constant 0 : i32
    %dma_wait3A_275 = tpu.memref_slice %arg6[%dma_wait3A_271, %dma_wait3A_273, %dma_wait3A_274] : memref<4x128x64xf32, #tpu.memory_space<vmem>> -> memref<1x128x64xf32, #tpu.memory_space<vmem>>
    %dma_wait3A_276 = tpu.memref_squeeze %dma_wait3A_275 : memref<1x128x64xf32, #tpu.memory_space<vmem>> -> memref<128x64xf32, #tpu.memory_space<vmem>>
    %dma_wait3A_277 = arith.constant 0 : i32
    %dma_wait3A_278 = tpu.memref_slice %arg4[%mul3A_4, %dma_wait3A_277] : memref<819200x128xf32, #tpu.memory_space<hbm>> -> memref<128x64xf32, #tpu.memory_space<hbm>>
    %dma_wait3A_279 = tpu.memref_slice %arg8[%dma_wait3A_272] : memref<4x!tpu.dma_semaphore, #tpu.memory_space<semaphore_mem>> -> memref<1x!tpu.dma_semaphore, #tpu.memory_space<semaphore_mem>>
    %dma_wait3A_280 = tpu.memref_squeeze %dma_wait3A_279 : memref<1x!tpu.dma_semaphore, #tpu.memory_space<semaphore_mem>> -> memref<!tpu.dma_semaphore, #tpu.memory_space<semaphore_mem>>
    %dma_wait3A_281 = arith.constant 0 : i32
    %dma_wait3A_282 = tpu.memref_slice %arg4[%mul3A_4, %dma_wait3A_281] : memref<819200x128xf32, #tpu.memory_space<hbm>> -> memref<128x64xf32, #tpu.memory_space<hbm>>
    %dma_wait3A_283 = arith.constant 0 : i32
    %dma_wait3A_284 = arith.constant 0 : i32
    %dma_wait3A_285 = tpu.memref_slice %arg6[%dma_wait3A_271, %dma_wait3A_283, %dma_wait3A_284] : memref<4x128x64xf32, #tpu.memory_space<vmem>> -> memref<1x128x64xf32, #tpu.memory_space<vmem>>
    %dma_wait3A_286 = tpu.memref_squeeze %dma_wait3A_285 : memref<1x128x64xf32, #tpu.memory_space<vmem>> -> memref<128x64xf32, #tpu.memory_space<vmem>>
    tpu.wait_dma2 semaphore(%dma_wait3A_280 : memref<!tpu.dma_semaphore, #tpu.memory_space<semaphore_mem>>) src(%dma_wait3A_286 : memref<128x64xf32, #tpu.memory_space<vmem>>) dst(%dma_wait3A_282 : memref<128x64xf32, #tpu.memory_space<hbm>>)
    %dma_wait3A_287 = arith.constant 2 : i32
    %dma_wait3A_288 = arith.constant 2 : i32
    %dma_wait3A_289 = arith.constant 0 : i32
    %dma_wait3A_290 = arith.constant 0 : i32
    %dma_wait3A_291 = tpu.memref_slice %arg6[%dma_wait3A_287, %dma_wait3A_289, %dma_wait3A_290] : memref<4x128x64xf32, #tpu.memory_space<vmem>> -> memref<1x128x64xf32, #tpu.memory_space<vmem>>
    %dma_wait3A_292 = tpu.memref_squeeze %dma_wait3A_291 : memref<1x128x64xf32, #tpu.memory_space<vmem>> -> memref<128x64xf32, #tpu.memory_space<vmem>>
    %dma_wait3A_293 = arith.constant 0 : i32
    %dma_wait3A_294 = tpu.memref_slice %arg4[%mul3A_4, %dma_wait3A_293] : memref<819200x128xf32, #tpu.memory_space<hbm>> -> memref<128x64xf32, #tpu.memory_space<hbm>>
    %dma_wait3A_295 = tpu.memref_slice %arg8[%dma_wait3A_288] : memref<4x!tpu.dma_semaphore, #tpu.memory_space<semaphore_mem>> -> memref<1x!tpu.dma_semaphore, #tpu.memory_space<semaphore_mem>>
    %dma_wait3A_296 = tpu.memref_squeeze %dma_wait3A_295 : memref<1x!tpu.dma_semaphore, #tpu.memory_space<semaphore_mem>> -> memref<!tpu.dma_semaphore, #tpu.memory_space<semaphore_mem>>
    %dma_wait3A_297 = arith.constant 0 : i32
    %dma_wait3A_298 = tpu.memref_slice %arg4[%mul3A_4, %dma_wait3A_297] : memref<819200x128xf32, #tpu.memory_space<hbm>> -> memref<128x64xf32, #tpu.memory_space<hbm>>
    %dma_wait3A_299 = arith.constant 0 : i32
    %dma_wait3A_300 = arith.constant 0 : i32
    %dma_wait3A_301 = tpu.memref_slice %arg6[%dma_wait3A_287, %dma_wait3A_299, %dma_wait3A_300] : memref<4x128x64xf32, #tpu.memory_space<vmem>> -> memref<1x128x64xf32, #tpu.memory_space<vmem>>
    %dma_wait3A_302 = tpu.memref_squeeze %dma_wait3A_301 : memref<1x128x64xf32, #tpu.memory_space<vmem>> -> memref<128x64xf32, #tpu.memory_space<vmem>>
    tpu.wait_dma2 semaphore(%dma_wait3A_296 : memref<!tpu.dma_semaphore, #tpu.memory_space<semaphore_mem>>) src(%dma_wait3A_302 : memref<128x64xf32, #tpu.memory_space<vmem>>) dst(%dma_wait3A_298 : memref<128x64xf32, #tpu.memory_space<hbm>>)
    %dma_wait3A_303 = arith.constant 3 : i32
    %dma_wait3A_304 = arith.constant 3 : i32
    %dma_wait3A_305 = arith.constant 0 : i32
    %dma_wait3A_306 = arith.constant 0 : i32
    %dma_wait3A_307 = tpu.memref_slice %arg6[%dma_wait3A_303, %dma_wait3A_305, %dma_wait3A_306] : memref<4x128x64xf32, #tpu.memory_space<vmem>> -> memref<1x128x64xf32, #tpu.memory_space<vmem>>
    %dma_wait3A_308 = tpu.memref_squeeze %dma_wait3A_307 : memref<1x128x64xf32, #tpu.memory_space<vmem>> -> memref<128x64xf32, #tpu.memory_space<vmem>>
    %dma_wait3A_309 = arith.constant 0 : i32
    %dma_wait3A_310 = tpu.memref_slice %arg4[%mul3A_4, %dma_wait3A_309] : memref<819200x128xf32, #tpu.memory_space<hbm>> -> memref<128x64xf32, #tpu.memory_space<hbm>>
    %dma_wait3A_311 = tpu.memref_slice %arg8[%dma_wait3A_304] : memref<4x!tpu.dma_semaphore, #tpu.memory_space<semaphore_mem>> -> memref<1x!tpu.dma_semaphore, #tpu.memory_space<semaphore_mem>>
    %dma_wait3A_312 = tpu.memref_squeeze %dma_wait3A_311 : memref<1x!tpu.dma_semaphore, #tpu.memory_space<semaphore_mem>> -> memref<!tpu.dma_semaphore, #tpu.memory_space<semaphore_mem>>
    %dma_wait3A_313 = arith.constant 0 : i32
    %dma_wait3A_314 = tpu.memref_slice %arg4[%mul3A_4, %dma_wait3A_313] : memref<819200x128xf32, #tpu.memory_space<hbm>> -> memref<128x64xf32, #tpu.memory_space<hbm>>
    %dma_wait3A_315 = arith.constant 0 : i32
    %dma_wait3A_316 = arith.constant 0 : i32
    %dma_wait3A_317 = tpu.memref_slice %arg6[%dma_wait3A_303, %dma_wait3A_315, %dma_wait3A_316] : memref<4x128x64xf32, #tpu.memory_space<vmem>> -> memref<1x128x64xf32, #tpu.memory_space<vmem>>
    %dma_wait3A_318 = tpu.memref_squeeze %dma_wait3A_317 : memref<1x128x64xf32, #tpu.memory_space<vmem>> -> memref<128x64xf32, #tpu.memory_space<vmem>>
    tpu.wait_dma2 semaphore(%dma_wait3A_312 : memref<!tpu.dma_semaphore, #tpu.memory_space<semaphore_mem>>) src(%dma_wait3A_318 : memref<128x64xf32, #tpu.memory_space<vmem>>) dst(%dma_wait3A_314 : memref<128x64xf32, #tpu.memory_space<hbm>>)
    return
  }
}

</mosaic_0001>

<sc_bundles>
// kernel: kernel.3.cloned.1.call-start
scs
__scs_entry_jumppad:
0x0: {  	(pc) =	sbr.rel $0x88, $3  }
0x1: {  	(tag) =	ssettag $0x0;
	lr =	simm.s32 $0x1  }
0x2: {  	[smem:$0x3F9F] =	sst lr;
	_ =	strace $0xD0000000  }
0x3: {  	_ = 	snop  }
0x4: {  	_ = 	snop  }
0x5: {  	_ = 	snop  }
0x6: {  	_ = 	snop  }
0x7: {  	_ = 	snop  }
__scs_overlays_trampoline_lowered:
0x8: {  	[smem:$0x3FAE] =	sst s0  }
0x9: {  	[smem:$0x3FAF] =	sst s1  }
0xa: {  	[smem:$0x3FB0] =	sst s2  }
0xb: {  	[smem:$0x3FB1] =	sst s3  }
0xc: {  	[smem:$0x3FB2] =	sst s4  }
0xd: {  	[smem:$0x3FB3] =	sst s5  }
0xe: {  	[smem:$0x3FB4] =	sst s6  }
0xf: {  	[smem:$0x3FB5] =	sst s7  }
0x10: {  	[smem:$0x3FB6] =	sst s8  }
0x11: {  	[smem:$0x3FB7] =	sst s9;
	s0 =	simm.s32 @!p0 $0x0  }
0x12: {  	s1 =	sld [smem:$0x3F9D];
	s0 =	simm.s32 @p0 $0x1  }
0x13: {  	[smem:$0x3FB8] =	sst s0;
	s0 =	simm.s32 @!p1 $0x0  }
0x14: {  	s2 =	sld [smem:$0x3F9C];
	s0 =	simm.s32 @p1 $0x1  }
0x15: {  	[smem:$0x3FB9] =	sst s0;
	s0 =	simm.s32 @!p2 $0x0  }
0x16: {  	s3 =	sld [smem:$0x3FDB];
	s0 =	simm.s32 @p2 $0x1  }
0x17: {  	s4 =	simm.s32 $0x1BF5;
	[smem:$0x3FBB] =	sst s0  }
0x18: {  	s0 =	sld [smem:$0x3F9E];
	_ =	swait.ge [sflag:s4], $0x0  }
0x19: {  	s7 =	sld [smem:$0x3F9F]  }
0x1a: {  	s8 =	sadd.s32 $0xFFFFE003, lr  }
0x1b: {  	s9 =	sadd.s32 $0xFFFFFEF7, lr;
	s5 =	simm.s32 $0xFFFFFFFF;
	p2 =	slt.u32 s8, $0xFFFFF086  }
0x1c: {  	p1 =	slt.u32 s9, $0xF7A;
	s5 =	simm.s32 @!p2 $0x0  }
0x1d: {  	s5 =	simm.s32 @p1 $0x1;
	p0 =	seq.s32 s7, s2  }
0x1e: {  	s7 =	smul.u32 @!p0 $0xF7A, s2;
	p2 =	seq.s32 @!p0 s5, $0x0  }
0x1f: {  	s9 =	smul.u32 $0xF7A, s1;
	s8 =	simm.s32 @!p0 $0x1BF5;
	p2 =	por !p2, p0  }
0x20: {  	[sflag:s8] =	ssyncset.s32 @!p0 $0xFFFFF086;
	s6 =	sadd.s32 @!p0 s3, s7;
	s7 =	simm.s32 @!p0 $0x108  }
0x21: {  	s3 =	sadd.s32 s3, s9;
	s6 =	sadd.s32 @!p0 $0x88, s6;
	s7 =	simm.s32 @p2 $0x1082  }
0x22: {  	[simem:s7], [sflag:s8] =	dma.local @!p0 [hbm:s6], $0xF7A  }
0x23: {  	s9 =	sor.u32 $0xD0000000, s2;
	s6 =	simm.s32 $0x108;
	_ =	swait.ge @!p0 [sflag:s8], $0x0  }
0x24: {  	s3 =	sadd.s32 $0x88, s3;
	s6 =	simm.s32 @!p1 $0x1082;
	[sflag:s4] =	ssyncset.s32 $0xFFFFF086  }
0x25: {  	[simem:s6], [sflag:s4] =	dma.local [hbm:s3], $0xF7A  }
0x26: {  	[smem:$0x3F9F] =	sst s1;
	(tag) =	ssettag s2;
	_ =	strace s9  }
0x27: {  	s1 =	sld [smem:$0x3FAF]  }
0x28: {  	s2 =	sld [smem:$0x3FB0]  }
0x29: {  	s4 =	sld [smem:$0x3FB2]  }
0x2a: {  	p0 =	seq.s32 s5, $0x0;
	s5 =	sld [smem:$0x3FB3]  }
0x2b: {  	s6 =	sld [smem:$0x3FB4]  }
0x2c: {  	s7 =	sld [smem:$0x3FB5]  }
0x2d: {  	s3 =	simm.s32 $0x108;
	s8 =	sld [smem:$0x3FB6]  }
0x2e: {  	s3 =	simm.s32 @!p0 $0x1082;
	s9 =	sld [smem:$0x3FB7]  }
0x2f: {  	lr =	sadd.s32 s0, s3;
	s0 =	sld [smem:$0x3FAE]  }
0x30: {  	s3 =	sld [smem:$0x3FB1]  }
0x31: {  	[smem:$0x3FBA] =	sst s10  }
0x32: {  	s10 =	sld [smem:$0x3FB8];
	_ =	sdelay $0x3  }
0x33: {  	p0 =	seq.s32 s10, $0x1;
	s10 =	sld [smem:$0x3FBA];
	_ =	sdelay $0x3  }
0x34: {  	[smem:$0x3FBA] =	sst s10  }
0x35: {  	s10 =	sld [smem:$0x3FB9];
	_ =	sdelay $0x3  }
0x36: {  	p1 =	seq.s32 s10, $0x1;
	s10 =	sld [smem:$0x3FBA];
	_ =	sdelay $0x3  }
0x37: {  	[smem:$0x3FBA] =	sst s10  }
0x38: {  	s10 =	sld [smem:$0x3FBB]  }
0x39: {  	_ = 	snop;
	(pc) =	sbr.ind lr, $3  }
0x3a: {  	_ = 	snop  }
0x3b: {  	_ = 	snop  }
0x3c: {  	p2 =	seq.s32 s10, $0x1;
	s10 =	sld [smem:$0x3FBA]  }
0x3d: {  	_ =	shalt  }
0x3e: {  	_ =	shalt  }
0x3f: {  	_ =	shalt  }
0x40: {  	_ =	shalt  }
0x41: {  	_ =	shalt  }
0x42: {  	_ =	shalt  }
0x43: {  	_ =	shalt  }
0x44: {  	_ =	shalt  }
0x45: {  	_ =	shalt  }
0x46: {  	_ =	shalt  }
0x47: {  	_ =	shalt  }
0x48: {  	_ =	shalt  }
0x49: {  	_ =	shalt  }
0x4a: {  	_ =	shalt  }
0x4b: {  	_ =	shalt  }
0x4c: {  	_ =	shalt  }
0x4d: {  	_ =	shalt  }
0x4e: {  	_ =	shalt  }
0x4f: {  	_ =	shalt  }
0x50: {  	_ =	shalt  }
0x51: {  	_ =	shalt  }
0x52: {  	_ =	shalt  }
0x53: {  	_ =	shalt  }
0x54: {  	_ =	shalt  }
0x55: {  	_ =	shalt  }
0x56: {  	_ =	shalt  }
0x57: {  	_ =	shalt  }
0x58: {  	_ =	shalt  }
0x59: {  	_ =	shalt  }
0x5a: {  	_ =	shalt  }
0x5b: {  	_ =	shalt  }
0x5c: {  	_ =	shalt  }
0x5d: {  	_ =	shalt  }
0x5e: {  	_ =	shalt  }
0x5f: {  	_ =	shalt  }
0x60: {  	_ =	shalt  }
0x61: {  	_ =	shalt  }
0x62: {  	_ =	shalt  }
0x63: {  	_ =	shalt  }
0x64: {  	_ =	shalt  }
0x65: {  	_ =	shalt  }
0x66: {  	_ =	shalt  }
0x67: {  	_ =	shalt  }
0x68: {  	_ =	shalt  }
0x69: {  	_ =	shalt  }
0x6a: {  	_ =	shalt  }
0x6b: {  	_ =	shalt  }
0x6c: {  	_ =	shalt  }
0x6d: {  	_ =	shalt  }
0x6e: {  	_ =	shalt  }
0x6f: {  	_ =	shalt  }
0x70: {  	_ =	shalt  }
0x71: {  	_ =	shalt  }
0x72: {  	_ =	shalt  }
0x73: {  	_ =	shalt  }
0x74: {  	_ =	shalt  }
0x75: {  	_ =	shalt  }
0x76: {  	_ =	shalt  }
0x77: {  	_ =	shalt  }
0x78: {  	_ =	shalt  }
0x79: {  	_ =	shalt  }
0x7a: {  	_ =	shalt  }
0x7b: {  	_ =	shalt  }
0x7c: {  	_ =	shalt  }
0x7d: {  	_ =	shalt  }
0x7e: {  	_ =	shalt  }
0x7f: {  	_ =	shalt  }
0x80: {  	_ =	shalt  }
0x81: {  	_ =	shalt  }
0x82: {  	_ =	shalt  }
0x83: {  	_ =	shalt  }
0x84: {  	_ =	shalt  }
0x85: {  	_ =	shalt  }
0x86: {  	_ =	shalt  }
0x87: {  	_ =	shalt  }
.Lfunc_end0:
.L_simem_size_0:
called_computation.1_lowered:
.L_overlay_start_0:
0x88: {  	s2 =	sld [smem:$0x3FD9]  }
0x89: {  	s3 =	sld [smem:$0x3FFE];
	_ =	sdelay $0x1  }
0x8a: {  	s1 =	srdreg.scid  }
0x8b: {  	s0 =	sand.u32 $0x1, s1  }
0x8c: {  	s17 =	sshll.u32 s0, $0xA;
	s2 =	sadd.s32 s3, s2  }
0x8d: {  	s2 =	sadd.s32 s2, s17  }
0x8e: {  	[smem:$0x3FC6] =	sst s2  }
0x8f: {  	_ = 	snop  }
0x90: {  	s2 =	sld [smem:$0x3FD0];
	(tm) =	ssettm $0x1  }
0x91: {  	s18 =	sld [smem:$0x3FFB];
	_ =	sdelay $0x3  }
0x92: {  	_ =	strace s18  }
0x93: {  	s3 =	sld [smem:$0x3FFC];
	_ =	sdelay $0x3  }
0x94: {  	_ =	strace s3  }
0x95: {  	s3 =	sld [smem:$0x3FFD];
	_ =	sdelay $0x3  }
0x96: {  	_ =	strace s3  }
0x97: {  	_ =	strace $0x8FFFFFFF  }
0x98: {  	s19 =	sld [smem:$0x3FDB];
	_ =	sdelay $0x1  }
0x99: {  	s4 =	simm.s32 $_scs_section_size  }
0x9a: {  	s5 =	simm.s32 $_size__tile_overlayer_lowered;
	s6 =	simm.s32 $_tile_overlayer_lowered  }
0x9b: {  	s22 =	simm.s32 $0x1BFF;
	s21 =	sshll.u32 s6, $0x1;
	s3 =	sadd.s32 s4, s19  }
0x9c: {  	s7 =	simm.s32 $0x0;
	s20 =	sshll.u32 s5, $0x1;
	s5 =	sadd.s32 s21, s3  }
0x9d: {  	[timem:s7], [sflag:s22] =	dma.local [hbm:s5], s20  }
0x9e: {  	_ =	swait.ge [sflag:s22], s20  }
0x9f: {  	s4 =	ssub.s32 $0x0, s20;
	[sflag:s22] =	ssyncset.done $0x0  }
0xa0: {  	[sflag:s22] =	ssyncadd.s32 s4;
	_ =	sdelay $0x1  }
0xa1: {  	s23 =	simm.s32 $0x1B8B  }
0xa2: {  	_ =	swait.ge [sflag:s23], $0x1  }
0xa3: {  	[sflag:s23] =	ssyncset.done $0x0  }
0xa4: {  	s25 =	simm.s32 $0x1B8E;
	s24 =	sld [smem:$0x3FFE];
	[sflag:s23] =	ssyncadd.s32 $0xFFFFFFFF  }
0xa5: {  	s26 =	simm.s32 $execute0_lowered;
	[smem:$0x3FD2] =	sst s25  }
0xa6: {  	s5 =	sshll.u32 s26, $0x1;
	_ =	strace $0x80000046;
	[dreg:$0x1] =	wrdreg $0xFFFFFFFF  }
0xa7: {  	s28 =	simm.s32 $_size_execute0_lowered;
	s3 =	sadd.s32 s3, s5;
	[dreg:$0x0] =	wrdreg $0x0  }
0xa8: {  	s5 =	sshll.u32 s28, $0x1;
	[dreg:$0x2] =	wrdreg s3  }
0xa9: {  	[dreg:$0x3] =	wrdreg s5  }
0xaa: {  	[dreg:$0x4] =	wrdreg $0xC0  }
0xab: {  	_ =	task [dreg:s7], $0x5FFFF  }
0xac: {  	[dreg:$0x1] =	wrdreg $0xFFFFFFFF  }
0xad: {  	[dreg:$0x0] =	wrdreg $0x60  }
0xae: {  	[dreg:$0x2] =	wrdreg s2  }
0xaf: {  	[dreg:$0x3] =	wrdreg s24  }
0xb0: {  	[dreg:$0x4] =	wrdreg $0x9  }
0xb1: {  	_ =	task.clear_ibuf [dreg:s7], $0x5FFFF;
	_ =	strace $0x90000046  }
0xb2: {  	s29 =	simm.s32 $0x9;
	_ =	strace $0x80000048  }
0xb3: {  	_ =	swait.ge [sflag:s29], $0x1  }
0xb4: {  	[sflag:s29] =	ssyncadd.s32 $0xFFFFFFFF  }
0xb5: {  	_ =	strace $0x90000048  }
0xb6: {  	_ =	sfence  }
0xb7: {  	s30 =	sld [smem:$0x0];
	_ =	sdelay $0x2  }
0xb8: {  	s31 =	sshll.u32 s1, $0xD;
	s1 =	sshrl.u32 s1, $0x2  }
0xb9: {  	s3 =	sand.u32 $0x4000, s31;
	s1 =	sadd.s32 s1, s30  }
0xba: {  	s0 =	sor.u32 s3, s0;
	s1 =	sshll.u32 s1, $0x11  }
0xbb: {  	s0 =	sor.u32 s1, s0  }
0xbc: {  	s0 =	sadd.s32 $0x8F2B, s0  }
0xbd: {  	[sflag:s0] =	ssyncadd.remote.s32 $0x1  }
0xbe: {  	_ =	sfence.sel $0xFFFF  }
0xbf: {  	[dreg:$0x0] =	wrdreg $0xFFFFFFFF;
	(pc) =	sbr.abs _section_cstart, $3  }
0xc0: {  	[dreg:$0x1] =	wrdreg $0xFFFFFFFF  }
0xc1: {  	_ =	task.clear_ibuf [dreg:s7], $0x2FFFF;
	_ =	strace $0x9FFFFFFF  }
0xc2: {  	(tm) =	ssettm $0x7FFFFFFF  }
0xc3: {  	_ =	shalt  }
tec
execute0_lowered:
.L_overlay_start_1:
0x0: {  	(tag) =	ssettag $0x1  }
0x1: {  	s0 =	rddreg [dreg:$0x0];
	s1 =	srdreg.scid  }
0x2: {  	s3 =	stileid.u32;
	s2 =	rddreg [dreg:$0x1]  }
0x3: {  	s4 =	simm.s32 $0x0;
	s13 =	simm.s32 $0x9;
	s14 =	simm.s32 $0x80  }
0x4: {  	s15 =	simm.s32 $0x6400;
	s16 =	simm.s32 $0x1;
	s17 =	simm.s32 $0x8400  }
0x5: {  	s18 =	simm.s32 $0x40;
	s19 =	simm.s32 $0x2;
	s21 =	simm.s32 $0xA400  }
0x6: {  	s22 =	simm.s32 $0x3;
	s24 =	simm.s32 $0xC400;
	s25 =	simm.s32 $0x4  }
0x7: {  	s26 =	simm.s32 $0x5;
	s29 =	simm.s32 $0x6;
	s30 =	simm.s32 $0x7  }
0x8: {  	s31 =	simm.s32 $0x8;
	s1 =	sand.u32 $0x1, s1;
	s3 =	sshll.u32 s3, $0x1  }
0x9: {  	[smem:$0x7FF] =	sst s4;
	s4 =	sadd.s32 $0xA00, s2;
	s5 =	sor.u32 s1, s3  }
0xa: {  	s1 =	ssub.s32 $0x2, s1;
	_ =	strace $0x80000047;
	s6 =	smul.u32 $0xC80, s5  }
0xb: {  	s3 =	sadd.s32 $0xF42E00, s2;
	s7 =	sshrl.u32 s1, $0x1;
	s8 =	smul.u32 $0x64000, s5  }
0xc: {  	s11 =	smul.u32 $0x320000, s5;
	s1 =	ssub.s32 s1, s7;
	s0 =	sadd.s32 s0, s6  }
0xd: {  	s6 =	smul.u32 $0x6400, s5;
	s7 =	sadd.s32 s4, s8;
	s12 =	smax.u32 s1, $0x1  }
0xe: {  	s1 =	simm.s32 $0x0;
	[dreg:$0x3] =	wrdreg s0;
	s28 =	sadd.s32 $0x800, s7  }
0xf: {  	s9 =	sadd.s32 $0x1000, s7;
	s10 =	sadd.s32 $0x1800, s7;
	[dreg:$0x4] =	wrdreg s28  }
.LBB2_1:
0x10: {  	s0 =	simm.s32 $0x0;
	s2 =	rddreg [dreg:$0x3]  }
0x11: {  	[tilespmem:s0], [sflag:$0x9] =	stream.linear.gather [hbm4b:s2+s0], $0x6400, $0x38;
	[tilespmem:$0xE400] =	vst v63  }
0x12: {  	_ =	swait.ge [sflag:s13], $0x6400  }
0x13: {  	[sflag:s13] =	ssyncset.done $0x0  }
0x14: {  	[sflag:s13] =	ssyncadd.s32 $0xFFFF9C00  }
0x15: {  	[tilespmem:s15], [sflag:$0x1] =	stream.indirect.gather [hbm4b:s3+s14], $0x40, s0, s14, $0xb8;
	[tilespmem:$0xE400] =	vst v63  }
0x16: {  	_ =	swait.ge [sflag:s16], $0x2000  }
0x17: {  	[sflag:s16] =	ssyncset.done $0x0  }
0x18: {  	s0 =	simm.s32 $0x0;
	[sflag:s16] =	ssyncadd.s32 $0xFFFFE000  }
0x19: {  	[tilespmem:s17], [sflag:$0x2] =	stream.indirect.gather [hbm4b:s3+s14], $0x40, s14, s14, $0xb8;
	[tilespmem:$0xE400] =	vst v63  }
0x1a: {  	v0 =	vld [tilespmem:s0+$0x6400]  }
0x1b: {  	v1 =	vld [tilespmem:s0+$0x6410]  }
0x1c: {  	v2 =	vld [tilespmem:s0+$0x6420]  }
0x1d: {  	v3 =	vld [tilespmem:s0+$0x6430]  }
0x1e: {  	v4 =	vld [tilespmem:s0+$0x6440]  }
0x1f: {  	v5 =	vld [tilespmem:s0+$0x6450];
	v0 =	vmul.f32 $8.000000000e+00, v0  }
0x20: {  	v6 =	vld [tilespmem:s0+$0x6460];
	v1 =	vmul.f32 $8.000000000e+00, v1  }
0x21: {  	v7 =	vld [tilespmem:s0+$0x6470];
	[tilespmem:s0+$0x6400] =	vst v0;
	v0 =	vmul.f32 $8.000000000e+00, v2  }
0x22: {  	v8 =	vld [tilespmem:s0+$0x6480];
	[tilespmem:s0+$0x6410] =	vst v1;
	v1 =	vmul.f32 $8.000000000e+00, v3  }
0x23: {  	v9 =	vld [tilespmem:s0+$0x6490];
	[tilespmem:s0+$0x6420] =	vst v0;
	v0 =	vmul.f32 $8.000000000e+00, v4  }
0x24: {  	v2 =	vmul.f32 $8.000000000e+00, v5;
	[tilespmem:s0+$0x6430] =	vst v1;
	v1 =	vld [tilespmem:s0+$0x64A0]  }
0x25: {  	v3 =	vmul.f32 $8.000000000e+00, v6;
	[tilespmem:s0+$0x6440] =	vst v0;
	v0 =	vld [tilespmem:s0+$0x64B0]  }
0x26: {  	[tilespmem:s0+$0x6450] =	vst v2;
	v2 =	vld [tilespmem:s0+$0x64C0];
	v4 =	vmul.f32 $8.000000000e+00, v7  }
0x27: {  	v6 =	vmul.f32 $8.000000000e+00, v8;
	[tilespmem:s0+$0x6460] =	vst v3;
	v3 =	vld [tilespmem:s0+$0x64D0]  }
0x28: {  	s2 =	simm.s32 $0x400;
	v5 =	vmul.f32 $8.000000000e+00, v9;
	[tilespmem:s0+$0x6470] =	vst v4;
	v4 =	vld [tilespmem:s0+$0x64E0]  }
.LBB2_2:
0x29: {  	s5 =	sshra.s32 s2, $0x2;
	p0 =	sne.s32 s2, $0x7C00;
	[tilespmem:s0+$0x6480] =	vst v6;
	v1 =	vmul.f32 $8.000000000e+00, v1;
	v6 =	vld [tilespmem:s0+$0x64F0]  }
0x2a: {  	v7 =	vld [tilespmem:s5+$0x6400];
	[tilespmem:s0+$0x6490] =	vst v5;
	v0 =	vmul.f32 $8.000000000e+00, v0  }
0x2b: {  	v5 =	vld [tilespmem:s5+$0x6410];
	[tilespmem:s0+$0x64A0] =	vst v1;
	v1 =	vmul.f32 $8.000000000e+00, v2  }
0x2c: {  	v2 =	vld [tilespmem:s5+$0x6420];
	[tilespmem:s0+$0x64B0] =	vst v0;
	v0 =	vmul.f32 $8.000000000e+00, v3  }
0x2d: {  	v3 =	vld [tilespmem:s5+$0x6430];
	[tilespmem:s0+$0x64C0] =	vst v1;
	v1 =	vmul.f32 $8.000000000e+00, v4  }
0x2e: {  	v4 =	vld [tilespmem:s5+$0x6440];
	[tilespmem:s0+$0x64D0] =	vst v0;
	v0 =	vmul.f32 $8.000000000e+00, v6  }
0x2f: {  	v6 =	vmul.f32 $8.000000000e+00, v7;
	v7 =	vld [tilespmem:s5+$0x6450];
	[tilespmem:s0+$0x64E0] =	vst v1  }
0x30: {  	v1 =	vmul.f32 $8.000000000e+00, v5;
	v5 =	vld [tilespmem:s5+$0x6460];
	[tilespmem:s0+$0x64F0] =	vst v0;
	s0 =	smov.u32 s5  }
0x31: {  	[tilespmem:s0+$0x6400] =	vst v6;
	v0 =	vmul.f32 $8.000000000e+00, v2;
	v2 =	vld [tilespmem:s0+$0x6470]  }
0x32: {  	[tilespmem:s0+$0x6410] =	vst v1;
	v1 =	vmul.f32 $8.000000000e+00, v3;
	v3 =	vld [tilespmem:s0+$0x6480]  }
0x33: {  	[tilespmem:s0+$0x6420] =	vst v0;
	v0 =	vmul.f32 $8.000000000e+00, v4;
	v4 =	vld [tilespmem:s0+$0x6490]  }
.Ltmp0:
0x34: {  	[tilespmem:s0+$0x6430] =	vst v1;
	v6 =	vmul.f32 $8.000000000e+00, v7;
	v1 =	vld [tilespmem:s0+$0x64A0];
	(pc) =	sbr.rel @p0 .LBB2_2-.Ltmp0, $4  }
0x35: {  	[tilespmem:s0+$0x6440] =	vst v0;
	v5 =	vmul.f32 $8.000000000e+00, v5;
	v0 =	vld [tilespmem:s0+$0x64B0]  }
0x36: {  	[tilespmem:s0+$0x6450] =	vst v6;
	v7 =	vmul.f32 $8.000000000e+00, v2;
	v2 =	vld [tilespmem:s0+$0x64C0]  }
0x37: {  	[tilespmem:s0+$0x6460] =	vst v5;
	v6 =	vmul.f32 $8.000000000e+00, v3;
	v3 =	vld [tilespmem:s0+$0x64D0]  }
0x38: {  	s2 =	sadd.s32 $0x400, s2;
	[tilespmem:s0+$0x6470] =	vst v7;
	v5 =	vmul.f32 $8.000000000e+00, v4;
	v4 =	vld [tilespmem:s0+$0x64E0]  }
0x39: {  	[tilespmem:s0+$0x6480] =	vst v6;
	v1 =	vmul.f32 $8.000000000e+00, v1;
	v6 =	vld [tilespmem:s0+$0x64F0]  }
0x3a: {  	[tilespmem:s0+$0x6490] =	vst v5;
	v0 =	vmul.f32 $8.000000000e+00, v0  }
0x3b: {  	[tilespmem:s0+$0x64A0] =	vst v1;
	v1 =	vmul.f32 $8.000000000e+00, v2  }
0x3c: {  	[tilespmem:s0+$0x64B0] =	vst v0;
	v0 =	vmul.f32 $8.000000000e+00, v3  }
0x3d: {  	[tilespmem:s0+$0x64C0] =	vst v1;
	v1 =	vmul.f32 $8.000000000e+00, v4  }
0x3e: {  	[tilespmem:s0+$0x64D0] =	vst v0;
	v0 =	vmul.f32 $8.000000000e+00, v6  }
0x3f: {  	[tilespmem:s0+$0x64E0] =	vst v1  }
0x40: {  	[tilespmem:s0+$0x64F0] =	vst v0  }
0x41: {  	[hbm4b:s7+s18] =	stream.strided.scatter [tilespmem:s15], [sflag:$0x5], $0x2000, s14, s18, $0x38;
	[tilespmem:$0xE400] =	vst v63  }
0x42: {  	_ =	swait.ge [sflag:s19], $0x2000  }
0x43: {  	[sflag:s19] =	ssyncset.done $0x0  }
0x44: {  	s28 =	simm.s32 $0x100;
	s0 =	simm.s32 $0x0;
	[sflag:s19] =	ssyncadd.s32 $0xFFFFE000  }
0x45: {  	[tilespmem:s21], [sflag:$0x3] =	stream.indirect.gather [hbm4b:s3+s14], $0x40, s28, s14, $0xb8;
	[tilespmem:$0xE400] =	vst v63  }
0x46: {  	v0 =	vld [tilespmem:s0+$0x8400]  }
0x47: {  	v1 =	vld [tilespmem:s0+$0x8410]  }
0x48: {  	v2 =	vld [tilespmem:s0+$0x8420]  }
0x49: {  	v3 =	vld [tilespmem:s0+$0x8430]  }
0x4a: {  	v4 =	vld [tilespmem:s0+$0x8440]  }
0x4b: {  	v5 =	vld [tilespmem:s0+$0x8450];
	v0 =	vmul.f32 $8.000000000e+00, v0  }
0x4c: {  	v6 =	vld [tilespmem:s0+$0x8460];
	v1 =	vmul.f32 $8.000000000e+00, v1  }
0x4d: {  	v7 =	vld [tilespmem:s0+$0x8470];
	[tilespmem:s0+$0x8400] =	vst v0;
	v0 =	vmul.f32 $8.000000000e+00, v2  }
0x4e: {  	v8 =	vld [tilespmem:s0+$0x8480];
	[tilespmem:s0+$0x8410] =	vst v1;
	v1 =	vmul.f32 $8.000000000e+00, v3  }
0x4f: {  	v9 =	vld [tilespmem:s0+$0x8490];
	[tilespmem:s0+$0x8420] =	vst v0;
	v0 =	vmul.f32 $8.000000000e+00, v4  }
0x50: {  	v2 =	vmul.f32 $8.000000000e+00, v5;
	[tilespmem:s0+$0x8430] =	vst v1;
	v1 =	vld [tilespmem:s0+$0x84A0]  }
0x51: {  	v3 =	vmul.f32 $8.000000000e+00, v6;
	[tilespmem:s0+$0x8440] =	vst v0;
	v0 =	vld [tilespmem:s0+$0x84B0]  }
0x52: {  	[tilespmem:s0+$0x8450] =	vst v2;
	v2 =	vld [tilespmem:s0+$0x84C0];
	v4 =	vmul.f32 $8.000000000e+00, v7  }
0x53: {  	v6 =	vmul.f32 $8.000000000e+00, v8;
	[tilespmem:s0+$0x8460] =	vst v3;
	v3 =	vld [tilespmem:s0+$0x84D0]  }
0x54: {  	s2 =	simm.s32 $0x400;
	v5 =	vmul.f32 $8.000000000e+00, v9;
	[tilespmem:s0+$0x8470] =	vst v4;
	v4 =	vld [tilespmem:s0+$0x84E0]  }
.LBB2_4:
0x55: {  	s5 =	sshra.s32 s2, $0x2;
	p0 =	sne.s32 s2, $0x7C00;
	[tilespmem:s0+$0x8480] =	vst v6;
	v1 =	vmul.f32 $8.000000000e+00, v1;
	v6 =	vld [tilespmem:s0+$0x84F0]  }
0x56: {  	v7 =	vld [tilespmem:s5+$0x8400];
	[tilespmem:s0+$0x8490] =	vst v5;
	v0 =	vmul.f32 $8.000000000e+00, v0  }
0x57: {  	v5 =	vld [tilespmem:s5+$0x8410];
	[tilespmem:s0+$0x84A0] =	vst v1;
	v1 =	vmul.f32 $8.000000000e+00, v2  }
0x58: {  	v2 =	vld [tilespmem:s5+$0x8420];
	[tilespmem:s0+$0x84B0] =	vst v0;
	v0 =	vmul.f32 $8.000000000e+00, v3  }
0x59: {  	v3 =	vld [tilespmem:s5+$0x8430];
	[tilespmem:s0+$0x84C0] =	vst v1;
	v1 =	vmul.f32 $8.000000000e+00, v4  }
0x5a: {  	v4 =	vld [tilespmem:s5+$0x8440];
	[tilespmem:s0+$0x84D0] =	vst v0;
	v0 =	vmul.f32 $8.000000000e+00, v6  }
0x5b: {  	v6 =	vmul.f32 $8.000000000e+00, v7;
	v7 =	vld [tilespmem:s5+$0x8450];
	[tilespmem:s0+$0x84E0] =	vst v1  }
0x5c: {  	v1 =	vmul.f32 $8.000000000e+00, v5;
	v5 =	vld [tilespmem:s5+$0x8460];
	[tilespmem:s0+$0x84F0] =	vst v0;
	s0 =	smov.u32 s5  }
0x5d: {  	[tilespmem:s0+$0x8400] =	vst v6;
	v0 =	vmul.f32 $8.000000000e+00, v2;
	v2 =	vld [tilespmem:s0+$0x8470]  }
0x5e: {  	[tilespmem:s0+$0x8410] =	vst v1;
	v1 =	vmul.f32 $8.000000000e+00, v3;
	v3 =	vld [tilespmem:s0+$0x8480]  }
0x5f: {  	[tilespmem:s0+$0x8420] =	vst v0;
	v0 =	vmul.f32 $8.000000000e+00, v4;
	v4 =	vld [tilespmem:s0+$0x8490]  }
.Ltmp1:
0x60: {  	[tilespmem:s0+$0x8430] =	vst v1;
	v6 =	vmul.f32 $8.000000000e+00, v7;
	v1 =	vld [tilespmem:s0+$0x84A0];
	(pc) =	sbr.rel @p0 .LBB2_4-.Ltmp1, $4  }
0x61: {  	[tilespmem:s0+$0x8440] =	vst v0;
	v5 =	vmul.f32 $8.000000000e+00, v5;
	v0 =	vld [tilespmem:s0+$0x84B0]  }
0x62: {  	[tilespmem:s0+$0x8450] =	vst v6;
	v7 =	vmul.f32 $8.000000000e+00, v2;
	v2 =	vld [tilespmem:s0+$0x84C0]  }
0x63: {  	[tilespmem:s0+$0x8460] =	vst v5;
	v6 =	vmul.f32 $8.000000000e+00, v3;
	v3 =	vld [tilespmem:s0+$0x84D0]  }
0x64: {  	s2 =	sadd.s32 $0x400, s2;
	[tilespmem:s0+$0x8470] =	vst v7;
	v5 =	vmul.f32 $8.000000000e+00, v4;
	v4 =	vld [tilespmem:s0+$0x84E0]  }
0x65: {  	[tilespmem:s0+$0x8480] =	vst v6;
	v1 =	vmul.f32 $8.000000000e+00, v1;
	v6 =	vld [tilespmem:s0+$0x84F0]  }
0x66: {  	[tilespmem:s0+$0x8490] =	vst v5;
	v0 =	vmul.f32 $8.000000000e+00, v0  }
0x67: {  	[tilespmem:s0+$0x84A0] =	vst v1;
	v1 =	vmul.f32 $8.000000000e+00, v2  }
0x68: {  	[tilespmem:s0+$0x84B0] =	vst v0;
	v0 =	vmul.f32 $8.000000000e+00, v3  }
0x69: {  	[tilespmem:s0+$0x84C0] =	vst v1;
	v1 =	vmul.f32 $8.000000000e+00, v4  }
0x6a: {  	[tilespmem:s0+$0x84D0] =	vst v0;
	v0 =	vmul.f32 $8.000000000e+00, v6  }
0x6b: {  	[tilespmem:s0+$0x84E0] =	vst v1  }
0x6c: {  	s23 =	rddreg [dreg:$0x4];
	[tilespmem:s0+$0x84F0] =	vst v0  }
0x6d: {  	[hbm4b:s23+s18] =	stream.strided.scatter [tilespmem:s17], [sflag:$0x6], $0x2000, s14, s18, $0x38;
	[tilespmem:$0xE400] =	vst v63  }
0x6e: {  	_ =	swait.ge [sflag:s22], $0x2000  }
0x6f: {  	[sflag:s22] =	ssyncset.done $0x0  }
0x70: {  	s28 =	simm.s32 $0x180;
	s0 =	simm.s32 $0x0;
	[sflag:s22] =	ssyncadd.s32 $0xFFFFE000  }
0x71: {  	[tilespmem:s24], [sflag:$0x4] =	stream.indirect.gather [hbm4b:s3+s14], $0x40, s28, s14, $0xb8;
	[tilespmem:$0xE400] =	vst v63  }
0x72: {  	v0 =	vld [tilespmem:s0+$0xA400]  }
0x73: {  	v1 =	vld [tilespmem:s0+$0xA410]  }
0x74: {  	v2 =	vld [tilespmem:s0+$0xA420]  }
0x75: {  	v3 =	vld [tilespmem:s0+$0xA430]  }
0x76: {  	v4 =	vld [tilespmem:s0+$0xA440]  }
0x77: {  	v5 =	vld [tilespmem:s0+$0xA450];
	v0 =	vmul.f32 $8.000000000e+00, v0  }
0x78: {  	v6 =	vld [tilespmem:s0+$0xA460];
	v1 =	vmul.f32 $8.000000000e+00, v1  }
0x79: {  	v7 =	vld [tilespmem:s0+$0xA470];
	[tilespmem:s0+$0xA400] =	vst v0;
	v0 =	vmul.f32 $8.000000000e+00, v2  }
0x7a: {  	v8 =	vld [tilespmem:s0+$0xA480];
	[tilespmem:s0+$0xA410] =	vst v1;
	v1 =	vmul.f32 $8.000000000e+00, v3  }
0x7b: {  	v9 =	vld [tilespmem:s0+$0xA490];
	[tilespmem:s0+$0xA420] =	vst v0;
	v0 =	vmul.f32 $8.000000000e+00, v4  }
0x7c: {  	v2 =	vmul.f32 $8.000000000e+00, v5;
	[tilespmem:s0+$0xA430] =	vst v1;
	v1 =	vld [tilespmem:s0+$0xA4A0]  }
0x7d: {  	v3 =	vmul.f32 $8.000000000e+00, v6;
	[tilespmem:s0+$0xA440] =	vst v0;
	v0 =	vld [tilespmem:s0+$0xA4B0]  }
0x7e: {  	[tilespmem:s0+$0xA450] =	vst v2;
	v2 =	vld [tilespmem:s0+$0xA4C0];
	v4 =	vmul.f32 $8.000000000e+00, v7  }
0x7f: {  	v6 =	vmul.f32 $8.000000000e+00, v8;
	[tilespmem:s0+$0xA460] =	vst v3;
	v3 =	vld [tilespmem:s0+$0xA4D0]  }
0x80: {  	s2 =	simm.s32 $0x400;
	v5 =	vmul.f32 $8.000000000e+00, v9;
	[tilespmem:s0+$0xA470] =	vst v4;
	v4 =	vld [tilespmem:s0+$0xA4E0]  }
.LBB2_6:
0x81: {  	s5 =	sshra.s32 s2, $0x2;
	p0 =	sne.s32 s2, $0x7C00;
	[tilespmem:s0+$0xA480] =	vst v6;
	v1 =	vmul.f32 $8.000000000e+00, v1;
	v6 =	vld [tilespmem:s0+$0xA4F0]  }
0x82: {  	v7 =	vld [tilespmem:s5+$0xA400];
	[tilespmem:s0+$0xA490] =	vst v5;
	v0 =	vmul.f32 $8.000000000e+00, v0  }
0x83: {  	v5 =	vld [tilespmem:s5+$0xA410];
	[tilespmem:s0+$0xA4A0] =	vst v1;
	v1 =	vmul.f32 $8.000000000e+00, v2  }
0x84: {  	v2 =	vld [tilespmem:s5+$0xA420];
	[tilespmem:s0+$0xA4B0] =	vst v0;
	v0 =	vmul.f32 $8.000000000e+00, v3  }
0x85: {  	v3 =	vld [tilespmem:s5+$0xA430];
	[tilespmem:s0+$0xA4C0] =	vst v1;
	v1 =	vmul.f32 $8.000000000e+00, v4  }
0x86: {  	v4 =	vld [tilespmem:s5+$0xA440];
	[tilespmem:s0+$0xA4D0] =	vst v0;
	v0 =	vmul.f32 $8.000000000e+00, v6  }
0x87: {  	v6 =	vmul.f32 $8.000000000e+00, v7;
	v7 =	vld [tilespmem:s5+$0xA450];
	[tilespmem:s0+$0xA4E0] =	vst v1  }
0x88: {  	v1 =	vmul.f32 $8.000000000e+00, v5;
	v5 =	vld [tilespmem:s5+$0xA460];
	[tilespmem:s0+$0xA4F0] =	vst v0;
	s0 =	smov.u32 s5  }
0x89: {  	[tilespmem:s0+$0xA400] =	vst v6;
	v0 =	vmul.f32 $8.000000000e+00, v2;
	v2 =	vld [tilespmem:s0+$0xA470]  }
0x8a: {  	[tilespmem:s0+$0xA410] =	vst v1;
	v1 =	vmul.f32 $8.000000000e+00, v3;
	v3 =	vld [tilespmem:s0+$0xA480]  }
0x8b: {  	[tilespmem:s0+$0xA420] =	vst v0;
	v0 =	vmul.f32 $8.000000000e+00, v4;
	v4 =	vld [tilespmem:s0+$0xA490]  }
.Ltmp2:
0x8c: {  	[tilespmem:s0+$0xA430] =	vst v1;
	v6 =	vmul.f32 $8.000000000e+00, v7;
	v1 =	vld [tilespmem:s0+$0xA4A0];
	(pc) =	sbr.rel @p0 .LBB2_6-.Ltmp2, $4  }
0x8d: {  	[tilespmem:s0+$0xA440] =	vst v0;
	v5 =	vmul.f32 $8.000000000e+00, v5;
	v0 =	vld [tilespmem:s0+$0xA4B0]  }
0x8e: {  	[tilespmem:s0+$0xA450] =	vst v6;
	v7 =	vmul.f32 $8.000000000e+00, v2;
	v2 =	vld [tilespmem:s0+$0xA4C0]  }
0x8f: {  	[tilespmem:s0+$0xA460] =	vst v5;
	v6 =	vmul.f32 $8.000000000e+00, v3;
	v3 =	vld [tilespmem:s0+$0xA4D0]  }
0x90: {  	s2 =	sadd.s32 $0x400, s2;
	[tilespmem:s0+$0xA470] =	vst v7;
	v5 =	vmul.f32 $8.000000000e+00, v4;
	v4 =	vld [tilespmem:s0+$0xA4E0]  }
0x91: {  	[tilespmem:s0+$0xA480] =	vst v6;
	v1 =	vmul.f32 $8.000000000e+00, v1;
	v6 =	vld [tilespmem:s0+$0xA4F0]  }
0x92: {  	[tilespmem:s0+$0xA490] =	vst v5;
	v0 =	vmul.f32 $8.000000000e+00, v0  }
0x93: {  	[tilespmem:s0+$0xA4A0] =	vst v1;
	v1 =	vmul.f32 $8.000000000e+00, v2  }
0x94: {  	[tilespmem:s0+$0xA4B0] =	vst v0;
	v0 =	vmul.f32 $8.000000000e+00, v3  }
0x95: {  	[tilespmem:s0+$0xA4C0] =	vst v1;
	v1 =	vmul.f32 $8.000000000e+00, v4  }
0x96: {  	[tilespmem:s0+$0xA4D0] =	vst v0;
	v0 =	vmul.f32 $8.000000000e+00, v6  }
0x97: {  	[tilespmem:s0+$0xA4E0] =	vst v1  }
0x98: {  	[tilespmem:s0+$0xA4F0] =	vst v0  }
0x99: {  	[hbm4b:s9+s18] =	stream.strided.scatter [tilespmem:s21], [sflag:$0x7], $0x2000, s14, s18, $0x38;
	[tilespmem:$0xE400] =	vst v63  }
0x9a: {  	_ =	swait.ge [sflag:s25], $0x2000  }
0x9b: {  	[sflag:s25] =	ssyncset.done $0x0  }
0x9c: {  	[sflag:s25] =	ssyncadd.s32 $0xFFFFE000  }
0x9d: {  	_ =	swait.ge [sflag:s26], $0x2000  }
0x9e: {  	[sflag:s26] =	ssyncset.done $0x0  }
0x9f: {  	s28 =	simm.s32 $0x200;
	s0 =	simm.s32 $0x0;
	[sflag:s26] =	ssyncadd.s32 $0xFFFFE000  }
0xa0: {  	[tilespmem:s15], [sflag:$0x1] =	stream.indirect.gather [hbm4b:s3+s14], $0x40, s28, s14, $0xb8;
	[tilespmem:$0xE400] =	vst v63  }
0xa1: {  	v0 =	vld [tilespmem:s0+$0xC400]  }
0xa2: {  	v1 =	vld [tilespmem:s0+$0xC410]  }
0xa3: {  	v2 =	vld [tilespmem:s0+$0xC420]  }
0xa4: {  	v3 =	vld [tilespmem:s0+$0xC430]  }
0xa5: {  	v4 =	vld [tilespmem:s0+$0xC440]  }
0xa6: {  	v5 =	vld [tilespmem:s0+$0xC450];
	v0 =	vmul.f32 $8.000000000e+00, v0  }
0xa7: {  	v6 =	vld [tilespmem:s0+$0xC460];
	v1 =	vmul.f32 $8.000000000e+00, v1  }
0xa8: {  	v7 =	vld [tilespmem:s0+$0xC470];
	[tilespmem:s0+$0xC400] =	vst v0;
	v0 =	vmul.f32 $8.000000000e+00, v2  }
0xa9: {  	v8 =	vld [tilespmem:s0+$0xC480];
	[tilespmem:s0+$0xC410] =	vst v1;
	v1 =	vmul.f32 $8.000000000e+00, v3  }
0xaa: {  	v9 =	vld [tilespmem:s0+$0xC490];
	[tilespmem:s0+$0xC420] =	vst v0;
	v0 =	vmul.f32 $8.000000000e+00, v4  }
0xab: {  	v2 =	vmul.f32 $8.000000000e+00, v5;
	[tilespmem:s0+$0xC430] =	vst v1;
	v1 =	vld [tilespmem:s0+$0xC4A0]  }
0xac: {  	v3 =	vmul.f32 $8.000000000e+00, v6;
	[tilespmem:s0+$0xC440] =	vst v0;
	v0 =	vld [tilespmem:s0+$0xC4B0]  }
0xad: {  	[tilespmem:s0+$0xC450] =	vst v2;
	v2 =	vld [tilespmem:s0+$0xC4C0];
	v4 =	vmul.f32 $8.000000000e+00, v7  }
0xae: {  	v6 =	vmul.f32 $8.000000000e+00, v8;
	[tilespmem:s0+$0xC460] =	vst v3;
	v3 =	vld [tilespmem:s0+$0xC4D0]  }
0xaf: {  	s2 =	simm.s32 $0x400;
	v5 =	vmul.f32 $8.000000000e+00, v9;
	[tilespmem:s0+$0xC470] =	vst v4;
	v4 =	vld [tilespmem:s0+$0xC4E0]  }
.LBB2_8:
0xb0: {  	s5 =	sshra.s32 s2, $0x2;
	p0 =	sne.s32 s2, $0x7C00;
	[tilespmem:s0+$0xC480] =	vst v6;
	v1 =	vmul.f32 $8.000000000e+00, v1;
	v6 =	vld [tilespmem:s0+$0xC4F0]  }
0xb1: {  	v7 =	vld [tilespmem:s5+$0xC400];
	[tilespmem:s0+$0xC490] =	vst v5;
	v0 =	vmul.f32 $8.000000000e+00, v0  }
0xb2: {  	v5 =	vld [tilespmem:s5+$0xC410];
	[tilespmem:s0+$0xC4A0] =	vst v1;
	v1 =	vmul.f32 $8.000000000e+00, v2  }
0xb3: {  	v2 =	vld [tilespmem:s5+$0xC420];
	[tilespmem:s0+$0xC4B0] =	vst v0;
	v0 =	vmul.f32 $8.000000000e+00, v3  }
0xb4: {  	v3 =	vld [tilespmem:s5+$0xC430];
	[tilespmem:s0+$0xC4C0] =	vst v1;
	v1 =	vmul.f32 $8.000000000e+00, v4  }
0xb5: {  	v4 =	vld [tilespmem:s5+$0xC440];
	[tilespmem:s0+$0xC4D0] =	vst v0;
	v0 =	vmul.f32 $8.000000000e+00, v6  }
0xb6: {  	v6 =	vmul.f32 $8.000000000e+00, v7;
	v7 =	vld [tilespmem:s5+$0xC450];
	[tilespmem:s0+$0xC4E0] =	vst v1  }
0xb7: {  	v1 =	vmul.f32 $8.000000000e+00, v5;
	v5 =	vld [tilespmem:s5+$0xC460];
	[tilespmem:s0+$0xC4F0] =	vst v0;
	s0 =	smov.u32 s5  }
0xb8: {  	[tilespmem:s0+$0xC400] =	vst v6;
	v0 =	vmul.f32 $8.000000000e+00, v2;
	v2 =	vld [tilespmem:s0+$0xC470]  }
0xb9: {  	[tilespmem:s0+$0xC410] =	vst v1;
	v1 =	vmul.f32 $8.000000000e+00, v3;
	v3 =	vld [tilespmem:s0+$0xC480]  }
0xba: {  	[tilespmem:s0+$0xC420] =	vst v0;
	v0 =	vmul.f32 $8.000000000e+00, v4;
	v4 =	vld [tilespmem:s0+$0xC490]  }
.Ltmp3:
0xbb: {  	[tilespmem:s0+$0xC430] =	vst v1;
	v6 =	vmul.f32 $8.000000000e+00, v7;
	v1 =	vld [tilespmem:s0+$0xC4A0];
	(pc) =	sbr.rel @p0 .LBB2_8-.Ltmp3, $4  }
0xbc: {  	[tilespmem:s0+$0xC440] =	vst v0;
	v5 =	vmul.f32 $8.000000000e+00, v5;
	v0 =	vld [tilespmem:s0+$0xC4B0]  }
0xbd: {  	[tilespmem:s0+$0xC450] =	vst v6;
	v7 =	vmul.f32 $8.000000000e+00, v2;
	v2 =	vld [tilespmem:s0+$0xC4C0]  }
0xbe: {  	[tilespmem:s0+$0xC460] =	vst v5;
	v6 =	vmul.f32 $8.000000000e+00, v3;
	v3 =	vld [tilespmem:s0+$0xC4D0]  }
0xbf: {  	s2 =	sadd.s32 $0x400, s2;
	[tilespmem:s0+$0xC470] =	vst v7;
	v5 =	vmul.f32 $8.000000000e+00, v4;
	v4 =	vld [tilespmem:s0+$0xC4E0]  }
0xc0: {  	[tilespmem:s0+$0xC480] =	vst v6;
	v1 =	vmul.f32 $8.000000000e+00, v1;
	v59 =	vld [tilespmem:s0+$0xC4F0]  }
0xc1: {  	[tilespmem:s0+$0xC490] =	vst v5;
	v0 =	vmul.f32 $8.000000000e+00, v0  }
0xc2: {  	[tilespmem:s0+$0xC4A0] =	vst v1;
	v60 =	vmul.f32 $8.000000000e+00, v2  }
0xc3: {  	[tilespmem:s0+$0xC4B0] =	vst v0;
	v61 =	vmul.f32 $8.000000000e+00, v3  }
0xc4: {  	[tilespmem:s0+$0xC4C0] =	vst v60;
	v62 =	vmul.f32 $8.000000000e+00, v4  }
0xc5: {  	[tilespmem:s0+$0xC4D0] =	vst v61;
	v63 =	vmul.f32 $8.000000000e+00, v59  }
0xc6: {  	[tilespmem:s0+$0xC4E0] =	vst v62  }
0xc7: {  	[tilespmem:s0+$0xC4F0] =	vst v63;
	s0 =	simm.s32 $0x1  }
0xc8: {  	[hbm4b:s10+s18] =	stream.strided.scatter [tilespmem:s24], [sflag:$0x8], $0x2000, s14, s18, $0x38;
	[tilespmem:$0xE400] =	vst v63  }
.LBB2_10:
0xc9: {  	_ =	swait.ge [sflag:s16], $0x2000  }
0xca: {  	[sflag:s16] =	ssyncset.done $0x0  }
0xcb: {  	[sflag:s16] =	ssyncadd.s32 $0xFFFFE000  }
0xcc: {  	_ =	swait.ge [sflag:s29], $0x2000  }
0xcd: {  	s20 =	sshll.u32 s0, $0x9;
	[sflag:s29] =	ssyncset.done $0x0  }
0xce: {  	s28 =	simm.s32 $0x0;
	s23 =	sor.u32 $0x80, s20;
	[sflag:s29] =	ssyncadd.s32 $0xFFFFE000  }
0xcf: {  	[tilespmem:s17], [sflag:$0x2] =	stream.indirect.gather [hbm4b:s3+s14], $0x40, s23, s14, $0xb8;
	[tilespmem:$0xE400] =	vst v63  }
0xd0: {  	v0 =	vld [tilespmem:s28+$0x6400]  }
0xd1: {  	v1 =	vld [tilespmem:s28+$0x6410]  }
0xd2: {  	v2 =	vld [tilespmem:s28+$0x6420]  }
0xd3: {  	v3 =	vld [tilespmem:s28+$0x6430]  }
0xd4: {  	v4 =	vld [tilespmem:s28+$0x6440]  }
0xd5: {  	v5 =	vld [tilespmem:s28+$0x6450];
	v0 =	vmul.f32 $8.000000000e+00, v0  }
0xd6: {  	v6 =	vld [tilespmem:s28+$0x6460];
	v1 =	vmul.f32 $8.000000000e+00, v1  }
0xd7: {  	v7 =	vld [tilespmem:s28+$0x6470];
	[tilespmem:s28+$0x6400] =	vst v0;
	v0 =	vmul.f32 $8.000000000e+00, v2  }
0xd8: {  	v8 =	vld [tilespmem:s28+$0x6480];
	[tilespmem:s28+$0x6410] =	vst v1;
	v1 =	vmul.f32 $8.000000000e+00, v3  }
0xd9: {  	v9 =	vld [tilespmem:s28+$0x6490];
	[tilespmem:s28+$0x6420] =	vst v0;
	v0 =	vmul.f32 $8.000000000e+00, v4  }
0xda: {  	v2 =	vmul.f32 $8.000000000e+00, v5;
	[tilespmem:s28+$0x6430] =	vst v1;
	v1 =	vld [tilespmem:s28+$0x64A0]  }
0xdb: {  	v3 =	vmul.f32 $8.000000000e+00, v6;
	[tilespmem:s28+$0x6440] =	vst v0;
	v0 =	vld [tilespmem:s28+$0x64B0]  }
0xdc: {  	[tilespmem:s28+$0x6450] =	vst v2;
	v2 =	vld [tilespmem:s28+$0x64C0];
	v4 =	vmul.f32 $8.000000000e+00, v7  }
0xdd: {  	v6 =	vmul.f32 $8.000000000e+00, v8;
	[tilespmem:s28+$0x6460] =	vst v3;
	v3 =	vld [tilespmem:s28+$0x64D0]  }
0xde: {  	s2 =	simm.s32 $0x400;
	v5 =	vmul.f32 $8.000000000e+00, v9;
	[tilespmem:s28+$0x6470] =	vst v4;
	v4 =	vld [tilespmem:s28+$0x64E0]  }
.LBB2_11:
0xdf: {  	s5 =	sshra.s32 s2, $0x2;
	p0 =	sne.s32 s2, $0x7C00;
	[tilespmem:s28+$0x6480] =	vst v6;
	v1 =	vmul.f32 $8.000000000e+00, v1;
	v6 =	vld [tilespmem:s28+$0x64F0]  }
0xe0: {  	v7 =	vld [tilespmem:s5+$0x6400];
	[tilespmem:s28+$0x6490] =	vst v5;
	v0 =	vmul.f32 $8.000000000e+00, v0  }
0xe1: {  	v5 =	vld [tilespmem:s5+$0x6410];
	[tilespmem:s28+$0x64A0] =	vst v1;
	v1 =	vmul.f32 $8.000000000e+00, v2  }
0xe2: {  	v2 =	vld [tilespmem:s5+$0x6420];
	[tilespmem:s28+$0x64B0] =	vst v0;
	v0 =	vmul.f32 $8.000000000e+00, v3  }
0xe3: {  	v3 =	vld [tilespmem:s5+$0x6430];
	[tilespmem:s28+$0x64C0] =	vst v1;
	v1 =	vmul.f32 $8.000000000e+00, v4  }
0xe4: {  	v4 =	vld [tilespmem:s5+$0x6440];
	[tilespmem:s28+$0x64D0] =	vst v0;
	v0 =	vmul.f32 $8.000000000e+00, v6  }
0xe5: {  	v6 =	vmul.f32 $8.000000000e+00, v7;
	v7 =	vld [tilespmem:s5+$0x6450];
	[tilespmem:s28+$0x64E0] =	vst v1  }
0xe6: {  	v1 =	vmul.f32 $8.000000000e+00, v5;
	v5 =	vld [tilespmem:s5+$0x6460];
	[tilespmem:s28+$0x64F0] =	vst v0;
	s28 =	smov.u32 s5  }
0xe7: {  	[tilespmem:s28+$0x6400] =	vst v6;
	v0 =	vmul.f32 $8.000000000e+00, v2;
	v2 =	vld [tilespmem:s28+$0x6470]  }
0xe8: {  	[tilespmem:s28+$0x6410] =	vst v1;
	v1 =	vmul.f32 $8.000000000e+00, v3;
	v3 =	vld [tilespmem:s28+$0x6480]  }
0xe9: {  	[tilespmem:s28+$0x6420] =	vst v0;
	v0 =	vmul.f32 $8.000000000e+00, v4;
	v4 =	vld [tilespmem:s28+$0x6490]  }
.Ltmp4:
0xea: {  	[tilespmem:s28+$0x6430] =	vst v1;
	v6 =	vmul.f32 $8.000000000e+00, v7;
	v1 =	vld [tilespmem:s28+$0x64A0];
	(pc) =	sbr.rel @p0 .LBB2_11-.Ltmp4, $4  }
0xeb: {  	[tilespmem:s28+$0x6440] =	vst v0;
	v5 =	vmul.f32 $8.000000000e+00, v5;
	v0 =	vld [tilespmem:s28+$0x64B0]  }
0xec: {  	[tilespmem:s28+$0x6450] =	vst v6;
	v7 =	vmul.f32 $8.000000000e+00, v2;
	v2 =	vld [tilespmem:s28+$0x64C0]  }
0xed: {  	[tilespmem:s28+$0x6460] =	vst v5;
	v6 =	vmul.f32 $8.000000000e+00, v3;
	v3 =	vld [tilespmem:s28+$0x64D0]  }
0xee: {  	s2 =	sadd.s32 $0x400, s2;
	[tilespmem:s28+$0x6470] =	vst v7;
	v5 =	vmul.f32 $8.000000000e+00, v4;
	v4 =	vld [tilespmem:s28+$0x64E0]  }
0xef: {  	[tilespmem:s28+$0x6480] =	vst v6;
	v1 =	vmul.f32 $8.000000000e+00, v1;
	v6 =	vld [tilespmem:s28+$0x64F0]  }
0xf0: {  	[tilespmem:s28+$0x6490] =	vst v5;
	v0 =	vmul.f32 $8.000000000e+00, v0  }
0xf1: {  	[tilespmem:s28+$0x64A0] =	vst v1;
	v1 =	vmul.f32 $8.000000000e+00, v2  }
0xf2: {  	[tilespmem:s28+$0x64B0] =	vst v0;
	v0 =	vmul.f32 $8.000000000e+00, v3  }
0xf3: {  	s2 =	sshll.u32 s0, $0x10;
	[tilespmem:s28+$0x64C0] =	vst v1;
	v1 =	vmul.f32 $8.000000000e+00, v4  }
0xf4: {  	s2 =	sadd.s32 s11, s2;
	[tilespmem:s28+$0x64D0] =	vst v0;
	v0 =	vmul.f32 $8.000000000e+00, v6  }
0xf5: {  	s2 =	sshrl.u32 s2, $0x3;
	[tilespmem:s28+$0x64E0] =	vst v1  }
0xf6: {  	s2 =	sadd.s32 s4, s2;
	[tilespmem:s28+$0x64F0] =	vst v0  }
0xf7: {  	[hbm4b:s2+s18] =	stream.strided.scatter [tilespmem:s15], [sflag:$0x5], $0x2000, s14, s18, $0x38;
	[tilespmem:$0xE400] =	vst v63  }
0xf8: {  	_ =	swait.ge [sflag:s19], $0x2000  }
0xf9: {  	[sflag:s19] =	ssyncset.done $0x0  }
0xfa: {  	[sflag:s19] =	ssyncadd.s32 $0xFFFFE000  }
0xfb: {  	_ =	swait.ge [sflag:s30], $0x2000  }
0xfc: {  	[sflag:s30] =	ssyncset.done $0x0  }
0xfd: {  	s28 =	sor.u32 $0x100, s20;
	s2 =	simm.s32 $0x0;
	[sflag:s30] =	ssyncadd.s32 $0xFFFFE000  }
0xfe: {  	[tilespmem:s21], [sflag:$0x3] =	stream.indirect.gather [hbm4b:s3+s14], $0x40, s28, s14, $0xb8;
	[tilespmem:$0xE400] =	vst v63  }
0xff: {  	v0 =	vld [tilespmem:s2+$0x8400]  }
0x100: {  	v1 =	vld [tilespmem:s2+$0x8410]  }
0x101: {  	v2 =	vld [tilespmem:s2+$0x8420]  }
0x102: {  	v3 =	vld [tilespmem:s2+$0x8430]  }
0x103: {  	v4 =	vld [tilespmem:s2+$0x8440]  }
0x104: {  	v5 =	vld [tilespmem:s2+$0x8450];
	v0 =	vmul.f32 $8.000000000e+00, v0  }
0x105: {  	v6 =	vld [tilespmem:s2+$0x8460];
	v1 =	vmul.f32 $8.000000000e+00, v1  }
0x106: {  	v7 =	vld [tilespmem:s2+$0x8470];
	[tilespmem:s2+$0x8400] =	vst v0;
	v0 =	vmul.f32 $8.000000000e+00, v2  }
0x107: {  	v8 =	vld [tilespmem:s2+$0x8480];
	[tilespmem:s2+$0x8410] =	vst v1;
	v1 =	vmul.f32 $8.000000000e+00, v3  }
0x108: {  	v9 =	vld [tilespmem:s2+$0x8490];
	[tilespmem:s2+$0x8420] =	vst v0;
	v0 =	vmul.f32 $8.000000000e+00, v4  }
0x109: {  	v2 =	vmul.f32 $8.000000000e+00, v5;
	[tilespmem:s2+$0x8430] =	vst v1;
	v1 =	vld [tilespmem:s2+$0x84A0]  }
0x10a: {  	v3 =	vmul.f32 $8.000000000e+00, v6;
	[tilespmem:s2+$0x8440] =	vst v0;
	v0 =	vld [tilespmem:s2+$0x84B0]  }
0x10b: {  	[tilespmem:s2+$0x8450] =	vst v2;
	v2 =	vld [tilespmem:s2+$0x84C0];
	v4 =	vmul.f32 $8.000000000e+00, v7  }
0x10c: {  	v6 =	vmul.f32 $8.000000000e+00, v8;
	[tilespmem:s2+$0x8460] =	vst v3;
	v3 =	vld [tilespmem:s2+$0x84D0]  }
0x10d: {  	s5 =	simm.s32 $0x400;
	v5 =	vmul.f32 $8.000000000e+00, v9;
	[tilespmem:s2+$0x8470] =	vst v4;
	v4 =	vld [tilespmem:s2+$0x84E0]  }
.LBB2_13:
0x10e: {  	s8 =	sshra.s32 s5, $0x2;
	p0 =	sne.s32 s5, $0x7C00;
	[tilespmem:s2+$0x8480] =	vst v6;
	v1 =	vmul.f32 $8.000000000e+00, v1;
	v6 =	vld [tilespmem:s2+$0x84F0]  }
0x10f: {  	v7 =	vld [tilespmem:s8+$0x8400];
	[tilespmem:s2+$0x8490] =	vst v5;
	v0 =	vmul.f32 $8.000000000e+00, v0  }
0x110: {  	v5 =	vld [tilespmem:s8+$0x8410];
	[tilespmem:s2+$0x84A0] =	vst v1;
	v1 =	vmul.f32 $8.000000000e+00, v2  }
0x111: {  	v2 =	vld [tilespmem:s8+$0x8420];
	[tilespmem:s2+$0x84B0] =	vst v0;
	v0 =	vmul.f32 $8.000000000e+00, v3  }
0x112: {  	v3 =	vld [tilespmem:s8+$0x8430];
	[tilespmem:s2+$0x84C0] =	vst v1;
	v1 =	vmul.f32 $8.000000000e+00, v4  }
0x113: {  	v4 =	vld [tilespmem:s8+$0x8440];
	[tilespmem:s2+$0x84D0] =	vst v0;
	v0 =	vmul.f32 $8.000000000e+00, v6  }
0x114: {  	v6 =	vmul.f32 $8.000000000e+00, v7;
	v7 =	vld [tilespmem:s8+$0x8450];
	[tilespmem:s2+$0x84E0] =	vst v1  }
0x115: {  	v1 =	vmul.f32 $8.000000000e+00, v5;
	v5 =	vld [tilespmem:s8+$0x8460];
	[tilespmem:s2+$0x84F0] =	vst v0;
	s2 =	smov.u32 s8  }
0x116: {  	[tilespmem:s2+$0x8400] =	vst v6;
	v0 =	vmul.f32 $8.000000000e+00, v2;
	v2 =	vld [tilespmem:s2+$0x8470]  }
0x117: {  	[tilespmem:s2+$0x8410] =	vst v1;
	v1 =	vmul.f32 $8.000000000e+00, v3;
	v3 =	vld [tilespmem:s2+$0x8480]  }
0x118: {  	[tilespmem:s2+$0x8420] =	vst v0;
	v0 =	vmul.f32 $8.000000000e+00, v4;
	v4 =	vld [tilespmem:s2+$0x8490]  }
.Ltmp5:
0x119: {  	[tilespmem:s2+$0x8430] =	vst v1;
	v6 =	vmul.f32 $8.000000000e+00, v7;
	v1 =	vld [tilespmem:s2+$0x84A0];
	(pc) =	sbr.rel @p0 .LBB2_13-.Ltmp5, $4  }
0x11a: {  	[tilespmem:s2+$0x8440] =	vst v0;
	v5 =	vmul.f32 $8.000000000e+00, v5;
	v0 =	vld [tilespmem:s2+$0x84B0]  }
0x11b: {  	[tilespmem:s2+$0x8450] =	vst v6;
	v7 =	vmul.f32 $8.000000000e+00, v2;
	v2 =	vld [tilespmem:s2+$0x84C0]  }
0x11c: {  	[tilespmem:s2+$0x8460] =	vst v5;
	v6 =	vmul.f32 $8.000000000e+00, v3;
	v3 =	vld [tilespmem:s2+$0x84D0]  }
0x11d: {  	s5 =	sadd.s32 $0x400, s5;
	[tilespmem:s2+$0x8470] =	vst v7;
	v5 =	vmul.f32 $8.000000000e+00, v4;
	v4 =	vld [tilespmem:s2+$0x84E0]  }
0x11e: {  	[tilespmem:s2+$0x8480] =	vst v6;
	v1 =	vmul.f32 $8.000000000e+00, v1;
	v6 =	vld [tilespmem:s2+$0x84F0]  }
0x11f: {  	[tilespmem:s2+$0x8490] =	vst v5;
	v0 =	vmul.f32 $8.000000000e+00, v0  }
0x120: {  	[tilespmem:s2+$0x84A0] =	vst v1;
	v1 =	vmul.f32 $8.000000000e+00, v2  }
0x121: {  	[tilespmem:s2+$0x84B0] =	vst v0;
	v0 =	vmul.f32 $8.000000000e+00, v3  }
0x122: {  	s5 =	sadd.s32 s6, s23;
	[tilespmem:s2+$0x84C0] =	vst v1;
	v1 =	vmul.f32 $8.000000000e+00, v4  }
0x123: {  	s5 =	sshll.u32 s5, $0x4;
	[tilespmem:s2+$0x84D0] =	vst v0;
	v0 =	vmul.f32 $8.000000000e+00, v6  }
0x124: {  	s5 =	sand.u32 $0x1FFFE800, s5;
	[tilespmem:s2+$0x84E0] =	vst v1  }
0x125: {  	s23 =	sadd.s32 s4, s5;
	[tilespmem:s2+$0x84F0] =	vst v0  }
0x126: {  	[hbm4b:s23+s18] =	stream.strided.scatter [tilespmem:s17], [sflag:$0x6], $0x2000, s14, s18, $0x38;
	[tilespmem:$0xE400] =	vst v63  }
0x127: {  	_ =	swait.ge [sflag:s22], $0x2000  }
0x128: {  	[sflag:s22] =	ssyncset.done $0x0  }
0x129: {  	[sflag:s22] =	ssyncadd.s32 $0xFFFFE000  }
0x12a: {  	_ =	swait.ge [sflag:s31], $0x2000  }
0x12b: {  	[sflag:s31] =	ssyncset.done $0x0  }
0x12c: {  	s20 =	sor.u32 $0x180, s20;
	s2 =	simm.s32 $0x0;
	[sflag:s31] =	ssyncadd.s32 $0xFFFFE000  }
0x12d: {  	[tilespmem:s24], [sflag:$0x4] =	stream.indirect.gather [hbm4b:s3+s14], $0x40, s20, s14, $0xb8;
	[tilespmem:$0xE400] =	vst v63  }
0x12e: {  	v0 =	vld [tilespmem:s2+$0xA400]  }
0x12f: {  	v1 =	vld [tilespmem:s2+$0xA410]  }
0x130: {  	v2 =	vld [tilespmem:s2+$0xA420]  }
0x131: {  	v3 =	vld [tilespmem:s2+$0xA430]  }
0x132: {  	v4 =	vld [tilespmem:s2+$0xA440]  }
0x133: {  	v5 =	vld [tilespmem:s2+$0xA450];
	v0 =	vmul.f32 $8.000000000e+00, v0  }
0x134: {  	v6 =	vld [tilespmem:s2+$0xA460];
	v1 =	vmul.f32 $8.000000000e+00, v1  }
0x135: {  	v7 =	vld [tilespmem:s2+$0xA470];
	[tilespmem:s2+$0xA400] =	vst v0;
	v0 =	vmul.f32 $8.000000000e+00, v2  }
0x136: {  	v8 =	vld [tilespmem:s2+$0xA480];
	[tilespmem:s2+$0xA410] =	vst v1;
	v1 =	vmul.f32 $8.000000000e+00, v3  }
0x137: {  	v9 =	vld [tilespmem:s2+$0xA490];
	[tilespmem:s2+$0xA420] =	vst v0;
	v0 =	vmul.f32 $8.000000000e+00, v4  }
0x138: {  	v2 =	vmul.f32 $8.000000000e+00, v5;
	[tilespmem:s2+$0xA430] =	vst v1;
	v1 =	vld [tilespmem:s2+$0xA4A0]  }
0x139: {  	v3 =	vmul.f32 $8.000000000e+00, v6;
	[tilespmem:s2+$0xA440] =	vst v0;
	v0 =	vld [tilespmem:s2+$0xA4B0]  }
0x13a: {  	[tilespmem:s2+$0xA450] =	vst v2;
	v2 =	vld [tilespmem:s2+$0xA4C0];
	v4 =	vmul.f32 $8.000000000e+00, v7  }
0x13b: {  	v6 =	vmul.f32 $8.000000000e+00, v8;
	[tilespmem:s2+$0xA460] =	vst v3;
	v3 =	vld [tilespmem:s2+$0xA4D0]  }
0x13c: {  	s5 =	simm.s32 $0x400;
	v5 =	vmul.f32 $8.000000000e+00, v9;
	[tilespmem:s2+$0xA470] =	vst v4;
	v4 =	vld [tilespmem:s2+$0xA4E0]  }
.LBB2_15:
0x13d: {  	s8 =	sshra.s32 s5, $0x2;
	p0 =	sne.s32 s5, $0x7C00;
	[tilespmem:s2+$0xA480] =	vst v6;
	v1 =	vmul.f32 $8.000000000e+00, v1;
	v6 =	vld [tilespmem:s2+$0xA4F0]  }
0x13e: {  	v7 =	vld [tilespmem:s8+$0xA400];
	[tilespmem:s2+$0xA490] =	vst v5;
	v0 =	vmul.f32 $8.000000000e+00, v0  }
0x13f: {  	v5 =	vld [tilespmem:s8+$0xA410];
	[tilespmem:s2+$0xA4A0] =	vst v1;
	v1 =	vmul.f32 $8.000000000e+00, v2  }
0x140: {  	v2 =	vld [tilespmem:s8+$0xA420];
	[tilespmem:s2+$0xA4B0] =	vst v0;
	v0 =	vmul.f32 $8.000000000e+00, v3  }
0x141: {  	v3 =	vld [tilespmem:s8+$0xA430];
	[tilespmem:s2+$0xA4C0] =	vst v1;
	v1 =	vmul.f32 $8.000000000e+00, v4  }
0x142: {  	v4 =	vld [tilespmem:s8+$0xA440];
	[tilespmem:s2+$0xA4D0] =	vst v0;
	v0 =	vmul.f32 $8.000000000e+00, v6  }
0x143: {  	v6 =	vmul.f32 $8.000000000e+00, v7;
	v7 =	vld [tilespmem:s8+$0xA450];
	[tilespmem:s2+$0xA4E0] =	vst v1  }
0x144: {  	v1 =	vmul.f32 $8.000000000e+00, v5;
	v5 =	vld [tilespmem:s8+$0xA460];
	[tilespmem:s2+$0xA4F0] =	vst v0;
	s2 =	smov.u32 s8  }
0x145: {  	[tilespmem:s2+$0xA400] =	vst v6;
	v0 =	vmul.f32 $8.000000000e+00, v2;
	v2 =	vld [tilespmem:s2+$0xA470]  }
0x146: {  	[tilespmem:s2+$0xA410] =	vst v1;
	v1 =	vmul.f32 $8.000000000e+00, v3;
	v3 =	vld [tilespmem:s2+$0xA480]  }
0x147: {  	[tilespmem:s2+$0xA420] =	vst v0;
	v0 =	vmul.f32 $8.000000000e+00, v4;
	v4 =	vld [tilespmem:s2+$0xA490]  }
.Ltmp6:
0x148: {  	[tilespmem:s2+$0xA430] =	vst v1;
	v6 =	vmul.f32 $8.000000000e+00, v7;
	v1 =	vld [tilespmem:s2+$0xA4A0];
	(pc) =	sbr.rel @p0 .LBB2_15-.Ltmp6, $4  }
0x149: {  	[tilespmem:s2+$0xA440] =	vst v0;
	v5 =	vmul.f32 $8.000000000e+00, v5;
	v0 =	vld [tilespmem:s2+$0xA4B0]  }
0x14a: {  	[tilespmem:s2+$0xA450] =	vst v6;
	v7 =	vmul.f32 $8.000000000e+00, v2;
	v2 =	vld [tilespmem:s2+$0xA4C0]  }
0x14b: {  	[tilespmem:s2+$0xA460] =	vst v5;
	v6 =	vmul.f32 $8.000000000e+00, v3;
	v3 =	vld [tilespmem:s2+$0xA4D0]  }
0x14c: {  	s5 =	sadd.s32 $0x400, s5;
	[tilespmem:s2+$0xA470] =	vst v7;
	v5 =	vmul.f32 $8.000000000e+00, v4;
	v4 =	vld [tilespmem:s2+$0xA4E0]  }
0x14d: {  	[tilespmem:s2+$0xA480] =	vst v6;
	v1 =	vmul.f32 $8.000000000e+00, v1;
	v6 =	vld [tilespmem:s2+$0xA4F0]  }
0x14e: {  	[tilespmem:s2+$0xA490] =	vst v5;
	v0 =	vmul.f32 $8.000000000e+00, v0  }
0x14f: {  	[tilespmem:s2+$0xA4A0] =	vst v1;
	v1 =	vmul.f32 $8.000000000e+00, v2  }
0x150: {  	[tilespmem:s2+$0xA4B0] =	vst v0;
	v0 =	vmul.f32 $8.000000000e+00, v3  }
0x151: {  	s5 =	sadd.s32 s6, s28;
	[tilespmem:s2+$0xA4C0] =	vst v1;
	v1 =	vmul.f32 $8.000000000e+00, v4  }
0x152: {  	s5 =	sshll.u32 s5, $0x4;
	[tilespmem:s2+$0xA4D0] =	vst v0;
	v0 =	vmul.f32 $8.000000000e+00, v6  }
0x153: {  	s5 =	sand.u32 $0x1FFFF000, s5;
	[tilespmem:s2+$0xA4E0] =	vst v1  }
0x154: {  	s28 =	sadd.s32 s4, s5;
	[tilespmem:s2+$0xA4F0] =	vst v0  }
0x155: {  	[hbm4b:s28+s18] =	stream.strided.scatter [tilespmem:s21], [sflag:$0x7], $0x2000, s14, s18, $0x38;
	[tilespmem:$0xE400] =	vst v63  }
0x156: {  	_ =	swait.ge [sflag:s25], $0x2000  }
0x157: {  	p0 =	seq.s32 s0, $0x31;
	[sflag:s25] =	ssyncset.done $0x0  }
0x158: {  	s2 =	simm.s32 @!p0 $0x5;
	[sflag:s25] =	ssyncadd.s32 $0xFFFFE000  }
0x159: {  	_ =	swait.ge @!p0 [sflag:s2], $0x2000  }
0x15a: {  	s5 =	sshll.u32 @!p0 s0, $0x9;
	[sflag:s2] =	ssyncset.done @!p0 $0x0  }
0x15b: {  	[sflag:s2] =	ssyncadd.s32 @!p0 $0xFFFFE000;
	s2 =	sand.u32 @!p0 $0x3FFFFE00, s5  }
0x15c: {  	s8 =	simm.s32 @!p0 $0x6400;
	s5 =	simm.s32 @!p0 $0x80;
	s2 =	sadd.s32 @!p0 $0x200, s2  }
0x15d: {  	[tilespmem:s8], [sflag:$0x1] =	stream.indirect.gather @!p0 [hbm4b:s3+s5], $0x40, s2, s5, $0xb8;
	[tilespmem:$0xE400] =	vst v63  }
0x15e: {  	s2 =	simm.s32 $0x0  }
0x15f: {  	v0 =	vld [tilespmem:s2+$0xC400]  }
0x160: {  	v1 =	vld [tilespmem:s2+$0xC410]  }
0x161: {  	v2 =	vld [tilespmem:s2+$0xC420]  }
0x162: {  	v3 =	vld [tilespmem:s2+$0xC430]  }
0x163: {  	v4 =	vld [tilespmem:s2+$0xC440]  }
0x164: {  	v5 =	vld [tilespmem:s2+$0xC450];
	v0 =	vmul.f32 $8.000000000e+00, v0  }
0x165: {  	v6 =	vld [tilespmem:s2+$0xC460];
	v1 =	vmul.f32 $8.000000000e+00, v1  }
0x166: {  	v7 =	vld [tilespmem:s2+$0xC470];
	[tilespmem:s2+$0xC400] =	vst v0;
	v0 =	vmul.f32 $8.000000000e+00, v2  }
0x167: {  	v8 =	vld [tilespmem:s2+$0xC480];
	[tilespmem:s2+$0xC410] =	vst v1;
	v1 =	vmul.f32 $8.000000000e+00, v3  }
0x168: {  	v9 =	vld [tilespmem:s2+$0xC490];
	[tilespmem:s2+$0xC420] =	vst v0;
	v0 =	vmul.f32 $8.000000000e+00, v4  }
0x169: {  	v2 =	vmul.f32 $8.000000000e+00, v5;
	[tilespmem:s2+$0xC430] =	vst v1;
	v1 =	vld [tilespmem:s2+$0xC4A0]  }
0x16a: {  	v3 =	vmul.f32 $8.000000000e+00, v6;
	[tilespmem:s2+$0xC440] =	vst v0;
	v0 =	vld [tilespmem:s2+$0xC4B0]  }
0x16b: {  	[tilespmem:s2+$0xC450] =	vst v2;
	v2 =	vld [tilespmem:s2+$0xC4C0];
	v4 =	vmul.f32 $8.000000000e+00, v7  }
0x16c: {  	v6 =	vmul.f32 $8.000000000e+00, v8;
	[tilespmem:s2+$0xC460] =	vst v3;
	v3 =	vld [tilespmem:s2+$0xC4D0]  }
0x16d: {  	s5 =	simm.s32 $0x400;
	v5 =	vmul.f32 $8.000000000e+00, v9;
	[tilespmem:s2+$0xC470] =	vst v4;
	v4 =	vld [tilespmem:s2+$0xC4E0]  }
.LBB2_17:
0x16e: {  	s8 =	sshra.s32 s5, $0x2;
	p0 =	sne.s32 s5, $0x7C00;
	[tilespmem:s2+$0xC480] =	vst v6;
	v1 =	vmul.f32 $8.000000000e+00, v1;
	v6 =	vld [tilespmem:s2+$0xC4F0]  }
0x16f: {  	v7 =	vld [tilespmem:s8+$0xC400];
	[tilespmem:s2+$0xC490] =	vst v5;
	v0 =	vmul.f32 $8.000000000e+00, v0  }
0x170: {  	v5 =	vld [tilespmem:s8+$0xC410];
	[tilespmem:s2+$0xC4A0] =	vst v1;
	v1 =	vmul.f32 $8.000000000e+00, v2  }
0x171: {  	v2 =	vld [tilespmem:s8+$0xC420];
	[tilespmem:s2+$0xC4B0] =	vst v0;
	v0 =	vmul.f32 $8.000000000e+00, v3  }
0x172: {  	v3 =	vld [tilespmem:s8+$0xC430];
	[tilespmem:s2+$0xC4C0] =	vst v1;
	v1 =	vmul.f32 $8.000000000e+00, v4  }
0x173: {  	v4 =	vld [tilespmem:s8+$0xC440];
	[tilespmem:s2+$0xC4D0] =	vst v0;
	v0 =	vmul.f32 $8.000000000e+00, v6  }
0x174: {  	v6 =	vmul.f32 $8.000000000e+00, v7;
	v7 =	vld [tilespmem:s8+$0xC450];
	[tilespmem:s2+$0xC4E0] =	vst v1  }
0x175: {  	v1 =	vmul.f32 $8.000000000e+00, v5;
	v5 =	vld [tilespmem:s8+$0xC460];
	[tilespmem:s2+$0xC4F0] =	vst v0;
	s2 =	smov.u32 s8  }
0x176: {  	[tilespmem:s2+$0xC400] =	vst v6;
	v0 =	vmul.f32 $8.000000000e+00, v2;
	v2 =	vld [tilespmem:s2+$0xC470]  }
0x177: {  	[tilespmem:s2+$0xC410] =	vst v1;
	v1 =	vmul.f32 $8.000000000e+00, v3;
	v3 =	vld [tilespmem:s2+$0xC480]  }
0x178: {  	[tilespmem:s2+$0xC420] =	vst v0;
	v0 =	vmul.f32 $8.000000000e+00, v4;
	v4 =	vld [tilespmem:s2+$0xC490]  }
.Ltmp7:
0x179: {  	[tilespmem:s2+$0xC430] =	vst v1;
	v6 =	vmul.f32 $8.000000000e+00, v7;
	v1 =	vld [tilespmem:s2+$0xC4A0];
	(pc) =	sbr.rel @p0 .LBB2_17-.Ltmp7, $4  }
0x17a: {  	[tilespmem:s2+$0xC440] =	vst v0;
	v5 =	vmul.f32 $8.000000000e+00, v5;
	v0 =	vld [tilespmem:s2+$0xC4B0]  }
0x17b: {  	[tilespmem:s2+$0xC450] =	vst v6;
	v7 =	vmul.f32 $8.000000000e+00, v2;
	v2 =	vld [tilespmem:s2+$0xC4C0]  }
0x17c: {  	[tilespmem:s2+$0xC460] =	vst v5;
	v6 =	vmul.f32 $8.000000000e+00, v3;
	v3 =	vld [tilespmem:s2+$0xC4D0]  }
0x17d: {  	s5 =	sadd.s32 $0x400, s5;
	[tilespmem:s2+$0xC470] =	vst v7;
	v5 =	vmul.f32 $8.000000000e+00, v4;
	v4 =	vld [tilespmem:s2+$0xC4E0]  }
0x17e: {  	[tilespmem:s2+$0xC480] =	vst v6;
	v1 =	vmul.f32 $8.000000000e+00, v1;
	v59 =	vld [tilespmem:s2+$0xC4F0]  }
0x17f: {  	[tilespmem:s2+$0xC490] =	vst v5;
	v0 =	vmul.f32 $8.000000000e+00, v0  }
0x180: {  	s0 =	sadd.s32 $0x1, s0;
	[tilespmem:s2+$0xC4A0] =	vst v1;
	v60 =	vmul.f32 $8.000000000e+00, v2  }
0x181: {  	p0 =	sne.s32 s0, $0x32;
	[tilespmem:s2+$0xC4B0] =	vst v0;
	v61 =	vmul.f32 $8.000000000e+00, v3  }
.Ltmp8:
0x182: {  	s5 =	sadd.s32 s6, s20;
	[tilespmem:s2+$0xC4C0] =	vst v60;
	v62 =	vmul.f32 $8.000000000e+00, v4;
	(pc) =	sbr.rel @p0 .LBB2_10-.Ltmp8, $4  }
0x183: {  	s5 =	sshll.u32 s5, $0x4;
	[tilespmem:s2+$0xC4D0] =	vst v61;
	v63 =	vmul.f32 $8.000000000e+00, v59  }
0x184: {  	s5 =	sand.u32 $0x1FFFF800, s5;
	[tilespmem:s2+$0xC4E0] =	vst v62  }
0x185: {  	s28 =	sadd.s32 s4, s5;
	[tilespmem:s2+$0xC4F0] =	vst v63  }
0x186: {  	[hbm4b:s28+s18] =	stream.strided.scatter [tilespmem:s24], [sflag:$0x8], $0x2000, s14, s18, $0x38;
	[tilespmem:$0xE400] =	vst v63  }
0x187: {  	_ =	swait.ge [sflag:s26], $0x2000  }
0x188: {  	[sflag:s26] =	ssyncset.done $0x0  }
0x189: {  	[sflag:s26] =	ssyncadd.s32 $0xFFFFE000  }
0x18a: {  	_ =	swait.ge [sflag:s29], $0x2000  }
0x18b: {  	[sflag:s29] =	ssyncset.done $0x0  }
0x18c: {  	s1 =	sadd.s32 $0x1, s1;
	[sflag:s29] =	ssyncadd.s32 $0xFFFFE000  }
0x18d: {  	p0 =	sne.s32 s1, s12;
	_ =	swait.ge [sflag:s30], $0x2000  }
.Ltmp9:
0x18e: {  	[sflag:s30] =	ssyncset.done $0x0;
	(pc) =	sbr.rel @p0 .LBB2_1-.Ltmp9, $4  }
0x18f: {  	[sflag:s30] =	ssyncadd.s32 $0xFFFFE000  }
0x190: {  	_ =	swait.ge [sflag:s31], $0x2000  }
0x191: {  	[sflag:s31] =	ssyncset.done $0x0  }
0x192: {  	[sflag:s31] =	ssyncadd.s32 $0xFFFFE000  }
0x193: {  	_ =	sfence.sel $0x180000  }
0x194: {  	[bflag:$0x0] =	sbarrier.arrive $0xFFFF  }
0x195: {  	_ =	strace $0x90000047  }
0x196: {  	s0 =	stileid.u32;
	[bflag:$0x2] =	sbarrier.arrive $0xFFFF  }
0x197: {  	p0 =	sne.s32 s0, $0x0;
	s0 =	rddreg [dreg:$0x2]  }
0x198: {  	s0 =	sadd.s32 @!p0 $0x100000, s0  }
0x199: {  	[sflag:s0] =	ssyncadd.tile.s32 @!p0 $0x1;
	_ =	shalt  }
.Lfunc_end2:
_tile_overlayer_lowered:
.L_overlay_start_2:
0x19a: {  	(tag) =	ssettag $0x2  }
0x19b: {  	s0 =	rddreg [dreg:$0x0];
	s2 =	stileid.u32  }
0x19c: {  	s1 =	rddreg [dreg:$0x1];
	p0 =	sne.s32 s2, $0x0  }
0x19d: {  	s3 =	rddreg [dreg:$0x2];
	[bflag:$0x3] =	sbarrier.arrive $0xFFFF;
	s2 =	simm.s32 @!p0 $0x1C09  }
0x19e: {  	[timem:s3], [sflag:s2] =	dma.local @!p0 [hbm:s0], s1  }
0x19f: {  	s0 =	simm.s32 @!p0 $0x9  }
0x1a0: {  	_ =	swait.ge @!p0 [sflag:s0], s1  }
0x1a1: {  	s1 =	ssub.s32 @!p0 $0x0, s1;
	[sflag:s0] =	ssyncset.done @!p0 $0x0  }
0x1a2: {  	[sflag:s0] =	ssyncadd.s32 @!p0 s1  }
0x1a3: {  	[bflag:$0x3] =	sbarrier.arrive $0xFFFF  }
0x1a4: {  	_ =	shalt  }

// kernel: sparse-core-data-format-call.cloned.1.call-start
scs
called_computation_lowered:
.L_overlay_start_0:
0x0: {  	s2 =	sld [smem:$0x3FD9]  }
0x1: {  	s3 =	sld [smem:$0x3FFE];
	_ =	sdelay $0x1  }
0x2: {  	s1 =	srdreg.scid  }
0x3: {  	s0 =	sand.u32 $0x1, s1  }
0x4: {  	s18 =	sshll.u32 s0, $0xA;
	s2 =	sadd.s32 s3, s2  }
0x5: {  	s2 =	sadd.s32 s2, s18  }
0x6: {  	[smem:$0x3FC6] =	sst s2  }
0x7: {  	_ = 	snop  }
0x8: {  	s2 =	sld [smem:$0x3FD0];
	(tm) =	ssettm $0x1  }
0x9: {  	s19 =	sld [smem:$0x3FFB];
	_ =	sdelay $0x3  }
0xa: {  	_ =	strace s19  }
0xb: {  	s3 =	sld [smem:$0x3FFC];
	_ =	sdelay $0x3  }
0xc: {  	_ =	strace s3  }
0xd: {  	s3 =	sld [smem:$0x3FFD];
	_ =	sdelay $0x3  }
0xe: {  	_ =	strace s3  }
0xf: {  	_ =	strace $0x8FFFFFFF  }
0x10: {  	s20 =	sld [smem:$0x3FDB];
	_ =	sdelay $0x1  }
0x11: {  	s4 =	simm.s32 $_scs_section_size  }
0x12: {  	s5 =	simm.s32 $_size__tile_overlayer_lowered;
	s6 =	simm.s32 $_tile_overlayer_lowered  }
0x13: {  	s23 =	simm.s32 $0x1BFF;
	s22 =	sshll.u32 s6, $0x1;
	s3 =	sadd.s32 s4, s20  }
0x14: {  	s7 =	simm.s32 $0x0;
	s21 =	sshll.u32 s5, $0x1;
	s5 =	sadd.s32 s22, s3  }
0x15: {  	[timem:s7], [sflag:s23] =	dma.local [hbm:s5], s21  }
0x16: {  	_ =	swait.ge [sflag:s23], s21  }
0x17: {  	s4 =	ssub.s32 $0x0, s21;
	[sflag:s23] =	ssyncset.done $0x0  }
0x18: {  	[sflag:s23] =	ssyncadd.s32 s4;
	_ =	sdelay $0x1  }
0x19: {  	s24 =	simm.s32 $0x1B8B  }
0x1a: {  	_ =	swait.ge [sflag:s24], $0x1  }
0x1b: {  	[sflag:s24] =	ssyncset.done $0x0  }
0x1c: {  	s26 =	simm.s32 $0x1B8E;
	s25 =	sld [smem:$0x3FFE];
	[sflag:s24] =	ssyncadd.s32 $0xFFFFFFFF  }
0x1d: {  	s27 =	simm.s32 $execute0_lowered;
	[smem:$0x3FD2] =	sst s26  }
0x1e: {  	s5 =	sshll.u32 s27, $0x1;
	_ =	strace $0x80000049;
	[dreg:$0x1] =	wrdreg $0xFFFFFFFF  }
0x1f: {  	s28 =	simm.s32 $_size_execute0_lowered;
	s3 =	sadd.s32 s3, s5;
	[dreg:$0x0] =	wrdreg $0x0  }
0x20: {  	s5 =	sshll.u32 s28, $0x1;
	[dreg:$0x2] =	wrdreg s3  }
0x21: {  	[dreg:$0x3] =	wrdreg s5  }
0x22: {  	[dreg:$0x4] =	wrdreg $0xC0  }
0x23: {  	_ =	task [dreg:s7], $0x5FFFF  }
0x24: {  	[dreg:$0x1] =	wrdreg $0xFFFFFFFF  }
0x25: {  	[dreg:$0x0] =	wrdreg $0x60  }
0x26: {  	[dreg:$0x2] =	wrdreg s25  }
0x27: {  	[dreg:$0x3] =	wrdreg s2  }
0x28: {  	[dreg:$0x4] =	wrdreg $0x9  }
0x29: {  	_ =	task.clear_ibuf [dreg:s7], $0x5FFFF;
	_ =	strace $0x90000049  }
0x2a: {  	s29 =	simm.s32 $0x9;
	_ =	strace $0x8000004B  }
0x2b: {  	_ =	swait.ge [sflag:s29], $0x1  }
0x2c: {  	[sflag:s29] =	ssyncadd.s32 $0xFFFFFFFF  }
0x2d: {  	_ =	strace $0x9000004B  }
0x2e: {  	_ =	sfence  }
0x2f: {  	s30 =	sld [smem:$0x0];
	_ =	sdelay $0x2  }
0x30: {  	s31 =	sshll.u32 s1, $0xD;
	s1 =	sshrl.u32 s1, $0x2  }
0x31: {  	s3 =	sand.u32 $0x4000, s31;
	s1 =	sadd.s32 s1, s30  }
0x32: {  	s0 =	sor.u32 s3, s0;
	s1 =	sshll.u32 s1, $0x11  }
0x33: {  	s0 =	sor.u32 s1, s0  }
0x34: {  	s0 =	sadd.s32 $0x8F2B, s0  }
0x35: {  	[sflag:s0] =	ssyncadd.remote.s32 $0x1  }
0x36: {  	_ =	sfence.sel $0xFFFF  }
0x37: {  	[dreg:$0x0] =	wrdreg $0xFFFFFFFF;
	(pc) =	sbr.abs _section_cstart, $3  }
0x38: {  	[dreg:$0x1] =	wrdreg $0xFFFFFFFF  }
0x39: {  	_ =	task.clear_ibuf [dreg:s7], $0x2FFFF;
	_ =	strace $0x9FFFFFFF  }
0x3a: {  	(tm) =	ssettm $0x7FFFFFFF  }
0x3b: {  	_ =	shalt  }
tec
execute0_lowered:
.L_overlay_start_1:
0x0: {  	(tag) =	ssettag $0x1  }
0x1: {  	s0 =	srdreg.scid  }
0x2: {  	s1 =	sshll.u32 s0, $0x4  }
0x3: {  	s0 =	stileid.u32;
	s1 =	sand.u32 $0x10, s1  }
0x4: {  	s1 =	sor.u32 s0, s1  }
0x5: {  	s6 =	rddreg [dreg:$0x0];
	s4 =	simm.s32 $0x1;
	s2 =	sshll.u32 s1, $0x7  }
0x6: {  	s7 =	simm.s32 $0x2;
	s12 =	simm.s32 $0x0;
	s1 =	ssub.s32 $0x1000, s2  }
0x7: {  	s8 =	simm.s32 $0x8000;
	s13 =	simm.s32 $0x0;
	s3 =	sand.u32 $0xF80, s1  }
0x8: {  	s9 =	simm.s32 $0x0;
	s5 =	sshrl.u32 s1, $0xC;
	p0 =	sne.s32 s3, $0x0  }
.Ltmp0:
0x9: {  	s1 =	rddreg [dreg:$0x2];
	s4 =	simm.s32 @!p0 $0x0;
	(pc) =	sbr.rel .LBB1_1-.Ltmp0, $4  }
0xa: {  	s11 =	simm.s32 $0x0;
	s3 =	rddreg [dreg:$0x1];
	s5 =	sadd.s32 s4, s5  }
0xb: {  	_ =	strace $0x8000004A;
	s4 =	simm.s32 $0x1;
	s5 =	smul.u32 $0xC8, s5  }
0xc: {  	s6 =	sadd.s32 $0xA00, s6;
	s10 =	smov.u32 s2;
	[sflag:s4] =	ssyncpa.u1 $0x0  }
0xd: {  	p0 =	por $0x0, $0x0;
	[sflag:s7] =	ssyncpa.u1 $0x0;
	s7 =	sor.u32 $0x1, s5  }
.LBB1_4:
0xe: {  	s16 =	sshll.u32 s13, $0x3;
	s17 =	sand.u32 $0x78, s13  }
0xf: {  	s30 =	sand.u32 $0x7E00, s13;
	s12 =	sshll.u32 s12, $0xF;
	s16 =	sand.u32 $0xC00, s16  }
0x10: {  	[tilespmem:s15+$0x810 ss:$0x81] =	vst.msk $0xffff, v2;
	s31 =	sand.u32 $0x7, s13;
	s16 =	sor.u32 s17, s16;
	s17 =	sadd.s32 s3, s30  }
0x11: {  	[tilespmem:s15+$0x1020 ss:$0x81] =	vst.msk $0xffff, v0;
	s13 =	sshll.u32 s31, $0x12;
	s12 =	sadd.s32 s12, s17;
	s16 =	sshrl.u32 s16, $0x3  }
0x12: {  	[tilespmem:s15+$0x0 ss:$0x81] =	vst.msk $0xffff, v1;
	s13 =	sor.u32 $0x400, s13;
	s12 =	sadd.s32 s16, s12  }
0x13: {  	[hbm4b:s12+s13] =	stream.strided.scatter [tilespmem:s14], [sflag:$0x2], $0x2000, s8, s13, $0x20;
	[tilespmem:$0x8080] =	vst v63  }
.LBB1_5:
0x14: {  	s14 =	sadd.s32 $0x1, s9  }
0x15: {  	s12 =	sadd.s32 $0x1000, s10;
	s16 =	smov.u32 s10;
	p2 =	sgt.s32 s14, $0xC7  }
0x16: {  	s16 =	smov.u32 @p2 s12  }
0x17: {  	s14 =	simm.s32 @p2 $0x0;
	p2 =	sgt.s32 s16, $0xFFF  }
0x18: {  	s16 =	smov.u32 @p2 s2;
	p2 =	sne.s32 s11, s7  }
.Ltmp1:
0x19: {  	p1 =	slt.u32 s11, $0x2;
	(pc) =	sbr.rel @!p2 .LBB1_6-.Ltmp1, $4  }
0x1a: {  	s15 =	simm.s32 @!p1 $0x2  }
0x1b: {  	s13 =	smov.u32 s10;
	p0 =	por !p0, !p0;
	_ =	swait.ge @!p1 [sflag:s15], $0x2000  }
0x1c: {  	s12 =	smov.u32 s9;
	[sflag:s15] =	ssyncset.done @!p1 $0x0;
	s9 =	smov.u32 s14  }
0x1d: {  	s11 =	sadd.s32 $0x1, s11;
	[sflag:s15] =	ssyncadd.s32 @!p1 $0xFFFFE000;
	s10 =	smov.u32 s16  }
.LBB1_1:
0x1e: {  	p1 =	sge.u32 s11, s5  }
0x1f: {  	s14 =	sand.u32 @!p1 $0x1FFFFFF, s9  }
0x20: {  	s15 =	smulhi.u32 @!p1 $0x147AE15, s14;
	_ =	sdelay $0x1  }
0x21: {  	s15 =	smul.u32 @!p1 $0xC8, s15  }
0x22: {  	s16 =	sxor.u32 @!p1 $0xFFFFFFFF, s11;
	s17 =	smul.u32 @!p1 $0xC80, s10  }
0x23: {  	s31 =	sadd.s32 $0xFFFFFFFF, s11;
	s16 =	sshll.u32 @!p1 s16, $0xD;
	s14 =	ssub.s32 @!p1 s14, s15  }
0x24: {  	s15 =	sand.u32 @!p1 $0x2000, s16;
	s16 =	sadd.s32 @!p1 s6, s17;
	s14 =	sshll.u32 @!p1 s14, $0x4  }
0x25: {  	s17 =	simm.s32 @!p1 $0x6400;
	s14 =	sadd.s32 @!p1 s14, s16;
	s16 =	simm.s32 @!p1 $0x40  }
0x26: {  	[tilespmem:s15], [sflag:$0x1] =	stream.strided.gather @!p1 [hbm4b:s14+s16], $0x2000, s17, s16, $0x38;
	[tilespmem:$0x8080] =	vst v63  }
0x27: {  	p1 =	sge.u32 s31, s5  }
.Ltmp2:
0x28: {  	_ = 	snop;
	(pc) =	sbr.rel @p1 .LBB1_5-.Ltmp2, $1  }
0x29: {  	_ =	sdelay $0x3  }
0x2a: {  	s14 =	simm.s32 $0x1  }
0x2b: {  	_ =	swait.ge [sflag:s4], $0x2000;
	s14 =	simm.s32 @!p0 $0x0  }
0x2c: {  	[sflag:s4] =	ssyncset.done $0x0;
	s15 =	sshll.u32 s14, $0xD  }
0x2d: {  	[sflag:s4] =	ssyncadd.s32 $0xFFFFE000;
	s18 =	sor.u32 $0x20, s15  }
0x2e: {  	s14 =	smul.u32 $0x8100, s14;
	v3 =	vld [tilespmem:s18+$0x10]  }
0x2f: {  	s30 =	sand.u32 $0x1, s11;
	v2 =	vld [tilespmem:s18+$0xFFFFFFF0]  }
0x30: {  	s15 =	smul.u32 $0x8100, s30;
	s14 =	sshrl.u32 s14, $0x2;
	v0 =	vld [tilespmem:s18+$0x0]  }
0x31: {  	v1 =	vld [tilespmem:s18+$0xFFFFFFE0];
	s16 =	sor.u32 $0x4000, s14  }
0x32: {  	s31 =	sshrl.u32 s15, $0x2;
	s15 =	sadd.s32 $0x0, s16  }
0x33: {  	s17 =	simm.s32 $0x4;
	s18 =	sadd.s32 $0x40, s18;
	s14 =	sor.u32 $0x4000, s31;
	[tilespmem:s15+$0x1830 ss:$0x81] =	vst.msk $0xffff, v3  }
.LBB1_3:
0x34: {  	v3 =	vld [tilespmem:s18+$0x10];
	p1 =	sne.s32 s17, $0x1FC;
	[tilespmem:s15+$0x810 ss:$0x81] =	vst.msk $0xffff, v2;
	s19 =	smov.u32 s17;
	s17 =	sadd.s32 $0x4, s17  }
.Ltmp3:
0x35: {  	v2 =	vld [tilespmem:s18+$0xFFFFFFF0];
	[tilespmem:s15+$0x1020 ss:$0x81] =	vst.msk $0xffff, v0;
	(pc) =	sbr.rel @p1 .LBB1_3-.Ltmp3, $4  }
0x36: {  	v0 =	vld [tilespmem:s18+$0x0];
	[tilespmem:s15+$0x0 ss:$0x81] =	vst.msk $0xffff, v1  }
0x37: {  	s15 =	sshra.s32 s19, $0x2;
	v1 =	vld [tilespmem:s18+$0xFFFFFFE0]  }
0x38: {  	s15 =	sadd.s32 s15, s16  }
0x39: {  	s18 =	sadd.s32 $0x40, s18;
	[tilespmem:s15+$0x1830 ss:$0x81] =	vst.msk $0xffff, v3  }
.Ltmp4:
0x3a: {  	_ = 	snop;
	(pc) =	sbr.rel .LBB1_4-.Ltmp4, $1  }
0x3b: {  	_ =	sdelay $0x3  }
.LBB1_6:
0x3c: {  	_ =	sfence.sel $0x180000  }
0x3d: {  	s2 =	simm.s32 $0x1;
	[bflag:$0x0] =	sbarrier.arrive $0xFFFF  }
0x3e: {  	s31 =	simm.s32 $0x2;
	[sflag:s2] =	ssyncpa.u1 $0x1  }
0x3f: {  	[sflag:s31] =	ssyncpa.u1 $0x1  }
0x40: {  	p0 =	sne.s32 s0, $0x0;
	_ =	strace $0x9000004A  }
0x41: {  	s0 =	sadd.s32 @!p0 $0x100000, s1;
	[bflag:$0x2] =	sbarrier.arrive $0xFFFF  }
0x42: {  	[sflag:s0] =	ssyncadd.tile.s32 @!p0 $0x1;
	_ =	shalt  }
.Lfunc_end1:
_tile_overlayer_lowered:
.L_overlay_start_2:
0x43: {  	(tag) =	ssettag $0x2  }
0x44: {  	s0 =	rddreg [dreg:$0x0];
	s2 =	stileid.u32  }
0x45: {  	s1 =	rddreg [dreg:$0x1];
	p0 =	sne.s32 s2, $0x0  }
0x46: {  	s3 =	rddreg [dreg:$0x2];
	[bflag:$0x3] =	sbarrier.arrive $0xFFFF;
	s2 =	simm.s32 @!p0 $0x1C01  }
0x47: {  	[timem:s3], [sflag:s2] =	dma.local @!p0 [hbm:s0], s1  }
0x48: {  	s0 =	simm.s32 @!p0 $0x1  }
0x49: {  	_ =	swait.ge @!p0 [sflag:s0], s1  }
0x4a: {  	s1 =	ssub.s32 @!p0 $0x0, s1;
	[sflag:s0] =	ssyncset.done @!p0 $0x0  }
0x4b: {  	[sflag:s0] =	ssyncadd.s32 @!p0 s1  }
0x4c: {  	[bflag:$0x3] =	sbarrier.arrive $0xFFFF  }
0x4d: {  	_ =	shalt  }

</sc_bundles>
